<compile_context>
chip_gen: v7x
topology: tpu7x:2x2x1
jax: 0.10.2.dev20260603
libtpu: 0.0.44.dev20260713+nightly
codegen_flags: <defaults>
</compile_context>

<pallas_src>
import functools

import jax
import jax.numpy as jnp
from jax import lax
from jax.experimental import pallas as pl
from jax.experimental.pallas import tpu as pltpu
from jax.experimental.pallas import tpu_sc as plsc

_NUM_CORES = 2
_NUM_SUBCORES = 16
_NUM_WORKERS = _NUM_CORES * _NUM_SUBCORES
_NSEM = 8


@functools.lru_cache(maxsize=None)
def _build(batch, vocab, dim):
    assert batch % _NUM_WORKERS == 0
    b_per_w = batch // _NUM_WORKERS
    per_sem = b_per_w // _NSEM

    mesh = plsc.VectorSubcoreMesh(core_axis_name="c", subcore_axis_name="s")

    @functools.partial(
        pl.kernel,
        mesh=mesh,
        out_type=jax.ShapeDtypeStruct((batch, dim), jnp.float32),
        scratch_types=[
            pltpu.VMEM((b_per_w,), jnp.int32),
            pltpu.VMEM((b_per_w, dim), jnp.float32),
        ]
        + [pltpu.SemaphoreType.DMA] * _NSEM,
    )
    def gather_kernel(table_hbm, idx_hbm, out_hbm, idx_v, rows, *sems):
        wid = lax.axis_index("s") * _NUM_CORES + lax.axis_index("c")
        base = wid * b_per_w

        pltpu.sync_copy(idx_hbm.at[pl.ds(base, b_per_w)], idx_v)

        for k in range(_NSEM):
            def issue(g, _):
                v = idx_v[pl.ds(k * per_sem + g * 16, 16)]
                for t in range(16):
                    i = v[t]
                    pltpu.async_copy(
                        table_hbm.at[pl.ds(i, 1)],
                        rows.at[pl.ds(k * per_sem + g * 16 + t, 1)],
                        sems[k],
                    )
                return 0

            lax.fori_loop(0, per_sem // 16, issue, 0)

        for k in range(_NSEM):
            pltpu.make_async_copy(
                table_hbm.at[pl.ds(0, per_sem)],
                rows.at[pl.ds(k * per_sem, per_sem)],
                sems[k],
            ).wait()

        pltpu.sync_copy(rows, out_hbm.at[pl.ds(base, b_per_w)])

    return gather_kernel


@jax.jit
def kernel(inputs, table):
    batch = inputs.shape[0]
    vocab, dim = table.shape
    idx = inputs.reshape(batch).astype(jnp.int32)
    return _build(batch, vocab, dim)(table, idx)

# --- scband reference (transcript-rebuilt; emitter-appended) ---
"""Pipeline reference for scband-categorical-embed-encoder-50714973831206 (READ-ONLY COPY).

The authoritative reference and input builder live on the scoring server;
editing this copy changes nothing except your own understanding.
"""

import jax, jax.numpy as jnp
import numpy as np

VOCAB = 1000000
EMBED_DIM = 32
BATCH = 16384

def setup_inputs(seed: int = 0) -> dict:
    key = jax.random.key(seed)
    k_idx, k_tab = jax.random.split(key)
    inputs = jax.random.randint(k_idx, (BATCH, 1), 0, VOCAB, dtype=jnp.int32)
    # dense embedding table, uniform init like tf default
    table = jax.random.uniform(k_tab, (VOCAB, EMBED_DIM), dtype=jnp.float32, minval=-1.0, maxval=1.0)
    return {"inputs": inputs, "table": table}

def reference(inputs, table):
    # Embed: gather rows from table for each index; inputs shape [batch, 1]
    idx = inputs.astype(jnp.int32)
    embedded = jnp.take(table, idx, axis=0)  # [batch, 1, embed_dim]
    # tf.squeeze removes size-1 dims -> [batch, embed_dim]
    embedded = jnp.squeeze(embedded, axis=1)
    return embedded

if __name__ == "__main__":
    import jax
    _d = setup_inputs()
    print(jax.jit(kernel)(*tuple(_d.values())))

</pallas_src>

<mosaic_0001>
#map = affine_map<(d0, d1) -> (0, 0)>
#map1 = affine_map<(d0, d1) -> (0)>
module attributes {stable_mosaic.version = 14 : i64} {
  func.func @gather_kernel(%arg0: i32, %arg1: i32, %arg2: memref<1000000x32xf32, #tpu.memory_space<hbm>>, %arg3: memref<16384xi32, #tpu.memory_space<hbm>>, %arg4: memref<16384x32xf32, #tpu.memory_space<hbm>>, %arg5: memref<512xi32, #tpu.memory_space<vmem>>, %arg6: memref<512x32xf32, #tpu.memory_space<vmem>>, %arg7: memref<!tpu.dma_semaphore, #tpu.memory_space<semaphore_mem>>, %arg8: memref<!tpu.dma_semaphore, #tpu.memory_space<semaphore_mem>>, %arg9: memref<!tpu.dma_semaphore, #tpu.memory_space<semaphore_mem>>, %arg10: memref<!tpu.dma_semaphore, #tpu.memory_space<semaphore_mem>>, %arg11: memref<!tpu.dma_semaphore, #tpu.memory_space<semaphore_mem>>, %arg12: memref<!tpu.dma_semaphore, #tpu.memory_space<semaphore_mem>>, %arg13: memref<!tpu.dma_semaphore, #tpu.memory_space<semaphore_mem>>, %arg14: memref<!tpu.dma_semaphore, #tpu.memory_space<semaphore_mem>>) attributes {dimension_semantics = [#tpu.dimension_semantics<core_parallel>, #tpu.dimension_semantics<subcore_parallel>], iteration_bounds = array<i64: 2, 16>, scalar_prefetch = 0 : i64, scratch_operands = 10 : i64, tpu.core_type = #tpu.core_type<sc_vector_subcore>, window_params = [{transform_indices = #map}, {transform_indices = #map1}, {transform_indices = #map}]} {
    %mul3A = arith.constant 2 : i32
    %mul3A_0 = arith.muli %arg1, %mul3A : i32
    %add3A = arith.addi %mul3A_0, %arg0 : i32
    %mul3A_1 = arith.constant 512 : i32
    %mul3A_2 = arith.muli %add3A, %mul3A_1 : i32
    "tpu.region"() ({
      %run_scoped3A = tpu.sem_alloc : memref<!tpu.dma_semaphore, #tpu.memory_space<semaphore_mem>>
      %dma_start3A = tpu.memref_slice %arg3[%mul3A_2] : memref<16384xi32, #tpu.memory_space<hbm>> -> memref<512xi32, #tpu.memory_space<hbm>>
      %dma_start3A_153 = tpu.memref_slice %arg3[%mul3A_2] : memref<16384xi32, #tpu.memory_space<hbm>> -> memref<512xi32, #tpu.memory_space<hbm>>
      tpu.enqueue_dma source(%dma_start3A_153 : memref<512xi32, #tpu.memory_space<hbm>>) target(%arg5 : memref<512xi32, #tpu.memory_space<vmem>>) target_semaphore(%run_scoped3A : memref<!tpu.dma_semaphore, #tpu.memory_space<semaphore_mem>>)
      %dma_wait3A_154 = tpu.memref_slice %arg3[%mul3A_2] : memref<16384xi32, #tpu.memory_space<hbm>> -> memref<512xi32, #tpu.memory_space<hbm>>
      %dma_wait3A_155 = tpu.memref_slice %arg3[%mul3A_2] : memref<16384xi32, #tpu.memory_space<hbm>> -> memref<512xi32, #tpu.memory_space<hbm>>
      tpu.wait_dma2 semaphore(%run_scoped3A : memref<!tpu.dma_semaphore, #tpu.memory_space<semaphore_mem>>) src(%dma_wait3A_155 : memref<512xi32, #tpu.memory_space<hbm>>) dst(%arg5 : memref<512xi32, #tpu.memory_space<vmem>>)
      tpu.yield
    }) : () -> ()
    %scan3A = arith.constant 0 : i32
    %scan3A_3 = arith.constant 0 : i32
    %scan3A_4 = arith.constant 4 : i32
    %scan3A_5 = arith.addi %scan3A_3, %scan3A_4 : i32
    %scan3A_6 = arith.constant 1 : i32
    %scan3A_7 = scf.for %scan3A_153 = %scan3A_3 to %scan3A_5 step %scan3A_6 iter_args(%scan3A_154 = %scan3A) -> (i32)  : i32 {
      %mul3A_155 = arith.constant 16 : i32
      %mul3A_156 = arith.muli %scan3A_153, %mul3A_155 : i32
      %add3A_157 = arith.constant 0 : i32
      %add3A_158 = arith.addi %add3A_157, %mul3A_156 : i32
      %get3A = arith.index_cast %add3A_158 : i32 to index
      %get3A_159 = tpu.vector_load %arg5[%get3A] {strides = array<i32>} : memref<512xi32, #tpu.memory_space<vmem>>, vector<16xi32>,
      %get3A_160 = vector.shape_cast %get3A_159 : vector<16xi32> to vector<16xi32>
      %slice3A = vector.extract_strided_slice %get3A_160 {offsets = [0], sizes = [1], strides = [1]} : vector<16xi32> to vector<1xi32>
      %squeeze3A = vector.extract %slice3A[0] : i32 from vector<1xi32>
      %mul3A_161 = arith.constant 16 : i32
      %mul3A_162 = arith.muli %scan3A_153, %mul3A_161 : i32
      %add3A_163 = arith.constant 0 : i32
      %add3A_164 = arith.addi %add3A_163, %mul3A_162 : i32
      %add3A_165 = arith.constant 0 : i32
      %add3A_166 = arith.addi %add3A_164, %add3A_165 : i32
      %dma_start3A = arith.constant 0 : i32
      %dma_start3A_167 = tpu.memref_slice %arg6[%add3A_166, %dma_start3A] : memref<512x32xf32, #tpu.memory_space<vmem>> -> memref<1x32xf32, #tpu.memory_space<vmem>>
      %dma_start3A_168 = arith.constant 0 : i32
      %dma_start3A_169 = tpu.memref_slice %arg2[%squeeze3A, %dma_start3A_168] : memref<1000000x32xf32, #tpu.memory_space<hbm>> -> memref<1x32xf32, #tpu.memory_space<hbm>>
      %dma_start3A_170 = arith.constant 0 : i32
      %dma_start3A_171 = tpu.memref_slice %arg6[%add3A_166, %dma_start3A_170] : memref<512x32xf32, #tpu.memory_space<vmem>> -> memref<1x32xf32, #tpu.memory_space<vmem>>
      %dma_start3A_172 = arith.constant 0 : i32
      %dma_start3A_173 = tpu.memref_slice %arg2[%squeeze3A, %dma_start3A_172] : memref<1000000x32xf32, #tpu.memory_space<hbm>> -> memref<1x32xf32, #tpu.memory_space<hbm>>
      tpu.enqueue_dma source(%dma_start3A_173 : memref<1x32xf32, #tpu.memory_space<hbm>>) target(%dma_start3A_171 : memref<1x32xf32, #tpu.memory_space<vmem>>) target_semaphore(%arg7 : memref<!tpu.dma_semaphore, #tpu.memory_space<semaphore_mem>>)
      %slice3A_174 = vector.extract_strided_slice %get3A_160 {offsets = [1], sizes = [1], strides = [1]} : vector<16xi32> to vector<1xi32>
      %squeeze3A_175 = vector.extract %slice3A_174[0] : i32 from vector<1xi32>
      %mul3A_176 = arith.constant 16 : i32
      %mul3A_177 = arith.muli %scan3A_153, %mul3A_176 : i32
      %add3A_178 = arith.constant 0 : i32
      %add3A_179 = arith.addi %add3A_178, %mul3A_177 : i32
      %add3A_180 = arith.constant 1 : i32
      %add3A_181 = arith.addi %add3A_179, %add3A_180 : i32
      %dma_start3A_182 = arith.constant 0 : i32
      %dma_start3A_183 = tpu.memref_slice %arg6[%add3A_181, %dma_start3A_182] : memref<512x32xf32, #tpu.memory_space<vmem>> -> memref<1x32xf32, #tpu.memory_space<vmem>>
      %dma_start3A_184 = arith.constant 0 : i32
      %dma_start3A_185 = tpu.memref_slice %arg2[%squeeze3A_175, %dma_start3A_184] : memref<1000000x32xf32, #tpu.memory_space<hbm>> -> memref<1x32xf32, #tpu.memory_space<hbm>>
      %dma_start3A_186 = arith.constant 0 : i32
      %dma_start3A_187 = tpu.memref_slice %arg6[%add3A_181, %dma_start3A_186] : memref<512x32xf32, #tpu.memory_space<vmem>> -> memref<1x32xf32, #tpu.memory_space<vmem>>
      %dma_start3A_188 = arith.constant 0 : i32
      %dma_start3A_189 = tpu.memref_slice %arg2[%squeeze3A_175, %dma_start3A_188] : memref<1000000x32xf32, #tpu.memory_space<hbm>> -> memref<1x32xf32, #tpu.memory_space<hbm>>
      tpu.enqueue_dma source(%dma_start3A_189 : memref<1x32xf32, #tpu.memory_space<hbm>>) target(%dma_start3A_187 : memref<1x32xf32, #tpu.memory_space<vmem>>) target_semaphore(%arg7 : memref<!tpu.dma_semaphore, #tpu.memory_space<semaphore_mem>>)
      %slice3A_190 = vector.extract_strided_slice %get3A_160 {offsets = [2], sizes = [1], strides = [1]} : vector<16xi32> to vector<1xi32>
      %squeeze3A_191 = vector.extract %slice3A_190[0] : i32 from vector<1xi32>
      %mul3A_192 = arith.constant 16 : i32
      %mul3A_193 = arith.muli %scan3A_153, %mul3A_192 : i32
      %add3A_194 = arith.constant 0 : i32
      %add3A_195 = arith.addi %add3A_194, %mul3A_193 : i32
      %add3A_196 = arith.constant 2 : i32
      %add3A_197 = arith.addi %add3A_195, %add3A_196 : i32
      %dma_start3A_198 = arith.constant 0 : i32
      %dma_start3A_199 = tpu.memref_slice %arg6[%add3A_197, %dma_start3A_198] : memref<512x32xf32, #tpu.memory_space<vmem>> -> memref<1x32xf32, #tpu.memory_space<vmem>>
      %dma_start3A_200 = arith.constant 0 : i32
      %dma_start3A_201 = tpu.memref_slice %arg2[%squeeze3A_191, %dma_start3A_200] : memref<1000000x32xf32, #tpu.memory_space<hbm>> -> memref<1x32xf32, #tpu.memory_space<hbm>>
      %dma_start3A_202 = arith.constant 0 : i32
      %dma_start3A_203 = tpu.memref_slice %arg6[%add3A_197, %dma_start3A_202] : memref<512x32xf32, #tpu.memory_space<vmem>> -> memref<1x32xf32, #tpu.memory_space<vmem>>
      %dma_start3A_204 = arith.constant 0 : i32
      %dma_start3A_205 = tpu.memref_slice %arg2[%squeeze3A_191, %dma_start3A_204] : memref<1000000x32xf32, #tpu.memory_space<hbm>> -> memref<1x32xf32, #tpu.memory_space<hbm>>
      tpu.enqueue_dma source(%dma_start3A_205 : memref<1x32xf32, #tpu.memory_space<hbm>>) target(%dma_start3A_203 : memref<1x32xf32, #tpu.memory_space<vmem>>) target_semaphore(%arg7 : memref<!tpu.dma_semaphore, #tpu.memory_space<semaphore_mem>>)
      %slice3A_206 = vector.extract_strided_slice %get3A_160 {offsets = [3], sizes = [1], strides = [1]} : vector<16xi32> to vector<1xi32>
      %squeeze3A_207 = vector.extract %slice3A_206[0] : i32 from vector<1xi32>
      %mul3A_208 = arith.constant 16 : i32
      %mul3A_209 = arith.muli %scan3A_153, %mul3A_208 : i32
      %add3A_210 = arith.constant 0 : i32
      %add3A_211 = arith.addi %add3A_210, %mul3A_209 : i32
      %add3A_212 = arith.constant 3 : i32
      %add3A_213 = arith.addi %add3A_211, %add3A_212 : i32
      %dma_start3A_214 = arith.constant 0 : i32
      %dma_start3A_215 = tpu.memref_slice %arg6[%add3A_213, %dma_start3A_214] : memref<512x32xf32, #tpu.memory_space<vmem>> -> memref<1x32xf32, #tpu.memory_space<vmem>>
      %dma_start3A_216 = arith.constant 0 : i32
      %dma_start3A_217 = tpu.memref_slice %arg2[%squeeze3A_207, %dma_start3A_216] : memref<1000000x32xf32, #tpu.memory_space<hbm>> -> memref<1x32xf32, #tpu.memory_space<hbm>>
      %dma_start3A_218 = arith.constant 0 : i32
      %dma_start3A_219 = tpu.memref_slice %arg6[%add3A_213, %dma_start3A_218] : memref<512x32xf32, #tpu.memory_space<vmem>> -> memref<1x32xf32, #tpu.memory_space<vmem>>
      %dma_start3A_220 = arith.constant 0 : i32
      %dma_start3A_221 = tpu.memref_slice %arg2[%squeeze3A_207, %dma_start3A_220] : memref<1000000x32xf32, #tpu.memory_space<hbm>> -> memref<1x32xf32, #tpu.memory_space<hbm>>
      tpu.enqueue_dma source(%dma_start3A_221 : memref<1x32xf32, #tpu.memory_space<hbm>>) target(%dma_start3A_219 : memref<1x32xf32, #tpu.memory_space<vmem>>) target_semaphore(%arg7 : memref<!tpu.dma_semaphore, #tpu.memory_space<semaphore_mem>>)
      %slice3A_222 = vector.extract_strided_slice %get3A_160 {offsets = [4], sizes = [1], strides = [1]} : vector<16xi32> to vector<1xi32>
      %squeeze3A_223 = vector.extract %slice3A_222[0] : i32 from vector<1xi32>
      %mul3A_224 = arith.constant 16 : i32
      %mul3A_225 = arith.muli %scan3A_153, %mul3A_224 : i32
      %add3A_226 = arith.constant 0 : i32
      %add3A_227 = arith.addi %add3A_226, %mul3A_225 : i32
      %add3A_228 = arith.constant 4 : i32
      %add3A_229 = arith.addi %add3A_227, %add3A_228 : i32
      %dma_start3A_230 = arith.constant 0 : i32
      %dma_start3A_231 = tpu.memref_slice %arg6[%add3A_229, %dma_start3A_230] : memref<512x32xf32, #tpu.memory_space<vmem>> -> memref<1x32xf32, #tpu.memory_space<vmem>>
      %dma_start3A_232 = arith.constant 0 : i32
      %dma_start3A_233 = tpu.memref_slice %arg2[%squeeze3A_223, %dma_start3A_232] : memref<1000000x32xf32, #tpu.memory_space<hbm>> -> memref<1x32xf32, #tpu.memory_space<hbm>>
      %dma_start3A_234 = arith.constant 0 : i32
      %dma_start3A_235 = tpu.memref_slice %arg6[%add3A_229, %dma_start3A_234] : memref<512x32xf32, #tpu.memory_space<vmem>> -> memref<1x32xf32, #tpu.memory_space<vmem>>
      %dma_start3A_236 = arith.constant 0 : i32
      %dma_start3A_237 = tpu.memref_slice %arg2[%squeeze3A_223, %dma_start3A_236] : memref<1000000x32xf32, #tpu.memory_space<hbm>> -> memref<1x32xf32, #tpu.memory_space<hbm>>
      tpu.enqueue_dma source(%dma_start3A_237 : memref<1x32xf32, #tpu.memory_space<hbm>>) target(%dma_start3A_235 : memref<1x32xf32, #tpu.memory_space<vmem>>) target_semaphore(%arg7 : memref<!tpu.dma_semaphore, #tpu.memory_space<semaphore_mem>>)
      %slice3A_238 = vector.extract_strided_slice %get3A_160 {offsets = [5], sizes = [1], strides = [1]} : vector<16xi32> to vector<1xi32>
      %squeeze3A_239 = vector.extract %slice3A_238[0] : i32 from vector<1xi32>
      %mul3A_240 = arith.constant 16 : i32
      %mul3A_241 = arith.muli %scan3A_153, %mul3A_240 : i32
      %add3A_242 = arith.constant 0 : i32
      %add3A_243 = arith.addi %add3A_242, %mul3A_241 : i32
      %add3A_244 = arith.constant 5 : i32
      %add3A_245 = arith.addi %add3A_243, %add3A_244 : i32
      %dma_start3A_246 = arith.constant 0 : i32
      %dma_start3A_247 = tpu.memref_slice %arg6[%add3A_245, %dma_start3A_246] : memref<512x32xf32, #tpu.memory_space<vmem>> -> memref<1x32xf32, #tpu.memory_space<vmem>>
      %dma_start3A_248 = arith.constant 0 : i32
      %dma_start3A_249 = tpu.memref_slice %arg2[%squeeze3A_239, %dma_start3A_248] : memref<1000000x32xf32, #tpu.memory_space<hbm>> -> memref<1x32xf32, #tpu.memory_space<hbm>>
      %dma_start3A_250 = arith.constant 0 : i32
      %dma_start3A_251 = tpu.memref_slice %arg6[%add3A_245, %dma_start3A_250] : memref<512x32xf32, #tpu.memory_space<vmem>> -> memref<1x32xf32, #tpu.memory_space<vmem>>
      %dma_start3A_252 = arith.constant 0 : i32
      %dma_start3A_253 = tpu.memref_slice %arg2[%squeeze3A_239, %dma_start3A_252] : memref<1000000x32xf32, #tpu.memory_space<hbm>> -> memref<1x32xf32, #tpu.memory_space<hbm>>
      tpu.enqueue_dma source(%dma_start3A_253 : memref<1x32xf32, #tpu.memory_space<hbm>>) target(%dma_start3A_251 : memref<1x32xf32, #tpu.memory_space<vmem>>) target_semaphore(%arg7 : memref<!tpu.dma_semaphore, #tpu.memory_space<semaphore_mem>>)
      %slice3A_254 = vector.extract_strided_slice %get3A_160 {offsets = [6], sizes = [1], strides = [1]} : vector<16xi32> to vector<1xi32>
      %squeeze3A_255 = vector.extract %slice3A_254[0] : i32 from vector<1xi32>
      %mul3A_256 = arith.constant 16 : i32
      %mul3A_257 = arith.muli %scan3A_153, %mul3A_256 : i32
      %add3A_258 = arith.constant 0 : i32
      %add3A_259 = arith.addi %add3A_258, %mul3A_257 : i32
      %add3A_260 = arith.constant 6 : i32
      %add3A_261 = arith.addi %add3A_259, %add3A_260 : i32
      %dma_start3A_262 = arith.constant 0 : i32
      %dma_start3A_263 = tpu.memref_slice %arg6[%add3A_261, %dma_start3A_262] : memref<512x32xf32, #tpu.memory_space<vmem>> -> memref<1x32xf32, #tpu.memory_space<vmem>>
      %dma_start3A_264 = arith.constant 0 : i32
      %dma_start3A_265 = tpu.memref_slice %arg2[%squeeze3A_255, %dma_start3A_264] : memref<1000000x32xf32, #tpu.memory_space<hbm>> -> memref<1x32xf32, #tpu.memory_space<hbm>>
      %dma_start3A_266 = arith.constant 0 : i32
      %dma_start3A_267 = tpu.memref_slice %arg6[%add3A_261, %dma_start3A_266] : memref<512x32xf32, #tpu.memory_space<vmem>> -> memref<1x32xf32, #tpu.memory_space<vmem>>
      %dma_start3A_268 = arith.constant 0 : i32
      %dma_start3A_269 = tpu.memref_slice %arg2[%squeeze3A_255, %dma_start3A_268] : memref<1000000x32xf32, #tpu.memory_space<hbm>> -> memref<1x32xf32, #tpu.memory_space<hbm>>
      tpu.enqueue_dma source(%dma_start3A_269 : memref<1x32xf32, #tpu.memory_space<hbm>>) target(%dma_start3A_267 : memref<1x32xf32, #tpu.memory_space<vmem>>) target_semaphore(%arg7 : memref<!tpu.dma_semaphore, #tpu.memory_space<semaphore_mem>>)
      %slice3A_270 = vector.extract_strided_slice %get3A_160 {offsets = [7], sizes = [1], strides = [1]} : vector<16xi32> to vector<1xi32>
      %squeeze3A_271 = vector.extract %slice3A_270[0] : i32 from vector<1xi32>
      %mul3A_272 = arith.constant 16 : i32
      %mul3A_273 = arith.muli %scan3A_153, %mul3A_272 : i32
      %add3A_274 = arith.constant 0 : i32
      %add3A_275 = arith.addi %add3A_274, %mul3A_273 : i32
      %add3A_276 = arith.constant 7 : i32
      %add3A_277 = arith.addi %add3A_275, %add3A_276 : i32
      %dma_start3A_278 = arith.constant 0 : i32
      %dma_start3A_279 = tpu.memref_slice %arg6[%add3A_277, %dma_start3A_278] : memref<512x32xf32, #tpu.memory_space<vmem>> -> memref<1x32xf32, #tpu.memory_space<vmem>>
      %dma_start3A_280 = arith.constant 0 : i32
      %dma_start3A_281 = tpu.memref_slice %arg2[%squeeze3A_271, %dma_start3A_280] : memref<1000000x32xf32, #tpu.memory_space<hbm>> -> memref<1x32xf32, #tpu.memory_space<hbm>>
      %dma_start3A_282 = arith.constant 0 : i32
      %dma_start3A_283 = tpu.memref_slice %arg6[%add3A_277, %dma_start3A_282] : memref<512x32xf32, #tpu.memory_space<vmem>> -> memref<1x32xf32, #tpu.memory_space<vmem>>
      %dma_start3A_284 = arith.constant 0 : i32
      %dma_start3A_285 = tpu.memref_slice %arg2[%squeeze3A_271, %dma_start3A_284] : memref<1000000x32xf32, #tpu.memory_space<hbm>> -> memref<1x32xf32, #tpu.memory_space<hbm>>
      tpu.enqueue_dma source(%dma_start3A_285 : memref<1x32xf32, #tpu.memory_space<hbm>>) target(%dma_start3A_283 : memref<1x32xf32, #tpu.memory_space<vmem>>) target_semaphore(%arg7 : memref<!tpu.dma_semaphore, #tpu.memory_space<semaphore_mem>>)
      %slice3A_286 = vector.extract_strided_slice %get3A_160 {offsets = [8], sizes = [1], strides = [1]} : vector<16xi32> to vector<1xi32>
      %squeeze3A_287 = vector.extract %slice3A_286[0] : i32 from vector<1xi32>
      %mul3A_288 = arith.constant 16 : i32
      %mul3A_289 = arith.muli %scan3A_153, %mul3A_288 : i32
      %add3A_290 = arith.constant 0 : i32
      %add3A_291 = arith.addi %add3A_290, %mul3A_289 : i32
      %add3A_292 = arith.constant 8 : i32
      %add3A_293 = arith.addi %add3A_291, %add3A_292 : i32
      %dma_start3A_294 = arith.constant 0 : i32
      %dma_start3A_295 = tpu.memref_slice %arg6[%add3A_293, %dma_start3A_294] : memref<512x32xf32, #tpu.memory_space<vmem>> -> memref<1x32xf32, #tpu.memory_space<vmem>>
      %dma_start3A_296 = arith.constant 0 : i32
      %dma_start3A_297 = tpu.memref_slice %arg2[%squeeze3A_287, %dma_start3A_296] : memref<1000000x32xf32, #tpu.memory_space<hbm>> -> memref<1x32xf32, #tpu.memory_space<hbm>>
      %dma_start3A_298 = arith.constant 0 : i32
      %dma_start3A_299 = tpu.memref_slice %arg6[%add3A_293, %dma_start3A_298] : memref<512x32xf32, #tpu.memory_space<vmem>> -> memref<1x32xf32, #tpu.memory_space<vmem>>
      %dma_start3A_300 = arith.constant 0 : i32
      %dma_start3A_301 = tpu.memref_slice %arg2[%squeeze3A_287, %dma_start3A_300] : memref<1000000x32xf32, #tpu.memory_space<hbm>> -> memref<1x32xf32, #tpu.memory_space<hbm>>
      tpu.enqueue_dma source(%dma_start3A_301 : memref<1x32xf32, #tpu.memory_space<hbm>>) target(%dma_start3A_299 : memref<1x32xf32, #tpu.memory_space<vmem>>) target_semaphore(%arg7 : memref<!tpu.dma_semaphore, #tpu.memory_space<semaphore_mem>>)
      %slice3A_302 = vector.extract_strided_slice %get3A_160 {offsets = [9], sizes = [1], strides = [1]} : vector<16xi32> to vector<1xi32>
      %squeeze3A_303 = vector.extract %slice3A_302[0] : i32 from vector<1xi32>
      %mul3A_304 = arith.constant 16 : i32
      %mul3A_305 = arith.muli %scan3A_153, %mul3A_304 : i32
      %add3A_306 = arith.constant 0 : i32
      %add3A_307 = arith.addi %add3A_306, %mul3A_305 : i32
      %add3A_308 = arith.constant 9 : i32
      %add3A_309 = arith.addi %add3A_307, %add3A_308 : i32
      %dma_start3A_310 = arith.constant 0 : i32
      %dma_start3A_311 = tpu.memref_slice %arg6[%add3A_309, %dma_start3A_310] : memref<512x32xf32, #tpu.memory_space<vmem>> -> memref<1x32xf32, #tpu.memory_space<vmem>>
      %dma_start3A_312 = arith.constant 0 : i32
      %dma_start3A_313 = tpu.memref_slice %arg2[%squeeze3A_303, %dma_start3A_312] : memref<1000000x32xf32, #tpu.memory_space<hbm>> -> memref<1x32xf32, #tpu.memory_space<hbm>>
      %dma_start3A_314 = arith.constant 0 : i32
      %dma_start3A_315 = tpu.memref_slice %arg6[%add3A_309, %dma_start3A_314] : memref<512x32xf32, #tpu.memory_space<vmem>> -> memref<1x32xf32, #tpu.memory_space<vmem>>
      %dma_start3A_316 = arith.constant 0 : i32
      %dma_start3A_317 = tpu.memref_slice %arg2[%squeeze3A_303, %dma_start3A_316] : memref<1000000x32xf32, #tpu.memory_space<hbm>> -> memref<1x32xf32, #tpu.memory_space<hbm>>
      tpu.enqueue_dma source(%dma_start3A_317 : memref<1x32xf32, #tpu.memory_space<hbm>>) target(%dma_start3A_315 : memref<1x32xf32, #tpu.memory_space<vmem>>) target_semaphore(%arg7 : memref<!tpu.dma_semaphore, #tpu.memory_space<semaphore_mem>>)
      %slice3A_318 = vector.extract_strided_slice %get3A_160 {offsets = [10], sizes = [1], strides = [1]} : vector<16xi32> to vector<1xi32>
      %squeeze3A_319 = vector.extract %slice3A_318[0] : i32 from vector<1xi32>
      %mul3A_320 = arith.constant 16 : i32
      %mul3A_321 = arith.muli %scan3A_153, %mul3A_320 : i32
      %add3A_322 = arith.constant 0 : i32
      %add3A_323 = arith.addi %add3A_322, %mul3A_321 : i32
      %add3A_324 = arith.constant 10 : i32
      %add3A_325 = arith.addi %add3A_323, %add3A_324 : i32
      %dma_start3A_326 = arith.constant 0 : i32
      %dma_start3A_327 = tpu.memref_slice %arg6[%add3A_325, %dma_start3A_326] : memref<512x32xf32, #tpu.memory_space<vmem>> -> memref<1x32xf32, #tpu.memory_space<vmem>>
      %dma_start3A_328 = arith.constant 0 : i32
      %dma_start3A_329 = tpu.memref_slice %arg2[%squeeze3A_319, %dma_start3A_328] : memref<1000000x32xf32, #tpu.memory_space<hbm>> -> memref<1x32xf32, #tpu.memory_space<hbm>>
      %dma_start3A_330 = arith.constant 0 : i32
      %dma_start3A_331 = tpu.memref_slice %arg6[%add3A_325, %dma_start3A_330] : memref<512x32xf32, #tpu.memory_space<vmem>> -> memref<1x32xf32, #tpu.memory_space<vmem>>
      %dma_start3A_332 = arith.constant 0 : i32
      %dma_start3A_333 = tpu.memref_slice %arg2[%squeeze3A_319, %dma_start3A_332] : memref<1000000x32xf32, #tpu.memory_space<hbm>> -> memref<1x32xf32, #tpu.memory_space<hbm>>
      tpu.enqueue_dma source(%dma_start3A_333 : memref<1x32xf32, #tpu.memory_space<hbm>>) target(%dma_start3A_331 : memref<1x32xf32, #tpu.memory_space<vmem>>) target_semaphore(%arg7 : memref<!tpu.dma_semaphore, #tpu.memory_space<semaphore_mem>>)
      %slice3A_334 = vector.extract_strided_slice %get3A_160 {offsets = [11], sizes = [1], strides = [1]} : vector<16xi32> to vector<1xi32>
      %squeeze3A_335 = vector.extract %slice3A_334[0] : i32 from vector<1xi32>
      %mul3A_336 = arith.constant 16 : i32
      %mul3A_337 = arith.muli %scan3A_153, %mul3A_336 : i32
      %add3A_338 = arith.constant 0 : i32
      %add3A_339 = arith.addi %add3A_338, %mul3A_337 : i32
      %add3A_340 = arith.constant 11 : i32
      %add3A_341 = arith.addi %add3A_339, %add3A_340 : i32
      %dma_start3A_342 = arith.constant 0 : i32
      %dma_start3A_343 = tpu.memref_slice %arg6[%add3A_341, %dma_start3A_342] : memref<512x32xf32, #tpu.memory_space<vmem>> -> memref<1x32xf32, #tpu.memory_space<vmem>>
      %dma_start3A_344 = arith.constant 0 : i32
      %dma_start3A_345 = tpu.memref_slice %arg2[%squeeze3A_335, %dma_start3A_344] : memref<1000000x32xf32, #tpu.memory_space<hbm>> -> memref<1x32xf32, #tpu.memory_space<hbm>>
      %dma_start3A_346 = arith.constant 0 : i32
      %dma_start3A_347 = tpu.memref_slice %arg6[%add3A_341, %dma_start3A_346] : memref<512x32xf32, #tpu.memory_space<vmem>> -> memref<1x32xf32, #tpu.memory_space<vmem>>
      %dma_start3A_348 = arith.constant 0 : i32
      %dma_start3A_349 = tpu.memref_slice %arg2[%squeeze3A_335, %dma_start3A_348] : memref<1000000x32xf32, #tpu.memory_space<hbm>> -> memref<1x32xf32, #tpu.memory_space<hbm>>
      tpu.enqueue_dma source(%dma_start3A_349 : memref<1x32xf32, #tpu.memory_space<hbm>>) target(%dma_start3A_347 : memref<1x32xf32, #tpu.memory_space<vmem>>) target_semaphore(%arg7 : memref<!tpu.dma_semaphore, #tpu.memory_space<semaphore_mem>>)
      %slice3A_350 = vector.extract_strided_slice %get3A_160 {offsets = [12], sizes = [1], strides = [1]} : vector<16xi32> to vector<1xi32>
      %squeeze3A_351 = vector.extract %slice3A_350[0] : i32 from vector<1xi32>
      %mul3A_352 = arith.constant 16 : i32
      %mul3A_353 = arith.muli %scan3A_153, %mul3A_352 : i32
      %add3A_354 = arith.constant 0 : i32
      %add3A_355 = arith.addi %add3A_354, %mul3A_353 : i32
      %add3A_356 = arith.constant 12 : i32
      %add3A_357 = arith.addi %add3A_355, %add3A_356 : i32
      %dma_start3A_358 = arith.constant 0 : i32
      %dma_start3A_359 = tpu.memref_slice %arg6[%add3A_357, %dma_start3A_358] : memref<512x32xf32, #tpu.memory_space<vmem>> -> memref<1x32xf32, #tpu.memory_space<vmem>>
      %dma_start3A_360 = arith.constant 0 : i32
      %dma_start3A_361 = tpu.memref_slice %arg2[%squeeze3A_351, %dma_start3A_360] : memref<1000000x32xf32, #tpu.memory_space<hbm>> -> memref<1x32xf32, #tpu.memory_space<hbm>>
      %dma_start3A_362 = arith.constant 0 : i32
      %dma_start3A_363 = tpu.memref_slice %arg6[%add3A_357, %dma_start3A_362] : memref<512x32xf32, #tpu.memory_space<vmem>> -> memref<1x32xf32, #tpu.memory_space<vmem>>
      %dma_start3A_364 = arith.constant 0 : i32
      %dma_start3A_365 = tpu.memref_slice %arg2[%squeeze3A_351, %dma_start3A_364] : memref<1000000x32xf32, #tpu.memory_space<hbm>> -> memref<1x32xf32, #tpu.memory_space<hbm>>
      tpu.enqueue_dma source(%dma_start3A_365 : memref<1x32xf32, #tpu.memory_space<hbm>>) target(%dma_start3A_363 : memref<1x32xf32, #tpu.memory_space<vmem>>) target_semaphore(%arg7 : memref<!tpu.dma_semaphore, #tpu.memory_space<semaphore_mem>>)
      %slice3A_366 = vector.extract_strided_slice %get3A_160 {offsets = [13], sizes = [1], strides = [1]} : vector<16xi32> to vector<1xi32>
      %squeeze3A_367 = vector.extract %slice3A_366[0] : i32 from vector<1xi32>
      %mul3A_368 = arith.constant 16 : i32
      %mul3A_369 = arith.muli %scan3A_153, %mul3A_368 : i32
      %add3A_370 = arith.constant 0 : i32
      %add3A_371 = arith.addi %add3A_370, %mul3A_369 : i32
      %add3A_372 = arith.constant 13 : i32
      %add3A_373 = arith.addi %add3A_371, %add3A_372 : i32
      %dma_start3A_374 = arith.constant 0 : i32
      %dma_start3A_375 = tpu.memref_slice %arg6[%add3A_373, %dma_start3A_374] : memref<512x32xf32, #tpu.memory_space<vmem>> -> memref<1x32xf32, #tpu.memory_space<vmem>>
      %dma_start3A_376 = arith.constant 0 : i32
      %dma_start3A_377 = tpu.memref_slice %arg2[%squeeze3A_367, %dma_start3A_376] : memref<1000000x32xf32, #tpu.memory_space<hbm>> -> memref<1x32xf32, #tpu.memory_space<hbm>>
      %dma_start3A_378 = arith.constant 0 : i32
      %dma_start3A_379 = tpu.memref_slice %arg6[%add3A_373, %dma_start3A_378] : memref<512x32xf32, #tpu.memory_space<vmem>> -> memref<1x32xf32, #tpu.memory_space<vmem>>
      %dma_start3A_380 = arith.constant 0 : i32
      %dma_start3A_381 = tpu.memref_slice %arg2[%squeeze3A_367, %dma_start3A_380] : memref<1000000x32xf32, #tpu.memory_space<hbm>> -> memref<1x32xf32, #tpu.memory_space<hbm>>
      tpu.enqueue_dma source(%dma_start3A_381 : memref<1x32xf32, #tpu.memory_space<hbm>>) target(%dma_start3A_379 : memref<1x32xf32, #tpu.memory_space<vmem>>) target_semaphore(%arg7 : memref<!tpu.dma_semaphore, #tpu.memory_space<semaphore_mem>>)
      %slice3A_382 = vector.extract_strided_slice %get3A_160 {offsets = [14], sizes = [1], strides = [1]} : vector<16xi32> to vector<1xi32>
      %squeeze3A_383 = vector.extract %slice3A_382[0] : i32 from vector<1xi32>
      %mul3A_384 = arith.constant 16 : i32
      %mul3A_385 = arith.muli %scan3A_153, %mul3A_384 : i32
      %add3A_386 = arith.constant 0 : i32
      %add3A_387 = arith.addi %add3A_386, %mul3A_385 : i32
      %add3A_388 = arith.constant 14 : i32
      %add3A_389 = arith.addi %add3A_387, %add3A_388 : i32
      %dma_start3A_390 = arith.constant 0 : i32
      %dma_start3A_391 = tpu.memref_slice %arg6[%add3A_389, %dma_start3A_390] : memref<512x32xf32, #tpu.memory_space<vmem>> -> memref<1x32xf32, #tpu.memory_space<vmem>>
      %dma_start3A_392 = arith.constant 0 : i32
      %dma_start3A_393 = tpu.memref_slice %arg2[%squeeze3A_383, %dma_start3A_392] : memref<1000000x32xf32, #tpu.memory_space<hbm>> -> memref<1x32xf32, #tpu.memory_space<hbm>>
      %dma_start3A_394 = arith.constant 0 : i32
      %dma_start3A_395 = tpu.memref_slice %arg6[%add3A_389, %dma_start3A_394] : memref<512x32xf32, #tpu.memory_space<vmem>> -> memref<1x32xf32, #tpu.memory_space<vmem>>
      %dma_start3A_396 = arith.constant 0 : i32
      %dma_start3A_397 = tpu.memref_slice %arg2[%squeeze3A_383, %dma_start3A_396] : memref<1000000x32xf32, #tpu.memory_space<hbm>> -> memref<1x32xf32, #tpu.memory_space<hbm>>
      tpu.enqueue_dma source(%dma_start3A_397 : memref<1x32xf32, #tpu.memory_space<hbm>>) target(%dma_start3A_395 : memref<1x32xf32, #tpu.memory_space<vmem>>) target_semaphore(%arg7 : memref<!tpu.dma_semaphore, #tpu.memory_space<semaphore_mem>>)
      %slice3A_398 = vector.extract_strided_slice %get3A_160 {offsets = [15], sizes = [1], strides = [1]} : vector<16xi32> to vector<1xi32>
      %squeeze3A_399 = vector.extract %slice3A_398[0] : i32 from vector<1xi32>
      %mul3A_400 = arith.constant 16 : i32
      %mul3A_401 = arith.muli %scan3A_153, %mul3A_400 : i32
      %add3A_402 = arith.constant 0 : i32
      %add3A_403 = arith.addi %add3A_402, %mul3A_401 : i32
      %add3A_404 = arith.constant 15 : i32
      %add3A_405 = arith.addi %add3A_403, %add3A_404 : i32
      %dma_start3A_406 = arith.constant 0 : i32
      %dma_start3A_407 = tpu.memref_slice %arg6[%add3A_405, %dma_start3A_406] : memref<512x32xf32, #tpu.memory_space<vmem>> -> memref<1x32xf32, #tpu.memory_space<vmem>>
      %dma_start3A_408 = arith.constant 0 : i32
      %dma_start3A_409 = tpu.memref_slice %arg2[%squeeze3A_399, %dma_start3A_408] : memref<1000000x32xf32, #tpu.memory_space<hbm>> -> memref<1x32xf32, #tpu.memory_space<hbm>>
      %dma_start3A_410 = arith.constant 0 : i32
      %dma_start3A_411 = tpu.memref_slice %arg6[%add3A_405, %dma_start3A_410] : memref<512x32xf32, #tpu.memory_space<vmem>> -> memref<1x32xf32, #tpu.memory_space<vmem>>
      %dma_start3A_412 = arith.constant 0 : i32
      %dma_start3A_413 = tpu.memref_slice %arg2[%squeeze3A_399, %dma_start3A_412] : memref<1000000x32xf32, #tpu.memory_space<hbm>> -> memref<1x32xf32, #tpu.memory_space<hbm>>
      tpu.enqueue_dma source(%dma_start3A_413 : memref<1x32xf32, #tpu.memory_space<hbm>>) target(%dma_start3A_411 : memref<1x32xf32, #tpu.memory_space<vmem>>) target_semaphore(%arg7 : memref<!tpu.dma_semaphore, #tpu.memory_space<semaphore_mem>>)
      %scan3A_414 = arith.constant 0 : i32
      scf.yield %scan3A_414 : i32
    }
    %scan3A_8 = arith.constant 4 : i32
    %scan3A_9 = arith.constant 0 : i32
    %scan3A_10 = arith.constant 0 : i32
    %scan3A_11 = arith.constant 4 : i32
    %scan3A_12 = arith.addi %scan3A_10, %scan3A_11 : i32
    %scan3A_13 = arith.constant 1 : i32
    %scan3A_14 = scf.for %scan3A_153 = %scan3A_10 to %scan3A_12 step %scan3A_13 iter_args(%scan3A_154 = %scan3A_9) -> (i32)  : i32 {
      %mul3A_155 = arith.constant 16 : i32
      %mul3A_156 = arith.muli %scan3A_153, %mul3A_155 : i32
      %add3A_157 = arith.constant 64 : i32
      %add3A_158 = arith.addi %add3A_157, %mul3A_156 : i32
      %get3A = arith.index_cast %add3A_158 : i32 to index
      %get3A_159 = tpu.vector_load %arg5[%get3A] {strides = array<i32>} : memref<512xi32, #tpu.memory_space<vmem>>, vector<16xi32>,
      %get3A_160 = vector.shape_cast %get3A_159 : vector<16xi32> to vector<16xi32>
      %slice3A = vector.extract_strided_slice %get3A_160 {offsets = [0], sizes = [1], strides = [1]} : vector<16xi32> to vector<1xi32>
      %squeeze3A = vector.extract %slice3A[0] : i32 from vector<1xi32>
      %mul3A_161 = arith.constant 16 : i32
      %mul3A_162 = arith.muli %scan3A_153, %mul3A_161 : i32
      %add3A_163 = arith.constant 64 : i32
      %add3A_164 = arith.addi %add3A_163, %mul3A_162 : i32
      %add3A_165 = arith.constant 0 : i32
      %add3A_166 = arith.addi %add3A_164, %add3A_165 : i32
      %dma_start3A = arith.constant 0 : i32
      %dma_start3A_167 = tpu.memref_slice %arg6[%add3A_166, %dma_start3A] : memref<512x32xf32, #tpu.memory_space<vmem>> -> memref<1x32xf32, #tpu.memory_space<vmem>>
      %dma_start3A_168 = arith.constant 0 : i32
      %dma_start3A_169 = tpu.memref_slice %arg2[%squeeze3A, %dma_start3A_168] : memref<1000000x32xf32, #tpu.memory_space<hbm>> -> memref<1x32xf32, #tpu.memory_space<hbm>>
      %dma_start3A_170 = arith.constant 0 : i32
      %dma_start3A_171 = tpu.memref_slice %arg6[%add3A_166, %dma_start3A_170] : memref<512x32xf32, #tpu.memory_space<vmem>> -> memref<1x32xf32, #tpu.memory_space<vmem>>
      %dma_start3A_172 = arith.constant 0 : i32
      %dma_start3A_173 = tpu.memref_slice %arg2[%squeeze3A, %dma_start3A_172] : memref<1000000x32xf32, #tpu.memory_space<hbm>> -> memref<1x32xf32, #tpu.memory_space<hbm>>
      tpu.enqueue_dma source(%dma_start3A_173 : memref<1x32xf32, #tpu.memory_space<hbm>>) target(%dma_start3A_171 : memref<1x32xf32, #tpu.memory_space<vmem>>) target_semaphore(%arg8 : memref<!tpu.dma_semaphore, #tpu.memory_space<semaphore_mem>>)
      %slice3A_174 = vector.extract_strided_slice %get3A_160 {offsets = [1], sizes = [1], strides = [1]} : vector<16xi32> to vector<1xi32>
      %squeeze3A_175 = vector.extract %slice3A_174[0] : i32 from vector<1xi32>
      %mul3A_176 = arith.constant 16 : i32
      %mul3A_177 = arith.muli %scan3A_153, %mul3A_176 : i32
      %add3A_178 = arith.constant 64 : i32
      %add3A_179 = arith.addi %add3A_178, %mul3A_177 : i32
      %add3A_180 = arith.constant 1 : i32
      %add3A_181 = arith.addi %add3A_179, %add3A_180 : i32
      %dma_start3A_182 = arith.constant 0 : i32
      %dma_start3A_183 = tpu.memref_slice %arg6[%add3A_181, %dma_start3A_182] : memref<512x32xf32, #tpu.memory_space<vmem>> -> memref<1x32xf32, #tpu.memory_space<vmem>>
      %dma_start3A_184 = arith.constant 0 : i32
      %dma_start3A_185 = tpu.memref_slice %arg2[%squeeze3A_175, %dma_start3A_184] : memref<1000000x32xf32, #tpu.memory_space<hbm>> -> memref<1x32xf32, #tpu.memory_space<hbm>>
      %dma_start3A_186 = arith.constant 0 : i32
      %dma_start3A_187 = tpu.memref_slice %arg6[%add3A_181, %dma_start3A_186] : memref<512x32xf32, #tpu.memory_space<vmem>> -> memref<1x32xf32, #tpu.memory_space<vmem>>
      %dma_start3A_188 = arith.constant 0 : i32
      %dma_start3A_189 = tpu.memref_slice %arg2[%squeeze3A_175, %dma_start3A_188] : memref<1000000x32xf32, #tpu.memory_space<hbm>> -> memref<1x32xf32, #tpu.memory_space<hbm>>
      tpu.enqueue_dma source(%dma_start3A_189 : memref<1x32xf32, #tpu.memory_space<hbm>>) target(%dma_start3A_187 : memref<1x32xf32, #tpu.memory_space<vmem>>) target_semaphore(%arg8 : memref<!tpu.dma_semaphore, #tpu.memory_space<semaphore_mem>>)
      %slice3A_190 = vector.extract_strided_slice %get3A_160 {offsets = [2], sizes = [1], strides = [1]} : vector<16xi32> to vector<1xi32>
      %squeeze3A_191 = vector.extract %slice3A_190[0] : i32 from vector<1xi32>
      %mul3A_192 = arith.constant 16 : i32
      %mul3A_193 = arith.muli %scan3A_153, %mul3A_192 : i32
      %add3A_194 = arith.constant 64 : i32
      %add3A_195 = arith.addi %add3A_194, %mul3A_193 : i32
      %add3A_196 = arith.constant 2 : i32
      %add3A_197 = arith.addi %add3A_195, %add3A_196 : i32
      %dma_start3A_198 = arith.constant 0 : i32
      %dma_start3A_199 = tpu.memref_slice %arg6[%add3A_197, %dma_start3A_198] : memref<512x32xf32, #tpu.memory_space<vmem>> -> memref<1x32xf32, #tpu.memory_space<vmem>>
      %dma_start3A_200 = arith.constant 0 : i32
      %dma_start3A_201 = tpu.memref_slice %arg2[%squeeze3A_191, %dma_start3A_200] : memref<1000000x32xf32, #tpu.memory_space<hbm>> -> memref<1x32xf32, #tpu.memory_space<hbm>>
      %dma_start3A_202 = arith.constant 0 : i32
      %dma_start3A_203 = tpu.memref_slice %arg6[%add3A_197, %dma_start3A_202] : memref<512x32xf32, #tpu.memory_space<vmem>> -> memref<1x32xf32, #tpu.memory_space<vmem>>
      %dma_start3A_204 = arith.constant 0 : i32
      %dma_start3A_205 = tpu.memref_slice %arg2[%squeeze3A_191, %dma_start3A_204] : memref<1000000x32xf32, #tpu.memory_space<hbm>> -> memref<1x32xf32, #tpu.memory_space<hbm>>
      tpu.enqueue_dma source(%dma_start3A_205 : memref<1x32xf32, #tpu.memory_space<hbm>>) target(%dma_start3A_203 : memref<1x32xf32, #tpu.memory_space<vmem>>) target_semaphore(%arg8 : memref<!tpu.dma_semaphore, #tpu.memory_space<semaphore_mem>>)
      %slice3A_206 = vector.extract_strided_slice %get3A_160 {offsets = [3], sizes = [1], strides = [1]} : vector<16xi32> to vector<1xi32>
      %squeeze3A_207 = vector.extract %slice3A_206[0] : i32 from vector<1xi32>
      %mul3A_208 = arith.constant 16 : i32
      %mul3A_209 = arith.muli %scan3A_153, %mul3A_208 : i32
      %add3A_210 = arith.constant 64 : i32
      %add3A_211 = arith.addi %add3A_210, %mul3A_209 : i32
      %add3A_212 = arith.constant 3 : i32
      %add3A_213 = arith.addi %add3A_211, %add3A_212 : i32
      %dma_start3A_214 = arith.constant 0 : i32
      %dma_start3A_215 = tpu.memref_slice %arg6[%add3A_213, %dma_start3A_214] : memref<512x32xf32, #tpu.memory_space<vmem>> -> memref<1x32xf32, #tpu.memory_space<vmem>>
      %dma_start3A_216 = arith.constant 0 : i32
      %dma_start3A_217 = tpu.memref_slice %arg2[%squeeze3A_207, %dma_start3A_216] : memref<1000000x32xf32, #tpu.memory_space<hbm>> -> memref<1x32xf32, #tpu.memory_space<hbm>>
      %dma_start3A_218 = arith.constant 0 : i32
      %dma_start3A_219 = tpu.memref_slice %arg6[%add3A_213, %dma_start3A_218] : memref<512x32xf32, #tpu.memory_space<vmem>> -> memref<1x32xf32, #tpu.memory_space<vmem>>
      %dma_start3A_220 = arith.constant 0 : i32
      %dma_start3A_221 = tpu.memref_slice %arg2[%squeeze3A_207, %dma_start3A_220] : memref<1000000x32xf32, #tpu.memory_space<hbm>> -> memref<1x32xf32, #tpu.memory_space<hbm>>
      tpu.enqueue_dma source(%dma_start3A_221 : memref<1x32xf32, #tpu.memory_space<hbm>>) target(%dma_start3A_219 : memref<1x32xf32, #tpu.memory_space<vmem>>) target_semaphore(%arg8 : memref<!tpu.dma_semaphore, #tpu.memory_space<semaphore_mem>>)
      %slice3A_222 = vector.extract_strided_slice %get3A_160 {offsets = [4], sizes = [1], strides = [1]} : vector<16xi32> to vector<1xi32>
      %squeeze3A_223 = vector.extract %slice3A_222[0] : i32 from vector<1xi32>
      %mul3A_224 = arith.constant 16 : i32
      %mul3A_225 = arith.muli %scan3A_153, %mul3A_224 : i32
      %add3A_226 = arith.constant 64 : i32
      %add3A_227 = arith.addi %add3A_226, %mul3A_225 : i32
      %add3A_228 = arith.constant 4 : i32
      %add3A_229 = arith.addi %add3A_227, %add3A_228 : i32
      %dma_start3A_230 = arith.constant 0 : i32
      %dma_start3A_231 = tpu.memref_slice %arg6[%add3A_229, %dma_start3A_230] : memref<512x32xf32, #tpu.memory_space<vmem>> -> memref<1x32xf32, #tpu.memory_space<vmem>>
      %dma_start3A_232 = arith.constant 0 : i32
      %dma_start3A_233 = tpu.memref_slice %arg2[%squeeze3A_223, %dma_start3A_232] : memref<1000000x32xf32, #tpu.memory_space<hbm>> -> memref<1x32xf32, #tpu.memory_space<hbm>>
      %dma_start3A_234 = arith.constant 0 : i32
      %dma_start3A_235 = tpu.memref_slice %arg6[%add3A_229, %dma_start3A_234] : memref<512x32xf32, #tpu.memory_space<vmem>> -> memref<1x32xf32, #tpu.memory_space<vmem>>
      %dma_start3A_236 = arith.constant 0 : i32
      %dma_start3A_237 = tpu.memref_slice %arg2[%squeeze3A_223, %dma_start3A_236] : memref<1000000x32xf32, #tpu.memory_space<hbm>> -> memref<1x32xf32, #tpu.memory_space<hbm>>
      tpu.enqueue_dma source(%dma_start3A_237 : memref<1x32xf32, #tpu.memory_space<hbm>>) target(%dma_start3A_235 : memref<1x32xf32, #tpu.memory_space<vmem>>) target_semaphore(%arg8 : memref<!tpu.dma_semaphore, #tpu.memory_space<semaphore_mem>>)
      %slice3A_238 = vector.extract_strided_slice %get3A_160 {offsets = [5], sizes = [1], strides = [1]} : vector<16xi32> to vector<1xi32>
      %squeeze3A_239 = vector.extract %slice3A_238[0] : i32 from vector<1xi32>
      %mul3A_240 = arith.constant 16 : i32
      %mul3A_241 = arith.muli %scan3A_153, %mul3A_240 : i32
      %add3A_242 = arith.constant 64 : i32
      %add3A_243 = arith.addi %add3A_242, %mul3A_241 : i32
      %add3A_244 = arith.constant 5 : i32
      %add3A_245 = arith.addi %add3A_243, %add3A_244 : i32
      %dma_start3A_246 = arith.constant 0 : i32
      %dma_start3A_247 = tpu.memref_slice %arg6[%add3A_245, %dma_start3A_246] : memref<512x32xf32, #tpu.memory_space<vmem>> -> memref<1x32xf32, #tpu.memory_space<vmem>>
      %dma_start3A_248 = arith.constant 0 : i32
      %dma_start3A_249 = tpu.memref_slice %arg2[%squeeze3A_239, %dma_start3A_248] : memref<1000000x32xf32, #tpu.memory_space<hbm>> -> memref<1x32xf32, #tpu.memory_space<hbm>>
      %dma_start3A_250 = arith.constant 0 : i32
      %dma_start3A_251 = tpu.memref_slice %arg6[%add3A_245, %dma_start3A_250] : memref<512x32xf32, #tpu.memory_space<vmem>> -> memref<1x32xf32, #tpu.memory_space<vmem>>
      %dma_start3A_252 = arith.constant 0 : i32
      %dma_start3A_253 = tpu.memref_slice %arg2[%squeeze3A_239, %dma_start3A_252] : memref<1000000x32xf32, #tpu.memory_space<hbm>> -> memref<1x32xf32, #tpu.memory_space<hbm>>
      tpu.enqueue_dma source(%dma_start3A_253 : memref<1x32xf32, #tpu.memory_space<hbm>>) target(%dma_start3A_251 : memref<1x32xf32, #tpu.memory_space<vmem>>) target_semaphore(%arg8 : memref<!tpu.dma_semaphore, #tpu.memory_space<semaphore_mem>>)
      %slice3A_254 = vector.extract_strided_slice %get3A_160 {offsets = [6], sizes = [1], strides = [1]} : vector<16xi32> to vector<1xi32>
      %squeeze3A_255 = vector.extract %slice3A_254[0] : i32 from vector<1xi32>
      %mul3A_256 = arith.constant 16 : i32
      %mul3A_257 = arith.muli %scan3A_153, %mul3A_256 : i32
      %add3A_258 = arith.constant 64 : i32
      %add3A_259 = arith.addi %add3A_258, %mul3A_257 : i32
      %add3A_260 = arith.constant 6 : i32
      %add3A_261 = arith.addi %add3A_259, %add3A_260 : i32
      %dma_start3A_262 = arith.constant 0 : i32
      %dma_start3A_263 = tpu.memref_slice %arg6[%add3A_261, %dma_start3A_262] : memref<512x32xf32, #tpu.memory_space<vmem>> -> memref<1x32xf32, #tpu.memory_space<vmem>>
      %dma_start3A_264 = arith.constant 0 : i32
      %dma_start3A_265 = tpu.memref_slice %arg2[%squeeze3A_255, %dma_start3A_264] : memref<1000000x32xf32, #tpu.memory_space<hbm>> -> memref<1x32xf32, #tpu.memory_space<hbm>>
      %dma_start3A_266 = arith.constant 0 : i32
      %dma_start3A_267 = tpu.memref_slice %arg6[%add3A_261, %dma_start3A_266] : memref<512x32xf32, #tpu.memory_space<vmem>> -> memref<1x32xf32, #tpu.memory_space<vmem>>
      %dma_start3A_268 = arith.constant 0 : i32
      %dma_start3A_269 = tpu.memref_slice %arg2[%squeeze3A_255, %dma_start3A_268] : memref<1000000x32xf32, #tpu.memory_space<hbm>> -> memref<1x32xf32, #tpu.memory_space<hbm>>
      tpu.enqueue_dma source(%dma_start3A_269 : memref<1x32xf32, #tpu.memory_space<hbm>>) target(%dma_start3A_267 : memref<1x32xf32, #tpu.memory_space<vmem>>) target_semaphore(%arg8 : memref<!tpu.dma_semaphore, #tpu.memory_space<semaphore_mem>>)
      %slice3A_270 = vector.extract_strided_slice %get3A_160 {offsets = [7], sizes = [1], strides = [1]} : vector<16xi32> to vector<1xi32>
      %squeeze3A_271 = vector.extract %slice3A_270[0] : i32 from vector<1xi32>
      %mul3A_272 = arith.constant 16 : i32
      %mul3A_273 = arith.muli %scan3A_153, %mul3A_272 : i32
      %add3A_274 = arith.constant 64 : i32
      %add3A_275 = arith.addi %add3A_274, %mul3A_273 : i32
      %add3A_276 = arith.constant 7 : i32
      %add3A_277 = arith.addi %add3A_275, %add3A_276 : i32
      %dma_start3A_278 = arith.constant 0 : i32
      %dma_start3A_279 = tpu.memref_slice %arg6[%add3A_277, %dma_start3A_278] : memref<512x32xf32, #tpu.memory_space<vmem>> -> memref<1x32xf32, #tpu.memory_space<vmem>>
      %dma_start3A_280 = arith.constant 0 : i32
      %dma_start3A_281 = tpu.memref_slice %arg2[%squeeze3A_271, %dma_start3A_280] : memref<1000000x32xf32, #tpu.memory_space<hbm>> -> memref<1x32xf32, #tpu.memory_space<hbm>>
      %dma_start3A_282 = arith.constant 0 : i32
      %dma_start3A_283 = tpu.memref_slice %arg6[%add3A_277, %dma_start3A_282] : memref<512x32xf32, #tpu.memory_space<vmem>> -> memref<1x32xf32, #tpu.memory_space<vmem>>
      %dma_start3A_284 = arith.constant 0 : i32
      %dma_start3A_285 = tpu.memref_slice %arg2[%squeeze3A_271, %dma_start3A_284] : memref<1000000x32xf32, #tpu.memory_space<hbm>> -> memref<1x32xf32, #tpu.memory_space<hbm>>
      tpu.enqueue_dma source(%dma_start3A_285 : memref<1x32xf32, #tpu.memory_space<hbm>>) target(%dma_start3A_283 : memref<1x32xf32, #tpu.memory_space<vmem>>) target_semaphore(%arg8 : memref<!tpu.dma_semaphore, #tpu.memory_space<semaphore_mem>>)
      %slice3A_286 = vector.extract_strided_slice %get3A_160 {offsets = [8], sizes = [1], strides = [1]} : vector<16xi32> to vector<1xi32>
      %squeeze3A_287 = vector.extract %slice3A_286[0] : i32 from vector<1xi32>
      %mul3A_288 = arith.constant 16 : i32
      %mul3A_289 = arith.muli %scan3A_153, %mul3A_288 : i32
      %add3A_290 = arith.constant 64 : i32
      %add3A_291 = arith.addi %add3A_290, %mul3A_289 : i32
      %add3A_292 = arith.constant 8 : i32
      %add3A_293 = arith.addi %add3A_291, %add3A_292 : i32
      %dma_start3A_294 = arith.constant 0 : i32
      %dma_start3A_295 = tpu.memref_slice %arg6[%add3A_293, %dma_start3A_294] : memref<512x32xf32, #tpu.memory_space<vmem>> -> memref<1x32xf32, #tpu.memory_space<vmem>>
      %dma_start3A_296 = arith.constant 0 : i32
      %dma_start3A_297 = tpu.memref_slice %arg2[%squeeze3A_287, %dma_start3A_296] : memref<1000000x32xf32, #tpu.memory_space<hbm>> -> memref<1x32xf32, #tpu.memory_space<hbm>>
      %dma_start3A_298 = arith.constant 0 : i32
      %dma_start3A_299 = tpu.memref_slice %arg6[%add3A_293, %dma_start3A_298] : memref<512x32xf32, #tpu.memory_space<vmem>> -> memref<1x32xf32, #tpu.memory_space<vmem>>
      %dma_start3A_300 = arith.constant 0 : i32
      %dma_start3A_301 = tpu.memref_slice %arg2[%squeeze3A_287, %dma_start3A_300] : memref<1000000x32xf32, #tpu.memory_space<hbm>> -> memref<1x32xf32, #tpu.memory_space<hbm>>
      tpu.enqueue_dma source(%dma_start3A_301 : memref<1x32xf32, #tpu.memory_space<hbm>>) target(%dma_start3A_299 : memref<1x32xf32, #tpu.memory_space<vmem>>) target_semaphore(%arg8 : memref<!tpu.dma_semaphore, #tpu.memory_space<semaphore_mem>>)
      %slice3A_302 = vector.extract_strided_slice %get3A_160 {offsets = [9], sizes = [1], strides = [1]} : vector<16xi32> to vector<1xi32>
      %squeeze3A_303 = vector.extract %slice3A_302[0] : i32 from vector<1xi32>
      %mul3A_304 = arith.constant 16 : i32
      %mul3A_305 = arith.muli %scan3A_153, %mul3A_304 : i32
      %add3A_306 = arith.constant 64 : i32
      %add3A_307 = arith.addi %add3A_306, %mul3A_305 : i32
      %add3A_308 = arith.constant 9 : i32
      %add3A_309 = arith.addi %add3A_307, %add3A_308 : i32
      %dma_start3A_310 = arith.constant 0 : i32
      %dma_start3A_311 = tpu.memref_slice %arg6[%add3A_309, %dma_start3A_310] : memref<512x32xf32, #tpu.memory_space<vmem>> -> memref<1x32xf32, #tpu.memory_space<vmem>>
      %dma_start3A_312 = arith.constant 0 : i32
      %dma_start3A_313 = tpu.memref_slice %arg2[%squeeze3A_303, %dma_start3A_312] : memref<1000000x32xf32, #tpu.memory_space<hbm>> -> memref<1x32xf32, #tpu.memory_space<hbm>>
      %dma_start3A_314 = arith.constant 0 : i32
      %dma_start3A_315 = tpu.memref_slice %arg6[%add3A_309, %dma_start3A_314] : memref<512x32xf32, #tpu.memory_space<vmem>> -> memref<1x32xf32, #tpu.memory_space<vmem>>
      %dma_start3A_316 = arith.constant 0 : i32
      %dma_start3A_317 = tpu.memref_slice %arg2[%squeeze3A_303, %dma_start3A_316] : memref<1000000x32xf32, #tpu.memory_space<hbm>> -> memref<1x32xf32, #tpu.memory_space<hbm>>
      tpu.enqueue_dma source(%dma_start3A_317 : memref<1x32xf32, #tpu.memory_space<hbm>>) target(%dma_start3A_315 : memref<1x32xf32, #tpu.memory_space<vmem>>) target_semaphore(%arg8 : memref<!tpu.dma_semaphore, #tpu.memory_space<semaphore_mem>>)
      %slice3A_318 = vector.extract_strided_slice %get3A_160 {offsets = [10], sizes = [1], strides = [1]} : vector<16xi32> to vector<1xi32>
      %squeeze3A_319 = vector.extract %slice3A_318[0] : i32 from vector<1xi32>
      %mul3A_320 = arith.constant 16 : i32
      %mul3A_321 = arith.muli %scan3A_153, %mul3A_320 : i32
      %add3A_322 = arith.constant 64 : i32
      %add3A_323 = arith.addi %add3A_322, %mul3A_321 : i32
      %add3A_324 = arith.constant 10 : i32
      %add3A_325 = arith.addi %add3A_323, %add3A_324 : i32
      %dma_start3A_326 = arith.constant 0 : i32
      %dma_start3A_327 = tpu.memref_slice %arg6[%add3A_325, %dma_start3A_326] : memref<512x32xf32, #tpu.memory_space<vmem>> -> memref<1x32xf32, #tpu.memory_space<vmem>>
      %dma_start3A_328 = arith.constant 0 : i32
      %dma_start3A_329 = tpu.memref_slice %arg2[%squeeze3A_319, %dma_start3A_328] : memref<1000000x32xf32, #tpu.memory_space<hbm>> -> memref<1x32xf32, #tpu.memory_space<hbm>>
      %dma_start3A_330 = arith.constant 0 : i32
      %dma_start3A_331 = tpu.memref_slice %arg6[%add3A_325, %dma_start3A_330] : memref<512x32xf32, #tpu.memory_space<vmem>> -> memref<1x32xf32, #tpu.memory_space<vmem>>
      %dma_start3A_332 = arith.constant 0 : i32
      %dma_start3A_333 = tpu.memref_slice %arg2[%squeeze3A_319, %dma_start3A_332] : memref<1000000x32xf32, #tpu.memory_space<hbm>> -> memref<1x32xf32, #tpu.memory_space<hbm>>
      tpu.enqueue_dma source(%dma_start3A_333 : memref<1x32xf32, #tpu.memory_space<hbm>>) target(%dma_start3A_331 : memref<1x32xf32, #tpu.memory_space<vmem>>) target_semaphore(%arg8 : memref<!tpu.dma_semaphore, #tpu.memory_space<semaphore_mem>>)
      %slice3A_334 = vector.extract_strided_slice %get3A_160 {offsets = [11], sizes = [1], strides = [1]} : vector<16xi32> to vector<1xi32>
      %squeeze3A_335 = vector.extract %slice3A_334[0] : i32 from vector<1xi32>
      %mul3A_336 = arith.constant 16 : i32
      %mul3A_337 = arith.muli %scan3A_153, %mul3A_336 : i32
      %add3A_338 = arith.constant 64 : i32
      %add3A_339 = arith.addi %add3A_338, %mul3A_337 : i32
      %add3A_340 = arith.constant 11 : i32
      %add3A_341 = arith.addi %add3A_339, %add3A_340 : i32
      %dma_start3A_342 = arith.constant 0 : i32
      %dma_start3A_343 = tpu.memref_slice %arg6[%add3A_341, %dma_start3A_342] : memref<512x32xf32, #tpu.memory_space<vmem>> -> memref<1x32xf32, #tpu.memory_space<vmem>>
      %dma_start3A_344 = arith.constant 0 : i32
      %dma_start3A_345 = tpu.memref_slice %arg2[%squeeze3A_335, %dma_start3A_344] : memref<1000000x32xf32, #tpu.memory_space<hbm>> -> memref<1x32xf32, #tpu.memory_space<hbm>>
      %dma_start3A_346 = arith.constant 0 : i32
      %dma_start3A_347 = tpu.memref_slice %arg6[%add3A_341, %dma_start3A_346] : memref<512x32xf32, #tpu.memory_space<vmem>> -> memref<1x32xf32, #tpu.memory_space<vmem>>
      %dma_start3A_348 = arith.constant 0 : i32
      %dma_start3A_349 = tpu.memref_slice %arg2[%squeeze3A_335, %dma_start3A_348] : memref<1000000x32xf32, #tpu.memory_space<hbm>> -> memref<1x32xf32, #tpu.memory_space<hbm>>
      tpu.enqueue_dma source(%dma_start3A_349 : memref<1x32xf32, #tpu.memory_space<hbm>>) target(%dma_start3A_347 : memref<1x32xf32, #tpu.memory_space<vmem>>) target_semaphore(%arg8 : memref<!tpu.dma_semaphore, #tpu.memory_space<semaphore_mem>>)
      %slice3A_350 = vector.extract_strided_slice %get3A_160 {offsets = [12], sizes = [1], strides = [1]} : vector<16xi32> to vector<1xi32>
      %squeeze3A_351 = vector.extract %slice3A_350[0] : i32 from vector<1xi32>
      %mul3A_352 = arith.constant 16 : i32
      %mul3A_353 = arith.muli %scan3A_153, %mul3A_352 : i32
      %add3A_354 = arith.constant 64 : i32
      %add3A_355 = arith.addi %add3A_354, %mul3A_353 : i32
      %add3A_356 = arith.constant 12 : i32
      %add3A_357 = arith.addi %add3A_355, %add3A_356 : i32
      %dma_start3A_358 = arith.constant 0 : i32
      %dma_start3A_359 = tpu.memref_slice %arg6[%add3A_357, %dma_start3A_358] : memref<512x32xf32, #tpu.memory_space<vmem>> -> memref<1x32xf32, #tpu.memory_space<vmem>>
      %dma_start3A_360 = arith.constant 0 : i32
      %dma_start3A_361 = tpu.memref_slice %arg2[%squeeze3A_351, %dma_start3A_360] : memref<1000000x32xf32, #tpu.memory_space<hbm>> -> memref<1x32xf32, #tpu.memory_space<hbm>>
      %dma_start3A_362 = arith.constant 0 : i32
      %dma_start3A_363 = tpu.memref_slice %arg6[%add3A_357, %dma_start3A_362] : memref<512x32xf32, #tpu.memory_space<vmem>> -> memref<1x32xf32, #tpu.memory_space<vmem>>
      %dma_start3A_364 = arith.constant 0 : i32
      %dma_start3A_365 = tpu.memref_slice %arg2[%squeeze3A_351, %dma_start3A_364] : memref<1000000x32xf32, #tpu.memory_space<hbm>> -> memref<1x32xf32, #tpu.memory_space<hbm>>
      tpu.enqueue_dma source(%dma_start3A_365 : memref<1x32xf32, #tpu.memory_space<hbm>>) target(%dma_start3A_363 : memref<1x32xf32, #tpu.memory_space<vmem>>) target_semaphore(%arg8 : memref<!tpu.dma_semaphore, #tpu.memory_space<semaphore_mem>>)
      %slice3A_366 = vector.extract_strided_slice %get3A_160 {offsets = [13], sizes = [1], strides = [1]} : vector<16xi32> to vector<1xi32>
      %squeeze3A_367 = vector.extract %slice3A_366[0] : i32 from vector<1xi32>
      %mul3A_368 = arith.constant 16 : i32
      %mul3A_369 = arith.muli %scan3A_153, %mul3A_368 : i32
      %add3A_370 = arith.constant 64 : i32
      %add3A_371 = arith.addi %add3A_370, %mul3A_369 : i32
      %add3A_372 = arith.constant 13 : i32
      %add3A_373 = arith.addi %add3A_371, %add3A_372 : i32
      %dma_start3A_374 = arith.constant 0 : i32
      %dma_start3A_375 = tpu.memref_slice %arg6[%add3A_373, %dma_start3A_374] : memref<512x32xf32, #tpu.memory_space<vmem>> -> memref<1x32xf32, #tpu.memory_space<vmem>>
      %dma_start3A_376 = arith.constant 0 : i32
      %dma_start3A_377 = tpu.memref_slice %arg2[%squeeze3A_367, %dma_start3A_376] : memref<1000000x32xf32, #tpu.memory_space<hbm>> -> memref<1x32xf32, #tpu.memory_space<hbm>>
      %dma_start3A_378 = arith.constant 0 : i32
      %dma_start3A_379 = tpu.memref_slice %arg6[%add3A_373, %dma_start3A_378] : memref<512x32xf32, #tpu.memory_space<vmem>> -> memref<1x32xf32, #tpu.memory_space<vmem>>
      %dma_start3A_380 = arith.constant 0 : i32
      %dma_start3A_381 = tpu.memref_slice %arg2[%squeeze3A_367, %dma_start3A_380] : memref<1000000x32xf32, #tpu.memory_space<hbm>> -> memref<1x32xf32, #tpu.memory_space<hbm>>
      tpu.enqueue_dma source(%dma_start3A_381 : memref<1x32xf32, #tpu.memory_space<hbm>>) target(%dma_start3A_379 : memref<1x32xf32, #tpu.memory_space<vmem>>) target_semaphore(%arg8 : memref<!tpu.dma_semaphore, #tpu.memory_space<semaphore_mem>>)
      %slice3A_382 = vector.extract_strided_slice %get3A_160 {offsets = [14], sizes = [1], strides = [1]} : vector<16xi32> to vector<1xi32>
      %squeeze3A_383 = vector.extract %slice3A_382[0] : i32 from vector<1xi32>
      %mul3A_384 = arith.constant 16 : i32
      %mul3A_385 = arith.muli %scan3A_153, %mul3A_384 : i32
      %add3A_386 = arith.constant 64 : i32
      %add3A_387 = arith.addi %add3A_386, %mul3A_385 : i32
      %add3A_388 = arith.constant 14 : i32
      %add3A_389 = arith.addi %add3A_387, %add3A_388 : i32
      %dma_start3A_390 = arith.constant 0 : i32
      %dma_start3A_391 = tpu.memref_slice %arg6[%add3A_389, %dma_start3A_390] : memref<512x32xf32, #tpu.memory_space<vmem>> -> memref<1x32xf32, #tpu.memory_space<vmem>>
      %dma_start3A_392 = arith.constant 0 : i32
      %dma_start3A_393 = tpu.memref_slice %arg2[%squeeze3A_383, %dma_start3A_392] : memref<1000000x32xf32, #tpu.memory_space<hbm>> -> memref<1x32xf32, #tpu.memory_space<hbm>>
      %dma_start3A_394 = arith.constant 0 : i32
      %dma_start3A_395 = tpu.memref_slice %arg6[%add3A_389, %dma_start3A_394] : memref<512x32xf32, #tpu.memory_space<vmem>> -> memref<1x32xf32, #tpu.memory_space<vmem>>
      %dma_start3A_396 = arith.constant 0 : i32
      %dma_start3A_397 = tpu.memref_slice %arg2[%squeeze3A_383, %dma_start3A_396] : memref<1000000x32xf32, #tpu.memory_space<hbm>> -> memref<1x32xf32, #tpu.memory_space<hbm>>
      tpu.enqueue_dma source(%dma_start3A_397 : memref<1x32xf32, #tpu.memory_space<hbm>>) target(%dma_start3A_395 : memref<1x32xf32, #tpu.memory_space<vmem>>) target_semaphore(%arg8 : memref<!tpu.dma_semaphore, #tpu.memory_space<semaphore_mem>>)
      %slice3A_398 = vector.extract_strided_slice %get3A_160 {offsets = [15], sizes = [1], strides = [1]} : vector<16xi32> to vector<1xi32>
      %squeeze3A_399 = vector.extract %slice3A_398[0] : i32 from vector<1xi32>
      %mul3A_400 = arith.constant 16 : i32
      %mul3A_401 = arith.muli %scan3A_153, %mul3A_400 : i32
      %add3A_402 = arith.constant 64 : i32
      %add3A_403 = arith.addi %add3A_402, %mul3A_401 : i32
      %add3A_404 = arith.constant 15 : i32
      %add3A_405 = arith.addi %add3A_403, %add3A_404 : i32
      %dma_start3A_406 = arith.constant 0 : i32
      %dma_start3A_407 = tpu.memref_slice %arg6[%add3A_405, %dma_start3A_406] : memref<512x32xf32, #tpu.memory_space<vmem>> -> memref<1x32xf32, #tpu.memory_space<vmem>>
      %dma_start3A_408 = arith.constant 0 : i32
      %dma_start3A_409 = tpu.memref_slice %arg2[%squeeze3A_399, %dma_start3A_408] : memref<1000000x32xf32, #tpu.memory_space<hbm>> -> memref<1x32xf32, #tpu.memory_space<hbm>>
      %dma_start3A_410 = arith.constant 0 : i32
      %dma_start3A_411 = tpu.memref_slice %arg6[%add3A_405, %dma_start3A_410] : memref<512x32xf32, #tpu.memory_space<vmem>> -> memref<1x32xf32, #tpu.memory_space<vmem>>
      %dma_start3A_412 = arith.constant 0 : i32
      %dma_start3A_413 = tpu.memref_slice %arg2[%squeeze3A_399, %dma_start3A_412] : memref<1000000x32xf32, #tpu.memory_space<hbm>> -> memref<1x32xf32, #tpu.memory_space<hbm>>
      tpu.enqueue_dma source(%dma_start3A_413 : memref<1x32xf32, #tpu.memory_space<hbm>>) target(%dma_start3A_411 : memref<1x32xf32, #tpu.memory_space<vmem>>) target_semaphore(%arg8 : memref<!tpu.dma_semaphore, #tpu.memory_space<semaphore_mem>>)
      %scan3A_414 = arith.constant 0 : i32
      scf.yield %scan3A_414 : i32
    }
    %scan3A_15 = arith.constant 4 : i32
    %scan3A_16 = arith.constant 0 : i32
    %scan3A_17 = arith.constant 0 : i32
    %scan3A_18 = arith.constant 4 : i32
    %scan3A_19 = arith.addi %scan3A_17, %scan3A_18 : i32
    %scan3A_20 = arith.constant 1 : i32
    %scan3A_21 = scf.for %scan3A_153 = %scan3A_17 to %scan3A_19 step %scan3A_20 iter_args(%scan3A_154 = %scan3A_16) -> (i32)  : i32 {
      %mul3A_155 = arith.constant 16 : i32
      %mul3A_156 = arith.muli %scan3A_153, %mul3A_155 : i32
      %add3A_157 = arith.constant 128 : i32
      %add3A_158 = arith.addi %add3A_157, %mul3A_156 : i32
      %get3A = arith.index_cast %add3A_158 : i32 to index
      %get3A_159 = tpu.vector_load %arg5[%get3A] {strides = array<i32>} : memref<512xi32, #tpu.memory_space<vmem>>, vector<16xi32>,
      %get3A_160 = vector.shape_cast %get3A_159 : vector<16xi32> to vector<16xi32>
      %slice3A = vector.extract_strided_slice %get3A_160 {offsets = [0], sizes = [1], strides = [1]} : vector<16xi32> to vector<1xi32>
      %squeeze3A = vector.extract %slice3A[0] : i32 from vector<1xi32>
      %mul3A_161 = arith.constant 16 : i32
      %mul3A_162 = arith.muli %scan3A_153, %mul3A_161 : i32
      %add3A_163 = arith.constant 128 : i32
      %add3A_164 = arith.addi %add3A_163, %mul3A_162 : i32
      %add3A_165 = arith.constant 0 : i32
      %add3A_166 = arith.addi %add3A_164, %add3A_165 : i32
      %dma_start3A = arith.constant 0 : i32
      %dma_start3A_167 = tpu.memref_slice %arg6[%add3A_166, %dma_start3A] : memref<512x32xf32, #tpu.memory_space<vmem>> -> memref<1x32xf32, #tpu.memory_space<vmem>>
      %dma_start3A_168 = arith.constant 0 : i32
      %dma_start3A_169 = tpu.memref_slice %arg2[%squeeze3A, %dma_start3A_168] : memref<1000000x32xf32, #tpu.memory_space<hbm>> -> memref<1x32xf32, #tpu.memory_space<hbm>>
      %dma_start3A_170 = arith.constant 0 : i32
      %dma_start3A_171 = tpu.memref_slice %arg6[%add3A_166, %dma_start3A_170] : memref<512x32xf32, #tpu.memory_space<vmem>> -> memref<1x32xf32, #tpu.memory_space<vmem>>
      %dma_start3A_172 = arith.constant 0 : i32
      %dma_start3A_173 = tpu.memref_slice %arg2[%squeeze3A, %dma_start3A_172] : memref<1000000x32xf32, #tpu.memory_space<hbm>> -> memref<1x32xf32, #tpu.memory_space<hbm>>
      tpu.enqueue_dma source(%dma_start3A_173 : memref<1x32xf32, #tpu.memory_space<hbm>>) target(%dma_start3A_171 : memref<1x32xf32, #tpu.memory_space<vmem>>) target_semaphore(%arg9 : memref<!tpu.dma_semaphore, #tpu.memory_space<semaphore_mem>>)
      %slice3A_174 = vector.extract_strided_slice %get3A_160 {offsets = [1], sizes = [1], strides = [1]} : vector<16xi32> to vector<1xi32>
      %squeeze3A_175 = vector.extract %slice3A_174[0] : i32 from vector<1xi32>
      %mul3A_176 = arith.constant 16 : i32
      %mul3A_177 = arith.muli %scan3A_153, %mul3A_176 : i32
      %add3A_178 = arith.constant 128 : i32
      %add3A_179 = arith.addi %add3A_178, %mul3A_177 : i32
      %add3A_180 = arith.constant 1 : i32
      %add3A_181 = arith.addi %add3A_179, %add3A_180 : i32
      %dma_start3A_182 = arith.constant 0 : i32
      %dma_start3A_183 = tpu.memref_slice %arg6[%add3A_181, %dma_start3A_182] : memref<512x32xf32, #tpu.memory_space<vmem>> -> memref<1x32xf32, #tpu.memory_space<vmem>>
      %dma_start3A_184 = arith.constant 0 : i32
      %dma_start3A_185 = tpu.memref_slice %arg2[%squeeze3A_175, %dma_start3A_184] : memref<1000000x32xf32, #tpu.memory_space<hbm>> -> memref<1x32xf32, #tpu.memory_space<hbm>>
      %dma_start3A_186 = arith.constant 0 : i32
      %dma_start3A_187 = tpu.memref_slice %arg6[%add3A_181, %dma_start3A_186] : memref<512x32xf32, #tpu.memory_space<vmem>> -> memref<1x32xf32, #tpu.memory_space<vmem>>
      %dma_start3A_188 = arith.constant 0 : i32
      %dma_start3A_189 = tpu.memref_slice %arg2[%squeeze3A_175, %dma_start3A_188] : memref<1000000x32xf32, #tpu.memory_space<hbm>> -> memref<1x32xf32, #tpu.memory_space<hbm>>
      tpu.enqueue_dma source(%dma_start3A_189 : memref<1x32xf32, #tpu.memory_space<hbm>>) target(%dma_start3A_187 : memref<1x32xf32, #tpu.memory_space<vmem>>) target_semaphore(%arg9 : memref<!tpu.dma_semaphore, #tpu.memory_space<semaphore_mem>>)
      %slice3A_190 = vector.extract_strided_slice %get3A_160 {offsets = [2], sizes = [1], strides = [1]} : vector<16xi32> to vector<1xi32>
      %squeeze3A_191 = vector.extract %slice3A_190[0] : i32 from vector<1xi32>
      %mul3A_192 = arith.constant 16 : i32
      %mul3A_193 = arith.muli %scan3A_153, %mul3A_192 : i32
      %add3A_194 = arith.constant 128 : i32
      %add3A_195 = arith.addi %add3A_194, %mul3A_193 : i32
      %add3A_196 = arith.constant 2 : i32
      %add3A_197 = arith.addi %add3A_195, %add3A_196 : i32
      %dma_start3A_198 = arith.constant 0 : i32
      %dma_start3A_199 = tpu.memref_slice %arg6[%add3A_197, %dma_start3A_198] : memref<512x32xf32, #tpu.memory_space<vmem>> -> memref<1x32xf32, #tpu.memory_space<vmem>>
      %dma_start3A_200 = arith.constant 0 : i32
      %dma_start3A_201 = tpu.memref_slice %arg2[%squeeze3A_191, %dma_start3A_200] : memref<1000000x32xf32, #tpu.memory_space<hbm>> -> memref<1x32xf32, #tpu.memory_space<hbm>>
      %dma_start3A_202 = arith.constant 0 : i32
      %dma_start3A_203 = tpu.memref_slice %arg6[%add3A_197, %dma_start3A_202] : memref<512x32xf32, #tpu.memory_space<vmem>> -> memref<1x32xf32, #tpu.memory_space<vmem>>
      %dma_start3A_204 = arith.constant 0 : i32
      %dma_start3A_205 = tpu.memref_slice %arg2[%squeeze3A_191, %dma_start3A_204] : memref<1000000x32xf32, #tpu.memory_space<hbm>> -> memref<1x32xf32, #tpu.memory_space<hbm>>
      tpu.enqueue_dma source(%dma_start3A_205 : memref<1x32xf32, #tpu.memory_space<hbm>>) target(%dma_start3A_203 : memref<1x32xf32, #tpu.memory_space<vmem>>) target_semaphore(%arg9 : memref<!tpu.dma_semaphore, #tpu.memory_space<semaphore_mem>>)
      %slice3A_206 = vector.extract_strided_slice %get3A_160 {offsets = [3], sizes = [1], strides = [1]} : vector<16xi32> to vector<1xi32>
      %squeeze3A_207 = vector.extract %slice3A_206[0] : i32 from vector<1xi32>
      %mul3A_208 = arith.constant 16 : i32
      %mul3A_209 = arith.muli %scan3A_153, %mul3A_208 : i32
      %add3A_210 = arith.constant 128 : i32
      %add3A_211 = arith.addi %add3A_210, %mul3A_209 : i32
      %add3A_212 = arith.constant 3 : i32
      %add3A_213 = arith.addi %add3A_211, %add3A_212 : i32
      %dma_start3A_214 = arith.constant 0 : i32
      %dma_start3A_215 = tpu.memref_slice %arg6[%add3A_213, %dma_start3A_214] : memref<512x32xf32, #tpu.memory_space<vmem>> -> memref<1x32xf32, #tpu.memory_space<vmem>>
      %dma_start3A_216 = arith.constant 0 : i32
      %dma_start3A_217 = tpu.memref_slice %arg2[%squeeze3A_207, %dma_start3A_216] : memref<1000000x32xf32, #tpu.memory_space<hbm>> -> memref<1x32xf32, #tpu.memory_space<hbm>>
      %dma_start3A_218 = arith.constant 0 : i32
      %dma_start3A_219 = tpu.memref_slice %arg6[%add3A_213, %dma_start3A_218] : memref<512x32xf32, #tpu.memory_space<vmem>> -> memref<1x32xf32, #tpu.memory_space<vmem>>
      %dma_start3A_220 = arith.constant 0 : i32
      %dma_start3A_221 = tpu.memref_slice %arg2[%squeeze3A_207, %dma_start3A_220] : memref<1000000x32xf32, #tpu.memory_space<hbm>> -> memref<1x32xf32, #tpu.memory_space<hbm>>
      tpu.enqueue_dma source(%dma_start3A_221 : memref<1x32xf32, #tpu.memory_space<hbm>>) target(%dma_start3A_219 : memref<1x32xf32, #tpu.memory_space<vmem>>) target_semaphore(%arg9 : memref<!tpu.dma_semaphore, #tpu.memory_space<semaphore_mem>>)
      %slice3A_222 = vector.extract_strided_slice %get3A_160 {offsets = [4], sizes = [1], strides = [1]} : vector<16xi32> to vector<1xi32>
      %squeeze3A_223 = vector.extract %slice3A_222[0] : i32 from vector<1xi32>
      %mul3A_224 = arith.constant 16 : i32
      %mul3A_225 = arith.muli %scan3A_153, %mul3A_224 : i32
      %add3A_226 = arith.constant 128 : i32
      %add3A_227 = arith.addi %add3A_226, %mul3A_225 : i32
      %add3A_228 = arith.constant 4 : i32
      %add3A_229 = arith.addi %add3A_227, %add3A_228 : i32
      %dma_start3A_230 = arith.constant 0 : i32
      %dma_start3A_231 = tpu.memref_slice %arg6[%add3A_229, %dma_start3A_230] : memref<512x32xf32, #tpu.memory_space<vmem>> -> memref<1x32xf32, #tpu.memory_space<vmem>>
      %dma_start3A_232 = arith.constant 0 : i32
      %dma_start3A_233 = tpu.memref_slice %arg2[%squeeze3A_223, %dma_start3A_232] : memref<1000000x32xf32, #tpu.memory_space<hbm>> -> memref<1x32xf32, #tpu.memory_space<hbm>>
      %dma_start3A_234 = arith.constant 0 : i32
      %dma_start3A_235 = tpu.memref_slice %arg6[%add3A_229, %dma_start3A_234] : memref<512x32xf32, #tpu.memory_space<vmem>> -> memref<1x32xf32, #tpu.memory_space<vmem>>
      %dma_start3A_236 = arith.constant 0 : i32
      %dma_start3A_237 = tpu.memref_slice %arg2[%squeeze3A_223, %dma_start3A_236] : memref<1000000x32xf32, #tpu.memory_space<hbm>> -> memref<1x32xf32, #tpu.memory_space<hbm>>
      tpu.enqueue_dma source(%dma_start3A_237 : memref<1x32xf32, #tpu.memory_space<hbm>>) target(%dma_start3A_235 : memref<1x32xf32, #tpu.memory_space<vmem>>) target_semaphore(%arg9 : memref<!tpu.dma_semaphore, #tpu.memory_space<semaphore_mem>>)
      %slice3A_238 = vector.extract_strided_slice %get3A_160 {offsets = [5], sizes = [1], strides = [1]} : vector<16xi32> to vector<1xi32>
      %squeeze3A_239 = vector.extract %slice3A_238[0] : i32 from vector<1xi32>
      %mul3A_240 = arith.constant 16 : i32
      %mul3A_241 = arith.muli %scan3A_153, %mul3A_240 : i32
      %add3A_242 = arith.constant 128 : i32
      %add3A_243 = arith.addi %add3A_242, %mul3A_241 : i32
      %add3A_244 = arith.constant 5 : i32
      %add3A_245 = arith.addi %add3A_243, %add3A_244 : i32
      %dma_start3A_246 = arith.constant 0 : i32
      %dma_start3A_247 = tpu.memref_slice %arg6[%add3A_245, %dma_start3A_246] : memref<512x32xf32, #tpu.memory_space<vmem>> -> memref<1x32xf32, #tpu.memory_space<vmem>>
      %dma_start3A_248 = arith.constant 0 : i32
      %dma_start3A_249 = tpu.memref_slice %arg2[%squeeze3A_239, %dma_start3A_248] : memref<1000000x32xf32, #tpu.memory_space<hbm>> -> memref<1x32xf32, #tpu.memory_space<hbm>>
      %dma_start3A_250 = arith.constant 0 : i32
      %dma_start3A_251 = tpu.memref_slice %arg6[%add3A_245, %dma_start3A_250] : memref<512x32xf32, #tpu.memory_space<vmem>> -> memref<1x32xf32, #tpu.memory_space<vmem>>
      %dma_start3A_252 = arith.constant 0 : i32
      %dma_start3A_253 = tpu.memref_slice %arg2[%squeeze3A_239, %dma_start3A_252] : memref<1000000x32xf32, #tpu.memory_space<hbm>> -> memref<1x32xf32, #tpu.memory_space<hbm>>
      tpu.enqueue_dma source(%dma_start3A_253 : memref<1x32xf32, #tpu.memory_space<hbm>>) target(%dma_start3A_251 : memref<1x32xf32, #tpu.memory_space<vmem>>) target_semaphore(%arg9 : memref<!tpu.dma_semaphore, #tpu.memory_space<semaphore_mem>>)
      %slice3A_254 = vector.extract_strided_slice %get3A_160 {offsets = [6], sizes = [1], strides = [1]} : vector<16xi32> to vector<1xi32>
      %squeeze3A_255 = vector.extract %slice3A_254[0] : i32 from vector<1xi32>
      %mul3A_256 = arith.constant 16 : i32
      %mul3A_257 = arith.muli %scan3A_153, %mul3A_256 : i32
      %add3A_258 = arith.constant 128 : i32
      %add3A_259 = arith.addi %add3A_258, %mul3A_257 : i32
      %add3A_260 = arith.constant 6 : i32
      %add3A_261 = arith.addi %add3A_259, %add3A_260 : i32
      %dma_start3A_262 = arith.constant 0 : i32
      %dma_start3A_263 = tpu.memref_slice %arg6[%add3A_261, %dma_start3A_262] : memref<512x32xf32, #tpu.memory_space<vmem>> -> memref<1x32xf32, #tpu.memory_space<vmem>>
      %dma_start3A_264 = arith.constant 0 : i32
      %dma_start3A_265 = tpu.memref_slice %arg2[%squeeze3A_255, %dma_start3A_264] : memref<1000000x32xf32, #tpu.memory_space<hbm>> -> memref<1x32xf32, #tpu.memory_space<hbm>>
      %dma_start3A_266 = arith.constant 0 : i32
      %dma_start3A_267 = tpu.memref_slice %arg6[%add3A_261, %dma_start3A_266] : memref<512x32xf32, #tpu.memory_space<vmem>> -> memref<1x32xf32, #tpu.memory_space<vmem>>
      %dma_start3A_268 = arith.constant 0 : i32
      %dma_start3A_269 = tpu.memref_slice %arg2[%squeeze3A_255, %dma_start3A_268] : memref<1000000x32xf32, #tpu.memory_space<hbm>> -> memref<1x32xf32, #tpu.memory_space<hbm>>
      tpu.enqueue_dma source(%dma_start3A_269 : memref<1x32xf32, #tpu.memory_space<hbm>>) target(%dma_start3A_267 : memref<1x32xf32, #tpu.memory_space<vmem>>) target_semaphore(%arg9 : memref<!tpu.dma_semaphore, #tpu.memory_space<semaphore_mem>>)
      %slice3A_270 = vector.extract_strided_slice %get3A_160 {offsets = [7], sizes = [1], strides = [1]} : vector<16xi32> to vector<1xi32>
      %squeeze3A_271 = vector.extract %slice3A_270[0] : i32 from vector<1xi32>
      %mul3A_272 = arith.constant 16 : i32
      %mul3A_273 = arith.muli %scan3A_153, %mul3A_272 : i32
      %add3A_274 = arith.constant 128 : i32
      %add3A_275 = arith.addi %add3A_274, %mul3A_273 : i32
      %add3A_276 = arith.constant 7 : i32
      %add3A_277 = arith.addi %add3A_275, %add3A_276 : i32
      %dma_start3A_278 = arith.constant 0 : i32
      %dma_start3A_279 = tpu.memref_slice %arg6[%add3A_277, %dma_start3A_278] : memref<512x32xf32, #tpu.memory_space<vmem>> -> memref<1x32xf32, #tpu.memory_space<vmem>>
      %dma_start3A_280 = arith.constant 0 : i32
      %dma_start3A_281 = tpu.memref_slice %arg2[%squeeze3A_271, %dma_start3A_280] : memref<1000000x32xf32, #tpu.memory_space<hbm>> -> memref<1x32xf32, #tpu.memory_space<hbm>>
      %dma_start3A_282 = arith.constant 0 : i32
      %dma_start3A_283 = tpu.memref_slice %arg6[%add3A_277, %dma_start3A_282] : memref<512x32xf32, #tpu.memory_space<vmem>> -> memref<1x32xf32, #tpu.memory_space<vmem>>
      %dma_start3A_284 = arith.constant 0 : i32
      %dma_start3A_285 = tpu.memref_slice %arg2[%squeeze3A_271, %dma_start3A_284] : memref<1000000x32xf32, #tpu.memory_space<hbm>> -> memref<1x32xf32, #tpu.memory_space<hbm>>
      tpu.enqueue_dma source(%dma_start3A_285 : memref<1x32xf32, #tpu.memory_space<hbm>>) target(%dma_start3A_283 : memref<1x32xf32, #tpu.memory_space<vmem>>) target_semaphore(%arg9 : memref<!tpu.dma_semaphore, #tpu.memory_space<semaphore_mem>>)
      %slice3A_286 = vector.extract_strided_slice %get3A_160 {offsets = [8], sizes = [1], strides = [1]} : vector<16xi32> to vector<1xi32>
      %squeeze3A_287 = vector.extract %slice3A_286[0] : i32 from vector<1xi32>
      %mul3A_288 = arith.constant 16 : i32
      %mul3A_289 = arith.muli %scan3A_153, %mul3A_288 : i32
      %add3A_290 = arith.constant 128 : i32
      %add3A_291 = arith.addi %add3A_290, %mul3A_289 : i32
      %add3A_292 = arith.constant 8 : i32
      %add3A_293 = arith.addi %add3A_291, %add3A_292 : i32
      %dma_start3A_294 = arith.constant 0 : i32
      %dma_start3A_295 = tpu.memref_slice %arg6[%add3A_293, %dma_start3A_294] : memref<512x32xf32, #tpu.memory_space<vmem>> -> memref<1x32xf32, #tpu.memory_space<vmem>>
      %dma_start3A_296 = arith.constant 0 : i32
      %dma_start3A_297 = tpu.memref_slice %arg2[%squeeze3A_287, %dma_start3A_296] : memref<1000000x32xf32, #tpu.memory_space<hbm>> -> memref<1x32xf32, #tpu.memory_space<hbm>>
      %dma_start3A_298 = arith.constant 0 : i32
      %dma_start3A_299 = tpu.memref_slice %arg6[%add3A_293, %dma_start3A_298] : memref<512x32xf32, #tpu.memory_space<vmem>> -> memref<1x32xf32, #tpu.memory_space<vmem>>
      %dma_start3A_300 = arith.constant 0 : i32
      %dma_start3A_301 = tpu.memref_slice %arg2[%squeeze3A_287, %dma_start3A_300] : memref<1000000x32xf32, #tpu.memory_space<hbm>> -> memref<1x32xf32, #tpu.memory_space<hbm>>
      tpu.enqueue_dma source(%dma_start3A_301 : memref<1x32xf32, #tpu.memory_space<hbm>>) target(%dma_start3A_299 : memref<1x32xf32, #tpu.memory_space<vmem>>) target_semaphore(%arg9 : memref<!tpu.dma_semaphore, #tpu.memory_space<semaphore_mem>>)
      %slice3A_302 = vector.extract_strided_slice %get3A_160 {offsets = [9], sizes = [1], strides = [1]} : vector<16xi32> to vector<1xi32>
      %squeeze3A_303 = vector.extract %slice3A_302[0] : i32 from vector<1xi32>
      %mul3A_304 = arith.constant 16 : i32
      %mul3A_305 = arith.muli %scan3A_153, %mul3A_304 : i32
      %add3A_306 = arith.constant 128 : i32
      %add3A_307 = arith.addi %add3A_306, %mul3A_305 : i32
      %add3A_308 = arith.constant 9 : i32
      %add3A_309 = arith.addi %add3A_307, %add3A_308 : i32
      %dma_start3A_310 = arith.constant 0 : i32
      %dma_start3A_311 = tpu.memref_slice %arg6[%add3A_309, %dma_start3A_310] : memref<512x32xf32, #tpu.memory_space<vmem>> -> memref<1x32xf32, #tpu.memory_space<vmem>>
      %dma_start3A_312 = arith.constant 0 : i32
      %dma_start3A_313 = tpu.memref_slice %arg2[%squeeze3A_303, %dma_start3A_312] : memref<1000000x32xf32, #tpu.memory_space<hbm>> -> memref<1x32xf32, #tpu.memory_space<hbm>>
      %dma_start3A_314 = arith.constant 0 : i32
      %dma_start3A_315 = tpu.memref_slice %arg6[%add3A_309, %dma_start3A_314] : memref<512x32xf32, #tpu.memory_space<vmem>> -> memref<1x32xf32, #tpu.memory_space<vmem>>
      %dma_start3A_316 = arith.constant 0 : i32
      %dma_start3A_317 = tpu.memref_slice %arg2[%squeeze3A_303, %dma_start3A_316] : memref<1000000x32xf32, #tpu.memory_space<hbm>> -> memref<1x32xf32, #tpu.memory_space<hbm>>
      tpu.enqueue_dma source(%dma_start3A_317 : memref<1x32xf32, #tpu.memory_space<hbm>>) target(%dma_start3A_315 : memref<1x32xf32, #tpu.memory_space<vmem>>) target_semaphore(%arg9 : memref<!tpu.dma_semaphore, #tpu.memory_space<semaphore_mem>>)
      %slice3A_318 = vector.extract_strided_slice %get3A_160 {offsets = [10], sizes = [1], strides = [1]} : vector<16xi32> to vector<1xi32>
      %squeeze3A_319 = vector.extract %slice3A_318[0] : i32 from vector<1xi32>
      %mul3A_320 = arith.constant 16 : i32
      %mul3A_321 = arith.muli %scan3A_153, %mul3A_320 : i32
      %add3A_322 = arith.constant 128 : i32
      %add3A_323 = arith.addi %add3A_322, %mul3A_321 : i32
      %add3A_324 = arith.constant 10 : i32
      %add3A_325 = arith.addi %add3A_323, %add3A_324 : i32
      %dma_start3A_326 = arith.constant 0 : i32
      %dma_start3A_327 = tpu.memref_slice %arg6[%add3A_325, %dma_start3A_326] : memref<512x32xf32, #tpu.memory_space<vmem>> -> memref<1x32xf32, #tpu.memory_space<vmem>>
      %dma_start3A_328 = arith.constant 0 : i32
      %dma_start3A_329 = tpu.memref_slice %arg2[%squeeze3A_319, %dma_start3A_328] : memref<1000000x32xf32, #tpu.memory_space<hbm>> -> memref<1x32xf32, #tpu.memory_space<hbm>>
      %dma_start3A_330 = arith.constant 0 : i32
      %dma_start3A_331 = tpu.memref_slice %arg6[%add3A_325, %dma_start3A_330] : memref<512x32xf32, #tpu.memory_space<vmem>> -> memref<1x32xf32, #tpu.memory_space<vmem>>
      %dma_start3A_332 = arith.constant 0 : i32
      %dma_start3A_333 = tpu.memref_slice %arg2[%squeeze3A_319, %dma_start3A_332] : memref<1000000x32xf32, #tpu.memory_space<hbm>> -> memref<1x32xf32, #tpu.memory_space<hbm>>
      tpu.enqueue_dma source(%dma_start3A_333 : memref<1x32xf32, #tpu.memory_space<hbm>>) target(%dma_start3A_331 : memref<1x32xf32, #tpu.memory_space<vmem>>) target_semaphore(%arg9 : memref<!tpu.dma_semaphore, #tpu.memory_space<semaphore_mem>>)
      %slice3A_334 = vector.extract_strided_slice %get3A_160 {offsets = [11], sizes = [1], strides = [1]} : vector<16xi32> to vector<1xi32>
      %squeeze3A_335 = vector.extract %slice3A_334[0] : i32 from vector<1xi32>
      %mul3A_336 = arith.constant 16 : i32
      %mul3A_337 = arith.muli %scan3A_153, %mul3A_336 : i32
      %add3A_338 = arith.constant 128 : i32
      %add3A_339 = arith.addi %add3A_338, %mul3A_337 : i32
      %add3A_340 = arith.constant 11 : i32
      %add3A_341 = arith.addi %add3A_339, %add3A_340 : i32
      %dma_start3A_342 = arith.constant 0 : i32
      %dma_start3A_343 = tpu.memref_slice %arg6[%add3A_341, %dma_start3A_342] : memref<512x32xf32, #tpu.memory_space<vmem>> -> memref<1x32xf32, #tpu.memory_space<vmem>>
      %dma_start3A_344 = arith.constant 0 : i32
      %dma_start3A_345 = tpu.memref_slice %arg2[%squeeze3A_335, %dma_start3A_344] : memref<1000000x32xf32, #tpu.memory_space<hbm>> -> memref<1x32xf32, #tpu.memory_space<hbm>>
      %dma_start3A_346 = arith.constant 0 : i32
      %dma_start3A_347 = tpu.memref_slice %arg6[%add3A_341, %dma_start3A_346] : memref<512x32xf32, #tpu.memory_space<vmem>> -> memref<1x32xf32, #tpu.memory_space<vmem>>
      %dma_start3A_348 = arith.constant 0 : i32
      %dma_start3A_349 = tpu.memref_slice %arg2[%squeeze3A_335, %dma_start3A_348] : memref<1000000x32xf32, #tpu.memory_space<hbm>> -> memref<1x32xf32, #tpu.memory_space<hbm>>
      tpu.enqueue_dma source(%dma_start3A_349 : memref<1x32xf32, #tpu.memory_space<hbm>>) target(%dma_start3A_347 : memref<1x32xf32, #tpu.memory_space<vmem>>) target_semaphore(%arg9 : memref<!tpu.dma_semaphore, #tpu.memory_space<semaphore_mem>>)
      %slice3A_350 = vector.extract_strided_slice %get3A_160 {offsets = [12], sizes = [1], strides = [1]} : vector<16xi32> to vector<1xi32>
      %squeeze3A_351 = vector.extract %slice3A_350[0] : i32 from vector<1xi32>
      %mul3A_352 = arith.constant 16 : i32
      %mul3A_353 = arith.muli %scan3A_153, %mul3A_352 : i32
      %add3A_354 = arith.constant 128 : i32
      %add3A_355 = arith.addi %add3A_354, %mul3A_353 : i32
      %add3A_356 = arith.constant 12 : i32
      %add3A_357 = arith.addi %add3A_355, %add3A_356 : i32
      %dma_start3A_358 = arith.constant 0 : i32
      %dma_start3A_359 = tpu.memref_slice %arg6[%add3A_357, %dma_start3A_358] : memref<512x32xf32, #tpu.memory_space<vmem>> -> memref<1x32xf32, #tpu.memory_space<vmem>>
      %dma_start3A_360 = arith.constant 0 : i32
      %dma_start3A_361 = tpu.memref_slice %arg2[%squeeze3A_351, %dma_start3A_360] : memref<1000000x32xf32, #tpu.memory_space<hbm>> -> memref<1x32xf32, #tpu.memory_space<hbm>>
      %dma_start3A_362 = arith.constant 0 : i32
      %dma_start3A_363 = tpu.memref_slice %arg6[%add3A_357, %dma_start3A_362] : memref<512x32xf32, #tpu.memory_space<vmem>> -> memref<1x32xf32, #tpu.memory_space<vmem>>
      %dma_start3A_364 = arith.constant 0 : i32
      %dma_start3A_365 = tpu.memref_slice %arg2[%squeeze3A_351, %dma_start3A_364] : memref<1000000x32xf32, #tpu.memory_space<hbm>> -> memref<1x32xf32, #tpu.memory_space<hbm>>
      tpu.enqueue_dma source(%dma_start3A_365 : memref<1x32xf32, #tpu.memory_space<hbm>>) target(%dma_start3A_363 : memref<1x32xf32, #tpu.memory_space<vmem>>) target_semaphore(%arg9 : memref<!tpu.dma_semaphore, #tpu.memory_space<semaphore_mem>>)
      %slice3A_366 = vector.extract_strided_slice %get3A_160 {offsets = [13], sizes = [1], strides = [1]} : vector<16xi32> to vector<1xi32>
      %squeeze3A_367 = vector.extract %slice3A_366[0] : i32 from vector<1xi32>
      %mul3A_368 = arith.constant 16 : i32
      %mul3A_369 = arith.muli %scan3A_153, %mul3A_368 : i32
      %add3A_370 = arith.constant 128 : i32
      %add3A_371 = arith.addi %add3A_370, %mul3A_369 : i32
      %add3A_372 = arith.constant 13 : i32
      %add3A_373 = arith.addi %add3A_371, %add3A_372 : i32
      %dma_start3A_374 = arith.constant 0 : i32
      %dma_start3A_375 = tpu.memref_slice %arg6[%add3A_373, %dma_start3A_374] : memref<512x32xf32, #tpu.memory_space<vmem>> -> memref<1x32xf32, #tpu.memory_space<vmem>>
      %dma_start3A_376 = arith.constant 0 : i32
      %dma_start3A_377 = tpu.memref_slice %arg2[%squeeze3A_367, %dma_start3A_376] : memref<1000000x32xf32, #tpu.memory_space<hbm>> -> memref<1x32xf32, #tpu.memory_space<hbm>>
      %dma_start3A_378 = arith.constant 0 : i32
      %dma_start3A_379 = tpu.memref_slice %arg6[%add3A_373, %dma_start3A_378] : memref<512x32xf32, #tpu.memory_space<vmem>> -> memref<1x32xf32, #tpu.memory_space<vmem>>
      %dma_start3A_380 = arith.constant 0 : i32
      %dma_start3A_381 = tpu.memref_slice %arg2[%squeeze3A_367, %dma_start3A_380] : memref<1000000x32xf32, #tpu.memory_space<hbm>> -> memref<1x32xf32, #tpu.memory_space<hbm>>
      tpu.enqueue_dma source(%dma_start3A_381 : memref<1x32xf32, #tpu.memory_space<hbm>>) target(%dma_start3A_379 : memref<1x32xf32, #tpu.memory_space<vmem>>) target_semaphore(%arg9 : memref<!tpu.dma_semaphore, #tpu.memory_space<semaphore_mem>>)
      %slice3A_382 = vector.extract_strided_slice %get3A_160 {offsets = [14], sizes = [1], strides = [1]} : vector<16xi32> to vector<1xi32>
      %squeeze3A_383 = vector.extract %slice3A_382[0] : i32 from vector<1xi32>
      %mul3A_384 = arith.constant 16 : i32
      %mul3A_385 = arith.muli %scan3A_153, %mul3A_384 : i32
      %add3A_386 = arith.constant 128 : i32
      %add3A_387 = arith.addi %add3A_386, %mul3A_385 : i32
      %add3A_388 = arith.constant 14 : i32
      %add3A_389 = arith.addi %add3A_387, %add3A_388 : i32
      %dma_start3A_390 = arith.constant 0 : i32
      %dma_start3A_391 = tpu.memref_slice %arg6[%add3A_389, %dma_start3A_390] : memref<512x32xf32, #tpu.memory_space<vmem>> -> memref<1x32xf32, #tpu.memory_space<vmem>>
      %dma_start3A_392 = arith.constant 0 : i32
      %dma_start3A_393 = tpu.memref_slice %arg2[%squeeze3A_383, %dma_start3A_392] : memref<1000000x32xf32, #tpu.memory_space<hbm>> -> memref<1x32xf32, #tpu.memory_space<hbm>>
      %dma_start3A_394 = arith.constant 0 : i32
      %dma_start3A_395 = tpu.memref_slice %arg6[%add3A_389, %dma_start3A_394] : memref<512x32xf32, #tpu.memory_space<vmem>> -> memref<1x32xf32, #tpu.memory_space<vmem>>
      %dma_start3A_396 = arith.constant 0 : i32
      %dma_start3A_397 = tpu.memref_slice %arg2[%squeeze3A_383, %dma_start3A_396] : memref<1000000x32xf32, #tpu.memory_space<hbm>> -> memref<1x32xf32, #tpu.memory_space<hbm>>
      tpu.enqueue_dma source(%dma_start3A_397 : memref<1x32xf32, #tpu.memory_space<hbm>>) target(%dma_start3A_395 : memref<1x32xf32, #tpu.memory_space<vmem>>) target_semaphore(%arg9 : memref<!tpu.dma_semaphore, #tpu.memory_space<semaphore_mem>>)
      %slice3A_398 = vector.extract_strided_slice %get3A_160 {offsets = [15], sizes = [1], strides = [1]} : vector<16xi32> to vector<1xi32>
      %squeeze3A_399 = vector.extract %slice3A_398[0] : i32 from vector<1xi32>
      %mul3A_400 = arith.constant 16 : i32
      %mul3A_401 = arith.muli %scan3A_153, %mul3A_400 : i32
      %add3A_402 = arith.constant 128 : i32
      %add3A_403 = arith.addi %add3A_402, %mul3A_401 : i32
      %add3A_404 = arith.constant 15 : i32
      %add3A_405 = arith.addi %add3A_403, %add3A_404 : i32
      %dma_start3A_406 = arith.constant 0 : i32
      %dma_start3A_407 = tpu.memref_slice %arg6[%add3A_405, %dma_start3A_406] : memref<512x32xf32, #tpu.memory_space<vmem>> -> memref<1x32xf32, #tpu.memory_space<vmem>>
      %dma_start3A_408 = arith.constant 0 : i32
      %dma_start3A_409 = tpu.memref_slice %arg2[%squeeze3A_399, %dma_start3A_408] : memref<1000000x32xf32, #tpu.memory_space<hbm>> -> memref<1x32xf32, #tpu.memory_space<hbm>>
      %dma_start3A_410 = arith.constant 0 : i32
      %dma_start3A_411 = tpu.memref_slice %arg6[%add3A_405, %dma_start3A_410] : memref<512x32xf32, #tpu.memory_space<vmem>> -> memref<1x32xf32, #tpu.memory_space<vmem>>
      %dma_start3A_412 = arith.constant 0 : i32
      %dma_start3A_413 = tpu.memref_slice %arg2[%squeeze3A_399, %dma_start3A_412] : memref<1000000x32xf32, #tpu.memory_space<hbm>> -> memref<1x32xf32, #tpu.memory_space<hbm>>
      tpu.enqueue_dma source(%dma_start3A_413 : memref<1x32xf32, #tpu.memory_space<hbm>>) target(%dma_start3A_411 : memref<1x32xf32, #tpu.memory_space<vmem>>) target_semaphore(%arg9 : memref<!tpu.dma_semaphore, #tpu.memory_space<semaphore_mem>>)
      %scan3A_414 = arith.constant 0 : i32
      scf.yield %scan3A_414 : i32
    }
    %scan3A_22 = arith.constant 4 : i32
    %scan3A_23 = arith.constant 0 : i32
    %scan3A_24 = arith.constant 0 : i32
    %scan3A_25 = arith.constant 4 : i32
    %scan3A_26 = arith.addi %scan3A_24, %scan3A_25 : i32
    %scan3A_27 = arith.constant 1 : i32
    %scan3A_28 = scf.for %scan3A_153 = %scan3A_24 to %scan3A_26 step %scan3A_27 iter_args(%scan3A_154 = %scan3A_23) -> (i32)  : i32 {
      %mul3A_155 = arith.constant 16 : i32
      %mul3A_156 = arith.muli %scan3A_153, %mul3A_155 : i32
      %add3A_157 = arith.constant 192 : i32
      %add3A_158 = arith.addi %add3A_157, %mul3A_156 : i32
      %get3A = arith.index_cast %add3A_158 : i32 to index
      %get3A_159 = tpu.vector_load %arg5[%get3A] {strides = array<i32>} : memref<512xi32, #tpu.memory_space<vmem>>, vector<16xi32>,
      %get3A_160 = vector.shape_cast %get3A_159 : vector<16xi32> to vector<16xi32>
      %slice3A = vector.extract_strided_slice %get3A_160 {offsets = [0], sizes = [1], strides = [1]} : vector<16xi32> to vector<1xi32>
      %squeeze3A = vector.extract %slice3A[0] : i32 from vector<1xi32>
      %mul3A_161 = arith.constant 16 : i32
      %mul3A_162 = arith.muli %scan3A_153, %mul3A_161 : i32
      %add3A_163 = arith.constant 192 : i32
      %add3A_164 = arith.addi %add3A_163, %mul3A_162 : i32
      %add3A_165 = arith.constant 0 : i32
      %add3A_166 = arith.addi %add3A_164, %add3A_165 : i32
      %dma_start3A = arith.constant 0 : i32
      %dma_start3A_167 = tpu.memref_slice %arg6[%add3A_166, %dma_start3A] : memref<512x32xf32, #tpu.memory_space<vmem>> -> memref<1x32xf32, #tpu.memory_space<vmem>>
      %dma_start3A_168 = arith.constant 0 : i32
      %dma_start3A_169 = tpu.memref_slice %arg2[%squeeze3A, %dma_start3A_168] : memref<1000000x32xf32, #tpu.memory_space<hbm>> -> memref<1x32xf32, #tpu.memory_space<hbm>>
      %dma_start3A_170 = arith.constant 0 : i32
      %dma_start3A_171 = tpu.memref_slice %arg6[%add3A_166, %dma_start3A_170] : memref<512x32xf32, #tpu.memory_space<vmem>> -> memref<1x32xf32, #tpu.memory_space<vmem>>
      %dma_start3A_172 = arith.constant 0 : i32
      %dma_start3A_173 = tpu.memref_slice %arg2[%squeeze3A, %dma_start3A_172] : memref<1000000x32xf32, #tpu.memory_space<hbm>> -> memref<1x32xf32, #tpu.memory_space<hbm>>
      tpu.enqueue_dma source(%dma_start3A_173 : memref<1x32xf32, #tpu.memory_space<hbm>>) target(%dma_start3A_171 : memref<1x32xf32, #tpu.memory_space<vmem>>) target_semaphore(%arg10 : memref<!tpu.dma_semaphore, #tpu.memory_space<semaphore_mem>>)
      %slice3A_174 = vector.extract_strided_slice %get3A_160 {offsets = [1], sizes = [1], strides = [1]} : vector<16xi32> to vector<1xi32>
      %squeeze3A_175 = vector.extract %slice3A_174[0] : i32 from vector<1xi32>
      %mul3A_176 = arith.constant 16 : i32
      %mul3A_177 = arith.muli %scan3A_153, %mul3A_176 : i32
      %add3A_178 = arith.constant 192 : i32
      %add3A_179 = arith.addi %add3A_178, %mul3A_177 : i32
      %add3A_180 = arith.constant 1 : i32
      %add3A_181 = arith.addi %add3A_179, %add3A_180 : i32
      %dma_start3A_182 = arith.constant 0 : i32
      %dma_start3A_183 = tpu.memref_slice %arg6[%add3A_181, %dma_start3A_182] : memref<512x32xf32, #tpu.memory_space<vmem>> -> memref<1x32xf32, #tpu.memory_space<vmem>>
      %dma_start3A_184 = arith.constant 0 : i32
      %dma_start3A_185 = tpu.memref_slice %arg2[%squeeze3A_175, %dma_start3A_184] : memref<1000000x32xf32, #tpu.memory_space<hbm>> -> memref<1x32xf32, #tpu.memory_space<hbm>>
      %dma_start3A_186 = arith.constant 0 : i32
      %dma_start3A_187 = tpu.memref_slice %arg6[%add3A_181, %dma_start3A_186] : memref<512x32xf32, #tpu.memory_space<vmem>> -> memref<1x32xf32, #tpu.memory_space<vmem>>
      %dma_start3A_188 = arith.constant 0 : i32
      %dma_start3A_189 = tpu.memref_slice %arg2[%squeeze3A_175, %dma_start3A_188] : memref<1000000x32xf32, #tpu.memory_space<hbm>> -> memref<1x32xf32, #tpu.memory_space<hbm>>
      tpu.enqueue_dma source(%dma_start3A_189 : memref<1x32xf32, #tpu.memory_space<hbm>>) target(%dma_start3A_187 : memref<1x32xf32, #tpu.memory_space<vmem>>) target_semaphore(%arg10 : memref<!tpu.dma_semaphore, #tpu.memory_space<semaphore_mem>>)
      %slice3A_190 = vector.extract_strided_slice %get3A_160 {offsets = [2], sizes = [1], strides = [1]} : vector<16xi32> to vector<1xi32>
      %squeeze3A_191 = vector.extract %slice3A_190[0] : i32 from vector<1xi32>
      %mul3A_192 = arith.constant 16 : i32
      %mul3A_193 = arith.muli %scan3A_153, %mul3A_192 : i32
      %add3A_194 = arith.constant 192 : i32
      %add3A_195 = arith.addi %add3A_194, %mul3A_193 : i32
      %add3A_196 = arith.constant 2 : i32
      %add3A_197 = arith.addi %add3A_195, %add3A_196 : i32
      %dma_start3A_198 = arith.constant 0 : i32
      %dma_start3A_199 = tpu.memref_slice %arg6[%add3A_197, %dma_start3A_198] : memref<512x32xf32, #tpu.memory_space<vmem>> -> memref<1x32xf32, #tpu.memory_space<vmem>>
      %dma_start3A_200 = arith.constant 0 : i32
      %dma_start3A_201 = tpu.memref_slice %arg2[%squeeze3A_191, %dma_start3A_200] : memref<1000000x32xf32, #tpu.memory_space<hbm>> -> memref<1x32xf32, #tpu.memory_space<hbm>>
      %dma_start3A_202 = arith.constant 0 : i32
      %dma_start3A_203 = tpu.memref_slice %arg6[%add3A_197, %dma_start3A_202] : memref<512x32xf32, #tpu.memory_space<vmem>> -> memref<1x32xf32, #tpu.memory_space<vmem>>
      %dma_start3A_204 = arith.constant 0 : i32
      %dma_start3A_205 = tpu.memref_slice %arg2[%squeeze3A_191, %dma_start3A_204] : memref<1000000x32xf32, #tpu.memory_space<hbm>> -> memref<1x32xf32, #tpu.memory_space<hbm>>
      tpu.enqueue_dma source(%dma_start3A_205 : memref<1x32xf32, #tpu.memory_space<hbm>>) target(%dma_start3A_203 : memref<1x32xf32, #tpu.memory_space<vmem>>) target_semaphore(%arg10 : memref<!tpu.dma_semaphore, #tpu.memory_space<semaphore_mem>>)
      %slice3A_206 = vector.extract_strided_slice %get3A_160 {offsets = [3], sizes = [1], strides = [1]} : vector<16xi32> to vector<1xi32>
      %squeeze3A_207 = vector.extract %slice3A_206[0] : i32 from vector<1xi32>
      %mul3A_208 = arith.constant 16 : i32
      %mul3A_209 = arith.muli %scan3A_153, %mul3A_208 : i32
      %add3A_210 = arith.constant 192 : i32
      %add3A_211 = arith.addi %add3A_210, %mul3A_209 : i32
      %add3A_212 = arith.constant 3 : i32
      %add3A_213 = arith.addi %add3A_211, %add3A_212 : i32
      %dma_start3A_214 = arith.constant 0 : i32
      %dma_start3A_215 = tpu.memref_slice %arg6[%add3A_213, %dma_start3A_214] : memref<512x32xf32, #tpu.memory_space<vmem>> -> memref<1x32xf32, #tpu.memory_space<vmem>>
      %dma_start3A_216 = arith.constant 0 : i32
      %dma_start3A_217 = tpu.memref_slice %arg2[%squeeze3A_207, %dma_start3A_216] : memref<1000000x32xf32, #tpu.memory_space<hbm>> -> memref<1x32xf32, #tpu.memory_space<hbm>>
      %dma_start3A_218 = arith.constant 0 : i32
      %dma_start3A_219 = tpu.memref_slice %arg6[%add3A_213, %dma_start3A_218] : memref<512x32xf32, #tpu.memory_space<vmem>> -> memref<1x32xf32, #tpu.memory_space<vmem>>
      %dma_start3A_220 = arith.constant 0 : i32
      %dma_start3A_221 = tpu.memref_slice %arg2[%squeeze3A_207, %dma_start3A_220] : memref<1000000x32xf32, #tpu.memory_space<hbm>> -> memref<1x32xf32, #tpu.memory_space<hbm>>
      tpu.enqueue_dma source(%dma_start3A_221 : memref<1x32xf32, #tpu.memory_space<hbm>>) target(%dma_start3A_219 : memref<1x32xf32, #tpu.memory_space<vmem>>) target_semaphore(%arg10 : memref<!tpu.dma_semaphore, #tpu.memory_space<semaphore_mem>>)
      %slice3A_222 = vector.extract_strided_slice %get3A_160 {offsets = [4], sizes = [1], strides = [1]} : vector<16xi32> to vector<1xi32>
      %squeeze3A_223 = vector.extract %slice3A_222[0] : i32 from vector<1xi32>
      %mul3A_224 = arith.constant 16 : i32
      %mul3A_225 = arith.muli %scan3A_153, %mul3A_224 : i32
      %add3A_226 = arith.constant 192 : i32
      %add3A_227 = arith.addi %add3A_226, %mul3A_225 : i32
      %add3A_228 = arith.constant 4 : i32
      %add3A_229 = arith.addi %add3A_227, %add3A_228 : i32
      %dma_start3A_230 = arith.constant 0 : i32
      %dma_start3A_231 = tpu.memref_slice %arg6[%add3A_229, %dma_start3A_230] : memref<512x32xf32, #tpu.memory_space<vmem>> -> memref<1x32xf32, #tpu.memory_space<vmem>>
      %dma_start3A_232 = arith.constant 0 : i32
      %dma_start3A_233 = tpu.memref_slice %arg2[%squeeze3A_223, %dma_start3A_232] : memref<1000000x32xf32, #tpu.memory_space<hbm>> -> memref<1x32xf32, #tpu.memory_space<hbm>>
      %dma_start3A_234 = arith.constant 0 : i32
      %dma_start3A_235 = tpu.memref_slice %arg6[%add3A_229, %dma_start3A_234] : memref<512x32xf32, #tpu.memory_space<vmem>> -> memref<1x32xf32, #tpu.memory_space<vmem>>
      %dma_start3A_236 = arith.constant 0 : i32
      %dma_start3A_237 = tpu.memref_slice %arg2[%squeeze3A_223, %dma_start3A_236] : memref<1000000x32xf32, #tpu.memory_space<hbm>> -> memref<1x32xf32, #tpu.memory_space<hbm>>
      tpu.enqueue_dma source(%dma_start3A_237 : memref<1x32xf32, #tpu.memory_space<hbm>>) target(%dma_start3A_235 : memref<1x32xf32, #tpu.memory_space<vmem>>) target_semaphore(%arg10 : memref<!tpu.dma_semaphore, #tpu.memory_space<semaphore_mem>>)
      %slice3A_238 = vector.extract_strided_slice %get3A_160 {offsets = [5], sizes = [1], strides = [1]} : vector<16xi32> to vector<1xi32>
      %squeeze3A_239 = vector.extract %slice3A_238[0] : i32 from vector<1xi32>
      %mul3A_240 = arith.constant 16 : i32
      %mul3A_241 = arith.muli %scan3A_153, %mul3A_240 : i32
      %add3A_242 = arith.constant 192 : i32
      %add3A_243 = arith.addi %add3A_242, %mul3A_241 : i32
      %add3A_244 = arith.constant 5 : i32
      %add3A_245 = arith.addi %add3A_243, %add3A_244 : i32
      %dma_start3A_246 = arith.constant 0 : i32
      %dma_start3A_247 = tpu.memref_slice %arg6[%add3A_245, %dma_start3A_246] : memref<512x32xf32, #tpu.memory_space<vmem>> -> memref<1x32xf32, #tpu.memory_space<vmem>>
      %dma_start3A_248 = arith.constant 0 : i32
      %dma_start3A_249 = tpu.memref_slice %arg2[%squeeze3A_239, %dma_start3A_248] : memref<1000000x32xf32, #tpu.memory_space<hbm>> -> memref<1x32xf32, #tpu.memory_space<hbm>>
      %dma_start3A_250 = arith.constant 0 : i32
      %dma_start3A_251 = tpu.memref_slice %arg6[%add3A_245, %dma_start3A_250] : memref<512x32xf32, #tpu.memory_space<vmem>> -> memref<1x32xf32, #tpu.memory_space<vmem>>
      %dma_start3A_252 = arith.constant 0 : i32
      %dma_start3A_253 = tpu.memref_slice %arg2[%squeeze3A_239, %dma_start3A_252] : memref<1000000x32xf32, #tpu.memory_space<hbm>> -> memref<1x32xf32, #tpu.memory_space<hbm>>
      tpu.enqueue_dma source(%dma_start3A_253 : memref<1x32xf32, #tpu.memory_space<hbm>>) target(%dma_start3A_251 : memref<1x32xf32, #tpu.memory_space<vmem>>) target_semaphore(%arg10 : memref<!tpu.dma_semaphore, #tpu.memory_space<semaphore_mem>>)
      %slice3A_254 = vector.extract_strided_slice %get3A_160 {offsets = [6], sizes = [1], strides = [1]} : vector<16xi32> to vector<1xi32>
      %squeeze3A_255 = vector.extract %slice3A_254[0] : i32 from vector<1xi32>
      %mul3A_256 = arith.constant 16 : i32
      %mul3A_257 = arith.muli %scan3A_153, %mul3A_256 : i32
      %add3A_258 = arith.constant 192 : i32
      %add3A_259 = arith.addi %add3A_258, %mul3A_257 : i32
      %add3A_260 = arith.constant 6 : i32
      %add3A_261 = arith.addi %add3A_259, %add3A_260 : i32
      %dma_start3A_262 = arith.constant 0 : i32
      %dma_start3A_263 = tpu.memref_slice %arg6[%add3A_261, %dma_start3A_262] : memref<512x32xf32, #tpu.memory_space<vmem>> -> memref<1x32xf32, #tpu.memory_space<vmem>>
      %dma_start3A_264 = arith.constant 0 : i32
      %dma_start3A_265 = tpu.memref_slice %arg2[%squeeze3A_255, %dma_start3A_264] : memref<1000000x32xf32, #tpu.memory_space<hbm>> -> memref<1x32xf32, #tpu.memory_space<hbm>>
      %dma_start3A_266 = arith.constant 0 : i32
      %dma_start3A_267 = tpu.memref_slice %arg6[%add3A_261, %dma_start3A_266] : memref<512x32xf32, #tpu.memory_space<vmem>> -> memref<1x32xf32, #tpu.memory_space<vmem>>
      %dma_start3A_268 = arith.constant 0 : i32
      %dma_start3A_269 = tpu.memref_slice %arg2[%squeeze3A_255, %dma_start3A_268] : memref<1000000x32xf32, #tpu.memory_space<hbm>> -> memref<1x32xf32, #tpu.memory_space<hbm>>
      tpu.enqueue_dma source(%dma_start3A_269 : memref<1x32xf32, #tpu.memory_space<hbm>>) target(%dma_start3A_267 : memref<1x32xf32, #tpu.memory_space<vmem>>) target_semaphore(%arg10 : memref<!tpu.dma_semaphore, #tpu.memory_space<semaphore_mem>>)
      %slice3A_270 = vector.extract_strided_slice %get3A_160 {offsets = [7], sizes = [1], strides = [1]} : vector<16xi32> to vector<1xi32>
      %squeeze3A_271 = vector.extract %slice3A_270[0] : i32 from vector<1xi32>
      %mul3A_272 = arith.constant 16 : i32
      %mul3A_273 = arith.muli %scan3A_153, %mul3A_272 : i32
      %add3A_274 = arith.constant 192 : i32
      %add3A_275 = arith.addi %add3A_274, %mul3A_273 : i32
      %add3A_276 = arith.constant 7 : i32
      %add3A_277 = arith.addi %add3A_275, %add3A_276 : i32
      %dma_start3A_278 = arith.constant 0 : i32
      %dma_start3A_279 = tpu.memref_slice %arg6[%add3A_277, %dma_start3A_278] : memref<512x32xf32, #tpu.memory_space<vmem>> -> memref<1x32xf32, #tpu.memory_space<vmem>>
      %dma_start3A_280 = arith.constant 0 : i32
      %dma_start3A_281 = tpu.memref_slice %arg2[%squeeze3A_271, %dma_start3A_280] : memref<1000000x32xf32, #tpu.memory_space<hbm>> -> memref<1x32xf32, #tpu.memory_space<hbm>>
      %dma_start3A_282 = arith.constant 0 : i32
      %dma_start3A_283 = tpu.memref_slice %arg6[%add3A_277, %dma_start3A_282] : memref<512x32xf32, #tpu.memory_space<vmem>> -> memref<1x32xf32, #tpu.memory_space<vmem>>
      %dma_start3A_284 = arith.constant 0 : i32
      %dma_start3A_285 = tpu.memref_slice %arg2[%squeeze3A_271, %dma_start3A_284] : memref<1000000x32xf32, #tpu.memory_space<hbm>> -> memref<1x32xf32, #tpu.memory_space<hbm>>
      tpu.enqueue_dma source(%dma_start3A_285 : memref<1x32xf32, #tpu.memory_space<hbm>>) target(%dma_start3A_283 : memref<1x32xf32, #tpu.memory_space<vmem>>) target_semaphore(%arg10 : memref<!tpu.dma_semaphore, #tpu.memory_space<semaphore_mem>>)
      %slice3A_286 = vector.extract_strided_slice %get3A_160 {offsets = [8], sizes = [1], strides = [1]} : vector<16xi32> to vector<1xi32>
      %squeeze3A_287 = vector.extract %slice3A_286[0] : i32 from vector<1xi32>
      %mul3A_288 = arith.constant 16 : i32
      %mul3A_289 = arith.muli %scan3A_153, %mul3A_288 : i32
      %add3A_290 = arith.constant 192 : i32
      %add3A_291 = arith.addi %add3A_290, %mul3A_289 : i32
      %add3A_292 = arith.constant 8 : i32
      %add3A_293 = arith.addi %add3A_291, %add3A_292 : i32
      %dma_start3A_294 = arith.constant 0 : i32
      %dma_start3A_295 = tpu.memref_slice %arg6[%add3A_293, %dma_start3A_294] : memref<512x32xf32, #tpu.memory_space<vmem>> -> memref<1x32xf32, #tpu.memory_space<vmem>>
      %dma_start3A_296 = arith.constant 0 : i32
      %dma_start3A_297 = tpu.memref_slice %arg2[%squeeze3A_287, %dma_start3A_296] : memref<1000000x32xf32, #tpu.memory_space<hbm>> -> memref<1x32xf32, #tpu.memory_space<hbm>>
      %dma_start3A_298 = arith.constant 0 : i32
      %dma_start3A_299 = tpu.memref_slice %arg6[%add3A_293, %dma_start3A_298] : memref<512x32xf32, #tpu.memory_space<vmem>> -> memref<1x32xf32, #tpu.memory_space<vmem>>
      %dma_start3A_300 = arith.constant 0 : i32
      %dma_start3A_301 = tpu.memref_slice %arg2[%squeeze3A_287, %dma_start3A_300] : memref<1000000x32xf32, #tpu.memory_space<hbm>> -> memref<1x32xf32, #tpu.memory_space<hbm>>
      tpu.enqueue_dma source(%dma_start3A_301 : memref<1x32xf32, #tpu.memory_space<hbm>>) target(%dma_start3A_299 : memref<1x32xf32, #tpu.memory_space<vmem>>) target_semaphore(%arg10 : memref<!tpu.dma_semaphore, #tpu.memory_space<semaphore_mem>>)
      %slice3A_302 = vector.extract_strided_slice %get3A_160 {offsets = [9], sizes = [1], strides = [1]} : vector<16xi32> to vector<1xi32>
      %squeeze3A_303 = vector.extract %slice3A_302[0] : i32 from vector<1xi32>
      %mul3A_304 = arith.constant 16 : i32
      %mul3A_305 = arith.muli %scan3A_153, %mul3A_304 : i32
      %add3A_306 = arith.constant 192 : i32
      %add3A_307 = arith.addi %add3A_306, %mul3A_305 : i32
      %add3A_308 = arith.constant 9 : i32
      %add3A_309 = arith.addi %add3A_307, %add3A_308 : i32
      %dma_start3A_310 = arith.constant 0 : i32
      %dma_start3A_311 = tpu.memref_slice %arg6[%add3A_309, %dma_start3A_310] : memref<512x32xf32, #tpu.memory_space<vmem>> -> memref<1x32xf32, #tpu.memory_space<vmem>>
      %dma_start3A_312 = arith.constant 0 : i32
      %dma_start3A_313 = tpu.memref_slice %arg2[%squeeze3A_303, %dma_start3A_312] : memref<1000000x32xf32, #tpu.memory_space<hbm>> -> memref<1x32xf32, #tpu.memory_space<hbm>>
      %dma_start3A_314 = arith.constant 0 : i32
      %dma_start3A_315 = tpu.memref_slice %arg6[%add3A_309, %dma_start3A_314] : memref<512x32xf32, #tpu.memory_space<vmem>> -> memref<1x32xf32, #tpu.memory_space<vmem>>
      %dma_start3A_316 = arith.constant 0 : i32
      %dma_start3A_317 = tpu.memref_slice %arg2[%squeeze3A_303, %dma_start3A_316] : memref<1000000x32xf32, #tpu.memory_space<hbm>> -> memref<1x32xf32, #tpu.memory_space<hbm>>
      tpu.enqueue_dma source(%dma_start3A_317 : memref<1x32xf32, #tpu.memory_space<hbm>>) target(%dma_start3A_315 : memref<1x32xf32, #tpu.memory_space<vmem>>) target_semaphore(%arg10 : memref<!tpu.dma_semaphore, #tpu.memory_space<semaphore_mem>>)
      %slice3A_318 = vector.extract_strided_slice %get3A_160 {offsets = [10], sizes = [1], strides = [1]} : vector<16xi32> to vector<1xi32>
      %squeeze3A_319 = vector.extract %slice3A_318[0] : i32 from vector<1xi32>
      %mul3A_320 = arith.constant 16 : i32
      %mul3A_321 = arith.muli %scan3A_153, %mul3A_320 : i32
      %add3A_322 = arith.constant 192 : i32
      %add3A_323 = arith.addi %add3A_322, %mul3A_321 : i32
      %add3A_324 = arith.constant 10 : i32
      %add3A_325 = arith.addi %add3A_323, %add3A_324 : i32
      %dma_start3A_326 = arith.constant 0 : i32
      %dma_start3A_327 = tpu.memref_slice %arg6[%add3A_325, %dma_start3A_326] : memref<512x32xf32, #tpu.memory_space<vmem>> -> memref<1x32xf32, #tpu.memory_space<vmem>>
      %dma_start3A_328 = arith.constant 0 : i32
      %dma_start3A_329 = tpu.memref_slice %arg2[%squeeze3A_319, %dma_start3A_328] : memref<1000000x32xf32, #tpu.memory_space<hbm>> -> memref<1x32xf32, #tpu.memory_space<hbm>>
      %dma_start3A_330 = arith.constant 0 : i32
      %dma_start3A_331 = tpu.memref_slice %arg6[%add3A_325, %dma_start3A_330] : memref<512x32xf32, #tpu.memory_space<vmem>> -> memref<1x32xf32, #tpu.memory_space<vmem>>
      %dma_start3A_332 = arith.constant 0 : i32
      %dma_start3A_333 = tpu.memref_slice %arg2[%squeeze3A_319, %dma_start3A_332] : memref<1000000x32xf32, #tpu.memory_space<hbm>> -> memref<1x32xf32, #tpu.memory_space<hbm>>
      tpu.enqueue_dma source(%dma_start3A_333 : memref<1x32xf32, #tpu.memory_space<hbm>>) target(%dma_start3A_331 : memref<1x32xf32, #tpu.memory_space<vmem>>) target_semaphore(%arg10 : memref<!tpu.dma_semaphore, #tpu.memory_space<semaphore_mem>>)
      %slice3A_334 = vector.extract_strided_slice %get3A_160 {offsets = [11], sizes = [1], strides = [1]} : vector<16xi32> to vector<1xi32>
      %squeeze3A_335 = vector.extract %slice3A_334[0] : i32 from vector<1xi32>
      %mul3A_336 = arith.constant 16 : i32
      %mul3A_337 = arith.muli %scan3A_153, %mul3A_336 : i32
      %add3A_338 = arith.constant 192 : i32
      %add3A_339 = arith.addi %add3A_338, %mul3A_337 : i32
      %add3A_340 = arith.constant 11 : i32
      %add3A_341 = arith.addi %add3A_339, %add3A_340 : i32
      %dma_start3A_342 = arith.constant 0 : i32
      %dma_start3A_343 = tpu.memref_slice %arg6[%add3A_341, %dma_start3A_342] : memref<512x32xf32, #tpu.memory_space<vmem>> -> memref<1x32xf32, #tpu.memory_space<vmem>>
      %dma_start3A_344 = arith.constant 0 : i32
      %dma_start3A_345 = tpu.memref_slice %arg2[%squeeze3A_335, %dma_start3A_344] : memref<1000000x32xf32, #tpu.memory_space<hbm>> -> memref<1x32xf32, #tpu.memory_space<hbm>>
      %dma_start3A_346 = arith.constant 0 : i32
      %dma_start3A_347 = tpu.memref_slice %arg6[%add3A_341, %dma_start3A_346] : memref<512x32xf32, #tpu.memory_space<vmem>> -> memref<1x32xf32, #tpu.memory_space<vmem>>
      %dma_start3A_348 = arith.constant 0 : i32
      %dma_start3A_349 = tpu.memref_slice %arg2[%squeeze3A_335, %dma_start3A_348] : memref<1000000x32xf32, #tpu.memory_space<hbm>> -> memref<1x32xf32, #tpu.memory_space<hbm>>
      tpu.enqueue_dma source(%dma_start3A_349 : memref<1x32xf32, #tpu.memory_space<hbm>>) target(%dma_start3A_347 : memref<1x32xf32, #tpu.memory_space<vmem>>) target_semaphore(%arg10 : memref<!tpu.dma_semaphore, #tpu.memory_space<semaphore_mem>>)
      %slice3A_350 = vector.extract_strided_slice %get3A_160 {offsets = [12], sizes = [1], strides = [1]} : vector<16xi32> to vector<1xi32>
      %squeeze3A_351 = vector.extract %slice3A_350[0] : i32 from vector<1xi32>
      %mul3A_352 = arith.constant 16 : i32
      %mul3A_353 = arith.muli %scan3A_153, %mul3A_352 : i32
      %add3A_354 = arith.constant 192 : i32
      %add3A_355 = arith.addi %add3A_354, %mul3A_353 : i32
      %add3A_356 = arith.constant 12 : i32
      %add3A_357 = arith.addi %add3A_355, %add3A_356 : i32
      %dma_start3A_358 = arith.constant 0 : i32
      %dma_start3A_359 = tpu.memref_slice %arg6[%add3A_357, %dma_start3A_358] : memref<512x32xf32, #tpu.memory_space<vmem>> -> memref<1x32xf32, #tpu.memory_space<vmem>>
      %dma_start3A_360 = arith.constant 0 : i32
      %dma_start3A_361 = tpu.memref_slice %arg2[%squeeze3A_351, %dma_start3A_360] : memref<1000000x32xf32, #tpu.memory_space<hbm>> -> memref<1x32xf32, #tpu.memory_space<hbm>>
      %dma_start3A_362 = arith.constant 0 : i32
      %dma_start3A_363 = tpu.memref_slice %arg6[%add3A_357, %dma_start3A_362] : memref<512x32xf32, #tpu.memory_space<vmem>> -> memref<1x32xf32, #tpu.memory_space<vmem>>
      %dma_start3A_364 = arith.constant 0 : i32
      %dma_start3A_365 = tpu.memref_slice %arg2[%squeeze3A_351, %dma_start3A_364] : memref<1000000x32xf32, #tpu.memory_space<hbm>> -> memref<1x32xf32, #tpu.memory_space<hbm>>
      tpu.enqueue_dma source(%dma_start3A_365 : memref<1x32xf32, #tpu.memory_space<hbm>>) target(%dma_start3A_363 : memref<1x32xf32, #tpu.memory_space<vmem>>) target_semaphore(%arg10 : memref<!tpu.dma_semaphore, #tpu.memory_space<semaphore_mem>>)
      %slice3A_366 = vector.extract_strided_slice %get3A_160 {offsets = [13], sizes = [1], strides = [1]} : vector<16xi32> to vector<1xi32>
      %squeeze3A_367 = vector.extract %slice3A_366[0] : i32 from vector<1xi32>
      %mul3A_368 = arith.constant 16 : i32
      %mul3A_369 = arith.muli %scan3A_153, %mul3A_368 : i32
      %add3A_370 = arith.constant 192 : i32
      %add3A_371 = arith.addi %add3A_370, %mul3A_369 : i32
      %add3A_372 = arith.constant 13 : i32
      %add3A_373 = arith.addi %add3A_371, %add3A_372 : i32
      %dma_start3A_374 = arith.constant 0 : i32
      %dma_start3A_375 = tpu.memref_slice %arg6[%add3A_373, %dma_start3A_374] : memref<512x32xf32, #tpu.memory_space<vmem>> -> memref<1x32xf32, #tpu.memory_space<vmem>>
      %dma_start3A_376 = arith.constant 0 : i32
      %dma_start3A_377 = tpu.memref_slice %arg2[%squeeze3A_367, %dma_start3A_376] : memref<1000000x32xf32, #tpu.memory_space<hbm>> -> memref<1x32xf32, #tpu.memory_space<hbm>>
      %dma_start3A_378 = arith.constant 0 : i32
      %dma_start3A_379 = tpu.memref_slice %arg6[%add3A_373, %dma_start3A_378] : memref<512x32xf32, #tpu.memory_space<vmem>> -> memref<1x32xf32, #tpu.memory_space<vmem>>
      %dma_start3A_380 = arith.constant 0 : i32
      %dma_start3A_381 = tpu.memref_slice %arg2[%squeeze3A_367, %dma_start3A_380] : memref<1000000x32xf32, #tpu.memory_space<hbm>> -> memref<1x32xf32, #tpu.memory_space<hbm>>
      tpu.enqueue_dma source(%dma_start3A_381 : memref<1x32xf32, #tpu.memory_space<hbm>>) target(%dma_start3A_379 : memref<1x32xf32, #tpu.memory_space<vmem>>) target_semaphore(%arg10 : memref<!tpu.dma_semaphore, #tpu.memory_space<semaphore_mem>>)
      %slice3A_382 = vector.extract_strided_slice %get3A_160 {offsets = [14], sizes = [1], strides = [1]} : vector<16xi32> to vector<1xi32>
      %squeeze3A_383 = vector.extract %slice3A_382[0] : i32 from vector<1xi32>
      %mul3A_384 = arith.constant 16 : i32
      %mul3A_385 = arith.muli %scan3A_153, %mul3A_384 : i32
      %add3A_386 = arith.constant 192 : i32
      %add3A_387 = arith.addi %add3A_386, %mul3A_385 : i32
      %add3A_388 = arith.constant 14 : i32
      %add3A_389 = arith.addi %add3A_387, %add3A_388 : i32
      %dma_start3A_390 = arith.constant 0 : i32
      %dma_start3A_391 = tpu.memref_slice %arg6[%add3A_389, %dma_start3A_390] : memref<512x32xf32, #tpu.memory_space<vmem>> -> memref<1x32xf32, #tpu.memory_space<vmem>>
      %dma_start3A_392 = arith.constant 0 : i32
      %dma_start3A_393 = tpu.memref_slice %arg2[%squeeze3A_383, %dma_start3A_392] : memref<1000000x32xf32, #tpu.memory_space<hbm>> -> memref<1x32xf32, #tpu.memory_space<hbm>>
      %dma_start3A_394 = arith.constant 0 : i32
      %dma_start3A_395 = tpu.memref_slice %arg6[%add3A_389, %dma_start3A_394] : memref<512x32xf32, #tpu.memory_space<vmem>> -> memref<1x32xf32, #tpu.memory_space<vmem>>
      %dma_start3A_396 = arith.constant 0 : i32
      %dma_start3A_397 = tpu.memref_slice %arg2[%squeeze3A_383, %dma_start3A_396] : memref<1000000x32xf32, #tpu.memory_space<hbm>> -> memref<1x32xf32, #tpu.memory_space<hbm>>
      tpu.enqueue_dma source(%dma_start3A_397 : memref<1x32xf32, #tpu.memory_space<hbm>>) target(%dma_start3A_395 : memref<1x32xf32, #tpu.memory_space<vmem>>) target_semaphore(%arg10 : memref<!tpu.dma_semaphore, #tpu.memory_space<semaphore_mem>>)
      %slice3A_398 = vector.extract_strided_slice %get3A_160 {offsets = [15], sizes = [1], strides = [1]} : vector<16xi32> to vector<1xi32>
      %squeeze3A_399 = vector.extract %slice3A_398[0] : i32 from vector<1xi32>
      %mul3A_400 = arith.constant 16 : i32
      %mul3A_401 = arith.muli %scan3A_153, %mul3A_400 : i32
      %add3A_402 = arith.constant 192 : i32
      %add3A_403 = arith.addi %add3A_402, %mul3A_401 : i32
      %add3A_404 = arith.constant 15 : i32
      %add3A_405 = arith.addi %add3A_403, %add3A_404 : i32
      %dma_start3A_406 = arith.constant 0 : i32
      %dma_start3A_407 = tpu.memref_slice %arg6[%add3A_405, %dma_start3A_406] : memref<512x32xf32, #tpu.memory_space<vmem>> -> memref<1x32xf32, #tpu.memory_space<vmem>>
      %dma_start3A_408 = arith.constant 0 : i32
      %dma_start3A_409 = tpu.memref_slice %arg2[%squeeze3A_399, %dma_start3A_408] : memref<1000000x32xf32, #tpu.memory_space<hbm>> -> memref<1x32xf32, #tpu.memory_space<hbm>>
      %dma_start3A_410 = arith.constant 0 : i32
      %dma_start3A_411 = tpu.memref_slice %arg6[%add3A_405, %dma_start3A_410] : memref<512x32xf32, #tpu.memory_space<vmem>> -> memref<1x32xf32, #tpu.memory_space<vmem>>
      %dma_start3A_412 = arith.constant 0 : i32
      %dma_start3A_413 = tpu.memref_slice %arg2[%squeeze3A_399, %dma_start3A_412] : memref<1000000x32xf32, #tpu.memory_space<hbm>> -> memref<1x32xf32, #tpu.memory_space<hbm>>
      tpu.enqueue_dma source(%dma_start3A_413 : memref<1x32xf32, #tpu.memory_space<hbm>>) target(%dma_start3A_411 : memref<1x32xf32, #tpu.memory_space<vmem>>) target_semaphore(%arg10 : memref<!tpu.dma_semaphore, #tpu.memory_space<semaphore_mem>>)
      %scan3A_414 = arith.constant 0 : i32
      scf.yield %scan3A_414 : i32
    }
    %scan3A_29 = arith.constant 4 : i32
    %scan3A_30 = arith.constant 0 : i32
    %scan3A_31 = arith.constant 0 : i32
    %scan3A_32 = arith.constant 4 : i32
    %scan3A_33 = arith.addi %scan3A_31, %scan3A_32 : i32
    %scan3A_34 = arith.constant 1 : i32
    %scan3A_35 = scf.for %scan3A_153 = %scan3A_31 to %scan3A_33 step %scan3A_34 iter_args(%scan3A_154 = %scan3A_30) -> (i32)  : i32 {
      %mul3A_155 = arith.constant 16 : i32
      %mul3A_156 = arith.muli %scan3A_153, %mul3A_155 : i32
      %add3A_157 = arith.constant 256 : i32
      %add3A_158 = arith.addi %add3A_157, %mul3A_156 : i32
      %get3A = arith.index_cast %add3A_158 : i32 to index
      %get3A_159 = tpu.vector_load %arg5[%get3A] {strides = array<i32>} : memref<512xi32, #tpu.memory_space<vmem>>, vector<16xi32>,
      %get3A_160 = vector.shape_cast %get3A_159 : vector<16xi32> to vector<16xi32>
      %slice3A = vector.extract_strided_slice %get3A_160 {offsets = [0], sizes = [1], strides = [1]} : vector<16xi32> to vector<1xi32>
      %squeeze3A = vector.extract %slice3A[0] : i32 from vector<1xi32>
      %mul3A_161 = arith.constant 16 : i32
      %mul3A_162 = arith.muli %scan3A_153, %mul3A_161 : i32
      %add3A_163 = arith.constant 256 : i32
      %add3A_164 = arith.addi %add3A_163, %mul3A_162 : i32
      %add3A_165 = arith.constant 0 : i32
      %add3A_166 = arith.addi %add3A_164, %add3A_165 : i32
      %dma_start3A = arith.constant 0 : i32
      %dma_start3A_167 = tpu.memref_slice %arg6[%add3A_166, %dma_start3A] : memref<512x32xf32, #tpu.memory_space<vmem>> -> memref<1x32xf32, #tpu.memory_space<vmem>>
      %dma_start3A_168 = arith.constant 0 : i32
      %dma_start3A_169 = tpu.memref_slice %arg2[%squeeze3A, %dma_start3A_168] : memref<1000000x32xf32, #tpu.memory_space<hbm>> -> memref<1x32xf32, #tpu.memory_space<hbm>>
      %dma_start3A_170 = arith.constant 0 : i32
      %dma_start3A_171 = tpu.memref_slice %arg6[%add3A_166, %dma_start3A_170] : memref<512x32xf32, #tpu.memory_space<vmem>> -> memref<1x32xf32, #tpu.memory_space<vmem>>
      %dma_start3A_172 = arith.constant 0 : i32
      %dma_start3A_173 = tpu.memref_slice %arg2[%squeeze3A, %dma_start3A_172] : memref<1000000x32xf32, #tpu.memory_space<hbm>> -> memref<1x32xf32, #tpu.memory_space<hbm>>
      tpu.enqueue_dma source(%dma_start3A_173 : memref<1x32xf32, #tpu.memory_space<hbm>>) target(%dma_start3A_171 : memref<1x32xf32, #tpu.memory_space<vmem>>) target_semaphore(%arg11 : memref<!tpu.dma_semaphore, #tpu.memory_space<semaphore_mem>>)
      %slice3A_174 = vector.extract_strided_slice %get3A_160 {offsets = [1], sizes = [1], strides = [1]} : vector<16xi32> to vector<1xi32>
      %squeeze3A_175 = vector.extract %slice3A_174[0] : i32 from vector<1xi32>
      %mul3A_176 = arith.constant 16 : i32
      %mul3A_177 = arith.muli %scan3A_153, %mul3A_176 : i32
      %add3A_178 = arith.constant 256 : i32
      %add3A_179 = arith.addi %add3A_178, %mul3A_177 : i32
      %add3A_180 = arith.constant 1 : i32
      %add3A_181 = arith.addi %add3A_179, %add3A_180 : i32
      %dma_start3A_182 = arith.constant 0 : i32
      %dma_start3A_183 = tpu.memref_slice %arg6[%add3A_181, %dma_start3A_182] : memref<512x32xf32, #tpu.memory_space<vmem>> -> memref<1x32xf32, #tpu.memory_space<vmem>>
      %dma_start3A_184 = arith.constant 0 : i32
      %dma_start3A_185 = tpu.memref_slice %arg2[%squeeze3A_175, %dma_start3A_184] : memref<1000000x32xf32, #tpu.memory_space<hbm>> -> memref<1x32xf32, #tpu.memory_space<hbm>>
      %dma_start3A_186 = arith.constant 0 : i32
      %dma_start3A_187 = tpu.memref_slice %arg6[%add3A_181, %dma_start3A_186] : memref<512x32xf32, #tpu.memory_space<vmem>> -> memref<1x32xf32, #tpu.memory_space<vmem>>
      %dma_start3A_188 = arith.constant 0 : i32
      %dma_start3A_189 = tpu.memref_slice %arg2[%squeeze3A_175, %dma_start3A_188] : memref<1000000x32xf32, #tpu.memory_space<hbm>> -> memref<1x32xf32, #tpu.memory_space<hbm>>
      tpu.enqueue_dma source(%dma_start3A_189 : memref<1x32xf32, #tpu.memory_space<hbm>>) target(%dma_start3A_187 : memref<1x32xf32, #tpu.memory_space<vmem>>) target_semaphore(%arg11 : memref<!tpu.dma_semaphore, #tpu.memory_space<semaphore_mem>>)
      %slice3A_190 = vector.extract_strided_slice %get3A_160 {offsets = [2], sizes = [1], strides = [1]} : vector<16xi32> to vector<1xi32>
      %squeeze3A_191 = vector.extract %slice3A_190[0] : i32 from vector<1xi32>
      %mul3A_192 = arith.constant 16 : i32
      %mul3A_193 = arith.muli %scan3A_153, %mul3A_192 : i32
      %add3A_194 = arith.constant 256 : i32
      %add3A_195 = arith.addi %add3A_194, %mul3A_193 : i32
      %add3A_196 = arith.constant 2 : i32
      %add3A_197 = arith.addi %add3A_195, %add3A_196 : i32
      %dma_start3A_198 = arith.constant 0 : i32
      %dma_start3A_199 = tpu.memref_slice %arg6[%add3A_197, %dma_start3A_198] : memref<512x32xf32, #tpu.memory_space<vmem>> -> memref<1x32xf32, #tpu.memory_space<vmem>>
      %dma_start3A_200 = arith.constant 0 : i32
      %dma_start3A_201 = tpu.memref_slice %arg2[%squeeze3A_191, %dma_start3A_200] : memref<1000000x32xf32, #tpu.memory_space<hbm>> -> memref<1x32xf32, #tpu.memory_space<hbm>>
      %dma_start3A_202 = arith.constant 0 : i32
      %dma_start3A_203 = tpu.memref_slice %arg6[%add3A_197, %dma_start3A_202] : memref<512x32xf32, #tpu.memory_space<vmem>> -> memref<1x32xf32, #tpu.memory_space<vmem>>
      %dma_start3A_204 = arith.constant 0 : i32
      %dma_start3A_205 = tpu.memref_slice %arg2[%squeeze3A_191, %dma_start3A_204] : memref<1000000x32xf32, #tpu.memory_space<hbm>> -> memref<1x32xf32, #tpu.memory_space<hbm>>
      tpu.enqueue_dma source(%dma_start3A_205 : memref<1x32xf32, #tpu.memory_space<hbm>>) target(%dma_start3A_203 : memref<1x32xf32, #tpu.memory_space<vmem>>) target_semaphore(%arg11 : memref<!tpu.dma_semaphore, #tpu.memory_space<semaphore_mem>>)
      %slice3A_206 = vector.extract_strided_slice %get3A_160 {offsets = [3], sizes = [1], strides = [1]} : vector<16xi32> to vector<1xi32>
      %squeeze3A_207 = vector.extract %slice3A_206[0] : i32 from vector<1xi32>
      %mul3A_208 = arith.constant 16 : i32
      %mul3A_209 = arith.muli %scan3A_153, %mul3A_208 : i32
      %add3A_210 = arith.constant 256 : i32
      %add3A_211 = arith.addi %add3A_210, %mul3A_209 : i32
      %add3A_212 = arith.constant 3 : i32
      %add3A_213 = arith.addi %add3A_211, %add3A_212 : i32
      %dma_start3A_214 = arith.constant 0 : i32
      %dma_start3A_215 = tpu.memref_slice %arg6[%add3A_213, %dma_start3A_214] : memref<512x32xf32, #tpu.memory_space<vmem>> -> memref<1x32xf32, #tpu.memory_space<vmem>>
      %dma_start3A_216 = arith.constant 0 : i32
      %dma_start3A_217 = tpu.memref_slice %arg2[%squeeze3A_207, %dma_start3A_216] : memref<1000000x32xf32, #tpu.memory_space<hbm>> -> memref<1x32xf32, #tpu.memory_space<hbm>>
      %dma_start3A_218 = arith.constant 0 : i32
      %dma_start3A_219 = tpu.memref_slice %arg6[%add3A_213, %dma_start3A_218] : memref<512x32xf32, #tpu.memory_space<vmem>> -> memref<1x32xf32, #tpu.memory_space<vmem>>
      %dma_start3A_220 = arith.constant 0 : i32
      %dma_start3A_221 = tpu.memref_slice %arg2[%squeeze3A_207, %dma_start3A_220] : memref<1000000x32xf32, #tpu.memory_space<hbm>> -> memref<1x32xf32, #tpu.memory_space<hbm>>
      tpu.enqueue_dma source(%dma_start3A_221 : memref<1x32xf32, #tpu.memory_space<hbm>>) target(%dma_start3A_219 : memref<1x32xf32, #tpu.memory_space<vmem>>) target_semaphore(%arg11 : memref<!tpu.dma_semaphore, #tpu.memory_space<semaphore_mem>>)
      %slice3A_222 = vector.extract_strided_slice %get3A_160 {offsets = [4], sizes = [1], strides = [1]} : vector<16xi32> to vector<1xi32>
      %squeeze3A_223 = vector.extract %slice3A_222[0] : i32 from vector<1xi32>
      %mul3A_224 = arith.constant 16 : i32
      %mul3A_225 = arith.muli %scan3A_153, %mul3A_224 : i32
      %add3A_226 = arith.constant 256 : i32
      %add3A_227 = arith.addi %add3A_226, %mul3A_225 : i32
      %add3A_228 = arith.constant 4 : i32
      %add3A_229 = arith.addi %add3A_227, %add3A_228 : i32
      %dma_start3A_230 = arith.constant 0 : i32
      %dma_start3A_231 = tpu.memref_slice %arg6[%add3A_229, %dma_start3A_230] : memref<512x32xf32, #tpu.memory_space<vmem>> -> memref<1x32xf32, #tpu.memory_space<vmem>>
      %dma_start3A_232 = arith.constant 0 : i32
      %dma_start3A_233 = tpu.memref_slice %arg2[%squeeze3A_223, %dma_start3A_232] : memref<1000000x32xf32, #tpu.memory_space<hbm>> -> memref<1x32xf32, #tpu.memory_space<hbm>>
      %dma_start3A_234 = arith.constant 0 : i32
      %dma_start3A_235 = tpu.memref_slice %arg6[%add3A_229, %dma_start3A_234] : memref<512x32xf32, #tpu.memory_space<vmem>> -> memref<1x32xf32, #tpu.memory_space<vmem>>
      %dma_start3A_236 = arith.constant 0 : i32
      %dma_start3A_237 = tpu.memref_slice %arg2[%squeeze3A_223, %dma_start3A_236] : memref<1000000x32xf32, #tpu.memory_space<hbm>> -> memref<1x32xf32, #tpu.memory_space<hbm>>
      tpu.enqueue_dma source(%dma_start3A_237 : memref<1x32xf32, #tpu.memory_space<hbm>>) target(%dma_start3A_235 : memref<1x32xf32, #tpu.memory_space<vmem>>) target_semaphore(%arg11 : memref<!tpu.dma_semaphore, #tpu.memory_space<semaphore_mem>>)
      %slice3A_238 = vector.extract_strided_slice %get3A_160 {offsets = [5], sizes = [1], strides = [1]} : vector<16xi32> to vector<1xi32>
      %squeeze3A_239 = vector.extract %slice3A_238[0] : i32 from vector<1xi32>
      %mul3A_240 = arith.constant 16 : i32
      %mul3A_241 = arith.muli %scan3A_153, %mul3A_240 : i32
      %add3A_242 = arith.constant 256 : i32
      %add3A_243 = arith.addi %add3A_242, %mul3A_241 : i32
      %add3A_244 = arith.constant 5 : i32
      %add3A_245 = arith.addi %add3A_243, %add3A_244 : i32
      %dma_start3A_246 = arith.constant 0 : i32
      %dma_start3A_247 = tpu.memref_slice %arg6[%add3A_245, %dma_start3A_246] : memref<512x32xf32, #tpu.memory_space<vmem>> -> memref<1x32xf32, #tpu.memory_space<vmem>>
      %dma_start3A_248 = arith.constant 0 : i32
      %dma_start3A_249 = tpu.memref_slice %arg2[%squeeze3A_239, %dma_start3A_248] : memref<1000000x32xf32, #tpu.memory_space<hbm>> -> memref<1x32xf32, #tpu.memory_space<hbm>>
      %dma_start3A_250 = arith.constant 0 : i32
      %dma_start3A_251 = tpu.memref_slice %arg6[%add3A_245, %dma_start3A_250] : memref<512x32xf32, #tpu.memory_space<vmem>> -> memref<1x32xf32, #tpu.memory_space<vmem>>
      %dma_start3A_252 = arith.constant 0 : i32
      %dma_start3A_253 = tpu.memref_slice %arg2[%squeeze3A_239, %dma_start3A_252] : memref<1000000x32xf32, #tpu.memory_space<hbm>> -> memref<1x32xf32, #tpu.memory_space<hbm>>
      tpu.enqueue_dma source(%dma_start3A_253 : memref<1x32xf32, #tpu.memory_space<hbm>>) target(%dma_start3A_251 : memref<1x32xf32, #tpu.memory_space<vmem>>) target_semaphore(%arg11 : memref<!tpu.dma_semaphore, #tpu.memory_space<semaphore_mem>>)
      %slice3A_254 = vector.extract_strided_slice %get3A_160 {offsets = [6], sizes = [1], strides = [1]} : vector<16xi32> to vector<1xi32>
      %squeeze3A_255 = vector.extract %slice3A_254[0] : i32 from vector<1xi32>
      %mul3A_256 = arith.constant 16 : i32
      %mul3A_257 = arith.muli %scan3A_153, %mul3A_256 : i32
      %add3A_258 = arith.constant 256 : i32
      %add3A_259 = arith.addi %add3A_258, %mul3A_257 : i32
      %add3A_260 = arith.constant 6 : i32
      %add3A_261 = arith.addi %add3A_259, %add3A_260 : i32
      %dma_start3A_262 = arith.constant 0 : i32
      %dma_start3A_263 = tpu.memref_slice %arg6[%add3A_261, %dma_start3A_262] : memref<512x32xf32, #tpu.memory_space<vmem>> -> memref<1x32xf32, #tpu.memory_space<vmem>>
      %dma_start3A_264 = arith.constant 0 : i32
      %dma_start3A_265 = tpu.memref_slice %arg2[%squeeze3A_255, %dma_start3A_264] : memref<1000000x32xf32, #tpu.memory_space<hbm>> -> memref<1x32xf32, #tpu.memory_space<hbm>>
      %dma_start3A_266 = arith.constant 0 : i32
      %dma_start3A_267 = tpu.memref_slice %arg6[%add3A_261, %dma_start3A_266] : memref<512x32xf32, #tpu.memory_space<vmem>> -> memref<1x32xf32, #tpu.memory_space<vmem>>
      %dma_start3A_268 = arith.constant 0 : i32
      %dma_start3A_269 = tpu.memref_slice %arg2[%squeeze3A_255, %dma_start3A_268] : memref<1000000x32xf32, #tpu.memory_space<hbm>> -> memref<1x32xf32, #tpu.memory_space<hbm>>
      tpu.enqueue_dma source(%dma_start3A_269 : memref<1x32xf32, #tpu.memory_space<hbm>>) target(%dma_start3A_267 : memref<1x32xf32, #tpu.memory_space<vmem>>) target_semaphore(%arg11 : memref<!tpu.dma_semaphore, #tpu.memory_space<semaphore_mem>>)
      %slice3A_270 = vector.extract_strided_slice %get3A_160 {offsets = [7], sizes = [1], strides = [1]} : vector<16xi32> to vector<1xi32>
      %squeeze3A_271 = vector.extract %slice3A_270[0] : i32 from vector<1xi32>
      %mul3A_272 = arith.constant 16 : i32
      %mul3A_273 = arith.muli %scan3A_153, %mul3A_272 : i32
      %add3A_274 = arith.constant 256 : i32
      %add3A_275 = arith.addi %add3A_274, %mul3A_273 : i32
      %add3A_276 = arith.constant 7 : i32
      %add3A_277 = arith.addi %add3A_275, %add3A_276 : i32
      %dma_start3A_278 = arith.constant 0 : i32
      %dma_start3A_279 = tpu.memref_slice %arg6[%add3A_277, %dma_start3A_278] : memref<512x32xf32, #tpu.memory_space<vmem>> -> memref<1x32xf32, #tpu.memory_space<vmem>>
      %dma_start3A_280 = arith.constant 0 : i32
      %dma_start3A_281 = tpu.memref_slice %arg2[%squeeze3A_271, %dma_start3A_280] : memref<1000000x32xf32, #tpu.memory_space<hbm>> -> memref<1x32xf32, #tpu.memory_space<hbm>>
      %dma_start3A_282 = arith.constant 0 : i32
      %dma_start3A_283 = tpu.memref_slice %arg6[%add3A_277, %dma_start3A_282] : memref<512x32xf32, #tpu.memory_space<vmem>> -> memref<1x32xf32, #tpu.memory_space<vmem>>
      %dma_start3A_284 = arith.constant 0 : i32
      %dma_start3A_285 = tpu.memref_slice %arg2[%squeeze3A_271, %dma_start3A_284] : memref<1000000x32xf32, #tpu.memory_space<hbm>> -> memref<1x32xf32, #tpu.memory_space<hbm>>
      tpu.enqueue_dma source(%dma_start3A_285 : memref<1x32xf32, #tpu.memory_space<hbm>>) target(%dma_start3A_283 : memref<1x32xf32, #tpu.memory_space<vmem>>) target_semaphore(%arg11 : memref<!tpu.dma_semaphore, #tpu.memory_space<semaphore_mem>>)
      %slice3A_286 = vector.extract_strided_slice %get3A_160 {offsets = [8], sizes = [1], strides = [1]} : vector<16xi32> to vector<1xi32>
      %squeeze3A_287 = vector.extract %slice3A_286[0] : i32 from vector<1xi32>
      %mul3A_288 = arith.constant 16 : i32
      %mul3A_289 = arith.muli %scan3A_153, %mul3A_288 : i32
      %add3A_290 = arith.constant 256 : i32
      %add3A_291 = arith.addi %add3A_290, %mul3A_289 : i32
      %add3A_292 = arith.constant 8 : i32
      %add3A_293 = arith.addi %add3A_291, %add3A_292 : i32
      %dma_start3A_294 = arith.constant 0 : i32
      %dma_start3A_295 = tpu.memref_slice %arg6[%add3A_293, %dma_start3A_294] : memref<512x32xf32, #tpu.memory_space<vmem>> -> memref<1x32xf32, #tpu.memory_space<vmem>>
      %dma_start3A_296 = arith.constant 0 : i32
      %dma_start3A_297 = tpu.memref_slice %arg2[%squeeze3A_287, %dma_start3A_296] : memref<1000000x32xf32, #tpu.memory_space<hbm>> -> memref<1x32xf32, #tpu.memory_space<hbm>>
      %dma_start3A_298 = arith.constant 0 : i32
      %dma_start3A_299 = tpu.memref_slice %arg6[%add3A_293, %dma_start3A_298] : memref<512x32xf32, #tpu.memory_space<vmem>> -> memref<1x32xf32, #tpu.memory_space<vmem>>
      %dma_start3A_300 = arith.constant 0 : i32
      %dma_start3A_301 = tpu.memref_slice %arg2[%squeeze3A_287, %dma_start3A_300] : memref<1000000x32xf32, #tpu.memory_space<hbm>> -> memref<1x32xf32, #tpu.memory_space<hbm>>
      tpu.enqueue_dma source(%dma_start3A_301 : memref<1x32xf32, #tpu.memory_space<hbm>>) target(%dma_start3A_299 : memref<1x32xf32, #tpu.memory_space<vmem>>) target_semaphore(%arg11 : memref<!tpu.dma_semaphore, #tpu.memory_space<semaphore_mem>>)
      %slice3A_302 = vector.extract_strided_slice %get3A_160 {offsets = [9], sizes = [1], strides = [1]} : vector<16xi32> to vector<1xi32>
      %squeeze3A_303 = vector.extract %slice3A_302[0] : i32 from vector<1xi32>
      %mul3A_304 = arith.constant 16 : i32
      %mul3A_305 = arith.muli %scan3A_153, %mul3A_304 : i32
      %add3A_306 = arith.constant 256 : i32
      %add3A_307 = arith.addi %add3A_306, %mul3A_305 : i32
      %add3A_308 = arith.constant 9 : i32
      %add3A_309 = arith.addi %add3A_307, %add3A_308 : i32
      %dma_start3A_310 = arith.constant 0 : i32
      %dma_start3A_311 = tpu.memref_slice %arg6[%add3A_309, %dma_start3A_310] : memref<512x32xf32, #tpu.memory_space<vmem>> -> memref<1x32xf32, #tpu.memory_space<vmem>>
      %dma_start3A_312 = arith.constant 0 : i32
      %dma_start3A_313 = tpu.memref_slice %arg2[%squeeze3A_303, %dma_start3A_312] : memref<1000000x32xf32, #tpu.memory_space<hbm>> -> memref<1x32xf32, #tpu.memory_space<hbm>>
      %dma_start3A_314 = arith.constant 0 : i32
      %dma_start3A_315 = tpu.memref_slice %arg6[%add3A_309, %dma_start3A_314] : memref<512x32xf32, #tpu.memory_space<vmem>> -> memref<1x32xf32, #tpu.memory_space<vmem>>
      %dma_start3A_316 = arith.constant 0 : i32
      %dma_start3A_317 = tpu.memref_slice %arg2[%squeeze3A_303, %dma_start3A_316] : memref<1000000x32xf32, #tpu.memory_space<hbm>> -> memref<1x32xf32, #tpu.memory_space<hbm>>
      tpu.enqueue_dma source(%dma_start3A_317 : memref<1x32xf32, #tpu.memory_space<hbm>>) target(%dma_start3A_315 : memref<1x32xf32, #tpu.memory_space<vmem>>) target_semaphore(%arg11 : memref<!tpu.dma_semaphore, #tpu.memory_space<semaphore_mem>>)
      %slice3A_318 = vector.extract_strided_slice %get3A_160 {offsets = [10], sizes = [1], strides = [1]} : vector<16xi32> to vector<1xi32>
      %squeeze3A_319 = vector.extract %slice3A_318[0] : i32 from vector<1xi32>
      %mul3A_320 = arith.constant 16 : i32
      %mul3A_321 = arith.muli %scan3A_153, %mul3A_320 : i32
      %add3A_322 = arith.constant 256 : i32
      %add3A_323 = arith.addi %add3A_322, %mul3A_321 : i32
      %add3A_324 = arith.constant 10 : i32
      %add3A_325 = arith.addi %add3A_323, %add3A_324 : i32
      %dma_start3A_326 = arith.constant 0 : i32
      %dma_start3A_327 = tpu.memref_slice %arg6[%add3A_325, %dma_start3A_326] : memref<512x32xf32, #tpu.memory_space<vmem>> -> memref<1x32xf32, #tpu.memory_space<vmem>>
      %dma_start3A_328 = arith.constant 0 : i32
      %dma_start3A_329 = tpu.memref_slice %arg2[%squeeze3A_319, %dma_start3A_328] : memref<1000000x32xf32, #tpu.memory_space<hbm>> -> memref<1x32xf32, #tpu.memory_space<hbm>>
      %dma_start3A_330 = arith.constant 0 : i32
      %dma_start3A_331 = tpu.memref_slice %arg6[%add3A_325, %dma_start3A_330] : memref<512x32xf32, #tpu.memory_space<vmem>> -> memref<1x32xf32, #tpu.memory_space<vmem>>
      %dma_start3A_332 = arith.constant 0 : i32
      %dma_start3A_333 = tpu.memref_slice %arg2[%squeeze3A_319, %dma_start3A_332] : memref<1000000x32xf32, #tpu.memory_space<hbm>> -> memref<1x32xf32, #tpu.memory_space<hbm>>
      tpu.enqueue_dma source(%dma_start3A_333 : memref<1x32xf32, #tpu.memory_space<hbm>>) target(%dma_start3A_331 : memref<1x32xf32, #tpu.memory_space<vmem>>) target_semaphore(%arg11 : memref<!tpu.dma_semaphore, #tpu.memory_space<semaphore_mem>>)
      %slice3A_334 = vector.extract_strided_slice %get3A_160 {offsets = [11], sizes = [1], strides = [1]} : vector<16xi32> to vector<1xi32>
      %squeeze3A_335 = vector.extract %slice3A_334[0] : i32 from vector<1xi32>
      %mul3A_336 = arith.constant 16 : i32
      %mul3A_337 = arith.muli %scan3A_153, %mul3A_336 : i32
      %add3A_338 = arith.constant 256 : i32
      %add3A_339 = arith.addi %add3A_338, %mul3A_337 : i32
      %add3A_340 = arith.constant 11 : i32
      %add3A_341 = arith.addi %add3A_339, %add3A_340 : i32
      %dma_start3A_342 = arith.constant 0 : i32
      %dma_start3A_343 = tpu.memref_slice %arg6[%add3A_341, %dma_start3A_342] : memref<512x32xf32, #tpu.memory_space<vmem>> -> memref<1x32xf32, #tpu.memory_space<vmem>>
      %dma_start3A_344 = arith.constant 0 : i32
      %dma_start3A_345 = tpu.memref_slice %arg2[%squeeze3A_335, %dma_start3A_344] : memref<1000000x32xf32, #tpu.memory_space<hbm>> -> memref<1x32xf32, #tpu.memory_space<hbm>>
      %dma_start3A_346 = arith.constant 0 : i32
      %dma_start3A_347 = tpu.memref_slice %arg6[%add3A_341, %dma_start3A_346] : memref<512x32xf32, #tpu.memory_space<vmem>> -> memref<1x32xf32, #tpu.memory_space<vmem>>
      %dma_start3A_348 = arith.constant 0 : i32
      %dma_start3A_349 = tpu.memref_slice %arg2[%squeeze3A_335, %dma_start3A_348] : memref<1000000x32xf32, #tpu.memory_space<hbm>> -> memref<1x32xf32, #tpu.memory_space<hbm>>
      tpu.enqueue_dma source(%dma_start3A_349 : memref<1x32xf32, #tpu.memory_space<hbm>>) target(%dma_start3A_347 : memref<1x32xf32, #tpu.memory_space<vmem>>) target_semaphore(%arg11 : memref<!tpu.dma_semaphore, #tpu.memory_space<semaphore_mem>>)
      %slice3A_350 = vector.extract_strided_slice %get3A_160 {offsets = [12], sizes = [1], strides = [1]} : vector<16xi32> to vector<1xi32>
      %squeeze3A_351 = vector.extract %slice3A_350[0] : i32 from vector<1xi32>
      %mul3A_352 = arith.constant 16 : i32
      %mul3A_353 = arith.muli %scan3A_153, %mul3A_352 : i32
      %add3A_354 = arith.constant 256 : i32
      %add3A_355 = arith.addi %add3A_354, %mul3A_353 : i32
      %add3A_356 = arith.constant 12 : i32
      %add3A_357 = arith.addi %add3A_355, %add3A_356 : i32
      %dma_start3A_358 = arith.constant 0 : i32
      %dma_start3A_359 = tpu.memref_slice %arg6[%add3A_357, %dma_start3A_358] : memref<512x32xf32, #tpu.memory_space<vmem>> -> memref<1x32xf32, #tpu.memory_space<vmem>>
      %dma_start3A_360 = arith.constant 0 : i32
      %dma_start3A_361 = tpu.memref_slice %arg2[%squeeze3A_351, %dma_start3A_360] : memref<1000000x32xf32, #tpu.memory_space<hbm>> -> memref<1x32xf32, #tpu.memory_space<hbm>>
      %dma_start3A_362 = arith.constant 0 : i32
      %dma_start3A_363 = tpu.memref_slice %arg6[%add3A_357, %dma_start3A_362] : memref<512x32xf32, #tpu.memory_space<vmem>> -> memref<1x32xf32, #tpu.memory_space<vmem>>
      %dma_start3A_364 = arith.constant 0 : i32
      %dma_start3A_365 = tpu.memref_slice %arg2[%squeeze3A_351, %dma_start3A_364] : memref<1000000x32xf32, #tpu.memory_space<hbm>> -> memref<1x32xf32, #tpu.memory_space<hbm>>
      tpu.enqueue_dma source(%dma_start3A_365 : memref<1x32xf32, #tpu.memory_space<hbm>>) target(%dma_start3A_363 : memref<1x32xf32, #tpu.memory_space<vmem>>) target_semaphore(%arg11 : memref<!tpu.dma_semaphore, #tpu.memory_space<semaphore_mem>>)
      %slice3A_366 = vector.extract_strided_slice %get3A_160 {offsets = [13], sizes = [1], strides = [1]} : vector<16xi32> to vector<1xi32>
      %squeeze3A_367 = vector.extract %slice3A_366[0] : i32 from vector<1xi32>
      %mul3A_368 = arith.constant 16 : i32
      %mul3A_369 = arith.muli %scan3A_153, %mul3A_368 : i32
      %add3A_370 = arith.constant 256 : i32
      %add3A_371 = arith.addi %add3A_370, %mul3A_369 : i32
      %add3A_372 = arith.constant 13 : i32
      %add3A_373 = arith.addi %add3A_371, %add3A_372 : i32
      %dma_start3A_374 = arith.constant 0 : i32
      %dma_start3A_375 = tpu.memref_slice %arg6[%add3A_373, %dma_start3A_374] : memref<512x32xf32, #tpu.memory_space<vmem>> -> memref<1x32xf32, #tpu.memory_space<vmem>>
      %dma_start3A_376 = arith.constant 0 : i32
      %dma_start3A_377 = tpu.memref_slice %arg2[%squeeze3A_367, %dma_start3A_376] : memref<1000000x32xf32, #tpu.memory_space<hbm>> -> memref<1x32xf32, #tpu.memory_space<hbm>>
      %dma_start3A_378 = arith.constant 0 : i32
      %dma_start3A_379 = tpu.memref_slice %arg6[%add3A_373, %dma_start3A_378] : memref<512x32xf32, #tpu.memory_space<vmem>> -> memref<1x32xf32, #tpu.memory_space<vmem>>
      %dma_start3A_380 = arith.constant 0 : i32
      %dma_start3A_381 = tpu.memref_slice %arg2[%squeeze3A_367, %dma_start3A_380] : memref<1000000x32xf32, #tpu.memory_space<hbm>> -> memref<1x32xf32, #tpu.memory_space<hbm>>
      tpu.enqueue_dma source(%dma_start3A_381 : memref<1x32xf32, #tpu.memory_space<hbm>>) target(%dma_start3A_379 : memref<1x32xf32, #tpu.memory_space<vmem>>) target_semaphore(%arg11 : memref<!tpu.dma_semaphore, #tpu.memory_space<semaphore_mem>>)
      %slice3A_382 = vector.extract_strided_slice %get3A_160 {offsets = [14], sizes = [1], strides = [1]} : vector<16xi32> to vector<1xi32>
      %squeeze3A_383 = vector.extract %slice3A_382[0] : i32 from vector<1xi32>
      %mul3A_384 = arith.constant 16 : i32
      %mul3A_385 = arith.muli %scan3A_153, %mul3A_384 : i32
      %add3A_386 = arith.constant 256 : i32
      %add3A_387 = arith.addi %add3A_386, %mul3A_385 : i32
      %add3A_388 = arith.constant 14 : i32
      %add3A_389 = arith.addi %add3A_387, %add3A_388 : i32
      %dma_start3A_390 = arith.constant 0 : i32
      %dma_start3A_391 = tpu.memref_slice %arg6[%add3A_389, %dma_start3A_390] : memref<512x32xf32, #tpu.memory_space<vmem>> -> memref<1x32xf32, #tpu.memory_space<vmem>>
      %dma_start3A_392 = arith.constant 0 : i32
      %dma_start3A_393 = tpu.memref_slice %arg2[%squeeze3A_383, %dma_start3A_392] : memref<1000000x32xf32, #tpu.memory_space<hbm>> -> memref<1x32xf32, #tpu.memory_space<hbm>>
      %dma_start3A_394 = arith.constant 0 : i32
      %dma_start3A_395 = tpu.memref_slice %arg6[%add3A_389, %dma_start3A_394] : memref<512x32xf32, #tpu.memory_space<vmem>> -> memref<1x32xf32, #tpu.memory_space<vmem>>
      %dma_start3A_396 = arith.constant 0 : i32
      %dma_start3A_397 = tpu.memref_slice %arg2[%squeeze3A_383, %dma_start3A_396] : memref<1000000x32xf32, #tpu.memory_space<hbm>> -> memref<1x32xf32, #tpu.memory_space<hbm>>
      tpu.enqueue_dma source(%dma_start3A_397 : memref<1x32xf32, #tpu.memory_space<hbm>>) target(%dma_start3A_395 : memref<1x32xf32, #tpu.memory_space<vmem>>) target_semaphore(%arg11 : memref<!tpu.dma_semaphore, #tpu.memory_space<semaphore_mem>>)
      %slice3A_398 = vector.extract_strided_slice %get3A_160 {offsets = [15], sizes = [1], strides = [1]} : vector<16xi32> to vector<1xi32>
      %squeeze3A_399 = vector.extract %slice3A_398[0] : i32 from vector<1xi32>
      %mul3A_400 = arith.constant 16 : i32
      %mul3A_401 = arith.muli %scan3A_153, %mul3A_400 : i32
      %add3A_402 = arith.constant 256 : i32
      %add3A_403 = arith.addi %add3A_402, %mul3A_401 : i32
      %add3A_404 = arith.constant 15 : i32
      %add3A_405 = arith.addi %add3A_403, %add3A_404 : i32
      %dma_start3A_406 = arith.constant 0 : i32
      %dma_start3A_407 = tpu.memref_slice %arg6[%add3A_405, %dma_start3A_406] : memref<512x32xf32, #tpu.memory_space<vmem>> -> memref<1x32xf32, #tpu.memory_space<vmem>>
      %dma_start3A_408 = arith.constant 0 : i32
      %dma_start3A_409 = tpu.memref_slice %arg2[%squeeze3A_399, %dma_start3A_408] : memref<1000000x32xf32, #tpu.memory_space<hbm>> -> memref<1x32xf32, #tpu.memory_space<hbm>>
      %dma_start3A_410 = arith.constant 0 : i32
      %dma_start3A_411 = tpu.memref_slice %arg6[%add3A_405, %dma_start3A_410] : memref<512x32xf32, #tpu.memory_space<vmem>> -> memref<1x32xf32, #tpu.memory_space<vmem>>
      %dma_start3A_412 = arith.constant 0 : i32
      %dma_start3A_413 = tpu.memref_slice %arg2[%squeeze3A_399, %dma_start3A_412] : memref<1000000x32xf32, #tpu.memory_space<hbm>> -> memref<1x32xf32, #tpu.memory_space<hbm>>
      tpu.enqueue_dma source(%dma_start3A_413 : memref<1x32xf32, #tpu.memory_space<hbm>>) target(%dma_start3A_411 : memref<1x32xf32, #tpu.memory_space<vmem>>) target_semaphore(%arg11 : memref<!tpu.dma_semaphore, #tpu.memory_space<semaphore_mem>>)
      %scan3A_414 = arith.constant 0 : i32
      scf.yield %scan3A_414 : i32
    }
    %scan3A_36 = arith.constant 4 : i32
    %scan3A_37 = arith.constant 0 : i32
    %scan3A_38 = arith.constant 0 : i32
    %scan3A_39 = arith.constant 4 : i32
    %scan3A_40 = arith.addi %scan3A_38, %scan3A_39 : i32
    %scan3A_41 = arith.constant 1 : i32
    %scan3A_42 = scf.for %scan3A_153 = %scan3A_38 to %scan3A_40 step %scan3A_41 iter_args(%scan3A_154 = %scan3A_37) -> (i32)  : i32 {
      %mul3A_155 = arith.constant 16 : i32
      %mul3A_156 = arith.muli %scan3A_153, %mul3A_155 : i32
      %add3A_157 = arith.constant 320 : i32
      %add3A_158 = arith.addi %add3A_157, %mul3A_156 : i32
      %get3A = arith.index_cast %add3A_158 : i32 to index
      %get3A_159 = tpu.vector_load %arg5[%get3A] {strides = array<i32>} : memref<512xi32, #tpu.memory_space<vmem>>, vector<16xi32>,
      %get3A_160 = vector.shape_cast %get3A_159 : vector<16xi32> to vector<16xi32>
      %slice3A = vector.extract_strided_slice %get3A_160 {offsets = [0], sizes = [1], strides = [1]} : vector<16xi32> to vector<1xi32>
      %squeeze3A = vector.extract %slice3A[0] : i32 from vector<1xi32>
      %mul3A_161 = arith.constant 16 : i32
      %mul3A_162 = arith.muli %scan3A_153, %mul3A_161 : i32
      %add3A_163 = arith.constant 320 : i32
      %add3A_164 = arith.addi %add3A_163, %mul3A_162 : i32
      %add3A_165 = arith.constant 0 : i32
      %add3A_166 = arith.addi %add3A_164, %add3A_165 : i32
      %dma_start3A = arith.constant 0 : i32
      %dma_start3A_167 = tpu.memref_slice %arg6[%add3A_166, %dma_start3A] : memref<512x32xf32, #tpu.memory_space<vmem>> -> memref<1x32xf32, #tpu.memory_space<vmem>>
      %dma_start3A_168 = arith.constant 0 : i32
      %dma_start3A_169 = tpu.memref_slice %arg2[%squeeze3A, %dma_start3A_168] : memref<1000000x32xf32, #tpu.memory_space<hbm>> -> memref<1x32xf32, #tpu.memory_space<hbm>>
      %dma_start3A_170 = arith.constant 0 : i32
      %dma_start3A_171 = tpu.memref_slice %arg6[%add3A_166, %dma_start3A_170] : memref<512x32xf32, #tpu.memory_space<vmem>> -> memref<1x32xf32, #tpu.memory_space<vmem>>
      %dma_start3A_172 = arith.constant 0 : i32
      %dma_start3A_173 = tpu.memref_slice %arg2[%squeeze3A, %dma_start3A_172] : memref<1000000x32xf32, #tpu.memory_space<hbm>> -> memref<1x32xf32, #tpu.memory_space<hbm>>
      tpu.enqueue_dma source(%dma_start3A_173 : memref<1x32xf32, #tpu.memory_space<hbm>>) target(%dma_start3A_171 : memref<1x32xf32, #tpu.memory_space<vmem>>) target_semaphore(%arg12 : memref<!tpu.dma_semaphore, #tpu.memory_space<semaphore_mem>>)
      %slice3A_174 = vector.extract_strided_slice %get3A_160 {offsets = [1], sizes = [1], strides = [1]} : vector<16xi32> to vector<1xi32>
      %squeeze3A_175 = vector.extract %slice3A_174[0] : i32 from vector<1xi32>
      %mul3A_176 = arith.constant 16 : i32
      %mul3A_177 = arith.muli %scan3A_153, %mul3A_176 : i32
      %add3A_178 = arith.constant 320 : i32
      %add3A_179 = arith.addi %add3A_178, %mul3A_177 : i32
      %add3A_180 = arith.constant 1 : i32
      %add3A_181 = arith.addi %add3A_179, %add3A_180 : i32
      %dma_start3A_182 = arith.constant 0 : i32
      %dma_start3A_183 = tpu.memref_slice %arg6[%add3A_181, %dma_start3A_182] : memref<512x32xf32, #tpu.memory_space<vmem>> -> memref<1x32xf32, #tpu.memory_space<vmem>>
      %dma_start3A_184 = arith.constant 0 : i32
      %dma_start3A_185 = tpu.memref_slice %arg2[%squeeze3A_175, %dma_start3A_184] : memref<1000000x32xf32, #tpu.memory_space<hbm>> -> memref<1x32xf32, #tpu.memory_space<hbm>>
      %dma_start3A_186 = arith.constant 0 : i32
      %dma_start3A_187 = tpu.memref_slice %arg6[%add3A_181, %dma_start3A_186] : memref<512x32xf32, #tpu.memory_space<vmem>> -> memref<1x32xf32, #tpu.memory_space<vmem>>
      %dma_start3A_188 = arith.constant 0 : i32
      %dma_start3A_189 = tpu.memref_slice %arg2[%squeeze3A_175, %dma_start3A_188] : memref<1000000x32xf32, #tpu.memory_space<hbm>> -> memref<1x32xf32, #tpu.memory_space<hbm>>
      tpu.enqueue_dma source(%dma_start3A_189 : memref<1x32xf32, #tpu.memory_space<hbm>>) target(%dma_start3A_187 : memref<1x32xf32, #tpu.memory_space<vmem>>) target_semaphore(%arg12 : memref<!tpu.dma_semaphore, #tpu.memory_space<semaphore_mem>>)
      %slice3A_190 = vector.extract_strided_slice %get3A_160 {offsets = [2], sizes = [1], strides = [1]} : vector<16xi32> to vector<1xi32>
      %squeeze3A_191 = vector.extract %slice3A_190[0] : i32 from vector<1xi32>
      %mul3A_192 = arith.constant 16 : i32
      %mul3A_193 = arith.muli %scan3A_153, %mul3A_192 : i32
      %add3A_194 = arith.constant 320 : i32
      %add3A_195 = arith.addi %add3A_194, %mul3A_193 : i32
      %add3A_196 = arith.constant 2 : i32
      %add3A_197 = arith.addi %add3A_195, %add3A_196 : i32
      %dma_start3A_198 = arith.constant 0 : i32
      %dma_start3A_199 = tpu.memref_slice %arg6[%add3A_197, %dma_start3A_198] : memref<512x32xf32, #tpu.memory_space<vmem>> -> memref<1x32xf32, #tpu.memory_space<vmem>>
      %dma_start3A_200 = arith.constant 0 : i32
      %dma_start3A_201 = tpu.memref_slice %arg2[%squeeze3A_191, %dma_start3A_200] : memref<1000000x32xf32, #tpu.memory_space<hbm>> -> memref<1x32xf32, #tpu.memory_space<hbm>>
      %dma_start3A_202 = arith.constant 0 : i32
      %dma_start3A_203 = tpu.memref_slice %arg6[%add3A_197, %dma_start3A_202] : memref<512x32xf32, #tpu.memory_space<vmem>> -> memref<1x32xf32, #tpu.memory_space<vmem>>
      %dma_start3A_204 = arith.constant 0 : i32
      %dma_start3A_205 = tpu.memref_slice %arg2[%squeeze3A_191, %dma_start3A_204] : memref<1000000x32xf32, #tpu.memory_space<hbm>> -> memref<1x32xf32, #tpu.memory_space<hbm>>
      tpu.enqueue_dma source(%dma_start3A_205 : memref<1x32xf32, #tpu.memory_space<hbm>>) target(%dma_start3A_203 : memref<1x32xf32, #tpu.memory_space<vmem>>) target_semaphore(%arg12 : memref<!tpu.dma_semaphore, #tpu.memory_space<semaphore_mem>>)
      %slice3A_206 = vector.extract_strided_slice %get3A_160 {offsets = [3], sizes = [1], strides = [1]} : vector<16xi32> to vector<1xi32>
      %squeeze3A_207 = vector.extract %slice3A_206[0] : i32 from vector<1xi32>
      %mul3A_208 = arith.constant 16 : i32
      %mul3A_209 = arith.muli %scan3A_153, %mul3A_208 : i32
      %add3A_210 = arith.constant 320 : i32
      %add3A_211 = arith.addi %add3A_210, %mul3A_209 : i32
      %add3A_212 = arith.constant 3 : i32
      %add3A_213 = arith.addi %add3A_211, %add3A_212 : i32
      %dma_start3A_214 = arith.constant 0 : i32
      %dma_start3A_215 = tpu.memref_slice %arg6[%add3A_213, %dma_start3A_214] : memref<512x32xf32, #tpu.memory_space<vmem>> -> memref<1x32xf32, #tpu.memory_space<vmem>>
      %dma_start3A_216 = arith.constant 0 : i32
      %dma_start3A_217 = tpu.memref_slice %arg2[%squeeze3A_207, %dma_start3A_216] : memref<1000000x32xf32, #tpu.memory_space<hbm>> -> memref<1x32xf32, #tpu.memory_space<hbm>>
      %dma_start3A_218 = arith.constant 0 : i32
      %dma_start3A_219 = tpu.memref_slice %arg6[%add3A_213, %dma_start3A_218] : memref<512x32xf32, #tpu.memory_space<vmem>> -> memref<1x32xf32, #tpu.memory_space<vmem>>
      %dma_start3A_220 = arith.constant 0 : i32
      %dma_start3A_221 = tpu.memref_slice %arg2[%squeeze3A_207, %dma_start3A_220] : memref<1000000x32xf32, #tpu.memory_space<hbm>> -> memref<1x32xf32, #tpu.memory_space<hbm>>
      tpu.enqueue_dma source(%dma_start3A_221 : memref<1x32xf32, #tpu.memory_space<hbm>>) target(%dma_start3A_219 : memref<1x32xf32, #tpu.memory_space<vmem>>) target_semaphore(%arg12 : memref<!tpu.dma_semaphore, #tpu.memory_space<semaphore_mem>>)
      %slice3A_222 = vector.extract_strided_slice %get3A_160 {offsets = [4], sizes = [1], strides = [1]} : vector<16xi32> to vector<1xi32>
      %squeeze3A_223 = vector.extract %slice3A_222[0] : i32 from vector<1xi32>
      %mul3A_224 = arith.constant 16 : i32
      %mul3A_225 = arith.muli %scan3A_153, %mul3A_224 : i32
      %add3A_226 = arith.constant 320 : i32
      %add3A_227 = arith.addi %add3A_226, %mul3A_225 : i32
      %add3A_228 = arith.constant 4 : i32
      %add3A_229 = arith.addi %add3A_227, %add3A_228 : i32
      %dma_start3A_230 = arith.constant 0 : i32
      %dma_start3A_231 = tpu.memref_slice %arg6[%add3A_229, %dma_start3A_230] : memref<512x32xf32, #tpu.memory_space<vmem>> -> memref<1x32xf32, #tpu.memory_space<vmem>>
      %dma_start3A_232 = arith.constant 0 : i32
      %dma_start3A_233 = tpu.memref_slice %arg2[%squeeze3A_223, %dma_start3A_232] : memref<1000000x32xf32, #tpu.memory_space<hbm>> -> memref<1x32xf32, #tpu.memory_space<hbm>>
      %dma_start3A_234 = arith.constant 0 : i32
      %dma_start3A_235 = tpu.memref_slice %arg6[%add3A_229, %dma_start3A_234] : memref<512x32xf32, #tpu.memory_space<vmem>> -> memref<1x32xf32, #tpu.memory_space<vmem>>
      %dma_start3A_236 = arith.constant 0 : i32
      %dma_start3A_237 = tpu.memref_slice %arg2[%squeeze3A_223, %dma_start3A_236] : memref<1000000x32xf32, #tpu.memory_space<hbm>> -> memref<1x32xf32, #tpu.memory_space<hbm>>
      tpu.enqueue_dma source(%dma_start3A_237 : memref<1x32xf32, #tpu.memory_space<hbm>>) target(%dma_start3A_235 : memref<1x32xf32, #tpu.memory_space<vmem>>) target_semaphore(%arg12 : memref<!tpu.dma_semaphore, #tpu.memory_space<semaphore_mem>>)
      %slice3A_238 = vector.extract_strided_slice %get3A_160 {offsets = [5], sizes = [1], strides = [1]} : vector<16xi32> to vector<1xi32>
      %squeeze3A_239 = vector.extract %slice3A_238[0] : i32 from vector<1xi32>
      %mul3A_240 = arith.constant 16 : i32
      %mul3A_241 = arith.muli %scan3A_153, %mul3A_240 : i32
      %add3A_242 = arith.constant 320 : i32
      %add3A_243 = arith.addi %add3A_242, %mul3A_241 : i32
      %add3A_244 = arith.constant 5 : i32
      %add3A_245 = arith.addi %add3A_243, %add3A_244 : i32
      %dma_start3A_246 = arith.constant 0 : i32
      %dma_start3A_247 = tpu.memref_slice %arg6[%add3A_245, %dma_start3A_246] : memref<512x32xf32, #tpu.memory_space<vmem>> -> memref<1x32xf32, #tpu.memory_space<vmem>>
      %dma_start3A_248 = arith.constant 0 : i32
      %dma_start3A_249 = tpu.memref_slice %arg2[%squeeze3A_239, %dma_start3A_248] : memref<1000000x32xf32, #tpu.memory_space<hbm>> -> memref<1x32xf32, #tpu.memory_space<hbm>>
      %dma_start3A_250 = arith.constant 0 : i32
      %dma_start3A_251 = tpu.memref_slice %arg6[%add3A_245, %dma_start3A_250] : memref<512x32xf32, #tpu.memory_space<vmem>> -> memref<1x32xf32, #tpu.memory_space<vmem>>
      %dma_start3A_252 = arith.constant 0 : i32
      %dma_start3A_253 = tpu.memref_slice %arg2[%squeeze3A_239, %dma_start3A_252] : memref<1000000x32xf32, #tpu.memory_space<hbm>> -> memref<1x32xf32, #tpu.memory_space<hbm>>
      tpu.enqueue_dma source(%dma_start3A_253 : memref<1x32xf32, #tpu.memory_space<hbm>>) target(%dma_start3A_251 : memref<1x32xf32, #tpu.memory_space<vmem>>) target_semaphore(%arg12 : memref<!tpu.dma_semaphore, #tpu.memory_space<semaphore_mem>>)
      %slice3A_254 = vector.extract_strided_slice %get3A_160 {offsets = [6], sizes = [1], strides = [1]} : vector<16xi32> to vector<1xi32>
      %squeeze3A_255 = vector.extract %slice3A_254[0] : i32 from vector<1xi32>
      %mul3A_256 = arith.constant 16 : i32
      %mul3A_257 = arith.muli %scan3A_153, %mul3A_256 : i32
      %add3A_258 = arith.constant 320 : i32
      %add3A_259 = arith.addi %add3A_258, %mul3A_257 : i32
      %add3A_260 = arith.constant 6 : i32
      %add3A_261 = arith.addi %add3A_259, %add3A_260 : i32
      %dma_start3A_262 = arith.constant 0 : i32
      %dma_start3A_263 = tpu.memref_slice %arg6[%add3A_261, %dma_start3A_262] : memref<512x32xf32, #tpu.memory_space<vmem>> -> memref<1x32xf32, #tpu.memory_space<vmem>>
      %dma_start3A_264 = arith.constant 0 : i32
      %dma_start3A_265 = tpu.memref_slice %arg2[%squeeze3A_255, %dma_start3A_264] : memref<1000000x32xf32, #tpu.memory_space<hbm>> -> memref<1x32xf32, #tpu.memory_space<hbm>>
      %dma_start3A_266 = arith.constant 0 : i32
      %dma_start3A_267 = tpu.memref_slice %arg6[%add3A_261, %dma_start3A_266] : memref<512x32xf32, #tpu.memory_space<vmem>> -> memref<1x32xf32, #tpu.memory_space<vmem>>
      %dma_start3A_268 = arith.constant 0 : i32
      %dma_start3A_269 = tpu.memref_slice %arg2[%squeeze3A_255, %dma_start3A_268] : memref<1000000x32xf32, #tpu.memory_space<hbm>> -> memref<1x32xf32, #tpu.memory_space<hbm>>
      tpu.enqueue_dma source(%dma_start3A_269 : memref<1x32xf32, #tpu.memory_space<hbm>>) target(%dma_start3A_267 : memref<1x32xf32, #tpu.memory_space<vmem>>) target_semaphore(%arg12 : memref<!tpu.dma_semaphore, #tpu.memory_space<semaphore_mem>>)
      %slice3A_270 = vector.extract_strided_slice %get3A_160 {offsets = [7], sizes = [1], strides = [1]} : vector<16xi32> to vector<1xi32>
      %squeeze3A_271 = vector.extract %slice3A_270[0] : i32 from vector<1xi32>
      %mul3A_272 = arith.constant 16 : i32
      %mul3A_273 = arith.muli %scan3A_153, %mul3A_272 : i32
      %add3A_274 = arith.constant 320 : i32
      %add3A_275 = arith.addi %add3A_274, %mul3A_273 : i32
      %add3A_276 = arith.constant 7 : i32
      %add3A_277 = arith.addi %add3A_275, %add3A_276 : i32
      %dma_start3A_278 = arith.constant 0 : i32
      %dma_start3A_279 = tpu.memref_slice %arg6[%add3A_277, %dma_start3A_278] : memref<512x32xf32, #tpu.memory_space<vmem>> -> memref<1x32xf32, #tpu.memory_space<vmem>>
      %dma_start3A_280 = arith.constant 0 : i32
      %dma_start3A_281 = tpu.memref_slice %arg2[%squeeze3A_271, %dma_start3A_280] : memref<1000000x32xf32, #tpu.memory_space<hbm>> -> memref<1x32xf32, #tpu.memory_space<hbm>>
      %dma_start3A_282 = arith.constant 0 : i32
      %dma_start3A_283 = tpu.memref_slice %arg6[%add3A_277, %dma_start3A_282] : memref<512x32xf32, #tpu.memory_space<vmem>> -> memref<1x32xf32, #tpu.memory_space<vmem>>
      %dma_start3A_284 = arith.constant 0 : i32
      %dma_start3A_285 = tpu.memref_slice %arg2[%squeeze3A_271, %dma_start3A_284] : memref<1000000x32xf32, #tpu.memory_space<hbm>> -> memref<1x32xf32, #tpu.memory_space<hbm>>
      tpu.enqueue_dma source(%dma_start3A_285 : memref<1x32xf32, #tpu.memory_space<hbm>>) target(%dma_start3A_283 : memref<1x32xf32, #tpu.memory_space<vmem>>) target_semaphore(%arg12 : memref<!tpu.dma_semaphore, #tpu.memory_space<semaphore_mem>>)
      %slice3A_286 = vector.extract_strided_slice %get3A_160 {offsets = [8], sizes = [1], strides = [1]} : vector<16xi32> to vector<1xi32>
      %squeeze3A_287 = vector.extract %slice3A_286[0] : i32 from vector<1xi32>
      %mul3A_288 = arith.constant 16 : i32
      %mul3A_289 = arith.muli %scan3A_153, %mul3A_288 : i32
      %add3A_290 = arith.constant 320 : i32
      %add3A_291 = arith.addi %add3A_290, %mul3A_289 : i32
      %add3A_292 = arith.constant 8 : i32
      %add3A_293 = arith.addi %add3A_291, %add3A_292 : i32
      %dma_start3A_294 = arith.constant 0 : i32
      %dma_start3A_295 = tpu.memref_slice %arg6[%add3A_293, %dma_start3A_294] : memref<512x32xf32, #tpu.memory_space<vmem>> -> memref<1x32xf32, #tpu.memory_space<vmem>>
      %dma_start3A_296 = arith.constant 0 : i32
      %dma_start3A_297 = tpu.memref_slice %arg2[%squeeze3A_287, %dma_start3A_296] : memref<1000000x32xf32, #tpu.memory_space<hbm>> -> memref<1x32xf32, #tpu.memory_space<hbm>>
      %dma_start3A_298 = arith.constant 0 : i32
      %dma_start3A_299 = tpu.memref_slice %arg6[%add3A_293, %dma_start3A_298] : memref<512x32xf32, #tpu.memory_space<vmem>> -> memref<1x32xf32, #tpu.memory_space<vmem>>
      %dma_start3A_300 = arith.constant 0 : i32
      %dma_start3A_301 = tpu.memref_slice %arg2[%squeeze3A_287, %dma_start3A_300] : memref<1000000x32xf32, #tpu.memory_space<hbm>> -> memref<1x32xf32, #tpu.memory_space<hbm>>
      tpu.enqueue_dma source(%dma_start3A_301 : memref<1x32xf32, #tpu.memory_space<hbm>>) target(%dma_start3A_299 : memref<1x32xf32, #tpu.memory_space<vmem>>) target_semaphore(%arg12 : memref<!tpu.dma_semaphore, #tpu.memory_space<semaphore_mem>>)
      %slice3A_302 = vector.extract_strided_slice %get3A_160 {offsets = [9], sizes = [1], strides = [1]} : vector<16xi32> to vector<1xi32>
      %squeeze3A_303 = vector.extract %slice3A_302[0] : i32 from vector<1xi32>
      %mul3A_304 = arith.constant 16 : i32
      %mul3A_305 = arith.muli %scan3A_153, %mul3A_304 : i32
      %add3A_306 = arith.constant 320 : i32
      %add3A_307 = arith.addi %add3A_306, %mul3A_305 : i32
      %add3A_308 = arith.constant 9 : i32
      %add3A_309 = arith.addi %add3A_307, %add3A_308 : i32
      %dma_start3A_310 = arith.constant 0 : i32
      %dma_start3A_311 = tpu.memref_slice %arg6[%add3A_309, %dma_start3A_310] : memref<512x32xf32, #tpu.memory_space<vmem>> -> memref<1x32xf32, #tpu.memory_space<vmem>>
      %dma_start3A_312 = arith.constant 0 : i32
      %dma_start3A_313 = tpu.memref_slice %arg2[%squeeze3A_303, %dma_start3A_312] : memref<1000000x32xf32, #tpu.memory_space<hbm>> -> memref<1x32xf32, #tpu.memory_space<hbm>>
      %dma_start3A_314 = arith.constant 0 : i32
      %dma_start3A_315 = tpu.memref_slice %arg6[%add3A_309, %dma_start3A_314] : memref<512x32xf32, #tpu.memory_space<vmem>> -> memref<1x32xf32, #tpu.memory_space<vmem>>
      %dma_start3A_316 = arith.constant 0 : i32
      %dma_start3A_317 = tpu.memref_slice %arg2[%squeeze3A_303, %dma_start3A_316] : memref<1000000x32xf32, #tpu.memory_space<hbm>> -> memref<1x32xf32, #tpu.memory_space<hbm>>
      tpu.enqueue_dma source(%dma_start3A_317 : memref<1x32xf32, #tpu.memory_space<hbm>>) target(%dma_start3A_315 : memref<1x32xf32, #tpu.memory_space<vmem>>) target_semaphore(%arg12 : memref<!tpu.dma_semaphore, #tpu.memory_space<semaphore_mem>>)
      %slice3A_318 = vector.extract_strided_slice %get3A_160 {offsets = [10], sizes = [1], strides = [1]} : vector<16xi32> to vector<1xi32>
      %squeeze3A_319 = vector.extract %slice3A_318[0] : i32 from vector<1xi32>
      %mul3A_320 = arith.constant 16 : i32
      %mul3A_321 = arith.muli %scan3A_153, %mul3A_320 : i32
      %add3A_322 = arith.constant 320 : i32
      %add3A_323 = arith.addi %add3A_322, %mul3A_321 : i32
      %add3A_324 = arith.constant 10 : i32
      %add3A_325 = arith.addi %add3A_323, %add3A_324 : i32
      %dma_start3A_326 = arith.constant 0 : i32
      %dma_start3A_327 = tpu.memref_slice %arg6[%add3A_325, %dma_start3A_326] : memref<512x32xf32, #tpu.memory_space<vmem>> -> memref<1x32xf32, #tpu.memory_space<vmem>>
      %dma_start3A_328 = arith.constant 0 : i32
      %dma_start3A_329 = tpu.memref_slice %arg2[%squeeze3A_319, %dma_start3A_328] : memref<1000000x32xf32, #tpu.memory_space<hbm>> -> memref<1x32xf32, #tpu.memory_space<hbm>>
      %dma_start3A_330 = arith.constant 0 : i32
      %dma_start3A_331 = tpu.memref_slice %arg6[%add3A_325, %dma_start3A_330] : memref<512x32xf32, #tpu.memory_space<vmem>> -> memref<1x32xf32, #tpu.memory_space<vmem>>
      %dma_start3A_332 = arith.constant 0 : i32
      %dma_start3A_333 = tpu.memref_slice %arg2[%squeeze3A_319, %dma_start3A_332] : memref<1000000x32xf32, #tpu.memory_space<hbm>> -> memref<1x32xf32, #tpu.memory_space<hbm>>
      tpu.enqueue_dma source(%dma_start3A_333 : memref<1x32xf32, #tpu.memory_space<hbm>>) target(%dma_start3A_331 : memref<1x32xf32, #tpu.memory_space<vmem>>) target_semaphore(%arg12 : memref<!tpu.dma_semaphore, #tpu.memory_space<semaphore_mem>>)
      %slice3A_334 = vector.extract_strided_slice %get3A_160 {offsets = [11], sizes = [1], strides = [1]} : vector<16xi32> to vector<1xi32>
      %squeeze3A_335 = vector.extract %slice3A_334[0] : i32 from vector<1xi32>
      %mul3A_336 = arith.constant 16 : i32
      %mul3A_337 = arith.muli %scan3A_153, %mul3A_336 : i32
      %add3A_338 = arith.constant 320 : i32
      %add3A_339 = arith.addi %add3A_338, %mul3A_337 : i32
      %add3A_340 = arith.constant 11 : i32
      %add3A_341 = arith.addi %add3A_339, %add3A_340 : i32
      %dma_start3A_342 = arith.constant 0 : i32
      %dma_start3A_343 = tpu.memref_slice %arg6[%add3A_341, %dma_start3A_342] : memref<512x32xf32, #tpu.memory_space<vmem>> -> memref<1x32xf32, #tpu.memory_space<vmem>>
      %dma_start3A_344 = arith.constant 0 : i32
      %dma_start3A_345 = tpu.memref_slice %arg2[%squeeze3A_335, %dma_start3A_344] : memref<1000000x32xf32, #tpu.memory_space<hbm>> -> memref<1x32xf32, #tpu.memory_space<hbm>>
      %dma_start3A_346 = arith.constant 0 : i32
      %dma_start3A_347 = tpu.memref_slice %arg6[%add3A_341, %dma_start3A_346] : memref<512x32xf32, #tpu.memory_space<vmem>> -> memref<1x32xf32, #tpu.memory_space<vmem>>
      %dma_start3A_348 = arith.constant 0 : i32
      %dma_start3A_349 = tpu.memref_slice %arg2[%squeeze3A_335, %dma_start3A_348] : memref<1000000x32xf32, #tpu.memory_space<hbm>> -> memref<1x32xf32, #tpu.memory_space<hbm>>
      tpu.enqueue_dma source(%dma_start3A_349 : memref<1x32xf32, #tpu.memory_space<hbm>>) target(%dma_start3A_347 : memref<1x32xf32, #tpu.memory_space<vmem>>) target_semaphore(%arg12 : memref<!tpu.dma_semaphore, #tpu.memory_space<semaphore_mem>>)
      %slice3A_350 = vector.extract_strided_slice %get3A_160 {offsets = [12], sizes = [1], strides = [1]} : vector<16xi32> to vector<1xi32>
      %squeeze3A_351 = vector.extract %slice3A_350[0] : i32 from vector<1xi32>
      %mul3A_352 = arith.constant 16 : i32
      %mul3A_353 = arith.muli %scan3A_153, %mul3A_352 : i32
      %add3A_354 = arith.constant 320 : i32
      %add3A_355 = arith.addi %add3A_354, %mul3A_353 : i32
      %add3A_356 = arith.constant 12 : i32
      %add3A_357 = arith.addi %add3A_355, %add3A_356 : i32
      %dma_start3A_358 = arith.constant 0 : i32
      %dma_start3A_359 = tpu.memref_slice %arg6[%add3A_357, %dma_start3A_358] : memref<512x32xf32, #tpu.memory_space<vmem>> -> memref<1x32xf32, #tpu.memory_space<vmem>>
      %dma_start3A_360 = arith.constant 0 : i32
      %dma_start3A_361 = tpu.memref_slice %arg2[%squeeze3A_351, %dma_start3A_360] : memref<1000000x32xf32, #tpu.memory_space<hbm>> -> memref<1x32xf32, #tpu.memory_space<hbm>>
      %dma_start3A_362 = arith.constant 0 : i32
      %dma_start3A_363 = tpu.memref_slice %arg6[%add3A_357, %dma_start3A_362] : memref<512x32xf32, #tpu.memory_space<vmem>> -> memref<1x32xf32, #tpu.memory_space<vmem>>
      %dma_start3A_364 = arith.constant 0 : i32
      %dma_start3A_365 = tpu.memref_slice %arg2[%squeeze3A_351, %dma_start3A_364] : memref<1000000x32xf32, #tpu.memory_space<hbm>> -> memref<1x32xf32, #tpu.memory_space<hbm>>
      tpu.enqueue_dma source(%dma_start3A_365 : memref<1x32xf32, #tpu.memory_space<hbm>>) target(%dma_start3A_363 : memref<1x32xf32, #tpu.memory_space<vmem>>) target_semaphore(%arg12 : memref<!tpu.dma_semaphore, #tpu.memory_space<semaphore_mem>>)
      %slice3A_366 = vector.extract_strided_slice %get3A_160 {offsets = [13], sizes = [1], strides = [1]} : vector<16xi32> to vector<1xi32>
      %squeeze3A_367 = vector.extract %slice3A_366[0] : i32 from vector<1xi32>
      %mul3A_368 = arith.constant 16 : i32
      %mul3A_369 = arith.muli %scan3A_153, %mul3A_368 : i32
      %add3A_370 = arith.constant 320 : i32
      %add3A_371 = arith.addi %add3A_370, %mul3A_369 : i32
      %add3A_372 = arith.constant 13 : i32
      %add3A_373 = arith.addi %add3A_371, %add3A_372 : i32
      %dma_start3A_374 = arith.constant 0 : i32
      %dma_start3A_375 = tpu.memref_slice %arg6[%add3A_373, %dma_start3A_374] : memref<512x32xf32, #tpu.memory_space<vmem>> -> memref<1x32xf32, #tpu.memory_space<vmem>>
      %dma_start3A_376 = arith.constant 0 : i32
      %dma_start3A_377 = tpu.memref_slice %arg2[%squeeze3A_367, %dma_start3A_376] : memref<1000000x32xf32, #tpu.memory_space<hbm>> -> memref<1x32xf32, #tpu.memory_space<hbm>>
      %dma_start3A_378 = arith.constant 0 : i32
      %dma_start3A_379 = tpu.memref_slice %arg6[%add3A_373, %dma_start3A_378] : memref<512x32xf32, #tpu.memory_space<vmem>> -> memref<1x32xf32, #tpu.memory_space<vmem>>
      %dma_start3A_380 = arith.constant 0 : i32
      %dma_start3A_381 = tpu.memref_slice %arg2[%squeeze3A_367, %dma_start3A_380] : memref<1000000x32xf32, #tpu.memory_space<hbm>> -> memref<1x32xf32, #tpu.memory_space<hbm>>
      tpu.enqueue_dma source(%dma_start3A_381 : memref<1x32xf32, #tpu.memory_space<hbm>>) target(%dma_start3A_379 : memref<1x32xf32, #tpu.memory_space<vmem>>) target_semaphore(%arg12 : memref<!tpu.dma_semaphore, #tpu.memory_space<semaphore_mem>>)
      %slice3A_382 = vector.extract_strided_slice %get3A_160 {offsets = [14], sizes = [1], strides = [1]} : vector<16xi32> to vector<1xi32>
      %squeeze3A_383 = vector.extract %slice3A_382[0] : i32 from vector<1xi32>
      %mul3A_384 = arith.constant 16 : i32
      %mul3A_385 = arith.muli %scan3A_153, %mul3A_384 : i32
      %add3A_386 = arith.constant 320 : i32
      %add3A_387 = arith.addi %add3A_386, %mul3A_385 : i32
      %add3A_388 = arith.constant 14 : i32
      %add3A_389 = arith.addi %add3A_387, %add3A_388 : i32
      %dma_start3A_390 = arith.constant 0 : i32
      %dma_start3A_391 = tpu.memref_slice %arg6[%add3A_389, %dma_start3A_390] : memref<512x32xf32, #tpu.memory_space<vmem>> -> memref<1x32xf32, #tpu.memory_space<vmem>>
      %dma_start3A_392 = arith.constant 0 : i32
      %dma_start3A_393 = tpu.memref_slice %arg2[%squeeze3A_383, %dma_start3A_392] : memref<1000000x32xf32, #tpu.memory_space<hbm>> -> memref<1x32xf32, #tpu.memory_space<hbm>>
      %dma_start3A_394 = arith.constant 0 : i32
      %dma_start3A_395 = tpu.memref_slice %arg6[%add3A_389, %dma_start3A_394] : memref<512x32xf32, #tpu.memory_space<vmem>> -> memref<1x32xf32, #tpu.memory_space<vmem>>
      %dma_start3A_396 = arith.constant 0 : i32
      %dma_start3A_397 = tpu.memref_slice %arg2[%squeeze3A_383, %dma_start3A_396] : memref<1000000x32xf32, #tpu.memory_space<hbm>> -> memref<1x32xf32, #tpu.memory_space<hbm>>
      tpu.enqueue_dma source(%dma_start3A_397 : memref<1x32xf32, #tpu.memory_space<hbm>>) target(%dma_start3A_395 : memref<1x32xf32, #tpu.memory_space<vmem>>) target_semaphore(%arg12 : memref<!tpu.dma_semaphore, #tpu.memory_space<semaphore_mem>>)
      %slice3A_398 = vector.extract_strided_slice %get3A_160 {offsets = [15], sizes = [1], strides = [1]} : vector<16xi32> to vector<1xi32>
      %squeeze3A_399 = vector.extract %slice3A_398[0] : i32 from vector<1xi32>
      %mul3A_400 = arith.constant 16 : i32
      %mul3A_401 = arith.muli %scan3A_153, %mul3A_400 : i32
      %add3A_402 = arith.constant 320 : i32
      %add3A_403 = arith.addi %add3A_402, %mul3A_401 : i32
      %add3A_404 = arith.constant 15 : i32
      %add3A_405 = arith.addi %add3A_403, %add3A_404 : i32
      %dma_start3A_406 = arith.constant 0 : i32
      %dma_start3A_407 = tpu.memref_slice %arg6[%add3A_405, %dma_start3A_406] : memref<512x32xf32, #tpu.memory_space<vmem>> -> memref<1x32xf32, #tpu.memory_space<vmem>>
      %dma_start3A_408 = arith.constant 0 : i32
      %dma_start3A_409 = tpu.memref_slice %arg2[%squeeze3A_399, %dma_start3A_408] : memref<1000000x32xf32, #tpu.memory_space<hbm>> -> memref<1x32xf32, #tpu.memory_space<hbm>>
      %dma_start3A_410 = arith.constant 0 : i32
      %dma_start3A_411 = tpu.memref_slice %arg6[%add3A_405, %dma_start3A_410] : memref<512x32xf32, #tpu.memory_space<vmem>> -> memref<1x32xf32, #tpu.memory_space<vmem>>
      %dma_start3A_412 = arith.constant 0 : i32
      %dma_start3A_413 = tpu.memref_slice %arg2[%squeeze3A_399, %dma_start3A_412] : memref<1000000x32xf32, #tpu.memory_space<hbm>> -> memref<1x32xf32, #tpu.memory_space<hbm>>
      tpu.enqueue_dma source(%dma_start3A_413 : memref<1x32xf32, #tpu.memory_space<hbm>>) target(%dma_start3A_411 : memref<1x32xf32, #tpu.memory_space<vmem>>) target_semaphore(%arg12 : memref<!tpu.dma_semaphore, #tpu.memory_space<semaphore_mem>>)
      %scan3A_414 = arith.constant 0 : i32
      scf.yield %scan3A_414 : i32
    }
    %scan3A_43 = arith.constant 4 : i32
    %scan3A_44 = arith.constant 0 : i32
    %scan3A_45 = arith.constant 0 : i32
    %scan3A_46 = arith.constant 4 : i32
    %scan3A_47 = arith.addi %scan3A_45, %scan3A_46 : i32
    %scan3A_48 = arith.constant 1 : i32
    %scan3A_49 = scf.for %scan3A_153 = %scan3A_45 to %scan3A_47 step %scan3A_48 iter_args(%scan3A_154 = %scan3A_44) -> (i32)  : i32 {
      %mul3A_155 = arith.constant 16 : i32
      %mul3A_156 = arith.muli %scan3A_153, %mul3A_155 : i32
      %add3A_157 = arith.constant 384 : i32
      %add3A_158 = arith.addi %add3A_157, %mul3A_156 : i32
      %get3A = arith.index_cast %add3A_158 : i32 to index
      %get3A_159 = tpu.vector_load %arg5[%get3A] {strides = array<i32>} : memref<512xi32, #tpu.memory_space<vmem>>, vector<16xi32>,
      %get3A_160 = vector.shape_cast %get3A_159 : vector<16xi32> to vector<16xi32>
      %slice3A = vector.extract_strided_slice %get3A_160 {offsets = [0], sizes = [1], strides = [1]} : vector<16xi32> to vector<1xi32>
      %squeeze3A = vector.extract %slice3A[0] : i32 from vector<1xi32>
      %mul3A_161 = arith.constant 16 : i32
      %mul3A_162 = arith.muli %scan3A_153, %mul3A_161 : i32
      %add3A_163 = arith.constant 384 : i32
      %add3A_164 = arith.addi %add3A_163, %mul3A_162 : i32
      %add3A_165 = arith.constant 0 : i32
      %add3A_166 = arith.addi %add3A_164, %add3A_165 : i32
      %dma_start3A = arith.constant 0 : i32
      %dma_start3A_167 = tpu.memref_slice %arg6[%add3A_166, %dma_start3A] : memref<512x32xf32, #tpu.memory_space<vmem>> -> memref<1x32xf32, #tpu.memory_space<vmem>>
      %dma_start3A_168 = arith.constant 0 : i32
      %dma_start3A_169 = tpu.memref_slice %arg2[%squeeze3A, %dma_start3A_168] : memref<1000000x32xf32, #tpu.memory_space<hbm>> -> memref<1x32xf32, #tpu.memory_space<hbm>>
      %dma_start3A_170 = arith.constant 0 : i32
      %dma_start3A_171 = tpu.memref_slice %arg6[%add3A_166, %dma_start3A_170] : memref<512x32xf32, #tpu.memory_space<vmem>> -> memref<1x32xf32, #tpu.memory_space<vmem>>
      %dma_start3A_172 = arith.constant 0 : i32
      %dma_start3A_173 = tpu.memref_slice %arg2[%squeeze3A, %dma_start3A_172] : memref<1000000x32xf32, #tpu.memory_space<hbm>> -> memref<1x32xf32, #tpu.memory_space<hbm>>
      tpu.enqueue_dma source(%dma_start3A_173 : memref<1x32xf32, #tpu.memory_space<hbm>>) target(%dma_start3A_171 : memref<1x32xf32, #tpu.memory_space<vmem>>) target_semaphore(%arg13 : memref<!tpu.dma_semaphore, #tpu.memory_space<semaphore_mem>>)
      %slice3A_174 = vector.extract_strided_slice %get3A_160 {offsets = [1], sizes = [1], strides = [1]} : vector<16xi32> to vector<1xi32>
      %squeeze3A_175 = vector.extract %slice3A_174[0] : i32 from vector<1xi32>
      %mul3A_176 = arith.constant 16 : i32
      %mul3A_177 = arith.muli %scan3A_153, %mul3A_176 : i32
      %add3A_178 = arith.constant 384 : i32
      %add3A_179 = arith.addi %add3A_178, %mul3A_177 : i32
      %add3A_180 = arith.constant 1 : i32
      %add3A_181 = arith.addi %add3A_179, %add3A_180 : i32
      %dma_start3A_182 = arith.constant 0 : i32
      %dma_start3A_183 = tpu.memref_slice %arg6[%add3A_181, %dma_start3A_182] : memref<512x32xf32, #tpu.memory_space<vmem>> -> memref<1x32xf32, #tpu.memory_space<vmem>>
      %dma_start3A_184 = arith.constant 0 : i32
      %dma_start3A_185 = tpu.memref_slice %arg2[%squeeze3A_175, %dma_start3A_184] : memref<1000000x32xf32, #tpu.memory_space<hbm>> -> memref<1x32xf32, #tpu.memory_space<hbm>>
      %dma_start3A_186 = arith.constant 0 : i32
      %dma_start3A_187 = tpu.memref_slice %arg6[%add3A_181, %dma_start3A_186] : memref<512x32xf32, #tpu.memory_space<vmem>> -> memref<1x32xf32, #tpu.memory_space<vmem>>
      %dma_start3A_188 = arith.constant 0 : i32
      %dma_start3A_189 = tpu.memref_slice %arg2[%squeeze3A_175, %dma_start3A_188] : memref<1000000x32xf32, #tpu.memory_space<hbm>> -> memref<1x32xf32, #tpu.memory_space<hbm>>
      tpu.enqueue_dma source(%dma_start3A_189 : memref<1x32xf32, #tpu.memory_space<hbm>>) target(%dma_start3A_187 : memref<1x32xf32, #tpu.memory_space<vmem>>) target_semaphore(%arg13 : memref<!tpu.dma_semaphore, #tpu.memory_space<semaphore_mem>>)
      %slice3A_190 = vector.extract_strided_slice %get3A_160 {offsets = [2], sizes = [1], strides = [1]} : vector<16xi32> to vector<1xi32>
      %squeeze3A_191 = vector.extract %slice3A_190[0] : i32 from vector<1xi32>
      %mul3A_192 = arith.constant 16 : i32
      %mul3A_193 = arith.muli %scan3A_153, %mul3A_192 : i32
      %add3A_194 = arith.constant 384 : i32
      %add3A_195 = arith.addi %add3A_194, %mul3A_193 : i32
      %add3A_196 = arith.constant 2 : i32
      %add3A_197 = arith.addi %add3A_195, %add3A_196 : i32
      %dma_start3A_198 = arith.constant 0 : i32
      %dma_start3A_199 = tpu.memref_slice %arg6[%add3A_197, %dma_start3A_198] : memref<512x32xf32, #tpu.memory_space<vmem>> -> memref<1x32xf32, #tpu.memory_space<vmem>>
      %dma_start3A_200 = arith.constant 0 : i32
      %dma_start3A_201 = tpu.memref_slice %arg2[%squeeze3A_191, %dma_start3A_200] : memref<1000000x32xf32, #tpu.memory_space<hbm>> -> memref<1x32xf32, #tpu.memory_space<hbm>>
      %dma_start3A_202 = arith.constant 0 : i32
      %dma_start3A_203 = tpu.memref_slice %arg6[%add3A_197, %dma_start3A_202] : memref<512x32xf32, #tpu.memory_space<vmem>> -> memref<1x32xf32, #tpu.memory_space<vmem>>
      %dma_start3A_204 = arith.constant 0 : i32
      %dma_start3A_205 = tpu.memref_slice %arg2[%squeeze3A_191, %dma_start3A_204] : memref<1000000x32xf32, #tpu.memory_space<hbm>> -> memref<1x32xf32, #tpu.memory_space<hbm>>
      tpu.enqueue_dma source(%dma_start3A_205 : memref<1x32xf32, #tpu.memory_space<hbm>>) target(%dma_start3A_203 : memref<1x32xf32, #tpu.memory_space<vmem>>) target_semaphore(%arg13 : memref<!tpu.dma_semaphore, #tpu.memory_space<semaphore_mem>>)
      %slice3A_206 = vector.extract_strided_slice %get3A_160 {offsets = [3], sizes = [1], strides = [1]} : vector<16xi32> to vector<1xi32>
      %squeeze3A_207 = vector.extract %slice3A_206[0] : i32 from vector<1xi32>
      %mul3A_208 = arith.constant 16 : i32
      %mul3A_209 = arith.muli %scan3A_153, %mul3A_208 : i32
      %add3A_210 = arith.constant 384 : i32
      %add3A_211 = arith.addi %add3A_210, %mul3A_209 : i32
      %add3A_212 = arith.constant 3 : i32
      %add3A_213 = arith.addi %add3A_211, %add3A_212 : i32
      %dma_start3A_214 = arith.constant 0 : i32
      %dma_start3A_215 = tpu.memref_slice %arg6[%add3A_213, %dma_start3A_214] : memref<512x32xf32, #tpu.memory_space<vmem>> -> memref<1x32xf32, #tpu.memory_space<vmem>>
      %dma_start3A_216 = arith.constant 0 : i32
      %dma_start3A_217 = tpu.memref_slice %arg2[%squeeze3A_207, %dma_start3A_216] : memref<1000000x32xf32, #tpu.memory_space<hbm>> -> memref<1x32xf32, #tpu.memory_space<hbm>>
      %dma_start3A_218 = arith.constant 0 : i32
      %dma_start3A_219 = tpu.memref_slice %arg6[%add3A_213, %dma_start3A_218] : memref<512x32xf32, #tpu.memory_space<vmem>> -> memref<1x32xf32, #tpu.memory_space<vmem>>
      %dma_start3A_220 = arith.constant 0 : i32
      %dma_start3A_221 = tpu.memref_slice %arg2[%squeeze3A_207, %dma_start3A_220] : memref<1000000x32xf32, #tpu.memory_space<hbm>> -> memref<1x32xf32, #tpu.memory_space<hbm>>
      tpu.enqueue_dma source(%dma_start3A_221 : memref<1x32xf32, #tpu.memory_space<hbm>>) target(%dma_start3A_219 : memref<1x32xf32, #tpu.memory_space<vmem>>) target_semaphore(%arg13 : memref<!tpu.dma_semaphore, #tpu.memory_space<semaphore_mem>>)
      %slice3A_222 = vector.extract_strided_slice %get3A_160 {offsets = [4], sizes = [1], strides = [1]} : vector<16xi32> to vector<1xi32>
      %squeeze3A_223 = vector.extract %slice3A_222[0] : i32 from vector<1xi32>
      %mul3A_224 = arith.constant 16 : i32
      %mul3A_225 = arith.muli %scan3A_153, %mul3A_224 : i32
      %add3A_226 = arith.constant 384 : i32
      %add3A_227 = arith.addi %add3A_226, %mul3A_225 : i32
      %add3A_228 = arith.constant 4 : i32
      %add3A_229 = arith.addi %add3A_227, %add3A_228 : i32
      %dma_start3A_230 = arith.constant 0 : i32
      %dma_start3A_231 = tpu.memref_slice %arg6[%add3A_229, %dma_start3A_230] : memref<512x32xf32, #tpu.memory_space<vmem>> -> memref<1x32xf32, #tpu.memory_space<vmem>>
      %dma_start3A_232 = arith.constant 0 : i32
      %dma_start3A_233 = tpu.memref_slice %arg2[%squeeze3A_223, %dma_start3A_232] : memref<1000000x32xf32, #tpu.memory_space<hbm>> -> memref<1x32xf32, #tpu.memory_space<hbm>>
      %dma_start3A_234 = arith.constant 0 : i32
      %dma_start3A_235 = tpu.memref_slice %arg6[%add3A_229, %dma_start3A_234] : memref<512x32xf32, #tpu.memory_space<vmem>> -> memref<1x32xf32, #tpu.memory_space<vmem>>
      %dma_start3A_236 = arith.constant 0 : i32
      %dma_start3A_237 = tpu.memref_slice %arg2[%squeeze3A_223, %dma_start3A_236] : memref<1000000x32xf32, #tpu.memory_space<hbm>> -> memref<1x32xf32, #tpu.memory_space<hbm>>
      tpu.enqueue_dma source(%dma_start3A_237 : memref<1x32xf32, #tpu.memory_space<hbm>>) target(%dma_start3A_235 : memref<1x32xf32, #tpu.memory_space<vmem>>) target_semaphore(%arg13 : memref<!tpu.dma_semaphore, #tpu.memory_space<semaphore_mem>>)
      %slice3A_238 = vector.extract_strided_slice %get3A_160 {offsets = [5], sizes = [1], strides = [1]} : vector<16xi32> to vector<1xi32>
      %squeeze3A_239 = vector.extract %slice3A_238[0] : i32 from vector<1xi32>
      %mul3A_240 = arith.constant 16 : i32
      %mul3A_241 = arith.muli %scan3A_153, %mul3A_240 : i32
      %add3A_242 = arith.constant 384 : i32
      %add3A_243 = arith.addi %add3A_242, %mul3A_241 : i32
      %add3A_244 = arith.constant 5 : i32
      %add3A_245 = arith.addi %add3A_243, %add3A_244 : i32
      %dma_start3A_246 = arith.constant 0 : i32
      %dma_start3A_247 = tpu.memref_slice %arg6[%add3A_245, %dma_start3A_246] : memref<512x32xf32, #tpu.memory_space<vmem>> -> memref<1x32xf32, #tpu.memory_space<vmem>>
      %dma_start3A_248 = arith.constant 0 : i32
      %dma_start3A_249 = tpu.memref_slice %arg2[%squeeze3A_239, %dma_start3A_248] : memref<1000000x32xf32, #tpu.memory_space<hbm>> -> memref<1x32xf32, #tpu.memory_space<hbm>>
      %dma_start3A_250 = arith.constant 0 : i32
      %dma_start3A_251 = tpu.memref_slice %arg6[%add3A_245, %dma_start3A_250] : memref<512x32xf32, #tpu.memory_space<vmem>> -> memref<1x32xf32, #tpu.memory_space<vmem>>
      %dma_start3A_252 = arith.constant 0 : i32
      %dma_start3A_253 = tpu.memref_slice %arg2[%squeeze3A_239, %dma_start3A_252] : memref<1000000x32xf32, #tpu.memory_space<hbm>> -> memref<1x32xf32, #tpu.memory_space<hbm>>
      tpu.enqueue_dma source(%dma_start3A_253 : memref<1x32xf32, #tpu.memory_space<hbm>>) target(%dma_start3A_251 : memref<1x32xf32, #tpu.memory_space<vmem>>) target_semaphore(%arg13 : memref<!tpu.dma_semaphore, #tpu.memory_space<semaphore_mem>>)
      %slice3A_254 = vector.extract_strided_slice %get3A_160 {offsets = [6], sizes = [1], strides = [1]} : vector<16xi32> to vector<1xi32>
      %squeeze3A_255 = vector.extract %slice3A_254[0] : i32 from vector<1xi32>
      %mul3A_256 = arith.constant 16 : i32
      %mul3A_257 = arith.muli %scan3A_153, %mul3A_256 : i32
      %add3A_258 = arith.constant 384 : i32
      %add3A_259 = arith.addi %add3A_258, %mul3A_257 : i32
      %add3A_260 = arith.constant 6 : i32
      %add3A_261 = arith.addi %add3A_259, %add3A_260 : i32
      %dma_start3A_262 = arith.constant 0 : i32
      %dma_start3A_263 = tpu.memref_slice %arg6[%add3A_261, %dma_start3A_262] : memref<512x32xf32, #tpu.memory_space<vmem>> -> memref<1x32xf32, #tpu.memory_space<vmem>>
      %dma_start3A_264 = arith.constant 0 : i32
      %dma_start3A_265 = tpu.memref_slice %arg2[%squeeze3A_255, %dma_start3A_264] : memref<1000000x32xf32, #tpu.memory_space<hbm>> -> memref<1x32xf32, #tpu.memory_space<hbm>>
      %dma_start3A_266 = arith.constant 0 : i32
      %dma_start3A_267 = tpu.memref_slice %arg6[%add3A_261, %dma_start3A_266] : memref<512x32xf32, #tpu.memory_space<vmem>> -> memref<1x32xf32, #tpu.memory_space<vmem>>
      %dma_start3A_268 = arith.constant 0 : i32
      %dma_start3A_269 = tpu.memref_slice %arg2[%squeeze3A_255, %dma_start3A_268] : memref<1000000x32xf32, #tpu.memory_space<hbm>> -> memref<1x32xf32, #tpu.memory_space<hbm>>
      tpu.enqueue_dma source(%dma_start3A_269 : memref<1x32xf32, #tpu.memory_space<hbm>>) target(%dma_start3A_267 : memref<1x32xf32, #tpu.memory_space<vmem>>) target_semaphore(%arg13 : memref<!tpu.dma_semaphore, #tpu.memory_space<semaphore_mem>>)
      %slice3A_270 = vector.extract_strided_slice %get3A_160 {offsets = [7], sizes = [1], strides = [1]} : vector<16xi32> to vector<1xi32>
      %squeeze3A_271 = vector.extract %slice3A_270[0] : i32 from vector<1xi32>
      %mul3A_272 = arith.constant 16 : i32
      %mul3A_273 = arith.muli %scan3A_153, %mul3A_272 : i32
      %add3A_274 = arith.constant 384 : i32
      %add3A_275 = arith.addi %add3A_274, %mul3A_273 : i32
      %add3A_276 = arith.constant 7 : i32
      %add3A_277 = arith.addi %add3A_275, %add3A_276 : i32
      %dma_start3A_278 = arith.constant 0 : i32
      %dma_start3A_279 = tpu.memref_slice %arg6[%add3A_277, %dma_start3A_278] : memref<512x32xf32, #tpu.memory_space<vmem>> -> memref<1x32xf32, #tpu.memory_space<vmem>>
      %dma_start3A_280 = arith.constant 0 : i32
      %dma_start3A_281 = tpu.memref_slice %arg2[%squeeze3A_271, %dma_start3A_280] : memref<1000000x32xf32, #tpu.memory_space<hbm>> -> memref<1x32xf32, #tpu.memory_space<hbm>>
      %dma_start3A_282 = arith.constant 0 : i32
      %dma_start3A_283 = tpu.memref_slice %arg6[%add3A_277, %dma_start3A_282] : memref<512x32xf32, #tpu.memory_space<vmem>> -> memref<1x32xf32, #tpu.memory_space<vmem>>
      %dma_start3A_284 = arith.constant 0 : i32
      %dma_start3A_285 = tpu.memref_slice %arg2[%squeeze3A_271, %dma_start3A_284] : memref<1000000x32xf32, #tpu.memory_space<hbm>> -> memref<1x32xf32, #tpu.memory_space<hbm>>
      tpu.enqueue_dma source(%dma_start3A_285 : memref<1x32xf32, #tpu.memory_space<hbm>>) target(%dma_start3A_283 : memref<1x32xf32, #tpu.memory_space<vmem>>) target_semaphore(%arg13 : memref<!tpu.dma_semaphore, #tpu.memory_space<semaphore_mem>>)
      %slice3A_286 = vector.extract_strided_slice %get3A_160 {offsets = [8], sizes = [1], strides = [1]} : vector<16xi32> to vector<1xi32>
      %squeeze3A_287 = vector.extract %slice3A_286[0] : i32 from vector<1xi32>
      %mul3A_288 = arith.constant 16 : i32
      %mul3A_289 = arith.muli %scan3A_153, %mul3A_288 : i32
      %add3A_290 = arith.constant 384 : i32
      %add3A_291 = arith.addi %add3A_290, %mul3A_289 : i32
      %add3A_292 = arith.constant 8 : i32
      %add3A_293 = arith.addi %add3A_291, %add3A_292 : i32
      %dma_start3A_294 = arith.constant 0 : i32
      %dma_start3A_295 = tpu.memref_slice %arg6[%add3A_293, %dma_start3A_294] : memref<512x32xf32, #tpu.memory_space<vmem>> -> memref<1x32xf32, #tpu.memory_space<vmem>>
      %dma_start3A_296 = arith.constant 0 : i32
      %dma_start3A_297 = tpu.memref_slice %arg2[%squeeze3A_287, %dma_start3A_296] : memref<1000000x32xf32, #tpu.memory_space<hbm>> -> memref<1x32xf32, #tpu.memory_space<hbm>>
      %dma_start3A_298 = arith.constant 0 : i32
      %dma_start3A_299 = tpu.memref_slice %arg6[%add3A_293, %dma_start3A_298] : memref<512x32xf32, #tpu.memory_space<vmem>> -> memref<1x32xf32, #tpu.memory_space<vmem>>
      %dma_start3A_300 = arith.constant 0 : i32
      %dma_start3A_301 = tpu.memref_slice %arg2[%squeeze3A_287, %dma_start3A_300] : memref<1000000x32xf32, #tpu.memory_space<hbm>> -> memref<1x32xf32, #tpu.memory_space<hbm>>
      tpu.enqueue_dma source(%dma_start3A_301 : memref<1x32xf32, #tpu.memory_space<hbm>>) target(%dma_start3A_299 : memref<1x32xf32, #tpu.memory_space<vmem>>) target_semaphore(%arg13 : memref<!tpu.dma_semaphore, #tpu.memory_space<semaphore_mem>>)
      %slice3A_302 = vector.extract_strided_slice %get3A_160 {offsets = [9], sizes = [1], strides = [1]} : vector<16xi32> to vector<1xi32>
      %squeeze3A_303 = vector.extract %slice3A_302[0] : i32 from vector<1xi32>
      %mul3A_304 = arith.constant 16 : i32
      %mul3A_305 = arith.muli %scan3A_153, %mul3A_304 : i32
      %add3A_306 = arith.constant 384 : i32
      %add3A_307 = arith.addi %add3A_306, %mul3A_305 : i32
      %add3A_308 = arith.constant 9 : i32
      %add3A_309 = arith.addi %add3A_307, %add3A_308 : i32
      %dma_start3A_310 = arith.constant 0 : i32
      %dma_start3A_311 = tpu.memref_slice %arg6[%add3A_309, %dma_start3A_310] : memref<512x32xf32, #tpu.memory_space<vmem>> -> memref<1x32xf32, #tpu.memory_space<vmem>>
      %dma_start3A_312 = arith.constant 0 : i32
      %dma_start3A_313 = tpu.memref_slice %arg2[%squeeze3A_303, %dma_start3A_312] : memref<1000000x32xf32, #tpu.memory_space<hbm>> -> memref<1x32xf32, #tpu.memory_space<hbm>>
      %dma_start3A_314 = arith.constant 0 : i32
      %dma_start3A_315 = tpu.memref_slice %arg6[%add3A_309, %dma_start3A_314] : memref<512x32xf32, #tpu.memory_space<vmem>> -> memref<1x32xf32, #tpu.memory_space<vmem>>
      %dma_start3A_316 = arith.constant 0 : i32
      %dma_start3A_317 = tpu.memref_slice %arg2[%squeeze3A_303, %dma_start3A_316] : memref<1000000x32xf32, #tpu.memory_space<hbm>> -> memref<1x32xf32, #tpu.memory_space<hbm>>
      tpu.enqueue_dma source(%dma_start3A_317 : memref<1x32xf32, #tpu.memory_space<hbm>>) target(%dma_start3A_315 : memref<1x32xf32, #tpu.memory_space<vmem>>) target_semaphore(%arg13 : memref<!tpu.dma_semaphore, #tpu.memory_space<semaphore_mem>>)
      %slice3A_318 = vector.extract_strided_slice %get3A_160 {offsets = [10], sizes = [1], strides = [1]} : vector<16xi32> to vector<1xi32>
      %squeeze3A_319 = vector.extract %slice3A_318[0] : i32 from vector<1xi32>
      %mul3A_320 = arith.constant 16 : i32
      %mul3A_321 = arith.muli %scan3A_153, %mul3A_320 : i32
      %add3A_322 = arith.constant 384 : i32
      %add3A_323 = arith.addi %add3A_322, %mul3A_321 : i32
      %add3A_324 = arith.constant 10 : i32
      %add3A_325 = arith.addi %add3A_323, %add3A_324 : i32
      %dma_start3A_326 = arith.constant 0 : i32
      %dma_start3A_327 = tpu.memref_slice %arg6[%add3A_325, %dma_start3A_326] : memref<512x32xf32, #tpu.memory_space<vmem>> -> memref<1x32xf32, #tpu.memory_space<vmem>>
      %dma_start3A_328 = arith.constant 0 : i32
      %dma_start3A_329 = tpu.memref_slice %arg2[%squeeze3A_319, %dma_start3A_328] : memref<1000000x32xf32, #tpu.memory_space<hbm>> -> memref<1x32xf32, #tpu.memory_space<hbm>>
      %dma_start3A_330 = arith.constant 0 : i32
      %dma_start3A_331 = tpu.memref_slice %arg6[%add3A_325, %dma_start3A_330] : memref<512x32xf32, #tpu.memory_space<vmem>> -> memref<1x32xf32, #tpu.memory_space<vmem>>
      %dma_start3A_332 = arith.constant 0 : i32
      %dma_start3A_333 = tpu.memref_slice %arg2[%squeeze3A_319, %dma_start3A_332] : memref<1000000x32xf32, #tpu.memory_space<hbm>> -> memref<1x32xf32, #tpu.memory_space<hbm>>
      tpu.enqueue_dma source(%dma_start3A_333 : memref<1x32xf32, #tpu.memory_space<hbm>>) target(%dma_start3A_331 : memref<1x32xf32, #tpu.memory_space<vmem>>) target_semaphore(%arg13 : memref<!tpu.dma_semaphore, #tpu.memory_space<semaphore_mem>>)
      %slice3A_334 = vector.extract_strided_slice %get3A_160 {offsets = [11], sizes = [1], strides = [1]} : vector<16xi32> to vector<1xi32>
      %squeeze3A_335 = vector.extract %slice3A_334[0] : i32 from vector<1xi32>
      %mul3A_336 = arith.constant 16 : i32
      %mul3A_337 = arith.muli %scan3A_153, %mul3A_336 : i32
      %add3A_338 = arith.constant 384 : i32
      %add3A_339 = arith.addi %add3A_338, %mul3A_337 : i32
      %add3A_340 = arith.constant 11 : i32
      %add3A_341 = arith.addi %add3A_339, %add3A_340 : i32
      %dma_start3A_342 = arith.constant 0 : i32
      %dma_start3A_343 = tpu.memref_slice %arg6[%add3A_341, %dma_start3A_342] : memref<512x32xf32, #tpu.memory_space<vmem>> -> memref<1x32xf32, #tpu.memory_space<vmem>>
      %dma_start3A_344 = arith.constant 0 : i32
      %dma_start3A_345 = tpu.memref_slice %arg2[%squeeze3A_335, %dma_start3A_344] : memref<1000000x32xf32, #tpu.memory_space<hbm>> -> memref<1x32xf32, #tpu.memory_space<hbm>>
      %dma_start3A_346 = arith.constant 0 : i32
      %dma_start3A_347 = tpu.memref_slice %arg6[%add3A_341, %dma_start3A_346] : memref<512x32xf32, #tpu.memory_space<vmem>> -> memref<1x32xf32, #tpu.memory_space<vmem>>
      %dma_start3A_348 = arith.constant 0 : i32
      %dma_start3A_349 = tpu.memref_slice %arg2[%squeeze3A_335, %dma_start3A_348] : memref<1000000x32xf32, #tpu.memory_space<hbm>> -> memref<1x32xf32, #tpu.memory_space<hbm>>
      tpu.enqueue_dma source(%dma_start3A_349 : memref<1x32xf32, #tpu.memory_space<hbm>>) target(%dma_start3A_347 : memref<1x32xf32, #tpu.memory_space<vmem>>) target_semaphore(%arg13 : memref<!tpu.dma_semaphore, #tpu.memory_space<semaphore_mem>>)
      %slice3A_350 = vector.extract_strided_slice %get3A_160 {offsets = [12], sizes = [1], strides = [1]} : vector<16xi32> to vector<1xi32>
      %squeeze3A_351 = vector.extract %slice3A_350[0] : i32 from vector<1xi32>
      %mul3A_352 = arith.constant 16 : i32
      %mul3A_353 = arith.muli %scan3A_153, %mul3A_352 : i32
      %add3A_354 = arith.constant 384 : i32
      %add3A_355 = arith.addi %add3A_354, %mul3A_353 : i32
      %add3A_356 = arith.constant 12 : i32
      %add3A_357 = arith.addi %add3A_355, %add3A_356 : i32
      %dma_start3A_358 = arith.constant 0 : i32
      %dma_start3A_359 = tpu.memref_slice %arg6[%add3A_357, %dma_start3A_358] : memref<512x32xf32, #tpu.memory_space<vmem>> -> memref<1x32xf32, #tpu.memory_space<vmem>>
      %dma_start3A_360 = arith.constant 0 : i32
      %dma_start3A_361 = tpu.memref_slice %arg2[%squeeze3A_351, %dma_start3A_360] : memref<1000000x32xf32, #tpu.memory_space<hbm>> -> memref<1x32xf32, #tpu.memory_space<hbm>>
      %dma_start3A_362 = arith.constant 0 : i32
      %dma_start3A_363 = tpu.memref_slice %arg6[%add3A_357, %dma_start3A_362] : memref<512x32xf32, #tpu.memory_space<vmem>> -> memref<1x32xf32, #tpu.memory_space<vmem>>
      %dma_start3A_364 = arith.constant 0 : i32
      %dma_start3A_365 = tpu.memref_slice %arg2[%squeeze3A_351, %dma_start3A_364] : memref<1000000x32xf32, #tpu.memory_space<hbm>> -> memref<1x32xf32, #tpu.memory_space<hbm>>
      tpu.enqueue_dma source(%dma_start3A_365 : memref<1x32xf32, #tpu.memory_space<hbm>>) target(%dma_start3A_363 : memref<1x32xf32, #tpu.memory_space<vmem>>) target_semaphore(%arg13 : memref<!tpu.dma_semaphore, #tpu.memory_space<semaphore_mem>>)
      %slice3A_366 = vector.extract_strided_slice %get3A_160 {offsets = [13], sizes = [1], strides = [1]} : vector<16xi32> to vector<1xi32>
      %squeeze3A_367 = vector.extract %slice3A_366[0] : i32 from vector<1xi32>
      %mul3A_368 = arith.constant 16 : i32
      %mul3A_369 = arith.muli %scan3A_153, %mul3A_368 : i32
      %add3A_370 = arith.constant 384 : i32
      %add3A_371 = arith.addi %add3A_370, %mul3A_369 : i32
      %add3A_372 = arith.constant 13 : i32
      %add3A_373 = arith.addi %add3A_371, %add3A_372 : i32
      %dma_start3A_374 = arith.constant 0 : i32
      %dma_start3A_375 = tpu.memref_slice %arg6[%add3A_373, %dma_start3A_374] : memref<512x32xf32, #tpu.memory_space<vmem>> -> memref<1x32xf32, #tpu.memory_space<vmem>>
      %dma_start3A_376 = arith.constant 0 : i32
      %dma_start3A_377 = tpu.memref_slice %arg2[%squeeze3A_367, %dma_start3A_376] : memref<1000000x32xf32, #tpu.memory_space<hbm>> -> memref<1x32xf32, #tpu.memory_space<hbm>>
      %dma_start3A_378 = arith.constant 0 : i32
      %dma_start3A_379 = tpu.memref_slice %arg6[%add3A_373, %dma_start3A_378] : memref<512x32xf32, #tpu.memory_space<vmem>> -> memref<1x32xf32, #tpu.memory_space<vmem>>
      %dma_start3A_380 = arith.constant 0 : i32
      %dma_start3A_381 = tpu.memref_slice %arg2[%squeeze3A_367, %dma_start3A_380] : memref<1000000x32xf32, #tpu.memory_space<hbm>> -> memref<1x32xf32, #tpu.memory_space<hbm>>
      tpu.enqueue_dma source(%dma_start3A_381 : memref<1x32xf32, #tpu.memory_space<hbm>>) target(%dma_start3A_379 : memref<1x32xf32, #tpu.memory_space<vmem>>) target_semaphore(%arg13 : memref<!tpu.dma_semaphore, #tpu.memory_space<semaphore_mem>>)
      %slice3A_382 = vector.extract_strided_slice %get3A_160 {offsets = [14], sizes = [1], strides = [1]} : vector<16xi32> to vector<1xi32>
      %squeeze3A_383 = vector.extract %slice3A_382[0] : i32 from vector<1xi32>
      %mul3A_384 = arith.constant 16 : i32
      %mul3A_385 = arith.muli %scan3A_153, %mul3A_384 : i32
      %add3A_386 = arith.constant 384 : i32
      %add3A_387 = arith.addi %add3A_386, %mul3A_385 : i32
      %add3A_388 = arith.constant 14 : i32
      %add3A_389 = arith.addi %add3A_387, %add3A_388 : i32
      %dma_start3A_390 = arith.constant 0 : i32
      %dma_start3A_391 = tpu.memref_slice %arg6[%add3A_389, %dma_start3A_390] : memref<512x32xf32, #tpu.memory_space<vmem>> -> memref<1x32xf32, #tpu.memory_space<vmem>>
      %dma_start3A_392 = arith.constant 0 : i32
      %dma_start3A_393 = tpu.memref_slice %arg2[%squeeze3A_383, %dma_start3A_392] : memref<1000000x32xf32, #tpu.memory_space<hbm>> -> memref<1x32xf32, #tpu.memory_space<hbm>>
      %dma_start3A_394 = arith.constant 0 : i32
      %dma_start3A_395 = tpu.memref_slice %arg6[%add3A_389, %dma_start3A_394] : memref<512x32xf32, #tpu.memory_space<vmem>> -> memref<1x32xf32, #tpu.memory_space<vmem>>
      %dma_start3A_396 = arith.constant 0 : i32
      %dma_start3A_397 = tpu.memref_slice %arg2[%squeeze3A_383, %dma_start3A_396] : memref<1000000x32xf32, #tpu.memory_space<hbm>> -> memref<1x32xf32, #tpu.memory_space<hbm>>
      tpu.enqueue_dma source(%dma_start3A_397 : memref<1x32xf32, #tpu.memory_space<hbm>>) target(%dma_start3A_395 : memref<1x32xf32, #tpu.memory_space<vmem>>) target_semaphore(%arg13 : memref<!tpu.dma_semaphore, #tpu.memory_space<semaphore_mem>>)
      %slice3A_398 = vector.extract_strided_slice %get3A_160 {offsets = [15], sizes = [1], strides = [1]} : vector<16xi32> to vector<1xi32>
      %squeeze3A_399 = vector.extract %slice3A_398[0] : i32 from vector<1xi32>
      %mul3A_400 = arith.constant 16 : i32
      %mul3A_401 = arith.muli %scan3A_153, %mul3A_400 : i32
      %add3A_402 = arith.constant 384 : i32
      %add3A_403 = arith.addi %add3A_402, %mul3A_401 : i32
      %add3A_404 = arith.constant 15 : i32
      %add3A_405 = arith.addi %add3A_403, %add3A_404 : i32
      %dma_start3A_406 = arith.constant 0 : i32
      %dma_start3A_407 = tpu.memref_slice %arg6[%add3A_405, %dma_start3A_406] : memref<512x32xf32, #tpu.memory_space<vmem>> -> memref<1x32xf32, #tpu.memory_space<vmem>>
      %dma_start3A_408 = arith.constant 0 : i32
      %dma_start3A_409 = tpu.memref_slice %arg2[%squeeze3A_399, %dma_start3A_408] : memref<1000000x32xf32, #tpu.memory_space<hbm>> -> memref<1x32xf32, #tpu.memory_space<hbm>>
      %dma_start3A_410 = arith.constant 0 : i32
      %dma_start3A_411 = tpu.memref_slice %arg6[%add3A_405, %dma_start3A_410] : memref<512x32xf32, #tpu.memory_space<vmem>> -> memref<1x32xf32, #tpu.memory_space<vmem>>
      %dma_start3A_412 = arith.constant 0 : i32
      %dma_start3A_413 = tpu.memref_slice %arg2[%squeeze3A_399, %dma_start3A_412] : memref<1000000x32xf32, #tpu.memory_space<hbm>> -> memref<1x32xf32, #tpu.memory_space<hbm>>
      tpu.enqueue_dma source(%dma_start3A_413 : memref<1x32xf32, #tpu.memory_space<hbm>>) target(%dma_start3A_411 : memref<1x32xf32, #tpu.memory_space<vmem>>) target_semaphore(%arg13 : memref<!tpu.dma_semaphore, #tpu.memory_space<semaphore_mem>>)
      %scan3A_414 = arith.constant 0 : i32
      scf.yield %scan3A_414 : i32
    }
    %scan3A_50 = arith.constant 4 : i32
    %scan3A_51 = arith.constant 0 : i32
    %scan3A_52 = arith.constant 0 : i32
    %scan3A_53 = arith.constant 4 : i32
    %scan3A_54 = arith.addi %scan3A_52, %scan3A_53 : i32
    %scan3A_55 = arith.constant 1 : i32
    %scan3A_56 = scf.for %scan3A_153 = %scan3A_52 to %scan3A_54 step %scan3A_55 iter_args(%scan3A_154 = %scan3A_51) -> (i32)  : i32 {
      %mul3A_155 = arith.constant 16 : i32
      %mul3A_156 = arith.muli %scan3A_153, %mul3A_155 : i32
      %add3A_157 = arith.constant 448 : i32
      %add3A_158 = arith.addi %add3A_157, %mul3A_156 : i32
      %get3A = arith.index_cast %add3A_158 : i32 to index
      %get3A_159 = tpu.vector_load %arg5[%get3A] {strides = array<i32>} : memref<512xi32, #tpu.memory_space<vmem>>, vector<16xi32>,
      %get3A_160 = vector.shape_cast %get3A_159 : vector<16xi32> to vector<16xi32>
      %slice3A = vector.extract_strided_slice %get3A_160 {offsets = [0], sizes = [1], strides = [1]} : vector<16xi32> to vector<1xi32>
      %squeeze3A = vector.extract %slice3A[0] : i32 from vector<1xi32>
      %mul3A_161 = arith.constant 16 : i32
      %mul3A_162 = arith.muli %scan3A_153, %mul3A_161 : i32
      %add3A_163 = arith.constant 448 : i32
      %add3A_164 = arith.addi %add3A_163, %mul3A_162 : i32
      %add3A_165 = arith.constant 0 : i32
      %add3A_166 = arith.addi %add3A_164, %add3A_165 : i32
      %dma_start3A = arith.constant 0 : i32
      %dma_start3A_167 = tpu.memref_slice %arg6[%add3A_166, %dma_start3A] : memref<512x32xf32, #tpu.memory_space<vmem>> -> memref<1x32xf32, #tpu.memory_space<vmem>>
      %dma_start3A_168 = arith.constant 0 : i32
      %dma_start3A_169 = tpu.memref_slice %arg2[%squeeze3A, %dma_start3A_168] : memref<1000000x32xf32, #tpu.memory_space<hbm>> -> memref<1x32xf32, #tpu.memory_space<hbm>>
      %dma_start3A_170 = arith.constant 0 : i32
      %dma_start3A_171 = tpu.memref_slice %arg6[%add3A_166, %dma_start3A_170] : memref<512x32xf32, #tpu.memory_space<vmem>> -> memref<1x32xf32, #tpu.memory_space<vmem>>
      %dma_start3A_172 = arith.constant 0 : i32
      %dma_start3A_173 = tpu.memref_slice %arg2[%squeeze3A, %dma_start3A_172] : memref<1000000x32xf32, #tpu.memory_space<hbm>> -> memref<1x32xf32, #tpu.memory_space<hbm>>
      tpu.enqueue_dma source(%dma_start3A_173 : memref<1x32xf32, #tpu.memory_space<hbm>>) target(%dma_start3A_171 : memref<1x32xf32, #tpu.memory_space<vmem>>) target_semaphore(%arg14 : memref<!tpu.dma_semaphore, #tpu.memory_space<semaphore_mem>>)
      %slice3A_174 = vector.extract_strided_slice %get3A_160 {offsets = [1], sizes = [1], strides = [1]} : vector<16xi32> to vector<1xi32>
      %squeeze3A_175 = vector.extract %slice3A_174[0] : i32 from vector<1xi32>
      %mul3A_176 = arith.constant 16 : i32
      %mul3A_177 = arith.muli %scan3A_153, %mul3A_176 : i32
      %add3A_178 = arith.constant 448 : i32
      %add3A_179 = arith.addi %add3A_178, %mul3A_177 : i32
      %add3A_180 = arith.constant 1 : i32
      %add3A_181 = arith.addi %add3A_179, %add3A_180 : i32
      %dma_start3A_182 = arith.constant 0 : i32
      %dma_start3A_183 = tpu.memref_slice %arg6[%add3A_181, %dma_start3A_182] : memref<512x32xf32, #tpu.memory_space<vmem>> -> memref<1x32xf32, #tpu.memory_space<vmem>>
      %dma_start3A_184 = arith.constant 0 : i32
      %dma_start3A_185 = tpu.memref_slice %arg2[%squeeze3A_175, %dma_start3A_184] : memref<1000000x32xf32, #tpu.memory_space<hbm>> -> memref<1x32xf32, #tpu.memory_space<hbm>>
      %dma_start3A_186 = arith.constant 0 : i32
      %dma_start3A_187 = tpu.memref_slice %arg6[%add3A_181, %dma_start3A_186] : memref<512x32xf32, #tpu.memory_space<vmem>> -> memref<1x32xf32, #tpu.memory_space<vmem>>
      %dma_start3A_188 = arith.constant 0 : i32
      %dma_start3A_189 = tpu.memref_slice %arg2[%squeeze3A_175, %dma_start3A_188] : memref<1000000x32xf32, #tpu.memory_space<hbm>> -> memref<1x32xf32, #tpu.memory_space<hbm>>
      tpu.enqueue_dma source(%dma_start3A_189 : memref<1x32xf32, #tpu.memory_space<hbm>>) target(%dma_start3A_187 : memref<1x32xf32, #tpu.memory_space<vmem>>) target_semaphore(%arg14 : memref<!tpu.dma_semaphore, #tpu.memory_space<semaphore_mem>>)
      %slice3A_190 = vector.extract_strided_slice %get3A_160 {offsets = [2], sizes = [1], strides = [1]} : vector<16xi32> to vector<1xi32>
      %squeeze3A_191 = vector.extract %slice3A_190[0] : i32 from vector<1xi32>
      %mul3A_192 = arith.constant 16 : i32
      %mul3A_193 = arith.muli %scan3A_153, %mul3A_192 : i32
      %add3A_194 = arith.constant 448 : i32
      %add3A_195 = arith.addi %add3A_194, %mul3A_193 : i32
      %add3A_196 = arith.constant 2 : i32
      %add3A_197 = arith.addi %add3A_195, %add3A_196 : i32
      %dma_start3A_198 = arith.constant 0 : i32
      %dma_start3A_199 = tpu.memref_slice %arg6[%add3A_197, %dma_start3A_198] : memref<512x32xf32, #tpu.memory_space<vmem>> -> memref<1x32xf32, #tpu.memory_space<vmem>>
      %dma_start3A_200 = arith.constant 0 : i32
      %dma_start3A_201 = tpu.memref_slice %arg2[%squeeze3A_191, %dma_start3A_200] : memref<1000000x32xf32, #tpu.memory_space<hbm>> -> memref<1x32xf32, #tpu.memory_space<hbm>>
      %dma_start3A_202 = arith.constant 0 : i32
      %dma_start3A_203 = tpu.memref_slice %arg6[%add3A_197, %dma_start3A_202] : memref<512x32xf32, #tpu.memory_space<vmem>> -> memref<1x32xf32, #tpu.memory_space<vmem>>
      %dma_start3A_204 = arith.constant 0 : i32
      %dma_start3A_205 = tpu.memref_slice %arg2[%squeeze3A_191, %dma_start3A_204] : memref<1000000x32xf32, #tpu.memory_space<hbm>> -> memref<1x32xf32, #tpu.memory_space<hbm>>
      tpu.enqueue_dma source(%dma_start3A_205 : memref<1x32xf32, #tpu.memory_space<hbm>>) target(%dma_start3A_203 : memref<1x32xf32, #tpu.memory_space<vmem>>) target_semaphore(%arg14 : memref<!tpu.dma_semaphore, #tpu.memory_space<semaphore_mem>>)
      %slice3A_206 = vector.extract_strided_slice %get3A_160 {offsets = [3], sizes = [1], strides = [1]} : vector<16xi32> to vector<1xi32>
      %squeeze3A_207 = vector.extract %slice3A_206[0] : i32 from vector<1xi32>
      %mul3A_208 = arith.constant 16 : i32
      %mul3A_209 = arith.muli %scan3A_153, %mul3A_208 : i32
      %add3A_210 = arith.constant 448 : i32
      %add3A_211 = arith.addi %add3A_210, %mul3A_209 : i32
      %add3A_212 = arith.constant 3 : i32
      %add3A_213 = arith.addi %add3A_211, %add3A_212 : i32
      %dma_start3A_214 = arith.constant 0 : i32
      %dma_start3A_215 = tpu.memref_slice %arg6[%add3A_213, %dma_start3A_214] : memref<512x32xf32, #tpu.memory_space<vmem>> -> memref<1x32xf32, #tpu.memory_space<vmem>>
      %dma_start3A_216 = arith.constant 0 : i32
      %dma_start3A_217 = tpu.memref_slice %arg2[%squeeze3A_207, %dma_start3A_216] : memref<1000000x32xf32, #tpu.memory_space<hbm>> -> memref<1x32xf32, #tpu.memory_space<hbm>>
      %dma_start3A_218 = arith.constant 0 : i32
      %dma_start3A_219 = tpu.memref_slice %arg6[%add3A_213, %dma_start3A_218] : memref<512x32xf32, #tpu.memory_space<vmem>> -> memref<1x32xf32, #tpu.memory_space<vmem>>
      %dma_start3A_220 = arith.constant 0 : i32
      %dma_start3A_221 = tpu.memref_slice %arg2[%squeeze3A_207, %dma_start3A_220] : memref<1000000x32xf32, #tpu.memory_space<hbm>> -> memref<1x32xf32, #tpu.memory_space<hbm>>
      tpu.enqueue_dma source(%dma_start3A_221 : memref<1x32xf32, #tpu.memory_space<hbm>>) target(%dma_start3A_219 : memref<1x32xf32, #tpu.memory_space<vmem>>) target_semaphore(%arg14 : memref<!tpu.dma_semaphore, #tpu.memory_space<semaphore_mem>>)
      %slice3A_222 = vector.extract_strided_slice %get3A_160 {offsets = [4], sizes = [1], strides = [1]} : vector<16xi32> to vector<1xi32>
      %squeeze3A_223 = vector.extract %slice3A_222[0] : i32 from vector<1xi32>
      %mul3A_224 = arith.constant 16 : i32
      %mul3A_225 = arith.muli %scan3A_153, %mul3A_224 : i32
      %add3A_226 = arith.constant 448 : i32
      %add3A_227 = arith.addi %add3A_226, %mul3A_225 : i32
      %add3A_228 = arith.constant 4 : i32
      %add3A_229 = arith.addi %add3A_227, %add3A_228 : i32
      %dma_start3A_230 = arith.constant 0 : i32
      %dma_start3A_231 = tpu.memref_slice %arg6[%add3A_229, %dma_start3A_230] : memref<512x32xf32, #tpu.memory_space<vmem>> -> memref<1x32xf32, #tpu.memory_space<vmem>>
      %dma_start3A_232 = arith.constant 0 : i32
      %dma_start3A_233 = tpu.memref_slice %arg2[%squeeze3A_223, %dma_start3A_232] : memref<1000000x32xf32, #tpu.memory_space<hbm>> -> memref<1x32xf32, #tpu.memory_space<hbm>>
      %dma_start3A_234 = arith.constant 0 : i32
      %dma_start3A_235 = tpu.memref_slice %arg6[%add3A_229, %dma_start3A_234] : memref<512x32xf32, #tpu.memory_space<vmem>> -> memref<1x32xf32, #tpu.memory_space<vmem>>
      %dma_start3A_236 = arith.constant 0 : i32
      %dma_start3A_237 = tpu.memref_slice %arg2[%squeeze3A_223, %dma_start3A_236] : memref<1000000x32xf32, #tpu.memory_space<hbm>> -> memref<1x32xf32, #tpu.memory_space<hbm>>
      tpu.enqueue_dma source(%dma_start3A_237 : memref<1x32xf32, #tpu.memory_space<hbm>>) target(%dma_start3A_235 : memref<1x32xf32, #tpu.memory_space<vmem>>) target_semaphore(%arg14 : memref<!tpu.dma_semaphore, #tpu.memory_space<semaphore_mem>>)
      %slice3A_238 = vector.extract_strided_slice %get3A_160 {offsets = [5], sizes = [1], strides = [1]} : vector<16xi32> to vector<1xi32>
      %squeeze3A_239 = vector.extract %slice3A_238[0] : i32 from vector<1xi32>
      %mul3A_240 = arith.constant 16 : i32
      %mul3A_241 = arith.muli %scan3A_153, %mul3A_240 : i32
      %add3A_242 = arith.constant 448 : i32
      %add3A_243 = arith.addi %add3A_242, %mul3A_241 : i32
      %add3A_244 = arith.constant 5 : i32
      %add3A_245 = arith.addi %add3A_243, %add3A_244 : i32
      %dma_start3A_246 = arith.constant 0 : i32
      %dma_start3A_247 = tpu.memref_slice %arg6[%add3A_245, %dma_start3A_246] : memref<512x32xf32, #tpu.memory_space<vmem>> -> memref<1x32xf32, #tpu.memory_space<vmem>>
      %dma_start3A_248 = arith.constant 0 : i32
      %dma_start3A_249 = tpu.memref_slice %arg2[%squeeze3A_239, %dma_start3A_248] : memref<1000000x32xf32, #tpu.memory_space<hbm>> -> memref<1x32xf32, #tpu.memory_space<hbm>>
      %dma_start3A_250 = arith.constant 0 : i32
      %dma_start3A_251 = tpu.memref_slice %arg6[%add3A_245, %dma_start3A_250] : memref<512x32xf32, #tpu.memory_space<vmem>> -> memref<1x32xf32, #tpu.memory_space<vmem>>
      %dma_start3A_252 = arith.constant 0 : i32
      %dma_start3A_253 = tpu.memref_slice %arg2[%squeeze3A_239, %dma_start3A_252] : memref<1000000x32xf32, #tpu.memory_space<hbm>> -> memref<1x32xf32, #tpu.memory_space<hbm>>
      tpu.enqueue_dma source(%dma_start3A_253 : memref<1x32xf32, #tpu.memory_space<hbm>>) target(%dma_start3A_251 : memref<1x32xf32, #tpu.memory_space<vmem>>) target_semaphore(%arg14 : memref<!tpu.dma_semaphore, #tpu.memory_space<semaphore_mem>>)
      %slice3A_254 = vector.extract_strided_slice %get3A_160 {offsets = [6], sizes = [1], strides = [1]} : vector<16xi32> to vector<1xi32>
      %squeeze3A_255 = vector.extract %slice3A_254[0] : i32 from vector<1xi32>
      %mul3A_256 = arith.constant 16 : i32
      %mul3A_257 = arith.muli %scan3A_153, %mul3A_256 : i32
      %add3A_258 = arith.constant 448 : i32
      %add3A_259 = arith.addi %add3A_258, %mul3A_257 : i32
      %add3A_260 = arith.constant 6 : i32
      %add3A_261 = arith.addi %add3A_259, %add3A_260 : i32
      %dma_start3A_262 = arith.constant 0 : i32
      %dma_start3A_263 = tpu.memref_slice %arg6[%add3A_261, %dma_start3A_262] : memref<512x32xf32, #tpu.memory_space<vmem>> -> memref<1x32xf32, #tpu.memory_space<vmem>>
      %dma_start3A_264 = arith.constant 0 : i32
      %dma_start3A_265 = tpu.memref_slice %arg2[%squeeze3A_255, %dma_start3A_264] : memref<1000000x32xf32, #tpu.memory_space<hbm>> -> memref<1x32xf32, #tpu.memory_space<hbm>>
      %dma_start3A_266 = arith.constant 0 : i32
      %dma_start3A_267 = tpu.memref_slice %arg6[%add3A_261, %dma_start3A_266] : memref<512x32xf32, #tpu.memory_space<vmem>> -> memref<1x32xf32, #tpu.memory_space<vmem>>
      %dma_start3A_268 = arith.constant 0 : i32
      %dma_start3A_269 = tpu.memref_slice %arg2[%squeeze3A_255, %dma_start3A_268] : memref<1000000x32xf32, #tpu.memory_space<hbm>> -> memref<1x32xf32, #tpu.memory_space<hbm>>
      tpu.enqueue_dma source(%dma_start3A_269 : memref<1x32xf32, #tpu.memory_space<hbm>>) target(%dma_start3A_267 : memref<1x32xf32, #tpu.memory_space<vmem>>) target_semaphore(%arg14 : memref<!tpu.dma_semaphore, #tpu.memory_space<semaphore_mem>>)
      %slice3A_270 = vector.extract_strided_slice %get3A_160 {offsets = [7], sizes = [1], strides = [1]} : vector<16xi32> to vector<1xi32>
      %squeeze3A_271 = vector.extract %slice3A_270[0] : i32 from vector<1xi32>
      %mul3A_272 = arith.constant 16 : i32
      %mul3A_273 = arith.muli %scan3A_153, %mul3A_272 : i32
      %add3A_274 = arith.constant 448 : i32
      %add3A_275 = arith.addi %add3A_274, %mul3A_273 : i32
      %add3A_276 = arith.constant 7 : i32
      %add3A_277 = arith.addi %add3A_275, %add3A_276 : i32
      %dma_start3A_278 = arith.constant 0 : i32
      %dma_start3A_279 = tpu.memref_slice %arg6[%add3A_277, %dma_start3A_278] : memref<512x32xf32, #tpu.memory_space<vmem>> -> memref<1x32xf32, #tpu.memory_space<vmem>>
      %dma_start3A_280 = arith.constant 0 : i32
      %dma_start3A_281 = tpu.memref_slice %arg2[%squeeze3A_271, %dma_start3A_280] : memref<1000000x32xf32, #tpu.memory_space<hbm>> -> memref<1x32xf32, #tpu.memory_space<hbm>>
      %dma_start3A_282 = arith.constant 0 : i32
      %dma_start3A_283 = tpu.memref_slice %arg6[%add3A_277, %dma_start3A_282] : memref<512x32xf32, #tpu.memory_space<vmem>> -> memref<1x32xf32, #tpu.memory_space<vmem>>
      %dma_start3A_284 = arith.constant 0 : i32
      %dma_start3A_285 = tpu.memref_slice %arg2[%squeeze3A_271, %dma_start3A_284] : memref<1000000x32xf32, #tpu.memory_space<hbm>> -> memref<1x32xf32, #tpu.memory_space<hbm>>
      tpu.enqueue_dma source(%dma_start3A_285 : memref<1x32xf32, #tpu.memory_space<hbm>>) target(%dma_start3A_283 : memref<1x32xf32, #tpu.memory_space<vmem>>) target_semaphore(%arg14 : memref<!tpu.dma_semaphore, #tpu.memory_space<semaphore_mem>>)
      %slice3A_286 = vector.extract_strided_slice %get3A_160 {offsets = [8], sizes = [1], strides = [1]} : vector<16xi32> to vector<1xi32>
      %squeeze3A_287 = vector.extract %slice3A_286[0] : i32 from vector<1xi32>
      %mul3A_288 = arith.constant 16 : i32
      %mul3A_289 = arith.muli %scan3A_153, %mul3A_288 : i32
      %add3A_290 = arith.constant 448 : i32
      %add3A_291 = arith.addi %add3A_290, %mul3A_289 : i32
      %add3A_292 = arith.constant 8 : i32
      %add3A_293 = arith.addi %add3A_291, %add3A_292 : i32
      %dma_start3A_294 = arith.constant 0 : i32
      %dma_start3A_295 = tpu.memref_slice %arg6[%add3A_293, %dma_start3A_294] : memref<512x32xf32, #tpu.memory_space<vmem>> -> memref<1x32xf32, #tpu.memory_space<vmem>>
      %dma_start3A_296 = arith.constant 0 : i32
      %dma_start3A_297 = tpu.memref_slice %arg2[%squeeze3A_287, %dma_start3A_296] : memref<1000000x32xf32, #tpu.memory_space<hbm>> -> memref<1x32xf32, #tpu.memory_space<hbm>>
      %dma_start3A_298 = arith.constant 0 : i32
      %dma_start3A_299 = tpu.memref_slice %arg6[%add3A_293, %dma_start3A_298] : memref<512x32xf32, #tpu.memory_space<vmem>> -> memref<1x32xf32, #tpu.memory_space<vmem>>
      %dma_start3A_300 = arith.constant 0 : i32
      %dma_start3A_301 = tpu.memref_slice %arg2[%squeeze3A_287, %dma_start3A_300] : memref<1000000x32xf32, #tpu.memory_space<hbm>> -> memref<1x32xf32, #tpu.memory_space<hbm>>
      tpu.enqueue_dma source(%dma_start3A_301 : memref<1x32xf32, #tpu.memory_space<hbm>>) target(%dma_start3A_299 : memref<1x32xf32, #tpu.memory_space<vmem>>) target_semaphore(%arg14 : memref<!tpu.dma_semaphore, #tpu.memory_space<semaphore_mem>>)
      %slice3A_302 = vector.extract_strided_slice %get3A_160 {offsets = [9], sizes = [1], strides = [1]} : vector<16xi32> to vector<1xi32>
      %squeeze3A_303 = vector.extract %slice3A_302[0] : i32 from vector<1xi32>
      %mul3A_304 = arith.constant 16 : i32
      %mul3A_305 = arith.muli %scan3A_153, %mul3A_304 : i32
      %add3A_306 = arith.constant 448 : i32
      %add3A_307 = arith.addi %add3A_306, %mul3A_305 : i32
      %add3A_308 = arith.constant 9 : i32
      %add3A_309 = arith.addi %add3A_307, %add3A_308 : i32
      %dma_start3A_310 = arith.constant 0 : i32
      %dma_start3A_311 = tpu.memref_slice %arg6[%add3A_309, %dma_start3A_310] : memref<512x32xf32, #tpu.memory_space<vmem>> -> memref<1x32xf32, #tpu.memory_space<vmem>>
      %dma_start3A_312 = arith.constant 0 : i32
      %dma_start3A_313 = tpu.memref_slice %arg2[%squeeze3A_303, %dma_start3A_312] : memref<1000000x32xf32, #tpu.memory_space<hbm>> -> memref<1x32xf32, #tpu.memory_space<hbm>>
      %dma_start3A_314 = arith.constant 0 : i32
      %dma_start3A_315 = tpu.memref_slice %arg6[%add3A_309, %dma_start3A_314] : memref<512x32xf32, #tpu.memory_space<vmem>> -> memref<1x32xf32, #tpu.memory_space<vmem>>
      %dma_start3A_316 = arith.constant 0 : i32
      %dma_start3A_317 = tpu.memref_slice %arg2[%squeeze3A_303, %dma_start3A_316] : memref<1000000x32xf32, #tpu.memory_space<hbm>> -> memref<1x32xf32, #tpu.memory_space<hbm>>
      tpu.enqueue_dma source(%dma_start3A_317 : memref<1x32xf32, #tpu.memory_space<hbm>>) target(%dma_start3A_315 : memref<1x32xf32, #tpu.memory_space<vmem>>) target_semaphore(%arg14 : memref<!tpu.dma_semaphore, #tpu.memory_space<semaphore_mem>>)
      %slice3A_318 = vector.extract_strided_slice %get3A_160 {offsets = [10], sizes = [1], strides = [1]} : vector<16xi32> to vector<1xi32>
      %squeeze3A_319 = vector.extract %slice3A_318[0] : i32 from vector<1xi32>
      %mul3A_320 = arith.constant 16 : i32
      %mul3A_321 = arith.muli %scan3A_153, %mul3A_320 : i32
      %add3A_322 = arith.constant 448 : i32
      %add3A_323 = arith.addi %add3A_322, %mul3A_321 : i32
      %add3A_324 = arith.constant 10 : i32
      %add3A_325 = arith.addi %add3A_323, %add3A_324 : i32
      %dma_start3A_326 = arith.constant 0 : i32
      %dma_start3A_327 = tpu.memref_slice %arg6[%add3A_325, %dma_start3A_326] : memref<512x32xf32, #tpu.memory_space<vmem>> -> memref<1x32xf32, #tpu.memory_space<vmem>>
      %dma_start3A_328 = arith.constant 0 : i32
      %dma_start3A_329 = tpu.memref_slice %arg2[%squeeze3A_319, %dma_start3A_328] : memref<1000000x32xf32, #tpu.memory_space<hbm>> -> memref<1x32xf32, #tpu.memory_space<hbm>>
      %dma_start3A_330 = arith.constant 0 : i32
      %dma_start3A_331 = tpu.memref_slice %arg6[%add3A_325, %dma_start3A_330] : memref<512x32xf32, #tpu.memory_space<vmem>> -> memref<1x32xf32, #tpu.memory_space<vmem>>
      %dma_start3A_332 = arith.constant 0 : i32
      %dma_start3A_333 = tpu.memref_slice %arg2[%squeeze3A_319, %dma_start3A_332] : memref<1000000x32xf32, #tpu.memory_space<hbm>> -> memref<1x32xf32, #tpu.memory_space<hbm>>
      tpu.enqueue_dma source(%dma_start3A_333 : memref<1x32xf32, #tpu.memory_space<hbm>>) target(%dma_start3A_331 : memref<1x32xf32, #tpu.memory_space<vmem>>) target_semaphore(%arg14 : memref<!tpu.dma_semaphore, #tpu.memory_space<semaphore_mem>>)
      %slice3A_334 = vector.extract_strided_slice %get3A_160 {offsets = [11], sizes = [1], strides = [1]} : vector<16xi32> to vector<1xi32>
      %squeeze3A_335 = vector.extract %slice3A_334[0] : i32 from vector<1xi32>
      %mul3A_336 = arith.constant 16 : i32
      %mul3A_337 = arith.muli %scan3A_153, %mul3A_336 : i32
      %add3A_338 = arith.constant 448 : i32
      %add3A_339 = arith.addi %add3A_338, %mul3A_337 : i32
      %add3A_340 = arith.constant 11 : i32
      %add3A_341 = arith.addi %add3A_339, %add3A_340 : i32
      %dma_start3A_342 = arith.constant 0 : i32
      %dma_start3A_343 = tpu.memref_slice %arg6[%add3A_341, %dma_start3A_342] : memref<512x32xf32, #tpu.memory_space<vmem>> -> memref<1x32xf32, #tpu.memory_space<vmem>>
      %dma_start3A_344 = arith.constant 0 : i32
      %dma_start3A_345 = tpu.memref_slice %arg2[%squeeze3A_335, %dma_start3A_344] : memref<1000000x32xf32, #tpu.memory_space<hbm>> -> memref<1x32xf32, #tpu.memory_space<hbm>>
      %dma_start3A_346 = arith.constant 0 : i32
      %dma_start3A_347 = tpu.memref_slice %arg6[%add3A_341, %dma_start3A_346] : memref<512x32xf32, #tpu.memory_space<vmem>> -> memref<1x32xf32, #tpu.memory_space<vmem>>
      %dma_start3A_348 = arith.constant 0 : i32
      %dma_start3A_349 = tpu.memref_slice %arg2[%squeeze3A_335, %dma_start3A_348] : memref<1000000x32xf32, #tpu.memory_space<hbm>> -> memref<1x32xf32, #tpu.memory_space<hbm>>
      tpu.enqueue_dma source(%dma_start3A_349 : memref<1x32xf32, #tpu.memory_space<hbm>>) target(%dma_start3A_347 : memref<1x32xf32, #tpu.memory_space<vmem>>) target_semaphore(%arg14 : memref<!tpu.dma_semaphore, #tpu.memory_space<semaphore_mem>>)
      %slice3A_350 = vector.extract_strided_slice %get3A_160 {offsets = [12], sizes = [1], strides = [1]} : vector<16xi32> to vector<1xi32>
      %squeeze3A_351 = vector.extract %slice3A_350[0] : i32 from vector<1xi32>
      %mul3A_352 = arith.constant 16 : i32
      %mul3A_353 = arith.muli %scan3A_153, %mul3A_352 : i32
      %add3A_354 = arith.constant 448 : i32
      %add3A_355 = arith.addi %add3A_354, %mul3A_353 : i32
      %add3A_356 = arith.constant 12 : i32
      %add3A_357 = arith.addi %add3A_355, %add3A_356 : i32
      %dma_start3A_358 = arith.constant 0 : i32
      %dma_start3A_359 = tpu.memref_slice %arg6[%add3A_357, %dma_start3A_358] : memref<512x32xf32, #tpu.memory_space<vmem>> -> memref<1x32xf32, #tpu.memory_space<vmem>>
      %dma_start3A_360 = arith.constant 0 : i32
      %dma_start3A_361 = tpu.memref_slice %arg2[%squeeze3A_351, %dma_start3A_360] : memref<1000000x32xf32, #tpu.memory_space<hbm>> -> memref<1x32xf32, #tpu.memory_space<hbm>>
      %dma_start3A_362 = arith.constant 0 : i32
      %dma_start3A_363 = tpu.memref_slice %arg6[%add3A_357, %dma_start3A_362] : memref<512x32xf32, #tpu.memory_space<vmem>> -> memref<1x32xf32, #tpu.memory_space<vmem>>
      %dma_start3A_364 = arith.constant 0 : i32
      %dma_start3A_365 = tpu.memref_slice %arg2[%squeeze3A_351, %dma_start3A_364] : memref<1000000x32xf32, #tpu.memory_space<hbm>> -> memref<1x32xf32, #tpu.memory_space<hbm>>
      tpu.enqueue_dma source(%dma_start3A_365 : memref<1x32xf32, #tpu.memory_space<hbm>>) target(%dma_start3A_363 : memref<1x32xf32, #tpu.memory_space<vmem>>) target_semaphore(%arg14 : memref<!tpu.dma_semaphore, #tpu.memory_space<semaphore_mem>>)
      %slice3A_366 = vector.extract_strided_slice %get3A_160 {offsets = [13], sizes = [1], strides = [1]} : vector<16xi32> to vector<1xi32>
      %squeeze3A_367 = vector.extract %slice3A_366[0] : i32 from vector<1xi32>
      %mul3A_368 = arith.constant 16 : i32
      %mul3A_369 = arith.muli %scan3A_153, %mul3A_368 : i32
      %add3A_370 = arith.constant 448 : i32
      %add3A_371 = arith.addi %add3A_370, %mul3A_369 : i32
      %add3A_372 = arith.constant 13 : i32
      %add3A_373 = arith.addi %add3A_371, %add3A_372 : i32
      %dma_start3A_374 = arith.constant 0 : i32
      %dma_start3A_375 = tpu.memref_slice %arg6[%add3A_373, %dma_start3A_374] : memref<512x32xf32, #tpu.memory_space<vmem>> -> memref<1x32xf32, #tpu.memory_space<vmem>>
      %dma_start3A_376 = arith.constant 0 : i32
      %dma_start3A_377 = tpu.memref_slice %arg2[%squeeze3A_367, %dma_start3A_376] : memref<1000000x32xf32, #tpu.memory_space<hbm>> -> memref<1x32xf32, #tpu.memory_space<hbm>>
      %dma_start3A_378 = arith.constant 0 : i32
      %dma_start3A_379 = tpu.memref_slice %arg6[%add3A_373, %dma_start3A_378] : memref<512x32xf32, #tpu.memory_space<vmem>> -> memref<1x32xf32, #tpu.memory_space<vmem>>
      %dma_start3A_380 = arith.constant 0 : i32
      %dma_start3A_381 = tpu.memref_slice %arg2[%squeeze3A_367, %dma_start3A_380] : memref<1000000x32xf32, #tpu.memory_space<hbm>> -> memref<1x32xf32, #tpu.memory_space<hbm>>
      tpu.enqueue_dma source(%dma_start3A_381 : memref<1x32xf32, #tpu.memory_space<hbm>>) target(%dma_start3A_379 : memref<1x32xf32, #tpu.memory_space<vmem>>) target_semaphore(%arg14 : memref<!tpu.dma_semaphore, #tpu.memory_space<semaphore_mem>>)
      %slice3A_382 = vector.extract_strided_slice %get3A_160 {offsets = [14], sizes = [1], strides = [1]} : vector<16xi32> to vector<1xi32>
      %squeeze3A_383 = vector.extract %slice3A_382[0] : i32 from vector<1xi32>
      %mul3A_384 = arith.constant 16 : i32
      %mul3A_385 = arith.muli %scan3A_153, %mul3A_384 : i32
      %add3A_386 = arith.constant 448 : i32
      %add3A_387 = arith.addi %add3A_386, %mul3A_385 : i32
      %add3A_388 = arith.constant 14 : i32
      %add3A_389 = arith.addi %add3A_387, %add3A_388 : i32
      %dma_start3A_390 = arith.constant 0 : i32
      %dma_start3A_391 = tpu.memref_slice %arg6[%add3A_389, %dma_start3A_390] : memref<512x32xf32, #tpu.memory_space<vmem>> -> memref<1x32xf32, #tpu.memory_space<vmem>>
      %dma_start3A_392 = arith.constant 0 : i32
      %dma_start3A_393 = tpu.memref_slice %arg2[%squeeze3A_383, %dma_start3A_392] : memref<1000000x32xf32, #tpu.memory_space<hbm>> -> memref<1x32xf32, #tpu.memory_space<hbm>>
      %dma_start3A_394 = arith.constant 0 : i32
      %dma_start3A_395 = tpu.memref_slice %arg6[%add3A_389, %dma_start3A_394] : memref<512x32xf32, #tpu.memory_space<vmem>> -> memref<1x32xf32, #tpu.memory_space<vmem>>
      %dma_start3A_396 = arith.constant 0 : i32
      %dma_start3A_397 = tpu.memref_slice %arg2[%squeeze3A_383, %dma_start3A_396] : memref<1000000x32xf32, #tpu.memory_space<hbm>> -> memref<1x32xf32, #tpu.memory_space<hbm>>
      tpu.enqueue_dma source(%dma_start3A_397 : memref<1x32xf32, #tpu.memory_space<hbm>>) target(%dma_start3A_395 : memref<1x32xf32, #tpu.memory_space<vmem>>) target_semaphore(%arg14 : memref<!tpu.dma_semaphore, #tpu.memory_space<semaphore_mem>>)
      %slice3A_398 = vector.extract_strided_slice %get3A_160 {offsets = [15], sizes = [1], strides = [1]} : vector<16xi32> to vector<1xi32>
      %squeeze3A_399 = vector.extract %slice3A_398[0] : i32 from vector<1xi32>
      %mul3A_400 = arith.constant 16 : i32
      %mul3A_401 = arith.muli %scan3A_153, %mul3A_400 : i32
      %add3A_402 = arith.constant 448 : i32
      %add3A_403 = arith.addi %add3A_402, %mul3A_401 : i32
      %add3A_404 = arith.constant 15 : i32
      %add3A_405 = arith.addi %add3A_403, %add3A_404 : i32
      %dma_start3A_406 = arith.constant 0 : i32
      %dma_start3A_407 = tpu.memref_slice %arg6[%add3A_405, %dma_start3A_406] : memref<512x32xf32, #tpu.memory_space<vmem>> -> memref<1x32xf32, #tpu.memory_space<vmem>>
      %dma_start3A_408 = arith.constant 0 : i32
      %dma_start3A_409 = tpu.memref_slice %arg2[%squeeze3A_399, %dma_start3A_408] : memref<1000000x32xf32, #tpu.memory_space<hbm>> -> memref<1x32xf32, #tpu.memory_space<hbm>>
      %dma_start3A_410 = arith.constant 0 : i32
      %dma_start3A_411 = tpu.memref_slice %arg6[%add3A_405, %dma_start3A_410] : memref<512x32xf32, #tpu.memory_space<vmem>> -> memref<1x32xf32, #tpu.memory_space<vmem>>
      %dma_start3A_412 = arith.constant 0 : i32
      %dma_start3A_413 = tpu.memref_slice %arg2[%squeeze3A_399, %dma_start3A_412] : memref<1000000x32xf32, #tpu.memory_space<hbm>> -> memref<1x32xf32, #tpu.memory_space<hbm>>
      tpu.enqueue_dma source(%dma_start3A_413 : memref<1x32xf32, #tpu.memory_space<hbm>>) target(%dma_start3A_411 : memref<1x32xf32, #tpu.memory_space<vmem>>) target_semaphore(%arg14 : memref<!tpu.dma_semaphore, #tpu.memory_space<semaphore_mem>>)
      %scan3A_414 = arith.constant 0 : i32
      scf.yield %scan3A_414 : i32
    }
    %scan3A_57 = arith.constant 4 : i32
    %dma_wait3A = arith.constant 0 : i32
    %dma_wait3A_58 = arith.constant 0 : i32
    %dma_wait3A_59 = tpu.memref_slice %arg6[%dma_wait3A, %dma_wait3A_58] : memref<512x32xf32, #tpu.memory_space<vmem>> -> memref<64x32xf32, #tpu.memory_space<vmem>>
    %dma_wait3A_60 = arith.constant 0 : i32
    %dma_wait3A_61 = arith.constant 0 : i32
    %dma_wait3A_62 = tpu.memref_slice %arg2[%dma_wait3A_60, %dma_wait3A_61] : memref<1000000x32xf32, #tpu.memory_space<hbm>> -> memref<64x32xf32, #tpu.memory_space<hbm>>
    %dma_wait3A_63 = arith.constant 0 : i32
    %dma_wait3A_64 = arith.constant 0 : i32
    %dma_wait3A_65 = tpu.memref_slice %arg6[%dma_wait3A_63, %dma_wait3A_64] : memref<512x32xf32, #tpu.memory_space<vmem>> -> memref<64x32xf32, #tpu.memory_space<vmem>>
    %dma_wait3A_66 = arith.constant 0 : i32
    %dma_wait3A_67 = arith.constant 0 : i32
    %dma_wait3A_68 = tpu.memref_slice %arg2[%dma_wait3A_66, %dma_wait3A_67] : memref<1000000x32xf32, #tpu.memory_space<hbm>> -> memref<64x32xf32, #tpu.memory_space<hbm>>
    tpu.wait_dma2 semaphore(%arg7 : memref<!tpu.dma_semaphore, #tpu.memory_space<semaphore_mem>>) src(%dma_wait3A_68 : memref<64x32xf32, #tpu.memory_space<hbm>>) dst(%dma_wait3A_65 : memref<64x32xf32, #tpu.memory_space<vmem>>)
    %dma_wait3A_69 = arith.constant 64 : i32
    %dma_wait3A_70 = arith.constant 0 : i32
    %dma_wait3A_71 = tpu.memref_slice %arg6[%dma_wait3A_69, %dma_wait3A_70] : memref<512x32xf32, #tpu.memory_space<vmem>> -> memref<64x32xf32, #tpu.memory_space<vmem>>
    %dma_wait3A_72 = arith.constant 0 : i32
    %dma_wait3A_73 = arith.constant 0 : i32
    %dma_wait3A_74 = tpu.memref_slice %arg2[%dma_wait3A_72, %dma_wait3A_73] : memref<1000000x32xf32, #tpu.memory_space<hbm>> -> memref<64x32xf32, #tpu.memory_space<hbm>>
    %dma_wait3A_75 = arith.constant 64 : i32
    %dma_wait3A_76 = arith.constant 0 : i32
    %dma_wait3A_77 = tpu.memref_slice %arg6[%dma_wait3A_75, %dma_wait3A_76] : memref<512x32xf32, #tpu.memory_space<vmem>> -> memref<64x32xf32, #tpu.memory_space<vmem>>
    %dma_wait3A_78 = arith.constant 0 : i32
    %dma_wait3A_79 = arith.constant 0 : i32
    %dma_wait3A_80 = tpu.memref_slice %arg2[%dma_wait3A_78, %dma_wait3A_79] : memref<1000000x32xf32, #tpu.memory_space<hbm>> -> memref<64x32xf32, #tpu.memory_space<hbm>>
    tpu.wait_dma2 semaphore(%arg8 : memref<!tpu.dma_semaphore, #tpu.memory_space<semaphore_mem>>) src(%dma_wait3A_80 : memref<64x32xf32, #tpu.memory_space<hbm>>) dst(%dma_wait3A_77 : memref<64x32xf32, #tpu.memory_space<vmem>>)
    %dma_wait3A_81 = arith.constant 128 : i32
    %dma_wait3A_82 = arith.constant 0 : i32
    %dma_wait3A_83 = tpu.memref_slice %arg6[%dma_wait3A_81, %dma_wait3A_82] : memref<512x32xf32, #tpu.memory_space<vmem>> -> memref<64x32xf32, #tpu.memory_space<vmem>>
    %dma_wait3A_84 = arith.constant 0 : i32
    %dma_wait3A_85 = arith.constant 0 : i32
    %dma_wait3A_86 = tpu.memref_slice %arg2[%dma_wait3A_84, %dma_wait3A_85] : memref<1000000x32xf32, #tpu.memory_space<hbm>> -> memref<64x32xf32, #tpu.memory_space<hbm>>
    %dma_wait3A_87 = arith.constant 128 : i32
    %dma_wait3A_88 = arith.constant 0 : i32
    %dma_wait3A_89 = tpu.memref_slice %arg6[%dma_wait3A_87, %dma_wait3A_88] : memref<512x32xf32, #tpu.memory_space<vmem>> -> memref<64x32xf32, #tpu.memory_space<vmem>>
    %dma_wait3A_90 = arith.constant 0 : i32
    %dma_wait3A_91 = arith.constant 0 : i32
    %dma_wait3A_92 = tpu.memref_slice %arg2[%dma_wait3A_90, %dma_wait3A_91] : memref<1000000x32xf32, #tpu.memory_space<hbm>> -> memref<64x32xf32, #tpu.memory_space<hbm>>
    tpu.wait_dma2 semaphore(%arg9 : memref<!tpu.dma_semaphore, #tpu.memory_space<semaphore_mem>>) src(%dma_wait3A_92 : memref<64x32xf32, #tpu.memory_space<hbm>>) dst(%dma_wait3A_89 : memref<64x32xf32, #tpu.memory_space<vmem>>)
    %dma_wait3A_93 = arith.constant 192 : i32
    %dma_wait3A_94 = arith.constant 0 : i32
    %dma_wait3A_95 = tpu.memref_slice %arg6[%dma_wait3A_93, %dma_wait3A_94] : memref<512x32xf32, #tpu.memory_space<vmem>> -> memref<64x32xf32, #tpu.memory_space<vmem>>
    %dma_wait3A_96 = arith.constant 0 : i32
    %dma_wait3A_97 = arith.constant 0 : i32
    %dma_wait3A_98 = tpu.memref_slice %arg2[%dma_wait3A_96, %dma_wait3A_97] : memref<1000000x32xf32, #tpu.memory_space<hbm>> -> memref<64x32xf32, #tpu.memory_space<hbm>>
    %dma_wait3A_99 = arith.constant 192 : i32
    %dma_wait3A_100 = arith.constant 0 : i32
    %dma_wait3A_101 = tpu.memref_slice %arg6[%dma_wait3A_99, %dma_wait3A_100] : memref<512x32xf32, #tpu.memory_space<vmem>> -> memref<64x32xf32, #tpu.memory_space<vmem>>
    %dma_wait3A_102 = arith.constant 0 : i32
    %dma_wait3A_103 = arith.constant 0 : i32
    %dma_wait3A_104 = tpu.memref_slice %arg2[%dma_wait3A_102, %dma_wait3A_103] : memref<1000000x32xf32, #tpu.memory_space<hbm>> -> memref<64x32xf32, #tpu.memory_space<hbm>>
    tpu.wait_dma2 semaphore(%arg10 : memref<!tpu.dma_semaphore, #tpu.memory_space<semaphore_mem>>) src(%dma_wait3A_104 : memref<64x32xf32, #tpu.memory_space<hbm>>) dst(%dma_wait3A_101 : memref<64x32xf32, #tpu.memory_space<vmem>>)
    %dma_wait3A_105 = arith.constant 256 : i32
    %dma_wait3A_106 = arith.constant 0 : i32
    %dma_wait3A_107 = tpu.memref_slice %arg6[%dma_wait3A_105, %dma_wait3A_106] : memref<512x32xf32, #tpu.memory_space<vmem>> -> memref<64x32xf32, #tpu.memory_space<vmem>>
    %dma_wait3A_108 = arith.constant 0 : i32
    %dma_wait3A_109 = arith.constant 0 : i32
    %dma_wait3A_110 = tpu.memref_slice %arg2[%dma_wait3A_108, %dma_wait3A_109] : memref<1000000x32xf32, #tpu.memory_space<hbm>> -> memref<64x32xf32, #tpu.memory_space<hbm>>
    %dma_wait3A_111 = arith.constant 256 : i32
    %dma_wait3A_112 = arith.constant 0 : i32
    %dma_wait3A_113 = tpu.memref_slice %arg6[%dma_wait3A_111, %dma_wait3A_112] : memref<512x32xf32, #tpu.memory_space<vmem>> -> memref<64x32xf32, #tpu.memory_space<vmem>>
    %dma_wait3A_114 = arith.constant 0 : i32
    %dma_wait3A_115 = arith.constant 0 : i32
    %dma_wait3A_116 = tpu.memref_slice %arg2[%dma_wait3A_114, %dma_wait3A_115] : memref<1000000x32xf32, #tpu.memory_space<hbm>> -> memref<64x32xf32, #tpu.memory_space<hbm>>
    tpu.wait_dma2 semaphore(%arg11 : memref<!tpu.dma_semaphore, #tpu.memory_space<semaphore_mem>>) src(%dma_wait3A_116 : memref<64x32xf32, #tpu.memory_space<hbm>>) dst(%dma_wait3A_113 : memref<64x32xf32, #tpu.memory_space<vmem>>)
    %dma_wait3A_117 = arith.constant 320 : i32
    %dma_wait3A_118 = arith.constant 0 : i32
    %dma_wait3A_119 = tpu.memref_slice %arg6[%dma_wait3A_117, %dma_wait3A_118] : memref<512x32xf32, #tpu.memory_space<vmem>> -> memref<64x32xf32, #tpu.memory_space<vmem>>
    %dma_wait3A_120 = arith.constant 0 : i32
    %dma_wait3A_121 = arith.constant 0 : i32
    %dma_wait3A_122 = tpu.memref_slice %arg2[%dma_wait3A_120, %dma_wait3A_121] : memref<1000000x32xf32, #tpu.memory_space<hbm>> -> memref<64x32xf32, #tpu.memory_space<hbm>>
    %dma_wait3A_123 = arith.constant 320 : i32
    %dma_wait3A_124 = arith.constant 0 : i32
    %dma_wait3A_125 = tpu.memref_slice %arg6[%dma_wait3A_123, %dma_wait3A_124] : memref<512x32xf32, #tpu.memory_space<vmem>> -> memref<64x32xf32, #tpu.memory_space<vmem>>
    %dma_wait3A_126 = arith.constant 0 : i32
    %dma_wait3A_127 = arith.constant 0 : i32
    %dma_wait3A_128 = tpu.memref_slice %arg2[%dma_wait3A_126, %dma_wait3A_127] : memref<1000000x32xf32, #tpu.memory_space<hbm>> -> memref<64x32xf32, #tpu.memory_space<hbm>>
    tpu.wait_dma2 semaphore(%arg12 : memref<!tpu.dma_semaphore, #tpu.memory_space<semaphore_mem>>) src(%dma_wait3A_128 : memref<64x32xf32, #tpu.memory_space<hbm>>) dst(%dma_wait3A_125 : memref<64x32xf32, #tpu.memory_space<vmem>>)
    %dma_wait3A_129 = arith.constant 384 : i32
    %dma_wait3A_130 = arith.constant 0 : i32
    %dma_wait3A_131 = tpu.memref_slice %arg6[%dma_wait3A_129, %dma_wait3A_130] : memref<512x32xf32, #tpu.memory_space<vmem>> -> memref<64x32xf32, #tpu.memory_space<vmem>>
    %dma_wait3A_132 = arith.constant 0 : i32
    %dma_wait3A_133 = arith.constant 0 : i32
    %dma_wait3A_134 = tpu.memref_slice %arg2[%dma_wait3A_132, %dma_wait3A_133] : memref<1000000x32xf32, #tpu.memory_space<hbm>> -> memref<64x32xf32, #tpu.memory_space<hbm>>
    %dma_wait3A_135 = arith.constant 384 : i32
    %dma_wait3A_136 = arith.constant 0 : i32
    %dma_wait3A_137 = tpu.memref_slice %arg6[%dma_wait3A_135, %dma_wait3A_136] : memref<512x32xf32, #tpu.memory_space<vmem>> -> memref<64x32xf32, #tpu.memory_space<vmem>>
    %dma_wait3A_138 = arith.constant 0 : i32
    %dma_wait3A_139 = arith.constant 0 : i32
    %dma_wait3A_140 = tpu.memref_slice %arg2[%dma_wait3A_138, %dma_wait3A_139] : memref<1000000x32xf32, #tpu.memory_space<hbm>> -> memref<64x32xf32, #tpu.memory_space<hbm>>
    tpu.wait_dma2 semaphore(%arg13 : memref<!tpu.dma_semaphore, #tpu.memory_space<semaphore_mem>>) src(%dma_wait3A_140 : memref<64x32xf32, #tpu.memory_space<hbm>>) dst(%dma_wait3A_137 : memref<64x32xf32, #tpu.memory_space<vmem>>)
    %dma_wait3A_141 = arith.constant 448 : i32
    %dma_wait3A_142 = arith.constant 0 : i32
    %dma_wait3A_143 = tpu.memref_slice %arg6[%dma_wait3A_141, %dma_wait3A_142] : memref<512x32xf32, #tpu.memory_space<vmem>> -> memref<64x32xf32, #tpu.memory_space<vmem>>
    %dma_wait3A_144 = arith.constant 0 : i32
    %dma_wait3A_145 = arith.constant 0 : i32
    %dma_wait3A_146 = tpu.memref_slice %arg2[%dma_wait3A_144, %dma_wait3A_145] : memref<1000000x32xf32, #tpu.memory_space<hbm>> -> memref<64x32xf32, #tpu.memory_space<hbm>>
    %dma_wait3A_147 = arith.constant 448 : i32
    %dma_wait3A_148 = arith.constant 0 : i32
    %dma_wait3A_149 = tpu.memref_slice %arg6[%dma_wait3A_147, %dma_wait3A_148] : memref<512x32xf32, #tpu.memory_space<vmem>> -> memref<64x32xf32, #tpu.memory_space<vmem>>
    %dma_wait3A_150 = arith.constant 0 : i32
    %dma_wait3A_151 = arith.constant 0 : i32
    %dma_wait3A_152 = tpu.memref_slice %arg2[%dma_wait3A_150, %dma_wait3A_151] : memref<1000000x32xf32, #tpu.memory_space<hbm>> -> memref<64x32xf32, #tpu.memory_space<hbm>>
    tpu.wait_dma2 semaphore(%arg14 : memref<!tpu.dma_semaphore, #tpu.memory_space<semaphore_mem>>) src(%dma_wait3A_152 : memref<64x32xf32, #tpu.memory_space<hbm>>) dst(%dma_wait3A_149 : memref<64x32xf32, #tpu.memory_space<vmem>>)
    "tpu.region"() ({
      %run_scoped3A = tpu.sem_alloc : memref<!tpu.dma_semaphore, #tpu.memory_space<semaphore_mem>>
      %dma_start3A = arith.constant 0 : i32
      %dma_start3A_153 = tpu.memref_slice %arg4[%mul3A_2, %dma_start3A] : memref<16384x32xf32, #tpu.memory_space<hbm>> -> memref<512x32xf32, #tpu.memory_space<hbm>>
      %dma_start3A_154 = arith.constant 0 : i32
      %dma_start3A_155 = tpu.memref_slice %arg4[%mul3A_2, %dma_start3A_154] : memref<16384x32xf32, #tpu.memory_space<hbm>> -> memref<512x32xf32, #tpu.memory_space<hbm>>
      tpu.enqueue_dma source(%arg6 : memref<512x32xf32, #tpu.memory_space<vmem>>) target(%dma_start3A_155 : memref<512x32xf32, #tpu.memory_space<hbm>>) target_semaphore(%run_scoped3A : memref<!tpu.dma_semaphore, #tpu.memory_space<semaphore_mem>>)
      %dma_wait3A_156 = arith.constant 0 : i32
      %dma_wait3A_157 = tpu.memref_slice %arg4[%mul3A_2, %dma_wait3A_156] : memref<16384x32xf32, #tpu.memory_space<hbm>> -> memref<512x32xf32, #tpu.memory_space<hbm>>
      %dma_wait3A_158 = arith.constant 0 : i32
      %dma_wait3A_159 = tpu.memref_slice %arg4[%mul3A_2, %dma_wait3A_158] : memref<16384x32xf32, #tpu.memory_space<hbm>> -> memref<512x32xf32, #tpu.memory_space<hbm>>
      tpu.wait_dma2 semaphore(%run_scoped3A : memref<!tpu.dma_semaphore, #tpu.memory_space<semaphore_mem>>) src(%arg6 : memref<512x32xf32, #tpu.memory_space<vmem>>) dst(%dma_wait3A_159 : memref<512x32xf32, #tpu.memory_space<hbm>>)
      tpu.yield
    }) : () -> ()
    return
  }
}

</mosaic_0001>

<sc_bundles>
// kernel: kernel.3.cloned.1.call-start
scs
__scs_entry_jumppad:
0x0: {  	(pc) =	sbr.rel $0x88, $3  }
0x1: {  	(tag) =	ssettag $0x0;
	lr =	simm.s32 $0x1  }
0x2: {  	[smem:$0x3F9F] =	sst lr;
	_ =	strace $0xD0000000  }
0x3: {  	_ = 	snop  }
0x4: {  	_ = 	snop  }
0x5: {  	_ = 	snop  }
0x6: {  	_ = 	snop  }
0x7: {  	_ = 	snop  }
__scs_overlays_trampoline_lowered:
0x8: {  	[smem:$0x3FAE] =	sst s0  }
0x9: {  	[smem:$0x3FAF] =	sst s1  }
0xa: {  	[smem:$0x3FB0] =	sst s2  }
0xb: {  	[smem:$0x3FB1] =	sst s3  }
0xc: {  	[smem:$0x3FB2] =	sst s4  }
0xd: {  	[smem:$0x3FB3] =	sst s5  }
0xe: {  	[smem:$0x3FB4] =	sst s6  }
0xf: {  	[smem:$0x3FB5] =	sst s7  }
0x10: {  	[smem:$0x3FB6] =	sst s8  }
0x11: {  	[smem:$0x3FB7] =	sst s9;
	s0 =	simm.s32 @!p0 $0x0  }
0x12: {  	s1 =	sld [smem:$0x3F9D];
	s0 =	simm.s32 @p0 $0x1  }
0x13: {  	[smem:$0x3FB8] =	sst s0;
	s0 =	simm.s32 @!p1 $0x0  }
0x14: {  	s2 =	sld [smem:$0x3F9C];
	s0 =	simm.s32 @p1 $0x1  }
0x15: {  	[smem:$0x3FB9] =	sst s0;
	s0 =	simm.s32 @!p2 $0x0  }
0x16: {  	s3 =	sld [smem:$0x3FDB];
	s0 =	simm.s32 @p2 $0x1  }
0x17: {  	s4 =	simm.s32 $0x1BF5;
	[smem:$0x3FBB] =	sst s0  }
0x18: {  	s0 =	sld [smem:$0x3F9E];
	_ =	swait.ge [sflag:s4], $0x0  }
0x19: {  	s7 =	sld [smem:$0x3F9F]  }
0x1a: {  	s8 =	sadd.s32 $0xFFFFE003, lr  }
0x1b: {  	s9 =	sadd.s32 $0xFFFFFEF7, lr;
	s5 =	simm.s32 $0xFFFFFFFF;
	p2 =	slt.u32 s8, $0xFFFFF086  }
0x1c: {  	p1 =	slt.u32 s9, $0xF7A;
	s5 =	simm.s32 @!p2 $0x0  }
0x1d: {  	s5 =	simm.s32 @p1 $0x1;
	p0 =	seq.s32 s7, s2  }
0x1e: {  	s7 =	smul.u32 @!p0 $0xF7A, s2;
	p2 =	seq.s32 @!p0 s5, $0x0  }
0x1f: {  	s9 =	smul.u32 $0xF7A, s1;
	s8 =	simm.s32 @!p0 $0x1BF5;
	p2 =	por !p2, p0  }
0x20: {  	[sflag:s8] =	ssyncset.s32 @!p0 $0xFFFFF086;
	s6 =	sadd.s32 @!p0 s3, s7;
	s7 =	simm.s32 @!p0 $0x108  }
0x21: {  	s3 =	sadd.s32 s3, s9;
	s6 =	sadd.s32 @!p0 $0x88, s6;
	s7 =	simm.s32 @p2 $0x1082  }
0x22: {  	[simem:s7], [sflag:s8] =	dma.local @!p0 [hbm:s6], $0xF7A  }
0x23: {  	s9 =	sor.u32 $0xD0000000, s2;
	s6 =	simm.s32 $0x108;
	_ =	swait.ge @!p0 [sflag:s8], $0x0  }
0x24: {  	s3 =	sadd.s32 $0x88, s3;
	s6 =	simm.s32 @!p1 $0x1082;
	[sflag:s4] =	ssyncset.s32 $0xFFFFF086  }
0x25: {  	[simem:s6], [sflag:s4] =	dma.local [hbm:s3], $0xF7A  }
0x26: {  	[smem:$0x3F9F] =	sst s1;
	(tag) =	ssettag s2;
	_ =	strace s9  }
0x27: {  	s1 =	sld [smem:$0x3FAF]  }
0x28: {  	s2 =	sld [smem:$0x3FB0]  }
0x29: {  	s4 =	sld [smem:$0x3FB2]  }
0x2a: {  	p0 =	seq.s32 s5, $0x0;
	s5 =	sld [smem:$0x3FB3]  }
0x2b: {  	s6 =	sld [smem:$0x3FB4]  }
0x2c: {  	s7 =	sld [smem:$0x3FB5]  }
0x2d: {  	s3 =	simm.s32 $0x108;
	s8 =	sld [smem:$0x3FB6]  }
0x2e: {  	s3 =	simm.s32 @!p0 $0x1082;
	s9 =	sld [smem:$0x3FB7]  }
0x2f: {  	lr =	sadd.s32 s0, s3;
	s0 =	sld [smem:$0x3FAE]  }
0x30: {  	s3 =	sld [smem:$0x3FB1]  }
0x31: {  	[smem:$0x3FBA] =	sst s10  }
0x32: {  	s10 =	sld [smem:$0x3FB8];
	_ =	sdelay $0x3  }
0x33: {  	p0 =	seq.s32 s10, $0x1;
	s10 =	sld [smem:$0x3FBA];
	_ =	sdelay $0x3  }
0x34: {  	[smem:$0x3FBA] =	sst s10  }
0x35: {  	s10 =	sld [smem:$0x3FB9];
	_ =	sdelay $0x3  }
0x36: {  	p1 =	seq.s32 s10, $0x1;
	s10 =	sld [smem:$0x3FBA];
	_ =	sdelay $0x3  }
0x37: {  	[smem:$0x3FBA] =	sst s10  }
0x38: {  	s10 =	sld [smem:$0x3FBB]  }
0x39: {  	_ = 	snop;
	(pc) =	sbr.ind lr, $3  }
0x3a: {  	_ = 	snop  }
0x3b: {  	_ = 	snop  }
0x3c: {  	p2 =	seq.s32 s10, $0x1;
	s10 =	sld [smem:$0x3FBA]  }
0x3d: {  	_ =	shalt  }
0x3e: {  	_ =	shalt  }
0x3f: {  	_ =	shalt  }
0x40: {  	_ =	shalt  }
0x41: {  	_ =	shalt  }
0x42: {  	_ =	shalt  }
0x43: {  	_ =	shalt  }
0x44: {  	_ =	shalt  }
0x45: {  	_ =	shalt  }
0x46: {  	_ =	shalt  }
0x47: {  	_ =	shalt  }
0x48: {  	_ =	shalt  }
0x49: {  	_ =	shalt  }
0x4a: {  	_ =	shalt  }
0x4b: {  	_ =	shalt  }
0x4c: {  	_ =	shalt  }
0x4d: {  	_ =	shalt  }
0x4e: {  	_ =	shalt  }
0x4f: {  	_ =	shalt  }
0x50: {  	_ =	shalt  }
0x51: {  	_ =	shalt  }
0x52: {  	_ =	shalt  }
0x53: {  	_ =	shalt  }
0x54: {  	_ =	shalt  }
0x55: {  	_ =	shalt  }
0x56: {  	_ =	shalt  }
0x57: {  	_ =	shalt  }
0x58: {  	_ =	shalt  }
0x59: {  	_ =	shalt  }
0x5a: {  	_ =	shalt  }
0x5b: {  	_ =	shalt  }
0x5c: {  	_ =	shalt  }
0x5d: {  	_ =	shalt  }
0x5e: {  	_ =	shalt  }
0x5f: {  	_ =	shalt  }
0x60: {  	_ =	shalt  }
0x61: {  	_ =	shalt  }
0x62: {  	_ =	shalt  }
0x63: {  	_ =	shalt  }
0x64: {  	_ =	shalt  }
0x65: {  	_ =	shalt  }
0x66: {  	_ =	shalt  }
0x67: {  	_ =	shalt  }
0x68: {  	_ =	shalt  }
0x69: {  	_ =	shalt  }
0x6a: {  	_ =	shalt  }
0x6b: {  	_ =	shalt  }
0x6c: {  	_ =	shalt  }
0x6d: {  	_ =	shalt  }
0x6e: {  	_ =	shalt  }
0x6f: {  	_ =	shalt  }
0x70: {  	_ =	shalt  }
0x71: {  	_ =	shalt  }
0x72: {  	_ =	shalt  }
0x73: {  	_ =	shalt  }
0x74: {  	_ =	shalt  }
0x75: {  	_ =	shalt  }
0x76: {  	_ =	shalt  }
0x77: {  	_ =	shalt  }
0x78: {  	_ =	shalt  }
0x79: {  	_ =	shalt  }
0x7a: {  	_ =	shalt  }
0x7b: {  	_ =	shalt  }
0x7c: {  	_ =	shalt  }
0x7d: {  	_ =	shalt  }
0x7e: {  	_ =	shalt  }
0x7f: {  	_ =	shalt  }
0x80: {  	_ =	shalt  }
0x81: {  	_ =	shalt  }
0x82: {  	_ =	shalt  }
0x83: {  	_ =	shalt  }
0x84: {  	_ =	shalt  }
0x85: {  	_ =	shalt  }
0x86: {  	_ =	shalt  }
0x87: {  	_ =	shalt  }
.Lfunc_end0:
.L_simem_size_0:
called_computation_lowered:
.L_overlay_start_0:
0x88: {  	s2 =	sld [smem:$0x3FD9]  }
0x89: {  	s3 =	sld [smem:$0x3FFE];
	_ =	sdelay $0x1  }
0x8a: {  	s1 =	srdreg.scid  }
0x8b: {  	s0 =	sand.u32 $0x1, s1  }
0x8c: {  	s17 =	sshll.u32 s0, $0xA;
	s2 =	sadd.s32 s3, s2  }
0x8d: {  	s2 =	sadd.s32 s2, s17  }
0x8e: {  	[smem:$0x3FC6] =	sst s2  }
0x8f: {  	_ = 	snop  }
0x90: {  	s2 =	sld [smem:$0x3FC9];
	(tm) =	ssettm $0x1  }
0x91: {  	s18 =	sld [smem:$0x3FFB];
	_ =	sdelay $0x3  }
0x92: {  	_ =	strace s18  }
0x93: {  	s3 =	sld [smem:$0x3FFC];
	_ =	sdelay $0x3  }
0x94: {  	_ =	strace s3  }
0x95: {  	s3 =	sld [smem:$0x3FFD];
	_ =	sdelay $0x3  }
0x96: {  	_ =	strace s3  }
0x97: {  	_ =	strace $0x8FFFFFFF  }
0x98: {  	s19 =	sld [smem:$0x3FDB];
	_ =	sdelay $0x1  }
0x99: {  	s4 =	simm.s32 $_scs_section_size  }
0x9a: {  	s5 =	simm.s32 $_size__tile_overlayer_lowered;
	s6 =	simm.s32 $_tile_overlayer_lowered  }
0x9b: {  	s22 =	simm.s32 $0x1BFF;
	s21 =	sshll.u32 s6, $0x1;
	s3 =	sadd.s32 s4, s19  }
0x9c: {  	s7 =	simm.s32 $0x0;
	s20 =	sshll.u32 s5, $0x1;
	s5 =	sadd.s32 s21, s3  }
0x9d: {  	[timem:s7], [sflag:s22] =	dma.local [hbm:s5], s20  }
0x9e: {  	_ =	swait.ge [sflag:s22], s20  }
0x9f: {  	s4 =	ssub.s32 $0x0, s20;
	[sflag:s22] =	ssyncset.done $0x0  }
0xa0: {  	[sflag:s22] =	ssyncadd.s32 s4;
	_ =	sdelay $0x1  }
0xa1: {  	s23 =	simm.s32 $0x1B8B  }
0xa2: {  	_ =	swait.ge [sflag:s23], $0x1  }
0xa3: {  	[sflag:s23] =	ssyncset.done $0x0  }
0xa4: {  	s25 =	simm.s32 $0x1B8E;
	s24 =	sld [smem:$0x3FFE];
	[sflag:s23] =	ssyncadd.s32 $0xFFFFFFFF  }
0xa5: {  	s26 =	simm.s32 $execute0_lowered;
	[smem:$0x3FD2] =	sst s25  }
0xa6: {  	s5 =	sshll.u32 s26, $0x1;
	_ =	strace $0x80000046;
	[dreg:$0x1] =	wrdreg $0xFFFFFFFF  }
0xa7: {  	s28 =	simm.s32 $_size_execute0_lowered;
	s3 =	sadd.s32 s3, s5;
	[dreg:$0x0] =	wrdreg $0x0  }
0xa8: {  	s5 =	sshll.u32 s28, $0x1;
	[dreg:$0x2] =	wrdreg s3  }
0xa9: {  	[dreg:$0x3] =	wrdreg s5  }
0xaa: {  	[dreg:$0x4] =	wrdreg $0xC0  }
0xab: {  	_ =	task [dreg:s7], $0x5FFFF  }
0xac: {  	[dreg:$0x1] =	wrdreg $0xFFFFFFFF  }
0xad: {  	[dreg:$0x0] =	wrdreg $0x60  }
0xae: {  	[dreg:$0x2] =	wrdreg s24  }
0xaf: {  	[dreg:$0x3] =	wrdreg s2  }
0xb0: {  	[dreg:$0x4] =	wrdreg $0x9  }
0xb1: {  	_ =	task.clear_ibuf [dreg:s7], $0x5FFFF;
	_ =	strace $0x90000046  }
0xb2: {  	s29 =	simm.s32 $0x9;
	_ =	strace $0x80000048  }
0xb3: {  	_ =	swait.ge [sflag:s29], $0x1  }
0xb4: {  	[sflag:s29] =	ssyncadd.s32 $0xFFFFFFFF  }
0xb5: {  	_ =	strace $0x90000048  }
0xb6: {  	_ =	sfence  }
0xb7: {  	s30 =	sld [smem:$0x0];
	_ =	sdelay $0x2  }
0xb8: {  	s31 =	sshll.u32 s1, $0xD;
	s1 =	sshrl.u32 s1, $0x2  }
0xb9: {  	s3 =	sand.u32 $0x4000, s31;
	s1 =	sadd.s32 s1, s30  }
0xba: {  	s0 =	sor.u32 s3, s0;
	s1 =	sshll.u32 s1, $0x11  }
0xbb: {  	s0 =	sor.u32 s1, s0  }
0xbc: {  	s0 =	sadd.s32 $0x8F2B, s0  }
0xbd: {  	[sflag:s0] =	ssyncadd.remote.s32 $0x1  }
0xbe: {  	_ =	sfence.sel $0xFFFF  }
0xbf: {  	[dreg:$0x0] =	wrdreg $0xFFFFFFFF;
	(pc) =	sbr.abs _section_cstart, $3  }
0xc0: {  	[dreg:$0x1] =	wrdreg $0xFFFFFFFF  }
0xc1: {  	_ =	task.clear_ibuf [dreg:s7], $0x2FFFF;
	_ =	strace $0x9FFFFFFF  }
0xc2: {  	(tm) =	ssettm $0x7FFFFFFF  }
0xc3: {  	_ =	shalt  }
tec
execute0_lowered:
.L_overlay_start_1:
0x0: {  	(tag) =	ssettag $0x1  }
0x1: {  	s4 =	rddreg [dreg:$0x0]  }
0x2: {  	s5 =	rddreg [dreg:$0x1]  }
0x3: {  	s3 =	srdreg.scid;
	s2 =	simm.s32 $0x0;
	s0 =	stileid.u32  }
0x4: {  	s10 =	simm.s32 $0x3;
	s11 =	simm.s32 $0x4;
	s12 =	simm.s32 $0x5  }
0x5: {  	s13 =	simm.s32 $0x6;
	s14 =	simm.s32 $0x7;
	s6 =	sand.u32 $0x1, s3  }
0x6: {  	s15 =	simm.s32 $0x8;
	s26 =	sshll.u32 s0, $0xA;
	s7 =	sshll.u32 s6, $0x9  }
0x7: {  	[smem:$0x7FF] =	sst s2;
	s6 =	ssub.s32 $0x2, s6;
	s7 =	sor.u32 s7, s26  }
0x8: {  	s28 =	sshrl.u32 s6, $0x1;
	s8 =	sshll.u32 s7, $0x4;
	s7 =	sshrl.u32 s7, $0x3  }
0x9: {  	_ =	strace $0x80000047;
	s6 =	ssub.s32 s6, s28;
	s29 =	sadd.s32 s5, s7  }
0xa: {  	s8 =	sadd.s32 s8, s4;
	s31 =	smax.u32 s6, $0x1;
	[dreg:$0x3] =	wrdreg s29  }
0xb: {  	s17 =	simm.s32 $0x0;
	s30 =	sadd.s32 $0xF42800, s8;
	[dreg:$0x5] =	wrdreg s31  }
0xc: {  	s3 =	sadd.s32 $0x400, s4;
	s7 =	simm.s32 $0x9;
	[dreg:$0x4] =	wrdreg s30  }
.LBB2_1:
0xd: {  	s0 =	rddreg [dreg:$0x3]  }
0xe: {  	[tilespmem:s2], [sflag:$0x9] =	stream.linear.gather [hbm4b:s0+s2], $0x200, $0x38;
	[tilespmem:$0x10200] =	vst v63  }
0xf: {  	_ =	swait.ge [sflag:s7], $0x200  }
0x10: {  	[sflag:s7] =	ssyncset.done $0x0  }
0x11: {  	[sflag:s7] =	ssyncadd.s32 $0xFFFFFE00  }
0x12: {  	v0 =	vld [tilespmem:s2+$0x0];
	_ =	sdelay $0x4  }
0x13: {  	v0 =	vshll.u32 v0, $0x4  }
0x14: {  	(v2sf) =	vpush v0, $0x0  }
0x15: {  	(v2sf) =	vpush v0, $0x1  }
0x16: {  	(v2sf) =	vpush v0, $0x2;
	_ =	sdelay $0x1  }
0x17: {  	(v2sf) =	vpush v0, $0x4;
	_ =	sdelay $0x1  }
0x18: {  	(v2sf) =	vpush v0, $0x3  }
0x19: {  	(v2sf) =	vpush v0, $0x5  }
0x1a: {  	s20 =	simm.s32 $0x2000;
	s19 =	simm.s32 $0x0;
	s21 =	simm.s32 $0x0;
	(v2sf) =	vpush v0, $0x6  }
.LBB2_2:
0x1b: {  	p0 =	sne.s32 s20, $0x6000  }
0x1c: {  	s0 =	sadd.s32 $0x280, s19;
	s25 =	sadd.s32 $0x780, s19;
	s22 =	smov.u32 s20  }
0x1d: {  	s20 =	sadd.s32 $0x2000, s20;
	s29 =	sadd.s32 $0x580, s19;
	s23 =	sadd.s32 $0x800, s19;
	(v2sf) =	vpush v0, $0x7  }
0x1e: {  	s31 =	sadd.s32 $0x480, s19;
	s26 =	sadd.s32 $0x600, s19;
	s24 =	sadd.s32 $0x880, s19  }
0x1f: {  	s1 =	sadd.s32 $0x200, s19;
	s16 =	sadd.s32 $0x400, s19;
	(v2sf) =	vpush v0, $0x8  }
0x20: {  	s18 =	simm.s32 $0x0;
	s4 =	sadd.s32 $0x500, s19;
	s21 =	sadd.s32 $0x10, s21  }
0x21: {  	s5 =	sadd.s32 $0x300, s19;
	s28 =	sadd.s32 $0x700, s19;
	s30 =	spop (v2sf);
	(v2sf) =	vpush v0, $0x9  }
0x22: {  	s6 =	sand.u32 $0x1FFFFFF0, s30;
	s30 =	sadd.s32 $0x680, s19;
	s8 =	spop (v2sf)  }
0x23: {  	s6 =	sadd.s32 s3, s6;
	s8 =	sand.u32 $0x1FFFFFF0, s8;
	s9 =	spop (v2sf);
	(v2sf) =	vpush v0, $0xA  }
0x24: {  	[tilespmem:s1], [sflag:$0x1] =	stream.linear.gather [hbm4b:s6+s18], $0x80, $0x38;
	[tilespmem:$0x10200] =	vst v63  }
0x25: {  	s1 =	sadd.s32 s3, s8;
	s6 =	sadd.s32 $0x380, s19;
	s8 =	spop (v2sf);
	(v2sf) =	vpush v0, $0xB  }
0x26: {  	[tilespmem:s0], [sflag:$0x1] =	stream.linear.gather [hbm4b:s1+s18], $0x80, $0x38;
	[tilespmem:$0x10200] =	vst v63  }
0x27: {  	s0 =	sand.u32 $0x1FFFFFF0, s9;
	s1 =	sand.u32 $0x1FFFFFF0, s8;
	s8 =	spop (v2sf);
	(v2sf) =	vpush v0, $0xC  }
0x28: {  	s0 =	sadd.s32 s3, s0;
	s8 =	sand.u32 $0x1FFFFFF0, s8;
	s9 =	spop (v2sf)  }
0x29: {  	[tilespmem:s5], [sflag:$0x1] =	stream.linear.gather [hbm4b:s0+s18], $0x80, $0x38;
	(v2sf) =	vpush v0, $0xD;
	[tilespmem:$0x10200] =	vst v63  }
0x2a: {  	s0 =	sadd.s32 s3, s8;
	s5 =	sand.u32 $0x1FFFFFF0, s9;
	s8 =	spop (v2sf)  }
0x2b: {  	[tilespmem:s6], [sflag:$0x1] =	stream.linear.gather [hbm4b:s0+s18], $0x80, $0x38;
	(v2sf) =	vpush v0, $0xE;
	[tilespmem:$0x10200] =	vst v63  }
0x2c: {  	s0 =	sadd.s32 s3, s1;
	s1 =	sand.u32 $0x1FFFFFF0, s8;
	s6 =	spop (v2sf)  }
0x2d: {  	[tilespmem:s16], [sflag:$0x1] =	stream.linear.gather [hbm4b:s0+s18], $0x80, $0x38;
	(v2sf) =	vpush v0, $0xF;
	[tilespmem:$0x10200] =	vst v63  }
0x2e: {  	s0 =	sadd.s32 s3, s5;
	s5 =	sand.u32 $0x1FFFFFF0, s6;
	s6 =	spop (v2sf)  }
0x2f: {  	[tilespmem:s31], [sflag:$0x1] =	stream.linear.gather [hbm4b:s0+s18], $0x80, $0x38;
	[tilespmem:$0x10200] =	vst v63  }
0x30: {  	s0 =	sadd.s32 s3, s1;
	s1 =	sand.u32 $0x1FFFFFF0, s6;
	s6 =	spop (v2sf)  }
0x31: {  	[tilespmem:s4], [sflag:$0x1] =	stream.linear.gather [hbm4b:s0+s18], $0x80, $0x38;
	[tilespmem:$0x10200] =	vst v63  }
0x32: {  	s0 =	sadd.s32 s3, s5;
	s4 =	sand.u32 $0x1FFFFFF0, s6;
	s5 =	spop (v2sf)  }
0x33: {  	[tilespmem:s29], [sflag:$0x1] =	stream.linear.gather [hbm4b:s0+s18], $0x80, $0x38;
	[tilespmem:$0x10200] =	vst v63  }
0x34: {  	s0 =	sadd.s32 s3, s1;
	s1 =	sand.u32 $0x1FFFFFF0, s5;
	s5 =	spop (v2sf)  }
0x35: {  	[tilespmem:s26], [sflag:$0x1] =	stream.linear.gather [hbm4b:s0+s18], $0x80, $0x38;
	[tilespmem:$0x10200] =	vst v63  }
0x36: {  	s0 =	sadd.s32 s3, s4;
	s4 =	sand.u32 $0x1FFFFFF0, s5;
	s5 =	spop (v2sf)  }
0x37: {  	[tilespmem:s30], [sflag:$0x1] =	stream.linear.gather [hbm4b:s0+s18], $0x80, $0x38;
	[tilespmem:$0x10200] =	vst v63  }
0x38: {  	s0 =	sadd.s32 s3, s1;
	s1 =	sand.u32 $0x1FFFFFF0, s5;
	s5 =	spop (v2sf)  }
0x39: {  	[tilespmem:s28], [sflag:$0x1] =	stream.linear.gather [hbm4b:s0+s18], $0x80, $0x38;
	[tilespmem:$0x10200] =	vst v63  }
0x3a: {  	s0 =	sadd.s32 s3, s4;
	s4 =	sand.u32 $0x1FFFFFF0, s5;
	s5 =	spop (v2sf)  }
0x3b: {  	[tilespmem:s25], [sflag:$0x1] =	stream.linear.gather [hbm4b:s0+s18], $0x80, $0x38;
	[tilespmem:$0x10200] =	vst v63  }
0x3c: {  	s0 =	sadd.s32 s3, s1;
	s1 =	sand.u32 $0x1FFFFFF0, s5;
	s5 =	spop (v2sf)  }
0x3d: {  	[tilespmem:s23], [sflag:$0x1] =	stream.linear.gather [hbm4b:s0+s18], $0x80, $0x38;
	[tilespmem:$0x10200] =	vst v63  }
0x3e: {  	s0 =	sadd.s32 s3, s4;
	s4 =	sand.u32 $0x1FFFFFF0, s5  }
0x3f: {  	[tilespmem:s24], [sflag:$0x1] =	stream.linear.gather [hbm4b:s0+s18], $0x80, $0x38;
	[tilespmem:$0x10200] =	vst v63  }
0x40: {  	s1 =	sadd.s32 s3, s1;
	s0 =	sadd.s32 $0x900, s19  }
0x41: {  	[tilespmem:s0], [sflag:$0x1] =	stream.linear.gather [hbm4b:s1+s18], $0x80, $0x38;
	[tilespmem:$0x10200] =	vst v63  }
0x42: {  	s0 =	sadd.s32 $0x980, s19;
	s1 =	sadd.s32 s3, s4  }
0x43: {  	[tilespmem:s0], [sflag:$0x1] =	stream.linear.gather [hbm4b:s1+s18], $0x80, $0x38;
	[tilespmem:$0x10200] =	vst v63  }
0x44: {  	v0 =	vld [tilespmem:s21+$0x0];
	_ =	sdelay $0x4  }
0x45: {  	v0 =	vshll.u32 v0, $0x4  }
0x46: {  	(v2sf) =	vpush v0, $0x0  }
0x47: {  	(v2sf) =	vpush v0, $0x1  }
0x48: {  	(v2sf) =	vpush v0, $0x2;
	_ =	sdelay $0x1  }
0x49: {  	(v2sf) =	vpush v0, $0x4  }
.Ltmp0:
0x4a: {  	(pc) =	sbr.rel @p0 .LBB2_2-.Ltmp0, $3  }
0x4b: {  	(v2sf) =	vpush v0, $0x3  }
0x4c: {  	(v2sf) =	vpush v0, $0x5;
	_ =	sdelay $0x1  }
0x4d: {  	s19 =	sshra.s32 s22, $0x2;
	(v2sf) =	vpush v0, $0x6  }
0x4e: {  	_ =	sdelay $0x1  }
0x4f: {  	s0 =	sadd.s32 $0x280, s19;
	s22 =	sadd.s32 $0x780, s19  }
0x50: {  	s1 =	sadd.s32 $0x580, s19;
	s20 =	sadd.s32 $0x800, s19;
	(v2sf) =	vpush v0, $0x7;
	s4 =	sadd.s32 $0x480, s19  }
0x51: {  	s5 =	sadd.s32 $0x600, s19;
	s21 =	sadd.s32 $0x880, s19;
	s6 =	sadd.s32 $0x200, s19  }
0x52: {  	s8 =	sadd.s32 $0x400, s19;
	s9 =	sadd.s32 $0x500, s19;
	(v2sf) =	vpush v0, $0x8;
	s16 =	spop (v2sf)  }
0x53: {  	s23 =	sadd.s32 $0x300, s19;
	s16 =	sand.u32 $0x1FFFFFF0, s16;
	s24 =	spop (v2sf)  }
0x54: {  	(v2sf) =	vpush v0, $0x9;
	s16 =	sadd.s32 s3, s16;
	s24 =	sand.u32 $0x1FFFFFF0, s24;
	s25 =	spop (v2sf)  }
0x55: {  	[tilespmem:s6], [sflag:$0x1] =	stream.linear.gather [hbm4b:s16+s18], $0x80, $0x38;
	[tilespmem:$0x10200] =	vst v63  }
0x56: {  	(v2sf) =	vpush v0, $0xA;
	s26 =	sadd.s32 s3, s24;
	s29 =	sand.u32 $0x1FFFFFF0, s25;
	s28 =	spop (v2sf)  }
0x57: {  	[tilespmem:s0], [sflag:$0x1] =	stream.linear.gather [hbm4b:s26+s18], $0x80, $0x38;
	[tilespmem:$0x10200] =	vst v63  }
0x58: {  	s6 =	sadd.s32 $0x700, s19;
	(v2sf) =	vpush v0, $0xB;
	s16 =	sadd.s32 s3, s29;
	s30 =	spop (v2sf)  }
0x59: {  	s0 =	sadd.s32 $0x680, s19;
	s26 =	sadd.s32 $0x380, s19;
	s25 =	sand.u32 $0x1FFFFFF0, s30  }
0x5a: {  	(v2sf) =	vpush v0, $0xC;
	[tilespmem:s23], [sflag:$0x1] =	stream.linear.gather [hbm4b:s16+s18], $0x80, $0x38;
	[tilespmem:$0x10200] =	vst v63  }
0x5b: {  	s31 =	sand.u32 $0x1FFFFFF0, s28;
	s28 =	spop (v2sf);
	s29 =	sadd.s32 s3, s25  }
0x5c: {  	(v2sf) =	vpush v0, $0xD;
	[tilespmem:s26], [sflag:$0x1] =	stream.linear.gather [hbm4b:s29+s18], $0x80, $0x38;
	[tilespmem:$0x10200] =	vst v63  }
0x5d: {  	s16 =	sadd.s32 s3, s31;
	s23 =	sand.u32 $0x1FFFFFF0, s28;
	s30 =	spop (v2sf)  }
0x5e: {  	(v2sf) =	vpush v0, $0xE;
	[tilespmem:s8], [sflag:$0x1] =	stream.linear.gather [hbm4b:s16+s18], $0x80, $0x38;
	[tilespmem:$0x10200] =	vst v63  }
0x5f: {  	s23 =	sadd.s32 s3, s23;
	s31 =	sand.u32 $0x1FFFFFF0, s30;
	s24 =	spop (v2sf)  }
0x60: {  	(v2sf) =	vpush v0, $0xF;
	[tilespmem:s4], [sflag:$0x1] =	stream.linear.gather [hbm4b:s23+s18], $0x80, $0x38;
	[tilespmem:$0x10200] =	vst v63  }
0x61: {  	s25 =	sand.u32 $0x1FFFFFF0, s24;
	s26 =	spop (v2sf);
	s8 =	sadd.s32 s3, s31  }
0x62: {  	[tilespmem:s9], [sflag:$0x1] =	stream.linear.gather [hbm4b:s8+s18], $0x80, $0x38;
	[tilespmem:$0x10200] =	vst v63  }
0x63: {  	s28 =	sand.u32 $0x1FFFFFF0, s26;
	s4 =	sadd.s32 s3, s25;
	s29 =	spop (v2sf)  }
0x64: {  	[tilespmem:s1], [sflag:$0x1] =	stream.linear.gather [hbm4b:s4+s18], $0x80, $0x38;
	[tilespmem:$0x10200] =	vst v63  }
0x65: {  	s8 =	sadd.s32 s3, s28;
	s30 =	sand.u32 $0x1FFFFFF0, s29;
	s31 =	spop (v2sf)  }
0x66: {  	[tilespmem:s5], [sflag:$0x1] =	stream.linear.gather [hbm4b:s8+s18], $0x80, $0x38;
	[tilespmem:$0x10200] =	vst v63  }
0x67: {  	s4 =	sand.u32 $0x1FFFFFF0, s31;
	s1 =	sadd.s32 s3, s30;
	s8 =	spop (v2sf)  }
0x68: {  	[tilespmem:s0], [sflag:$0x1] =	stream.linear.gather [hbm4b:s1+s18], $0x80, $0x38;
	[tilespmem:$0x10200] =	vst v63  }
0x69: {  	s4 =	sadd.s32 s3, s4;
	s9 =	sand.u32 $0x1FFFFFF0, s8;
	s16 =	spop (v2sf)  }
0x6a: {  	[tilespmem:s6], [sflag:$0x1] =	stream.linear.gather [hbm4b:s4+s18], $0x80, $0x38;
	[tilespmem:$0x10200] =	vst v63  }
0x6b: {  	s0 =	sadd.s32 s3, s9;
	s1 =	sand.u32 $0x1FFFFFF0, s16;
	s23 =	spop (v2sf)  }
0x6c: {  	[tilespmem:s22], [sflag:$0x1] =	stream.linear.gather [hbm4b:s0+s18], $0x80, $0x38;
	[tilespmem:$0x10200] =	vst v63  }
0x6d: {  	s24 =	sand.u32 $0x1FFFFFF0, s23;
	s1 =	sadd.s32 s3, s1;
	s25 =	spop (v2sf)  }
0x6e: {  	[tilespmem:s20], [sflag:$0x1] =	stream.linear.gather [hbm4b:s1+s18], $0x80, $0x38;
	[tilespmem:$0x10200] =	vst v63  }
0x6f: {  	s26 =	sand.u32 $0x1FFFFFF0, s25;
	s28 =	spop (v2sf);
	s0 =	sadd.s32 s3, s24  }
0x70: {  	[tilespmem:s21], [sflag:$0x1] =	stream.linear.gather [hbm4b:s0+s18], $0x80, $0x38;
	[tilespmem:$0x10200] =	vst v63  }
0x71: {  	s30 =	sadd.s32 $0x900, s19;
	s29 =	sand.u32 $0x1FFFFFF0, s28;
	s1 =	sadd.s32 s3, s26  }
0x72: {  	[tilespmem:s30], [sflag:$0x1] =	stream.linear.gather [hbm4b:s1+s18], $0x80, $0x38;
	[tilespmem:$0x10200] =	vst v63  }
0x73: {  	s31 =	sadd.s32 $0x980, s19;
	s20 =	simm.s32 $0x40;
	s0 =	sadd.s32 s3, s29  }
0x74: {  	[tilespmem:s31], [sflag:$0x1] =	stream.linear.gather [hbm4b:s0+s18], $0x80, $0x38;
	[tilespmem:$0x10200] =	vst v63  }
0x75: {  	v0 =	vld [tilespmem:s20+$0x0];
	_ =	sdelay $0x4  }
0x76: {  	v0 =	vshll.u32 v0, $0x4  }
0x77: {  	(v2sf) =	vpush v0, $0x0  }
0x78: {  	(v2sf) =	vpush v0, $0x1  }
0x79: {  	(v2sf) =	vpush v0, $0x2;
	_ =	sdelay $0x1  }
0x7a: {  	(v2sf) =	vpush v0, $0x4;
	_ =	sdelay $0x1  }
0x7b: {  	(v2sf) =	vpush v0, $0x3  }
0x7c: {  	(v2sf) =	vpush v0, $0x5  }
0x7d: {  	s19 =	simm.s32 $0x0;
	s21 =	simm.s32 $0x2000;
	(v2sf) =	vpush v0, $0x6  }
.LBB2_4:
0x7e: {  	p0 =	sne.s32 s21, $0x6000  }
0x7f: {  	s0 =	sadd.s32 $0x2280, s19;
	s25 =	sadd.s32 $0x2780, s19;
	s22 =	smov.u32 s21  }
0x80: {  	s21 =	sadd.s32 $0x2000, s21;
	s29 =	sadd.s32 $0x2580, s19;
	s23 =	sadd.s32 $0x2800, s19;
	(v2sf) =	vpush v0, $0x7  }
0x81: {  	s31 =	sadd.s32 $0x2480, s19;
	s28 =	sadd.s32 $0x2600, s19;
	s24 =	sadd.s32 $0x2880, s19  }
0x82: {  	s1 =	sadd.s32 $0x2200, s19;
	s4 =	sadd.s32 $0x2400, s19;
	(v2sf) =	vpush v0, $0x8  }
0x83: {  	s5 =	sadd.s32 $0x2500, s19;
	s20 =	sadd.s32 $0x10, s20  }
0x84: {  	s6 =	sadd.s32 $0x2300, s19;
	s26 =	sadd.s32 $0x2700, s19;
	s8 =	spop (v2sf);
	(v2sf) =	vpush v0, $0x9  }
0x85: {  	s30 =	sadd.s32 $0x2680, s19;
	s8 =	sand.u32 $0x1FFFFFF0, s8;
	s9 =	spop (v2sf)  }
0x86: {  	s8 =	sadd.s32 s3, s8;
	s9 =	sand.u32 $0x1FFFFFF0, s9;
	s16 =	spop (v2sf);
	(v2sf) =	vpush v0, $0xA  }
0x87: {  	[tilespmem:s1], [sflag:$0x2] =	stream.linear.gather [hbm4b:s8+s18], $0x80, $0x38;
	[tilespmem:$0x10200] =	vst v63  }
0x88: {  	s1 =	sadd.s32 s3, s9;
	s8 =	sadd.s32 $0x2380, s19;
	s9 =	spop (v2sf);
	(v2sf) =	vpush v0, $0xB  }
0x89: {  	[tilespmem:s0], [sflag:$0x2] =	stream.linear.gather [hbm4b:s1+s18], $0x80, $0x38;
	[tilespmem:$0x10200] =	vst v63  }
0x8a: {  	s0 =	sand.u32 $0x1FFFFFF0, s16;
	s1 =	sand.u32 $0x1FFFFFF0, s9;
	s9 =	spop (v2sf);
	(v2sf) =	vpush v0, $0xC  }
0x8b: {  	s0 =	sadd.s32 s3, s0;
	s9 =	sand.u32 $0x1FFFFFF0, s9;
	s16 =	spop (v2sf)  }
0x8c: {  	[tilespmem:s6], [sflag:$0x2] =	stream.linear.gather [hbm4b:s0+s18], $0x80, $0x38;
	(v2sf) =	vpush v0, $0xD;
	[tilespmem:$0x10200] =	vst v63  }
0x8d: {  	s0 =	sadd.s32 s3, s9;
	s6 =	sand.u32 $0x1FFFFFF0, s16;
	s9 =	spop (v2sf)  }
0x8e: {  	[tilespmem:s8], [sflag:$0x2] =	stream.linear.gather [hbm4b:s0+s18], $0x80, $0x38;
	(v2sf) =	vpush v0, $0xE;
	[tilespmem:$0x10200] =	vst v63  }
0x8f: {  	s0 =	sadd.s32 s3, s1;
	s1 =	sand.u32 $0x1FFFFFF0, s9;
	s8 =	spop (v2sf)  }
0x90: {  	[tilespmem:s4], [sflag:$0x2] =	stream.linear.gather [hbm4b:s0+s18], $0x80, $0x38;
	(v2sf) =	vpush v0, $0xF;
	[tilespmem:$0x10200] =	vst v63  }
0x91: {  	s0 =	sadd.s32 s3, s6;
	s4 =	sand.u32 $0x1FFFFFF0, s8;
	s6 =	spop (v2sf)  }
0x92: {  	[tilespmem:s31], [sflag:$0x2] =	stream.linear.gather [hbm4b:s0+s18], $0x80, $0x38;
	[tilespmem:$0x10200] =	vst v63  }
0x93: {  	s0 =	sadd.s32 s3, s1;
	s1 =	sand.u32 $0x1FFFFFF0, s6;
	s6 =	spop (v2sf)  }
0x94: {  	[tilespmem:s5], [sflag:$0x2] =	stream.linear.gather [hbm4b:s0+s18], $0x80, $0x38;
	[tilespmem:$0x10200] =	vst v63  }
0x95: {  	s0 =	sadd.s32 s3, s4;
	s4 =	sand.u32 $0x1FFFFFF0, s6;
	s5 =	spop (v2sf)  }
0x96: {  	[tilespmem:s29], [sflag:$0x2] =	stream.linear.gather [hbm4b:s0+s18], $0x80, $0x38;
	[tilespmem:$0x10200] =	vst v63  }
0x97: {  	s0 =	sadd.s32 s3, s1;
	s1 =	sand.u32 $0x1FFFFFF0, s5;
	s5 =	spop (v2sf)  }
0x98: {  	[tilespmem:s28], [sflag:$0x2] =	stream.linear.gather [hbm4b:s0+s18], $0x80, $0x38;
	[tilespmem:$0x10200] =	vst v63  }
0x99: {  	s0 =	sadd.s32 s3, s4;
	s4 =	sand.u32 $0x1FFFFFF0, s5;
	s5 =	spop (v2sf)  }
0x9a: {  	[tilespmem:s30], [sflag:$0x2] =	stream.linear.gather [hbm4b:s0+s18], $0x80, $0x38;
	[tilespmem:$0x10200] =	vst v63  }
0x9b: {  	s0 =	sadd.s32 s3, s1;
	s1 =	sand.u32 $0x1FFFFFF0, s5;
	s5 =	spop (v2sf)  }
0x9c: {  	[tilespmem:s26], [sflag:$0x2] =	stream.linear.gather [hbm4b:s0+s18], $0x80, $0x38;
	[tilespmem:$0x10200] =	vst v63  }
0x9d: {  	s0 =	sadd.s32 s3, s4;
	s4 =	sand.u32 $0x1FFFFFF0, s5;
	s5 =	spop (v2sf)  }
0x9e: {  	[tilespmem:s25], [sflag:$0x2] =	stream.linear.gather [hbm4b:s0+s18], $0x80, $0x38;
	[tilespmem:$0x10200] =	vst v63  }
0x9f: {  	s0 =	sadd.s32 s3, s1;
	s1 =	sand.u32 $0x1FFFFFF0, s5;
	s5 =	spop (v2sf)  }
0xa0: {  	[tilespmem:s23], [sflag:$0x2] =	stream.linear.gather [hbm4b:s0+s18], $0x80, $0x38;
	[tilespmem:$0x10200] =	vst v63  }
0xa1: {  	s0 =	sadd.s32 s3, s4;
	s4 =	sand.u32 $0x1FFFFFF0, s5  }
0xa2: {  	[tilespmem:s24], [sflag:$0x2] =	stream.linear.gather [hbm4b:s0+s18], $0x80, $0x38;
	[tilespmem:$0x10200] =	vst v63  }
0xa3: {  	s1 =	sadd.s32 s3, s1;
	s0 =	sadd.s32 $0x2900, s19  }
0xa4: {  	[tilespmem:s0], [sflag:$0x2] =	stream.linear.gather [hbm4b:s1+s18], $0x80, $0x38;
	[tilespmem:$0x10200] =	vst v63  }
0xa5: {  	s0 =	sadd.s32 $0x2980, s19;
	s1 =	sadd.s32 s3, s4  }
0xa6: {  	[tilespmem:s0], [sflag:$0x2] =	stream.linear.gather [hbm4b:s1+s18], $0x80, $0x38;
	[tilespmem:$0x10200] =	vst v63  }
0xa7: {  	v0 =	vld [tilespmem:s20+$0x0];
	_ =	sdelay $0x4  }
0xa8: {  	v0 =	vshll.u32 v0, $0x4  }
0xa9: {  	(v2sf) =	vpush v0, $0x0  }
0xaa: {  	(v2sf) =	vpush v0, $0x1  }
0xab: {  	(v2sf) =	vpush v0, $0x2;
	_ =	sdelay $0x1  }
0xac: {  	(v2sf) =	vpush v0, $0x4  }
.Ltmp1:
0xad: {  	(pc) =	sbr.rel @p0 .LBB2_4-.Ltmp1, $3  }
0xae: {  	(v2sf) =	vpush v0, $0x3  }
0xaf: {  	(v2sf) =	vpush v0, $0x5;
	_ =	sdelay $0x1  }
0xb0: {  	s19 =	sshra.s32 s22, $0x2;
	(v2sf) =	vpush v0, $0x6  }
0xb1: {  	_ =	sdelay $0x1  }
0xb2: {  	s0 =	sadd.s32 $0x2280, s19;
	s22 =	sadd.s32 $0x2780, s19  }
0xb3: {  	s1 =	sadd.s32 $0x2580, s19;
	s20 =	sadd.s32 $0x2800, s19;
	(v2sf) =	vpush v0, $0x7;
	s4 =	sadd.s32 $0x2480, s19  }
0xb4: {  	s5 =	sadd.s32 $0x2600, s19;
	s21 =	sadd.s32 $0x2880, s19;
	s6 =	sadd.s32 $0x2200, s19  }
0xb5: {  	s8 =	sadd.s32 $0x2400, s19;
	s9 =	sadd.s32 $0x2500, s19;
	(v2sf) =	vpush v0, $0x8;
	s16 =	spop (v2sf)  }
0xb6: {  	s23 =	sadd.s32 $0x2300, s19;
	s16 =	sand.u32 $0x1FFFFFF0, s16;
	s24 =	spop (v2sf)  }
0xb7: {  	(v2sf) =	vpush v0, $0x9;
	s16 =	sadd.s32 s3, s16;
	s24 =	sand.u32 $0x1FFFFFF0, s24;
	s25 =	spop (v2sf)  }
0xb8: {  	[tilespmem:s6], [sflag:$0x2] =	stream.linear.gather [hbm4b:s16+s18], $0x80, $0x38;
	[tilespmem:$0x10200] =	vst v63  }
0xb9: {  	(v2sf) =	vpush v0, $0xA;
	s26 =	sadd.s32 s3, s24;
	s29 =	sand.u32 $0x1FFFFFF0, s25;
	s28 =	spop (v2sf)  }
0xba: {  	[tilespmem:s0], [sflag:$0x2] =	stream.linear.gather [hbm4b:s26+s18], $0x80, $0x38;
	[tilespmem:$0x10200] =	vst v63  }
0xbb: {  	s6 =	sadd.s32 $0x2700, s19;
	(v2sf) =	vpush v0, $0xB;
	s16 =	sadd.s32 s3, s29;
	s30 =	spop (v2sf)  }
0xbc: {  	s0 =	sadd.s32 $0x2680, s19;
	s26 =	sadd.s32 $0x2380, s19;
	s25 =	sand.u32 $0x1FFFFFF0, s30  }
0xbd: {  	(v2sf) =	vpush v0, $0xC;
	[tilespmem:s23], [sflag:$0x2] =	stream.linear.gather [hbm4b:s16+s18], $0x80, $0x38;
	[tilespmem:$0x10200] =	vst v63  }
0xbe: {  	s31 =	sand.u32 $0x1FFFFFF0, s28;
	s28 =	spop (v2sf);
	s29 =	sadd.s32 s3, s25  }
0xbf: {  	(v2sf) =	vpush v0, $0xD;
	[tilespmem:s26], [sflag:$0x2] =	stream.linear.gather [hbm4b:s29+s18], $0x80, $0x38;
	[tilespmem:$0x10200] =	vst v63  }
0xc0: {  	s16 =	sadd.s32 s3, s31;
	s23 =	sand.u32 $0x1FFFFFF0, s28;
	s30 =	spop (v2sf)  }
0xc1: {  	(v2sf) =	vpush v0, $0xE;
	[tilespmem:s8], [sflag:$0x2] =	stream.linear.gather [hbm4b:s16+s18], $0x80, $0x38;
	[tilespmem:$0x10200] =	vst v63  }
0xc2: {  	s23 =	sadd.s32 s3, s23;
	s31 =	sand.u32 $0x1FFFFFF0, s30;
	s24 =	spop (v2sf)  }
0xc3: {  	(v2sf) =	vpush v0, $0xF;
	[tilespmem:s4], [sflag:$0x2] =	stream.linear.gather [hbm4b:s23+s18], $0x80, $0x38;
	[tilespmem:$0x10200] =	vst v63  }
0xc4: {  	s25 =	sand.u32 $0x1FFFFFF0, s24;
	s26 =	spop (v2sf);
	s8 =	sadd.s32 s3, s31  }
0xc5: {  	[tilespmem:s9], [sflag:$0x2] =	stream.linear.gather [hbm4b:s8+s18], $0x80, $0x38;
	[tilespmem:$0x10200] =	vst v63  }
0xc6: {  	s28 =	sand.u32 $0x1FFFFFF0, s26;
	s4 =	sadd.s32 s3, s25;
	s29 =	spop (v2sf)  }
0xc7: {  	[tilespmem:s1], [sflag:$0x2] =	stream.linear.gather [hbm4b:s4+s18], $0x80, $0x38;
	[tilespmem:$0x10200] =	vst v63  }
0xc8: {  	s8 =	sadd.s32 s3, s28;
	s30 =	sand.u32 $0x1FFFFFF0, s29;
	s31 =	spop (v2sf)  }
0xc9: {  	[tilespmem:s5], [sflag:$0x2] =	stream.linear.gather [hbm4b:s8+s18], $0x80, $0x38;
	[tilespmem:$0x10200] =	vst v63  }
0xca: {  	s4 =	sand.u32 $0x1FFFFFF0, s31;
	s1 =	sadd.s32 s3, s30;
	s8 =	spop (v2sf)  }
0xcb: {  	[tilespmem:s0], [sflag:$0x2] =	stream.linear.gather [hbm4b:s1+s18], $0x80, $0x38;
	[tilespmem:$0x10200] =	vst v63  }
0xcc: {  	s4 =	sadd.s32 s3, s4;
	s9 =	sand.u32 $0x1FFFFFF0, s8;
	s16 =	spop (v2sf)  }
0xcd: {  	[tilespmem:s6], [sflag:$0x2] =	stream.linear.gather [hbm4b:s4+s18], $0x80, $0x38;
	[tilespmem:$0x10200] =	vst v63  }
0xce: {  	s0 =	sadd.s32 s3, s9;
	s1 =	sand.u32 $0x1FFFFFF0, s16;
	s23 =	spop (v2sf)  }
0xcf: {  	[tilespmem:s22], [sflag:$0x2] =	stream.linear.gather [hbm4b:s0+s18], $0x80, $0x38;
	[tilespmem:$0x10200] =	vst v63  }
0xd0: {  	s24 =	sand.u32 $0x1FFFFFF0, s23;
	s1 =	sadd.s32 s3, s1;
	s25 =	spop (v2sf)  }
0xd1: {  	[tilespmem:s20], [sflag:$0x2] =	stream.linear.gather [hbm4b:s1+s18], $0x80, $0x38;
	[tilespmem:$0x10200] =	vst v63  }
0xd2: {  	s26 =	sand.u32 $0x1FFFFFF0, s25;
	s28 =	spop (v2sf);
	s0 =	sadd.s32 s3, s24  }
0xd3: {  	[tilespmem:s21], [sflag:$0x2] =	stream.linear.gather [hbm4b:s0+s18], $0x80, $0x38;
	[tilespmem:$0x10200] =	vst v63  }
0xd4: {  	s30 =	sadd.s32 $0x2900, s19;
	s29 =	sand.u32 $0x1FFFFFF0, s28;
	s1 =	sadd.s32 s3, s26  }
0xd5: {  	[tilespmem:s30], [sflag:$0x2] =	stream.linear.gather [hbm4b:s1+s18], $0x80, $0x38;
	[tilespmem:$0x10200] =	vst v63  }
0xd6: {  	s31 =	sadd.s32 $0x2980, s19;
	s20 =	simm.s32 $0x80;
	s0 =	sadd.s32 s3, s29  }
0xd7: {  	[tilespmem:s31], [sflag:$0x2] =	stream.linear.gather [hbm4b:s0+s18], $0x80, $0x38;
	[tilespmem:$0x10200] =	vst v63  }
0xd8: {  	v0 =	vld [tilespmem:s20+$0x0];
	_ =	sdelay $0x4  }
0xd9: {  	v0 =	vshll.u32 v0, $0x4  }
0xda: {  	(v2sf) =	vpush v0, $0x0  }
0xdb: {  	(v2sf) =	vpush v0, $0x1  }
0xdc: {  	(v2sf) =	vpush v0, $0x2;
	_ =	sdelay $0x1  }
0xdd: {  	(v2sf) =	vpush v0, $0x4;
	_ =	sdelay $0x1  }
0xde: {  	(v2sf) =	vpush v0, $0x3  }
0xdf: {  	(v2sf) =	vpush v0, $0x5  }
0xe0: {  	s19 =	simm.s32 $0x0;
	s21 =	simm.s32 $0x2000;
	(v2sf) =	vpush v0, $0x6  }
.LBB2_6:
0xe1: {  	p0 =	sne.s32 s21, $0x6000  }
0xe2: {  	s0 =	sadd.s32 $0x4280, s19;
	s25 =	sadd.s32 $0x4780, s19;
	s22 =	smov.u32 s21  }
0xe3: {  	s21 =	sadd.s32 $0x2000, s21;
	s29 =	sadd.s32 $0x4580, s19;
	s23 =	sadd.s32 $0x4800, s19;
	(v2sf) =	vpush v0, $0x7  }
0xe4: {  	s31 =	sadd.s32 $0x4480, s19;
	s26 =	sadd.s32 $0x4600, s19;
	s24 =	sadd.s32 $0x4880, s19  }
0xe5: {  	s1 =	sadd.s32 $0x4200, s19;
	s4 =	sadd.s32 $0x4400, s19;
	(v2sf) =	vpush v0, $0x8  }
0xe6: {  	s18 =	simm.s32 $0x0;
	s5 =	sadd.s32 $0x4500, s19;
	s20 =	sadd.s32 $0x10, s20  }
0xe7: {  	s6 =	sadd.s32 $0x4300, s19;
	s28 =	sadd.s32 $0x4700, s19;
	s8 =	spop (v2sf);
	(v2sf) =	vpush v0, $0x9  }
0xe8: {  	s30 =	sadd.s32 $0x4680, s19;
	s8 =	sand.u32 $0x1FFFFFF0, s8;
	s9 =	spop (v2sf)  }
0xe9: {  	s8 =	sadd.s32 s3, s8;
	s9 =	sand.u32 $0x1FFFFFF0, s9;
	s16 =	spop (v2sf);
	(v2sf) =	vpush v0, $0xA  }
0xea: {  	[tilespmem:s1], [sflag:$0x3] =	stream.linear.gather [hbm4b:s8+s18], $0x80, $0x38;
	[tilespmem:$0x10200] =	vst v63  }
0xeb: {  	s1 =	sadd.s32 s3, s9;
	s8 =	sadd.s32 $0x4380, s19;
	s9 =	spop (v2sf);
	(v2sf) =	vpush v0, $0xB  }
0xec: {  	[tilespmem:s0], [sflag:$0x3] =	stream.linear.gather [hbm4b:s1+s18], $0x80, $0x38;
	[tilespmem:$0x10200] =	vst v63  }
0xed: {  	s0 =	sand.u32 $0x1FFFFFF0, s16;
	s1 =	sand.u32 $0x1FFFFFF0, s9;
	s9 =	spop (v2sf);
	(v2sf) =	vpush v0, $0xC  }
0xee: {  	s0 =	sadd.s32 s3, s0;
	s9 =	sand.u32 $0x1FFFFFF0, s9;
	s16 =	spop (v2sf)  }
0xef: {  	[tilespmem:s6], [sflag:$0x3] =	stream.linear.gather [hbm4b:s0+s18], $0x80, $0x38;
	(v2sf) =	vpush v0, $0xD;
	[tilespmem:$0x10200] =	vst v63  }
0xf0: {  	s0 =	sadd.s32 s3, s9;
	s6 =	sand.u32 $0x1FFFFFF0, s16;
	s9 =	spop (v2sf)  }
0xf1: {  	[tilespmem:s8], [sflag:$0x3] =	stream.linear.gather [hbm4b:s0+s18], $0x80, $0x38;
	(v2sf) =	vpush v0, $0xE;
	[tilespmem:$0x10200] =	vst v63  }
0xf2: {  	s0 =	sadd.s32 s3, s1;
	s1 =	sand.u32 $0x1FFFFFF0, s9;
	s8 =	spop (v2sf)  }
0xf3: {  	[tilespmem:s4], [sflag:$0x3] =	stream.linear.gather [hbm4b:s0+s18], $0x80, $0x38;
	(v2sf) =	vpush v0, $0xF;
	[tilespmem:$0x10200] =	vst v63  }
0xf4: {  	s0 =	sadd.s32 s3, s6;
	s4 =	sand.u32 $0x1FFFFFF0, s8;
	s6 =	spop (v2sf)  }
0xf5: {  	[tilespmem:s31], [sflag:$0x3] =	stream.linear.gather [hbm4b:s0+s18], $0x80, $0x38;
	[tilespmem:$0x10200] =	vst v63  }
0xf6: {  	s0 =	sadd.s32 s3, s1;
	s1 =	sand.u32 $0x1FFFFFF0, s6;
	s6 =	spop (v2sf)  }
0xf7: {  	[tilespmem:s5], [sflag:$0x3] =	stream.linear.gather [hbm4b:s0+s18], $0x80, $0x38;
	[tilespmem:$0x10200] =	vst v63  }
0xf8: {  	s0 =	sadd.s32 s3, s4;
	s4 =	sand.u32 $0x1FFFFFF0, s6;
	s5 =	spop (v2sf)  }
0xf9: {  	[tilespmem:s29], [sflag:$0x3] =	stream.linear.gather [hbm4b:s0+s18], $0x80, $0x38;
	[tilespmem:$0x10200] =	vst v63  }
0xfa: {  	s0 =	sadd.s32 s3, s1;
	s1 =	sand.u32 $0x1FFFFFF0, s5;
	s5 =	spop (v2sf)  }
0xfb: {  	[tilespmem:s26], [sflag:$0x3] =	stream.linear.gather [hbm4b:s0+s18], $0x80, $0x38;
	[tilespmem:$0x10200] =	vst v63  }
0xfc: {  	s0 =	sadd.s32 s3, s4;
	s4 =	sand.u32 $0x1FFFFFF0, s5;
	s5 =	spop (v2sf)  }
0xfd: {  	[tilespmem:s30], [sflag:$0x3] =	stream.linear.gather [hbm4b:s0+s18], $0x80, $0x38;
	[tilespmem:$0x10200] =	vst v63  }
0xfe: {  	s0 =	sadd.s32 s3, s1;
	s1 =	sand.u32 $0x1FFFFFF0, s5;
	s5 =	spop (v2sf)  }
0xff: {  	[tilespmem:s28], [sflag:$0x3] =	stream.linear.gather [hbm4b:s0+s18], $0x80, $0x38;
	[tilespmem:$0x10200] =	vst v63  }
0x100: {  	s0 =	sadd.s32 s3, s4;
	s4 =	sand.u32 $0x1FFFFFF0, s5;
	s5 =	spop (v2sf)  }
0x101: {  	[tilespmem:s25], [sflag:$0x3] =	stream.linear.gather [hbm4b:s0+s18], $0x80, $0x38;
	[tilespmem:$0x10200] =	vst v63  }
0x102: {  	s0 =	sadd.s32 s3, s1;
	s1 =	sand.u32 $0x1FFFFFF0, s5;
	s5 =	spop (v2sf)  }
0x103: {  	[tilespmem:s23], [sflag:$0x3] =	stream.linear.gather [hbm4b:s0+s18], $0x80, $0x38;
	[tilespmem:$0x10200] =	vst v63  }
0x104: {  	s0 =	sadd.s32 s3, s4;
	s4 =	sand.u32 $0x1FFFFFF0, s5  }
0x105: {  	[tilespmem:s24], [sflag:$0x3] =	stream.linear.gather [hbm4b:s0+s18], $0x80, $0x38;
	[tilespmem:$0x10200] =	vst v63  }
0x106: {  	s1 =	sadd.s32 s3, s1;
	s0 =	sadd.s32 $0x4900, s19  }
0x107: {  	[tilespmem:s0], [sflag:$0x3] =	stream.linear.gather [hbm4b:s1+s18], $0x80, $0x38;
	[tilespmem:$0x10200] =	vst v63  }
0x108: {  	s0 =	sadd.s32 $0x4980, s19;
	s1 =	sadd.s32 s3, s4  }
0x109: {  	[tilespmem:s0], [sflag:$0x3] =	stream.linear.gather [hbm4b:s1+s18], $0x80, $0x38;
	[tilespmem:$0x10200] =	vst v63  }
0x10a: {  	v0 =	vld [tilespmem:s20+$0x0];
	_ =	sdelay $0x4  }
0x10b: {  	v0 =	vshll.u32 v0, $0x4  }
0x10c: {  	(v2sf) =	vpush v0, $0x0  }
0x10d: {  	(v2sf) =	vpush v0, $0x1  }
0x10e: {  	(v2sf) =	vpush v0, $0x2;
	_ =	sdelay $0x1  }
0x10f: {  	(v2sf) =	vpush v0, $0x4  }
.Ltmp2:
0x110: {  	(pc) =	sbr.rel @p0 .LBB2_6-.Ltmp2, $3  }
0x111: {  	(v2sf) =	vpush v0, $0x3  }
0x112: {  	(v2sf) =	vpush v0, $0x5;
	_ =	sdelay $0x1  }
0x113: {  	s19 =	sshra.s32 s22, $0x2;
	(v2sf) =	vpush v0, $0x6  }
0x114: {  	_ =	sdelay $0x1  }
0x115: {  	s0 =	sadd.s32 $0x4280, s19;
	s22 =	sadd.s32 $0x4780, s19  }
0x116: {  	s1 =	sadd.s32 $0x4580, s19;
	s20 =	sadd.s32 $0x4800, s19;
	(v2sf) =	vpush v0, $0x7;
	s4 =	sadd.s32 $0x4480, s19  }
0x117: {  	s5 =	sadd.s32 $0x4600, s19;
	s21 =	sadd.s32 $0x4880, s19;
	s6 =	sadd.s32 $0x4200, s19  }
0x118: {  	s8 =	sadd.s32 $0x4400, s19;
	s9 =	sadd.s32 $0x4500, s19;
	(v2sf) =	vpush v0, $0x8;
	s16 =	spop (v2sf)  }
0x119: {  	s23 =	sadd.s32 $0x4300, s19;
	s16 =	sand.u32 $0x1FFFFFF0, s16;
	s24 =	spop (v2sf)  }
0x11a: {  	(v2sf) =	vpush v0, $0x9;
	s16 =	sadd.s32 s3, s16;
	s24 =	sand.u32 $0x1FFFFFF0, s24;
	s25 =	spop (v2sf)  }
0x11b: {  	[tilespmem:s6], [sflag:$0x3] =	stream.linear.gather [hbm4b:s16+s18], $0x80, $0x38;
	[tilespmem:$0x10200] =	vst v63  }
0x11c: {  	(v2sf) =	vpush v0, $0xA;
	s26 =	sadd.s32 s3, s24;
	s29 =	sand.u32 $0x1FFFFFF0, s25;
	s28 =	spop (v2sf)  }
0x11d: {  	[tilespmem:s0], [sflag:$0x3] =	stream.linear.gather [hbm4b:s26+s18], $0x80, $0x38;
	[tilespmem:$0x10200] =	vst v63  }
0x11e: {  	s6 =	sadd.s32 $0x4700, s19;
	(v2sf) =	vpush v0, $0xB;
	s16 =	sadd.s32 s3, s29;
	s30 =	spop (v2sf)  }
0x11f: {  	s0 =	sadd.s32 $0x4680, s19;
	s26 =	sadd.s32 $0x4380, s19;
	s25 =	sand.u32 $0x1FFFFFF0, s30  }
0x120: {  	(v2sf) =	vpush v0, $0xC;
	[tilespmem:s23], [sflag:$0x3] =	stream.linear.gather [hbm4b:s16+s18], $0x80, $0x38;
	[tilespmem:$0x10200] =	vst v63  }
0x121: {  	s31 =	sand.u32 $0x1FFFFFF0, s28;
	s28 =	spop (v2sf);
	s29 =	sadd.s32 s3, s25  }
0x122: {  	(v2sf) =	vpush v0, $0xD;
	[tilespmem:s26], [sflag:$0x3] =	stream.linear.gather [hbm4b:s29+s18], $0x80, $0x38;
	[tilespmem:$0x10200] =	vst v63  }
0x123: {  	s16 =	sadd.s32 s3, s31;
	s23 =	sand.u32 $0x1FFFFFF0, s28;
	s30 =	spop (v2sf)  }
0x124: {  	(v2sf) =	vpush v0, $0xE;
	[tilespmem:s8], [sflag:$0x3] =	stream.linear.gather [hbm4b:s16+s18], $0x80, $0x38;
	[tilespmem:$0x10200] =	vst v63  }
0x125: {  	s23 =	sadd.s32 s3, s23;
	s31 =	sand.u32 $0x1FFFFFF0, s30;
	s24 =	spop (v2sf)  }
0x126: {  	(v2sf) =	vpush v0, $0xF;
	[tilespmem:s4], [sflag:$0x3] =	stream.linear.gather [hbm4b:s23+s18], $0x80, $0x38;
	[tilespmem:$0x10200] =	vst v63  }
0x127: {  	s25 =	sand.u32 $0x1FFFFFF0, s24;
	s26 =	spop (v2sf);
	s8 =	sadd.s32 s3, s31  }
0x128: {  	[tilespmem:s9], [sflag:$0x3] =	stream.linear.gather [hbm4b:s8+s18], $0x80, $0x38;
	[tilespmem:$0x10200] =	vst v63  }
0x129: {  	s28 =	sand.u32 $0x1FFFFFF0, s26;
	s4 =	sadd.s32 s3, s25;
	s29 =	spop (v2sf)  }
0x12a: {  	[tilespmem:s1], [sflag:$0x3] =	stream.linear.gather [hbm4b:s4+s18], $0x80, $0x38;
	[tilespmem:$0x10200] =	vst v63  }
0x12b: {  	s8 =	sadd.s32 s3, s28;
	s30 =	sand.u32 $0x1FFFFFF0, s29;
	s31 =	spop (v2sf)  }
0x12c: {  	[tilespmem:s5], [sflag:$0x3] =	stream.linear.gather [hbm4b:s8+s18], $0x80, $0x38;
	[tilespmem:$0x10200] =	vst v63  }
0x12d: {  	s4 =	sand.u32 $0x1FFFFFF0, s31;
	s1 =	sadd.s32 s3, s30;
	s8 =	spop (v2sf)  }
0x12e: {  	[tilespmem:s0], [sflag:$0x3] =	stream.linear.gather [hbm4b:s1+s18], $0x80, $0x38;
	[tilespmem:$0x10200] =	vst v63  }
0x12f: {  	s4 =	sadd.s32 s3, s4;
	s9 =	sand.u32 $0x1FFFFFF0, s8;
	s16 =	spop (v2sf)  }
0x130: {  	[tilespmem:s6], [sflag:$0x3] =	stream.linear.gather [hbm4b:s4+s18], $0x80, $0x38;
	[tilespmem:$0x10200] =	vst v63  }
0x131: {  	s0 =	sadd.s32 s3, s9;
	s1 =	sand.u32 $0x1FFFFFF0, s16;
	s23 =	spop (v2sf)  }
0x132: {  	[tilespmem:s22], [sflag:$0x3] =	stream.linear.gather [hbm4b:s0+s18], $0x80, $0x38;
	[tilespmem:$0x10200] =	vst v63  }
0x133: {  	s24 =	sand.u32 $0x1FFFFFF0, s23;
	s1 =	sadd.s32 s3, s1;
	s25 =	spop (v2sf)  }
0x134: {  	[tilespmem:s20], [sflag:$0x3] =	stream.linear.gather [hbm4b:s1+s18], $0x80, $0x38;
	[tilespmem:$0x10200] =	vst v63  }
0x135: {  	s26 =	sand.u32 $0x1FFFFFF0, s25;
	s28 =	spop (v2sf);
	s0 =	sadd.s32 s3, s24  }
0x136: {  	[tilespmem:s21], [sflag:$0x3] =	stream.linear.gather [hbm4b:s0+s18], $0x80, $0x38;
	[tilespmem:$0x10200] =	vst v63  }
0x137: {  	s30 =	sadd.s32 $0x4900, s19;
	s29 =	sand.u32 $0x1FFFFFF0, s28;
	s1 =	sadd.s32 s3, s26  }
0x138: {  	[tilespmem:s30], [sflag:$0x3] =	stream.linear.gather [hbm4b:s1+s18], $0x80, $0x38;
	[tilespmem:$0x10200] =	vst v63  }
0x139: {  	s31 =	sadd.s32 $0x4980, s19;
	s20 =	simm.s32 $0xC0;
	s0 =	sadd.s32 s3, s29  }
0x13a: {  	[tilespmem:s31], [sflag:$0x3] =	stream.linear.gather [hbm4b:s0+s18], $0x80, $0x38;
	[tilespmem:$0x10200] =	vst v63  }
0x13b: {  	v0 =	vld [tilespmem:s20+$0x0];
	_ =	sdelay $0x4  }
0x13c: {  	v0 =	vshll.u32 v0, $0x4  }
0x13d: {  	(v2sf) =	vpush v0, $0x0  }
0x13e: {  	(v2sf) =	vpush v0, $0x1  }
0x13f: {  	(v2sf) =	vpush v0, $0x2;
	_ =	sdelay $0x1  }
0x140: {  	(v2sf) =	vpush v0, $0x4;
	_ =	sdelay $0x1  }
0x141: {  	(v2sf) =	vpush v0, $0x3  }
0x142: {  	(v2sf) =	vpush v0, $0x5  }
0x143: {  	s19 =	simm.s32 $0x0;
	s21 =	simm.s32 $0x2000;
	(v2sf) =	vpush v0, $0x6  }
.LBB2_8:
0x144: {  	p0 =	sne.s32 s21, $0x6000  }
0x145: {  	s0 =	sadd.s32 $0x6280, s19;
	s25 =	sadd.s32 $0x6780, s19;
	s22 =	smov.u32 s21  }
0x146: {  	s21 =	sadd.s32 $0x2000, s21;
	s29 =	sadd.s32 $0x6580, s19;
	s23 =	sadd.s32 $0x6800, s19;
	(v2sf) =	vpush v0, $0x7  }
0x147: {  	s31 =	sadd.s32 $0x6480, s19;
	s28 =	sadd.s32 $0x6600, s19;
	s24 =	sadd.s32 $0x6880, s19  }
0x148: {  	s1 =	sadd.s32 $0x6200, s19;
	s4 =	sadd.s32 $0x6400, s19;
	(v2sf) =	vpush v0, $0x8  }
0x149: {  	s5 =	sadd.s32 $0x6500, s19;
	s20 =	sadd.s32 $0x10, s20  }
0x14a: {  	s6 =	sadd.s32 $0x6300, s19;
	s26 =	sadd.s32 $0x6700, s19;
	s8 =	spop (v2sf);
	(v2sf) =	vpush v0, $0x9  }
0x14b: {  	s30 =	sadd.s32 $0x6680, s19;
	s8 =	sand.u32 $0x1FFFFFF0, s8;
	s9 =	spop (v2sf)  }
0x14c: {  	s8 =	sadd.s32 s3, s8;
	s9 =	sand.u32 $0x1FFFFFF0, s9;
	s16 =	spop (v2sf);
	(v2sf) =	vpush v0, $0xA  }
0x14d: {  	[tilespmem:s1], [sflag:$0x4] =	stream.linear.gather [hbm4b:s8+s18], $0x80, $0x38;
	[tilespmem:$0x10200] =	vst v63  }
0x14e: {  	s1 =	sadd.s32 s3, s9;
	s8 =	sadd.s32 $0x6380, s19;
	s9 =	spop (v2sf);
	(v2sf) =	vpush v0, $0xB  }
0x14f: {  	[tilespmem:s0], [sflag:$0x4] =	stream.linear.gather [hbm4b:s1+s18], $0x80, $0x38;
	[tilespmem:$0x10200] =	vst v63  }
0x150: {  	s0 =	sand.u32 $0x1FFFFFF0, s16;
	s1 =	sand.u32 $0x1FFFFFF0, s9;
	s9 =	spop (v2sf);
	(v2sf) =	vpush v0, $0xC  }
0x151: {  	s0 =	sadd.s32 s3, s0;
	s9 =	sand.u32 $0x1FFFFFF0, s9;
	s16 =	spop (v2sf)  }
0x152: {  	[tilespmem:s6], [sflag:$0x4] =	stream.linear.gather [hbm4b:s0+s18], $0x80, $0x38;
	(v2sf) =	vpush v0, $0xD;
	[tilespmem:$0x10200] =	vst v63  }
0x153: {  	s0 =	sadd.s32 s3, s9;
	s6 =	sand.u32 $0x1FFFFFF0, s16;
	s9 =	spop (v2sf)  }
0x154: {  	[tilespmem:s8], [sflag:$0x4] =	stream.linear.gather [hbm4b:s0+s18], $0x80, $0x38;
	(v2sf) =	vpush v0, $0xE;
	[tilespmem:$0x10200] =	vst v63  }
0x155: {  	s0 =	sadd.s32 s3, s1;
	s1 =	sand.u32 $0x1FFFFFF0, s9;
	s8 =	spop (v2sf)  }
0x156: {  	[tilespmem:s4], [sflag:$0x4] =	stream.linear.gather [hbm4b:s0+s18], $0x80, $0x38;
	(v2sf) =	vpush v0, $0xF;
	[tilespmem:$0x10200] =	vst v63  }
0x157: {  	s0 =	sadd.s32 s3, s6;
	s4 =	sand.u32 $0x1FFFFFF0, s8;
	s6 =	spop (v2sf)  }
0x158: {  	[tilespmem:s31], [sflag:$0x4] =	stream.linear.gather [hbm4b:s0+s18], $0x80, $0x38;
	[tilespmem:$0x10200] =	vst v63  }
0x159: {  	s0 =	sadd.s32 s3, s1;
	s1 =	sand.u32 $0x1FFFFFF0, s6;
	s6 =	spop (v2sf)  }
0x15a: {  	[tilespmem:s5], [sflag:$0x4] =	stream.linear.gather [hbm4b:s0+s18], $0x80, $0x38;
	[tilespmem:$0x10200] =	vst v63  }
0x15b: {  	s0 =	sadd.s32 s3, s4;
	s4 =	sand.u32 $0x1FFFFFF0, s6;
	s5 =	spop (v2sf)  }
0x15c: {  	[tilespmem:s29], [sflag:$0x4] =	stream.linear.gather [hbm4b:s0+s18], $0x80, $0x38;
	[tilespmem:$0x10200] =	vst v63  }
0x15d: {  	s0 =	sadd.s32 s3, s1;
	s1 =	sand.u32 $0x1FFFFFF0, s5;
	s5 =	spop (v2sf)  }
0x15e: {  	[tilespmem:s28], [sflag:$0x4] =	stream.linear.gather [hbm4b:s0+s18], $0x80, $0x38;
	[tilespmem:$0x10200] =	vst v63  }
0x15f: {  	s0 =	sadd.s32 s3, s4;
	s4 =	sand.u32 $0x1FFFFFF0, s5;
	s5 =	spop (v2sf)  }
0x160: {  	[tilespmem:s30], [sflag:$0x4] =	stream.linear.gather [hbm4b:s0+s18], $0x80, $0x38;
	[tilespmem:$0x10200] =	vst v63  }
0x161: {  	s0 =	sadd.s32 s3, s1;
	s1 =	sand.u32 $0x1FFFFFF0, s5;
	s5 =	spop (v2sf)  }
0x162: {  	[tilespmem:s26], [sflag:$0x4] =	stream.linear.gather [hbm4b:s0+s18], $0x80, $0x38;
	[tilespmem:$0x10200] =	vst v63  }
0x163: {  	s0 =	sadd.s32 s3, s4;
	s4 =	sand.u32 $0x1FFFFFF0, s5;
	s5 =	spop (v2sf)  }
0x164: {  	[tilespmem:s25], [sflag:$0x4] =	stream.linear.gather [hbm4b:s0+s18], $0x80, $0x38;
	[tilespmem:$0x10200] =	vst v63  }
0x165: {  	s0 =	sadd.s32 s3, s1;
	s1 =	sand.u32 $0x1FFFFFF0, s5;
	s5 =	spop (v2sf)  }
0x166: {  	[tilespmem:s23], [sflag:$0x4] =	stream.linear.gather [hbm4b:s0+s18], $0x80, $0x38;
	[tilespmem:$0x10200] =	vst v63  }
0x167: {  	s0 =	sadd.s32 s3, s4;
	s4 =	sand.u32 $0x1FFFFFF0, s5  }
0x168: {  	[tilespmem:s24], [sflag:$0x4] =	stream.linear.gather [hbm4b:s0+s18], $0x80, $0x38;
	[tilespmem:$0x10200] =	vst v63  }
0x169: {  	s1 =	sadd.s32 s3, s1;
	s0 =	sadd.s32 $0x6900, s19  }
0x16a: {  	[tilespmem:s0], [sflag:$0x4] =	stream.linear.gather [hbm4b:s1+s18], $0x80, $0x38;
	[tilespmem:$0x10200] =	vst v63  }
0x16b: {  	s0 =	sadd.s32 $0x6980, s19;
	s1 =	sadd.s32 s3, s4  }
0x16c: {  	[tilespmem:s0], [sflag:$0x4] =	stream.linear.gather [hbm4b:s1+s18], $0x80, $0x38;
	[tilespmem:$0x10200] =	vst v63  }
0x16d: {  	v0 =	vld [tilespmem:s20+$0x0];
	_ =	sdelay $0x4  }
0x16e: {  	v0 =	vshll.u32 v0, $0x4  }
0x16f: {  	(v2sf) =	vpush v0, $0x0  }
0x170: {  	(v2sf) =	vpush v0, $0x1  }
0x171: {  	(v2sf) =	vpush v0, $0x2;
	_ =	sdelay $0x1  }
0x172: {  	(v2sf) =	vpush v0, $0x4  }
.Ltmp3:
0x173: {  	(pc) =	sbr.rel @p0 .LBB2_8-.Ltmp3, $3  }
0x174: {  	(v2sf) =	vpush v0, $0x3  }
0x175: {  	(v2sf) =	vpush v0, $0x5;
	_ =	sdelay $0x1  }
0x176: {  	s19 =	sshra.s32 s22, $0x2;
	(v2sf) =	vpush v0, $0x6  }
0x177: {  	_ =	sdelay $0x1  }
0x178: {  	s0 =	sadd.s32 $0x6280, s19;
	s22 =	sadd.s32 $0x6780, s19  }
0x179: {  	s1 =	sadd.s32 $0x6580, s19;
	s20 =	sadd.s32 $0x6800, s19;
	(v2sf) =	vpush v0, $0x7;
	s4 =	sadd.s32 $0x6480, s19  }
0x17a: {  	s5 =	sadd.s32 $0x6600, s19;
	s21 =	sadd.s32 $0x6880, s19;
	s6 =	sadd.s32 $0x6200, s19  }
0x17b: {  	s8 =	sadd.s32 $0x6400, s19;
	s9 =	sadd.s32 $0x6500, s19;
	(v2sf) =	vpush v0, $0x8;
	s16 =	spop (v2sf)  }
0x17c: {  	s23 =	sadd.s32 $0x6300, s19;
	s16 =	sand.u32 $0x1FFFFFF0, s16;
	s24 =	spop (v2sf)  }
0x17d: {  	(v2sf) =	vpush v0, $0x9;
	s16 =	sadd.s32 s3, s16;
	s24 =	sand.u32 $0x1FFFFFF0, s24;
	s25 =	spop (v2sf)  }
0x17e: {  	[tilespmem:s6], [sflag:$0x4] =	stream.linear.gather [hbm4b:s16+s18], $0x80, $0x38;
	[tilespmem:$0x10200] =	vst v63  }
0x17f: {  	(v2sf) =	vpush v0, $0xA;
	s26 =	sadd.s32 s3, s24;
	s29 =	sand.u32 $0x1FFFFFF0, s25;
	s28 =	spop (v2sf)  }
0x180: {  	[tilespmem:s0], [sflag:$0x4] =	stream.linear.gather [hbm4b:s26+s18], $0x80, $0x38;
	[tilespmem:$0x10200] =	vst v63  }
0x181: {  	s6 =	sadd.s32 $0x6700, s19;
	(v2sf) =	vpush v0, $0xB;
	s16 =	sadd.s32 s3, s29;
	s30 =	spop (v2sf)  }
0x182: {  	s0 =	sadd.s32 $0x6680, s19;
	s26 =	sadd.s32 $0x6380, s19;
	s25 =	sand.u32 $0x1FFFFFF0, s30  }
0x183: {  	(v2sf) =	vpush v0, $0xC;
	[tilespmem:s23], [sflag:$0x4] =	stream.linear.gather [hbm4b:s16+s18], $0x80, $0x38;
	[tilespmem:$0x10200] =	vst v63  }
0x184: {  	s31 =	sand.u32 $0x1FFFFFF0, s28;
	s28 =	spop (v2sf);
	s29 =	sadd.s32 s3, s25  }
0x185: {  	(v2sf) =	vpush v0, $0xD;
	[tilespmem:s26], [sflag:$0x4] =	stream.linear.gather [hbm4b:s29+s18], $0x80, $0x38;
	[tilespmem:$0x10200] =	vst v63  }
0x186: {  	s16 =	sadd.s32 s3, s31;
	s23 =	sand.u32 $0x1FFFFFF0, s28;
	s30 =	spop (v2sf)  }
0x187: {  	(v2sf) =	vpush v0, $0xE;
	[tilespmem:s8], [sflag:$0x4] =	stream.linear.gather [hbm4b:s16+s18], $0x80, $0x38;
	[tilespmem:$0x10200] =	vst v63  }
0x188: {  	s23 =	sadd.s32 s3, s23;
	s31 =	sand.u32 $0x1FFFFFF0, s30;
	s24 =	spop (v2sf)  }
0x189: {  	(v2sf) =	vpush v0, $0xF;
	[tilespmem:s4], [sflag:$0x4] =	stream.linear.gather [hbm4b:s23+s18], $0x80, $0x38;
	[tilespmem:$0x10200] =	vst v63  }
0x18a: {  	s25 =	sand.u32 $0x1FFFFFF0, s24;
	s26 =	spop (v2sf);
	s8 =	sadd.s32 s3, s31  }
0x18b: {  	[tilespmem:s9], [sflag:$0x4] =	stream.linear.gather [hbm4b:s8+s18], $0x80, $0x38;
	[tilespmem:$0x10200] =	vst v63  }
0x18c: {  	s28 =	sand.u32 $0x1FFFFFF0, s26;
	s4 =	sadd.s32 s3, s25;
	s29 =	spop (v2sf)  }
0x18d: {  	[tilespmem:s1], [sflag:$0x4] =	stream.linear.gather [hbm4b:s4+s18], $0x80, $0x38;
	[tilespmem:$0x10200] =	vst v63  }
0x18e: {  	s8 =	sadd.s32 s3, s28;
	s30 =	sand.u32 $0x1FFFFFF0, s29;
	s31 =	spop (v2sf)  }
0x18f: {  	[tilespmem:s5], [sflag:$0x4] =	stream.linear.gather [hbm4b:s8+s18], $0x80, $0x38;
	[tilespmem:$0x10200] =	vst v63  }
0x190: {  	s4 =	sand.u32 $0x1FFFFFF0, s31;
	s1 =	sadd.s32 s3, s30;
	s8 =	spop (v2sf)  }
0x191: {  	[tilespmem:s0], [sflag:$0x4] =	stream.linear.gather [hbm4b:s1+s18], $0x80, $0x38;
	[tilespmem:$0x10200] =	vst v63  }
0x192: {  	s4 =	sadd.s32 s3, s4;
	s9 =	sand.u32 $0x1FFFFFF0, s8;
	s16 =	spop (v2sf)  }
0x193: {  	[tilespmem:s6], [sflag:$0x4] =	stream.linear.gather [hbm4b:s4+s18], $0x80, $0x38;
	[tilespmem:$0x10200] =	vst v63  }
0x194: {  	s0 =	sadd.s32 s3, s9;
	s1 =	sand.u32 $0x1FFFFFF0, s16;
	s23 =	spop (v2sf)  }
0x195: {  	[tilespmem:s22], [sflag:$0x4] =	stream.linear.gather [hbm4b:s0+s18], $0x80, $0x38;
	[tilespmem:$0x10200] =	vst v63  }
0x196: {  	s24 =	sand.u32 $0x1FFFFFF0, s23;
	s1 =	sadd.s32 s3, s1;
	s25 =	spop (v2sf)  }
0x197: {  	[tilespmem:s20], [sflag:$0x4] =	stream.linear.gather [hbm4b:s1+s18], $0x80, $0x38;
	[tilespmem:$0x10200] =	vst v63  }
0x198: {  	s26 =	sand.u32 $0x1FFFFFF0, s25;
	s28 =	spop (v2sf);
	s0 =	sadd.s32 s3, s24  }
0x199: {  	[tilespmem:s21], [sflag:$0x4] =	stream.linear.gather [hbm4b:s0+s18], $0x80, $0x38;
	[tilespmem:$0x10200] =	vst v63  }
0x19a: {  	s30 =	sadd.s32 $0x6900, s19;
	s29 =	sand.u32 $0x1FFFFFF0, s28;
	s1 =	sadd.s32 s3, s26  }
0x19b: {  	[tilespmem:s30], [sflag:$0x4] =	stream.linear.gather [hbm4b:s1+s18], $0x80, $0x38;
	[tilespmem:$0x10200] =	vst v63  }
0x19c: {  	s31 =	sadd.s32 $0x6980, s19;
	s20 =	simm.s32 $0x100;
	s0 =	sadd.s32 s3, s29  }
0x19d: {  	[tilespmem:s31], [sflag:$0x4] =	stream.linear.gather [hbm4b:s0+s18], $0x80, $0x38;
	[tilespmem:$0x10200] =	vst v63  }
0x19e: {  	v0 =	vld [tilespmem:s20+$0x0];
	_ =	sdelay $0x4  }
0x19f: {  	v0 =	vshll.u32 v0, $0x4  }
0x1a0: {  	(v2sf) =	vpush v0, $0x0  }
0x1a1: {  	(v2sf) =	vpush v0, $0x1  }
0x1a2: {  	(v2sf) =	vpush v0, $0x2;
	_ =	sdelay $0x1  }
0x1a3: {  	(v2sf) =	vpush v0, $0x4;
	_ =	sdelay $0x1  }
0x1a4: {  	(v2sf) =	vpush v0, $0x3  }
0x1a5: {  	(v2sf) =	vpush v0, $0x5  }
0x1a6: {  	s19 =	simm.s32 $0x0;
	s21 =	simm.s32 $0x2000;
	(v2sf) =	vpush v0, $0x6  }
.LBB2_10:
0x1a7: {  	p0 =	sne.s32 s21, $0x6000  }
0x1a8: {  	s0 =	sadd.s32 $0x8280, s19;
	s25 =	sadd.s32 $0x8780, s19;
	s22 =	smov.u32 s21  }
0x1a9: {  	s21 =	sadd.s32 $0x2000, s21;
	s29 =	sadd.s32 $0x8580, s19;
	s23 =	sadd.s32 $0x8800, s19;
	(v2sf) =	vpush v0, $0x7  }
0x1aa: {  	s31 =	sadd.s32 $0x8480, s19;
	s26 =	sadd.s32 $0x8600, s19;
	s24 =	sadd.s32 $0x8880, s19  }
0x1ab: {  	s1 =	sadd.s32 $0x8200, s19;
	s4 =	sadd.s32 $0x8400, s19;
	(v2sf) =	vpush v0, $0x8  }
0x1ac: {  	s18 =	simm.s32 $0x0;
	s5 =	sadd.s32 $0x8500, s19;
	s20 =	sadd.s32 $0x10, s20  }
0x1ad: {  	s6 =	sadd.s32 $0x8300, s19;
	s28 =	sadd.s32 $0x8700, s19;
	s8 =	spop (v2sf);
	(v2sf) =	vpush v0, $0x9  }
0x1ae: {  	s30 =	sadd.s32 $0x8680, s19;
	s8 =	sand.u32 $0x1FFFFFF0, s8;
	s9 =	spop (v2sf)  }
0x1af: {  	s8 =	sadd.s32 s3, s8;
	s9 =	sand.u32 $0x1FFFFFF0, s9;
	s16 =	spop (v2sf);
	(v2sf) =	vpush v0, $0xA  }
0x1b0: {  	[tilespmem:s1], [sflag:$0x5] =	stream.linear.gather [hbm4b:s8+s18], $0x80, $0x38;
	[tilespmem:$0x10200] =	vst v63  }
0x1b1: {  	s1 =	sadd.s32 s3, s9;
	s8 =	sadd.s32 $0x8380, s19;
	s9 =	spop (v2sf);
	(v2sf) =	vpush v0, $0xB  }
0x1b2: {  	[tilespmem:s0], [sflag:$0x5] =	stream.linear.gather [hbm4b:s1+s18], $0x80, $0x38;
	[tilespmem:$0x10200] =	vst v63  }
0x1b3: {  	s0 =	sand.u32 $0x1FFFFFF0, s16;
	s1 =	sand.u32 $0x1FFFFFF0, s9;
	s9 =	spop (v2sf);
	(v2sf) =	vpush v0, $0xC  }
0x1b4: {  	s0 =	sadd.s32 s3, s0;
	s9 =	sand.u32 $0x1FFFFFF0, s9;
	s16 =	spop (v2sf)  }
0x1b5: {  	[tilespmem:s6], [sflag:$0x5] =	stream.linear.gather [hbm4b:s0+s18], $0x80, $0x38;
	(v2sf) =	vpush v0, $0xD;
	[tilespmem:$0x10200] =	vst v63  }
0x1b6: {  	s0 =	sadd.s32 s3, s9;
	s6 =	sand.u32 $0x1FFFFFF0, s16;
	s9 =	spop (v2sf)  }
0x1b7: {  	[tilespmem:s8], [sflag:$0x5] =	stream.linear.gather [hbm4b:s0+s18], $0x80, $0x38;
	(v2sf) =	vpush v0, $0xE;
	[tilespmem:$0x10200] =	vst v63  }
0x1b8: {  	s0 =	sadd.s32 s3, s1;
	s1 =	sand.u32 $0x1FFFFFF0, s9;
	s8 =	spop (v2sf)  }
0x1b9: {  	[tilespmem:s4], [sflag:$0x5] =	stream.linear.gather [hbm4b:s0+s18], $0x80, $0x38;
	(v2sf) =	vpush v0, $0xF;
	[tilespmem:$0x10200] =	vst v63  }
0x1ba: {  	s0 =	sadd.s32 s3, s6;
	s4 =	sand.u32 $0x1FFFFFF0, s8;
	s6 =	spop (v2sf)  }
0x1bb: {  	[tilespmem:s31], [sflag:$0x5] =	stream.linear.gather [hbm4b:s0+s18], $0x80, $0x38;
	[tilespmem:$0x10200] =	vst v63  }
0x1bc: {  	s0 =	sadd.s32 s3, s1;
	s1 =	sand.u32 $0x1FFFFFF0, s6;
	s6 =	spop (v2sf)  }
0x1bd: {  	[tilespmem:s5], [sflag:$0x5] =	stream.linear.gather [hbm4b:s0+s18], $0x80, $0x38;
	[tilespmem:$0x10200] =	vst v63  }
0x1be: {  	s0 =	sadd.s32 s3, s4;
	s4 =	sand.u32 $0x1FFFFFF0, s6;
	s5 =	spop (v2sf)  }
0x1bf: {  	[tilespmem:s29], [sflag:$0x5] =	stream.linear.gather [hbm4b:s0+s18], $0x80, $0x38;
	[tilespmem:$0x10200] =	vst v63  }
0x1c0: {  	s0 =	sadd.s32 s3, s1;
	s1 =	sand.u32 $0x1FFFFFF0, s5;
	s5 =	spop (v2sf)  }
0x1c1: {  	[tilespmem:s26], [sflag:$0x5] =	stream.linear.gather [hbm4b:s0+s18], $0x80, $0x38;
	[tilespmem:$0x10200] =	vst v63  }
0x1c2: {  	s0 =	sadd.s32 s3, s4;
	s4 =	sand.u32 $0x1FFFFFF0, s5;
	s5 =	spop (v2sf)  }
0x1c3: {  	[tilespmem:s30], [sflag:$0x5] =	stream.linear.gather [hbm4b:s0+s18], $0x80, $0x38;
	[tilespmem:$0x10200] =	vst v63  }
0x1c4: {  	s0 =	sadd.s32 s3, s1;
	s1 =	sand.u32 $0x1FFFFFF0, s5;
	s5 =	spop (v2sf)  }
0x1c5: {  	[tilespmem:s28], [sflag:$0x5] =	stream.linear.gather [hbm4b:s0+s18], $0x80, $0x38;
	[tilespmem:$0x10200] =	vst v63  }
0x1c6: {  	s0 =	sadd.s32 s3, s4;
	s4 =	sand.u32 $0x1FFFFFF0, s5;
	s5 =	spop (v2sf)  }
0x1c7: {  	[tilespmem:s25], [sflag:$0x5] =	stream.linear.gather [hbm4b:s0+s18], $0x80, $0x38;
	[tilespmem:$0x10200] =	vst v63  }
0x1c8: {  	s0 =	sadd.s32 s3, s1;
	s1 =	sand.u32 $0x1FFFFFF0, s5;
	s5 =	spop (v2sf)  }
0x1c9: {  	[tilespmem:s23], [sflag:$0x5] =	stream.linear.gather [hbm4b:s0+s18], $0x80, $0x38;
	[tilespmem:$0x10200] =	vst v63  }
0x1ca: {  	s0 =	sadd.s32 s3, s4;
	s4 =	sand.u32 $0x1FFFFFF0, s5  }
0x1cb: {  	[tilespmem:s24], [sflag:$0x5] =	stream.linear.gather [hbm4b:s0+s18], $0x80, $0x38;
	[tilespmem:$0x10200] =	vst v63  }
0x1cc: {  	s1 =	sadd.s32 s3, s1;
	s0 =	sadd.s32 $0x8900, s19  }
0x1cd: {  	[tilespmem:s0], [sflag:$0x5] =	stream.linear.gather [hbm4b:s1+s18], $0x80, $0x38;
	[tilespmem:$0x10200] =	vst v63  }
0x1ce: {  	s0 =	sadd.s32 $0x8980, s19;
	s1 =	sadd.s32 s3, s4  }
0x1cf: {  	[tilespmem:s0], [sflag:$0x5] =	stream.linear.gather [hbm4b:s1+s18], $0x80, $0x38;
	[tilespmem:$0x10200] =	vst v63  }
0x1d0: {  	v0 =	vld [tilespmem:s20+$0x0];
	_ =	sdelay $0x4  }
0x1d1: {  	v0 =	vshll.u32 v0, $0x4  }
0x1d2: {  	(v2sf) =	vpush v0, $0x0  }
0x1d3: {  	(v2sf) =	vpush v0, $0x1  }
0x1d4: {  	(v2sf) =	vpush v0, $0x2;
	_ =	sdelay $0x1  }
0x1d5: {  	(v2sf) =	vpush v0, $0x4  }
.Ltmp4:
0x1d6: {  	(pc) =	sbr.rel @p0 .LBB2_10-.Ltmp4, $3  }
0x1d7: {  	(v2sf) =	vpush v0, $0x3  }
0x1d8: {  	(v2sf) =	vpush v0, $0x5;
	_ =	sdelay $0x1  }
0x1d9: {  	s19 =	sshra.s32 s22, $0x2;
	(v2sf) =	vpush v0, $0x6  }
0x1da: {  	_ =	sdelay $0x1  }
0x1db: {  	s0 =	sadd.s32 $0x8280, s19;
	s22 =	sadd.s32 $0x8780, s19  }
0x1dc: {  	s1 =	sadd.s32 $0x8580, s19;
	s20 =	sadd.s32 $0x8800, s19;
	(v2sf) =	vpush v0, $0x7;
	s4 =	sadd.s32 $0x8480, s19  }
0x1dd: {  	s5 =	sadd.s32 $0x8600, s19;
	s21 =	sadd.s32 $0x8880, s19;
	s6 =	sadd.s32 $0x8200, s19  }
0x1de: {  	s8 =	sadd.s32 $0x8400, s19;
	s9 =	sadd.s32 $0x8500, s19;
	(v2sf) =	vpush v0, $0x8;
	s16 =	spop (v2sf)  }
0x1df: {  	s23 =	sadd.s32 $0x8300, s19;
	s16 =	sand.u32 $0x1FFFFFF0, s16;
	s24 =	spop (v2sf)  }
0x1e0: {  	(v2sf) =	vpush v0, $0x9;
	s16 =	sadd.s32 s3, s16;
	s24 =	sand.u32 $0x1FFFFFF0, s24;
	s25 =	spop (v2sf)  }
0x1e1: {  	[tilespmem:s6], [sflag:$0x5] =	stream.linear.gather [hbm4b:s16+s18], $0x80, $0x38;
	[tilespmem:$0x10200] =	vst v63  }
0x1e2: {  	(v2sf) =	vpush v0, $0xA;
	s26 =	sadd.s32 s3, s24;
	s29 =	sand.u32 $0x1FFFFFF0, s25;
	s28 =	spop (v2sf)  }
0x1e3: {  	[tilespmem:s0], [sflag:$0x5] =	stream.linear.gather [hbm4b:s26+s18], $0x80, $0x38;
	[tilespmem:$0x10200] =	vst v63  }
0x1e4: {  	s6 =	sadd.s32 $0x8700, s19;
	(v2sf) =	vpush v0, $0xB;
	s16 =	sadd.s32 s3, s29;
	s30 =	spop (v2sf)  }
0x1e5: {  	s0 =	sadd.s32 $0x8680, s19;
	s26 =	sadd.s32 $0x8380, s19;
	s25 =	sand.u32 $0x1FFFFFF0, s30  }
0x1e6: {  	(v2sf) =	vpush v0, $0xC;
	[tilespmem:s23], [sflag:$0x5] =	stream.linear.gather [hbm4b:s16+s18], $0x80, $0x38;
	[tilespmem:$0x10200] =	vst v63  }
0x1e7: {  	s31 =	sand.u32 $0x1FFFFFF0, s28;
	s28 =	spop (v2sf);
	s29 =	sadd.s32 s3, s25  }
0x1e8: {  	(v2sf) =	vpush v0, $0xD;
	[tilespmem:s26], [sflag:$0x5] =	stream.linear.gather [hbm4b:s29+s18], $0x80, $0x38;
	[tilespmem:$0x10200] =	vst v63  }
0x1e9: {  	s16 =	sadd.s32 s3, s31;
	s23 =	sand.u32 $0x1FFFFFF0, s28;
	s30 =	spop (v2sf)  }
0x1ea: {  	(v2sf) =	vpush v0, $0xE;
	[tilespmem:s8], [sflag:$0x5] =	stream.linear.gather [hbm4b:s16+s18], $0x80, $0x38;
	[tilespmem:$0x10200] =	vst v63  }
0x1eb: {  	s23 =	sadd.s32 s3, s23;
	s31 =	sand.u32 $0x1FFFFFF0, s30;
	s24 =	spop (v2sf)  }
0x1ec: {  	(v2sf) =	vpush v0, $0xF;
	[tilespmem:s4], [sflag:$0x5] =	stream.linear.gather [hbm4b:s23+s18], $0x80, $0x38;
	[tilespmem:$0x10200] =	vst v63  }
0x1ed: {  	s25 =	sand.u32 $0x1FFFFFF0, s24;
	s26 =	spop (v2sf);
	s8 =	sadd.s32 s3, s31  }
0x1ee: {  	[tilespmem:s9], [sflag:$0x5] =	stream.linear.gather [hbm4b:s8+s18], $0x80, $0x38;
	[tilespmem:$0x10200] =	vst v63  }
0x1ef: {  	s28 =	sand.u32 $0x1FFFFFF0, s26;
	s4 =	sadd.s32 s3, s25;
	s29 =	spop (v2sf)  }
0x1f0: {  	[tilespmem:s1], [sflag:$0x5] =	stream.linear.gather [hbm4b:s4+s18], $0x80, $0x38;
	[tilespmem:$0x10200] =	vst v63  }
0x1f1: {  	s8 =	sadd.s32 s3, s28;
	s30 =	sand.u32 $0x1FFFFFF0, s29;
	s31 =	spop (v2sf)  }
0x1f2: {  	[tilespmem:s5], [sflag:$0x5] =	stream.linear.gather [hbm4b:s8+s18], $0x80, $0x38;
	[tilespmem:$0x10200] =	vst v63  }
0x1f3: {  	s4 =	sand.u32 $0x1FFFFFF0, s31;
	s1 =	sadd.s32 s3, s30;
	s8 =	spop (v2sf)  }
0x1f4: {  	[tilespmem:s0], [sflag:$0x5] =	stream.linear.gather [hbm4b:s1+s18], $0x80, $0x38;
	[tilespmem:$0x10200] =	vst v63  }
0x1f5: {  	s4 =	sadd.s32 s3, s4;
	s9 =	sand.u32 $0x1FFFFFF0, s8;
	s16 =	spop (v2sf)  }
0x1f6: {  	[tilespmem:s6], [sflag:$0x5] =	stream.linear.gather [hbm4b:s4+s18], $0x80, $0x38;
	[tilespmem:$0x10200] =	vst v63  }
0x1f7: {  	s0 =	sadd.s32 s3, s9;
	s1 =	sand.u32 $0x1FFFFFF0, s16;
	s23 =	spop (v2sf)  }
0x1f8: {  	[tilespmem:s22], [sflag:$0x5] =	stream.linear.gather [hbm4b:s0+s18], $0x80, $0x38;
	[tilespmem:$0x10200] =	vst v63  }
0x1f9: {  	s24 =	sand.u32 $0x1FFFFFF0, s23;
	s1 =	sadd.s32 s3, s1;
	s25 =	spop (v2sf)  }
0x1fa: {  	[tilespmem:s20], [sflag:$0x5] =	stream.linear.gather [hbm4b:s1+s18], $0x80, $0x38;
	[tilespmem:$0x10200] =	vst v63  }
0x1fb: {  	s26 =	sand.u32 $0x1FFFFFF0, s25;
	s28 =	spop (v2sf);
	s0 =	sadd.s32 s3, s24  }
0x1fc: {  	[tilespmem:s21], [sflag:$0x5] =	stream.linear.gather [hbm4b:s0+s18], $0x80, $0x38;
	[tilespmem:$0x10200] =	vst v63  }
0x1fd: {  	s30 =	sadd.s32 $0x8900, s19;
	s29 =	sand.u32 $0x1FFFFFF0, s28;
	s1 =	sadd.s32 s3, s26  }
0x1fe: {  	[tilespmem:s30], [sflag:$0x5] =	stream.linear.gather [hbm4b:s1+s18], $0x80, $0x38;
	[tilespmem:$0x10200] =	vst v63  }
0x1ff: {  	s31 =	sadd.s32 $0x8980, s19;
	s20 =	simm.s32 $0x140;
	s0 =	sadd.s32 s3, s29  }
0x200: {  	[tilespmem:s31], [sflag:$0x5] =	stream.linear.gather [hbm4b:s0+s18], $0x80, $0x38;
	[tilespmem:$0x10200] =	vst v63  }
0x201: {  	v0 =	vld [tilespmem:s20+$0x0];
	_ =	sdelay $0x4  }
0x202: {  	v0 =	vshll.u32 v0, $0x4  }
0x203: {  	(v2sf) =	vpush v0, $0x0  }
0x204: {  	(v2sf) =	vpush v0, $0x1  }
0x205: {  	(v2sf) =	vpush v0, $0x2;
	_ =	sdelay $0x1  }
0x206: {  	(v2sf) =	vpush v0, $0x4;
	_ =	sdelay $0x1  }
0x207: {  	(v2sf) =	vpush v0, $0x3  }
0x208: {  	(v2sf) =	vpush v0, $0x5  }
0x209: {  	s19 =	simm.s32 $0x0;
	s21 =	simm.s32 $0x2000;
	(v2sf) =	vpush v0, $0x6  }
.LBB2_12:
0x20a: {  	p0 =	sne.s32 s21, $0x6000  }
0x20b: {  	s0 =	sadd.s32 $0xA280, s19;
	s25 =	sadd.s32 $0xA780, s19;
	s22 =	smov.u32 s21  }
0x20c: {  	s21 =	sadd.s32 $0x2000, s21;
	s29 =	sadd.s32 $0xA580, s19;
	s23 =	sadd.s32 $0xA800, s19;
	(v2sf) =	vpush v0, $0x7  }
0x20d: {  	s31 =	sadd.s32 $0xA480, s19;
	s28 =	sadd.s32 $0xA600, s19;
	s24 =	sadd.s32 $0xA880, s19  }
0x20e: {  	s1 =	sadd.s32 $0xA200, s19;
	s4 =	sadd.s32 $0xA400, s19;
	(v2sf) =	vpush v0, $0x8  }
0x20f: {  	s5 =	sadd.s32 $0xA500, s19;
	s20 =	sadd.s32 $0x10, s20  }
0x210: {  	s6 =	sadd.s32 $0xA300, s19;
	s26 =	sadd.s32 $0xA700, s19;
	s8 =	spop (v2sf);
	(v2sf) =	vpush v0, $0x9  }
0x211: {  	s30 =	sadd.s32 $0xA680, s19;
	s8 =	sand.u32 $0x1FFFFFF0, s8;
	s9 =	spop (v2sf)  }
0x212: {  	s8 =	sadd.s32 s3, s8;
	s9 =	sand.u32 $0x1FFFFFF0, s9;
	s16 =	spop (v2sf);
	(v2sf) =	vpush v0, $0xA  }
0x213: {  	[tilespmem:s1], [sflag:$0x6] =	stream.linear.gather [hbm4b:s8+s18], $0x80, $0x38;
	[tilespmem:$0x10200] =	vst v63  }
0x214: {  	s1 =	sadd.s32 s3, s9;
	s8 =	sadd.s32 $0xA380, s19;
	s9 =	spop (v2sf);
	(v2sf) =	vpush v0, $0xB  }
0x215: {  	[tilespmem:s0], [sflag:$0x6] =	stream.linear.gather [hbm4b:s1+s18], $0x80, $0x38;
	[tilespmem:$0x10200] =	vst v63  }
0x216: {  	s0 =	sand.u32 $0x1FFFFFF0, s16;
	s1 =	sand.u32 $0x1FFFFFF0, s9;
	s9 =	spop (v2sf);
	(v2sf) =	vpush v0, $0xC  }
0x217: {  	s0 =	sadd.s32 s3, s0;
	s9 =	sand.u32 $0x1FFFFFF0, s9;
	s16 =	spop (v2sf)  }
0x218: {  	[tilespmem:s6], [sflag:$0x6] =	stream.linear.gather [hbm4b:s0+s18], $0x80, $0x38;
	(v2sf) =	vpush v0, $0xD;
	[tilespmem:$0x10200] =	vst v63  }
0x219: {  	s0 =	sadd.s32 s3, s9;
	s6 =	sand.u32 $0x1FFFFFF0, s16;
	s9 =	spop (v2sf)  }
0x21a: {  	[tilespmem:s8], [sflag:$0x6] =	stream.linear.gather [hbm4b:s0+s18], $0x80, $0x38;
	(v2sf) =	vpush v0, $0xE;
	[tilespmem:$0x10200] =	vst v63  }
0x21b: {  	s0 =	sadd.s32 s3, s1;
	s1 =	sand.u32 $0x1FFFFFF0, s9;
	s8 =	spop (v2sf)  }
0x21c: {  	[tilespmem:s4], [sflag:$0x6] =	stream.linear.gather [hbm4b:s0+s18], $0x80, $0x38;
	(v2sf) =	vpush v0, $0xF;
	[tilespmem:$0x10200] =	vst v63  }
0x21d: {  	s0 =	sadd.s32 s3, s6;
	s4 =	sand.u32 $0x1FFFFFF0, s8;
	s6 =	spop (v2sf)  }
0x21e: {  	[tilespmem:s31], [sflag:$0x6] =	stream.linear.gather [hbm4b:s0+s18], $0x80, $0x38;
	[tilespmem:$0x10200] =	vst v63  }
0x21f: {  	s0 =	sadd.s32 s3, s1;
	s1 =	sand.u32 $0x1FFFFFF0, s6;
	s6 =	spop (v2sf)  }
0x220: {  	[tilespmem:s5], [sflag:$0x6] =	stream.linear.gather [hbm4b:s0+s18], $0x80, $0x38;
	[tilespmem:$0x10200] =	vst v63  }
0x221: {  	s0 =	sadd.s32 s3, s4;
	s4 =	sand.u32 $0x1FFFFFF0, s6;
	s5 =	spop (v2sf)  }
0x222: {  	[tilespmem:s29], [sflag:$0x6] =	stream.linear.gather [hbm4b:s0+s18], $0x80, $0x38;
	[tilespmem:$0x10200] =	vst v63  }
0x223: {  	s0 =	sadd.s32 s3, s1;
	s1 =	sand.u32 $0x1FFFFFF0, s5;
	s5 =	spop (v2sf)  }
0x224: {  	[tilespmem:s28], [sflag:$0x6] =	stream.linear.gather [hbm4b:s0+s18], $0x80, $0x38;
	[tilespmem:$0x10200] =	vst v63  }
0x225: {  	s0 =	sadd.s32 s3, s4;
	s4 =	sand.u32 $0x1FFFFFF0, s5;
	s5 =	spop (v2sf)  }
0x226: {  	[tilespmem:s30], [sflag:$0x6] =	stream.linear.gather [hbm4b:s0+s18], $0x80, $0x38;
	[tilespmem:$0x10200] =	vst v63  }
0x227: {  	s0 =	sadd.s32 s3, s1;
	s1 =	sand.u32 $0x1FFFFFF0, s5;
	s5 =	spop (v2sf)  }
0x228: {  	[tilespmem:s26], [sflag:$0x6] =	stream.linear.gather [hbm4b:s0+s18], $0x80, $0x38;
	[tilespmem:$0x10200] =	vst v63  }
0x229: {  	s0 =	sadd.s32 s3, s4;
	s4 =	sand.u32 $0x1FFFFFF0, s5;
	s5 =	spop (v2sf)  }
0x22a: {  	[tilespmem:s25], [sflag:$0x6] =	stream.linear.gather [hbm4b:s0+s18], $0x80, $0x38;
	[tilespmem:$0x10200] =	vst v63  }
0x22b: {  	s0 =	sadd.s32 s3, s1;
	s1 =	sand.u32 $0x1FFFFFF0, s5;
	s5 =	spop (v2sf)  }
0x22c: {  	[tilespmem:s23], [sflag:$0x6] =	stream.linear.gather [hbm4b:s0+s18], $0x80, $0x38;
	[tilespmem:$0x10200] =	vst v63  }
0x22d: {  	s0 =	sadd.s32 s3, s4;
	s4 =	sand.u32 $0x1FFFFFF0, s5  }
0x22e: {  	[tilespmem:s24], [sflag:$0x6] =	stream.linear.gather [hbm4b:s0+s18], $0x80, $0x38;
	[tilespmem:$0x10200] =	vst v63  }
0x22f: {  	s1 =	sadd.s32 s3, s1;
	s0 =	sadd.s32 $0xA900, s19  }
0x230: {  	[tilespmem:s0], [sflag:$0x6] =	stream.linear.gather [hbm4b:s1+s18], $0x80, $0x38;
	[tilespmem:$0x10200] =	vst v63  }
0x231: {  	s0 =	sadd.s32 $0xA980, s19;
	s1 =	sadd.s32 s3, s4  }
0x232: {  	[tilespmem:s0], [sflag:$0x6] =	stream.linear.gather [hbm4b:s1+s18], $0x80, $0x38;
	[tilespmem:$0x10200] =	vst v63  }
0x233: {  	v0 =	vld [tilespmem:s20+$0x0];
	_ =	sdelay $0x4  }
0x234: {  	v0 =	vshll.u32 v0, $0x4  }
0x235: {  	(v2sf) =	vpush v0, $0x0  }
0x236: {  	(v2sf) =	vpush v0, $0x1  }
0x237: {  	(v2sf) =	vpush v0, $0x2;
	_ =	sdelay $0x1  }
0x238: {  	(v2sf) =	vpush v0, $0x4  }
.Ltmp5:
0x239: {  	(pc) =	sbr.rel @p0 .LBB2_12-.Ltmp5, $3  }
0x23a: {  	(v2sf) =	vpush v0, $0x3  }
0x23b: {  	(v2sf) =	vpush v0, $0x5;
	_ =	sdelay $0x1  }
0x23c: {  	s19 =	sshra.s32 s22, $0x2;
	(v2sf) =	vpush v0, $0x6  }
0x23d: {  	_ =	sdelay $0x1  }
0x23e: {  	s0 =	sadd.s32 $0xA280, s19;
	s22 =	sadd.s32 $0xA780, s19  }
0x23f: {  	s1 =	sadd.s32 $0xA580, s19;
	s20 =	sadd.s32 $0xA800, s19;
	(v2sf) =	vpush v0, $0x7;
	s4 =	sadd.s32 $0xA480, s19  }
0x240: {  	s5 =	sadd.s32 $0xA600, s19;
	s21 =	sadd.s32 $0xA880, s19;
	s6 =	sadd.s32 $0xA200, s19  }
0x241: {  	s8 =	sadd.s32 $0xA400, s19;
	s9 =	sadd.s32 $0xA500, s19;
	(v2sf) =	vpush v0, $0x8;
	s16 =	spop (v2sf)  }
0x242: {  	s23 =	sadd.s32 $0xA300, s19;
	s16 =	sand.u32 $0x1FFFFFF0, s16;
	s24 =	spop (v2sf)  }
0x243: {  	(v2sf) =	vpush v0, $0x9;
	s16 =	sadd.s32 s3, s16;
	s24 =	sand.u32 $0x1FFFFFF0, s24;
	s25 =	spop (v2sf)  }
0x244: {  	[tilespmem:s6], [sflag:$0x6] =	stream.linear.gather [hbm4b:s16+s18], $0x80, $0x38;
	[tilespmem:$0x10200] =	vst v63  }
0x245: {  	(v2sf) =	vpush v0, $0xA;
	s26 =	sadd.s32 s3, s24;
	s29 =	sand.u32 $0x1FFFFFF0, s25;
	s28 =	spop (v2sf)  }
0x246: {  	[tilespmem:s0], [sflag:$0x6] =	stream.linear.gather [hbm4b:s26+s18], $0x80, $0x38;
	[tilespmem:$0x10200] =	vst v63  }
0x247: {  	s6 =	sadd.s32 $0xA700, s19;
	(v2sf) =	vpush v0, $0xB;
	s16 =	sadd.s32 s3, s29;
	s30 =	spop (v2sf)  }
0x248: {  	s0 =	sadd.s32 $0xA680, s19;
	s26 =	sadd.s32 $0xA380, s19;
	s25 =	sand.u32 $0x1FFFFFF0, s30  }
0x249: {  	(v2sf) =	vpush v0, $0xC;
	[tilespmem:s23], [sflag:$0x6] =	stream.linear.gather [hbm4b:s16+s18], $0x80, $0x38;
	[tilespmem:$0x10200] =	vst v63  }
0x24a: {  	s31 =	sand.u32 $0x1FFFFFF0, s28;
	s28 =	spop (v2sf);
	s29 =	sadd.s32 s3, s25  }
0x24b: {  	(v2sf) =	vpush v0, $0xD;
	[tilespmem:s26], [sflag:$0x6] =	stream.linear.gather [hbm4b:s29+s18], $0x80, $0x38;
	[tilespmem:$0x10200] =	vst v63  }
0x24c: {  	s16 =	sadd.s32 s3, s31;
	s23 =	sand.u32 $0x1FFFFFF0, s28;
	s30 =	spop (v2sf)  }
0x24d: {  	(v2sf) =	vpush v0, $0xE;
	[tilespmem:s8], [sflag:$0x6] =	stream.linear.gather [hbm4b:s16+s18], $0x80, $0x38;
	[tilespmem:$0x10200] =	vst v63  }
0x24e: {  	s23 =	sadd.s32 s3, s23;
	s31 =	sand.u32 $0x1FFFFFF0, s30;
	s24 =	spop (v2sf)  }
0x24f: {  	(v2sf) =	vpush v0, $0xF;
	[tilespmem:s4], [sflag:$0x6] =	stream.linear.gather [hbm4b:s23+s18], $0x80, $0x38;
	[tilespmem:$0x10200] =	vst v63  }
0x250: {  	s25 =	sand.u32 $0x1FFFFFF0, s24;
	s26 =	spop (v2sf);
	s8 =	sadd.s32 s3, s31  }
0x251: {  	[tilespmem:s9], [sflag:$0x6] =	stream.linear.gather [hbm4b:s8+s18], $0x80, $0x38;
	[tilespmem:$0x10200] =	vst v63  }
0x252: {  	s28 =	sand.u32 $0x1FFFFFF0, s26;
	s4 =	sadd.s32 s3, s25;
	s29 =	spop (v2sf)  }
0x253: {  	[tilespmem:s1], [sflag:$0x6] =	stream.linear.gather [hbm4b:s4+s18], $0x80, $0x38;
	[tilespmem:$0x10200] =	vst v63  }
0x254: {  	s8 =	sadd.s32 s3, s28;
	s30 =	sand.u32 $0x1FFFFFF0, s29;
	s31 =	spop (v2sf)  }
0x255: {  	[tilespmem:s5], [sflag:$0x6] =	stream.linear.gather [hbm4b:s8+s18], $0x80, $0x38;
	[tilespmem:$0x10200] =	vst v63  }
0x256: {  	s4 =	sand.u32 $0x1FFFFFF0, s31;
	s1 =	sadd.s32 s3, s30;
	s8 =	spop (v2sf)  }
0x257: {  	[tilespmem:s0], [sflag:$0x6] =	stream.linear.gather [hbm4b:s1+s18], $0x80, $0x38;
	[tilespmem:$0x10200] =	vst v63  }
0x258: {  	s4 =	sadd.s32 s3, s4;
	s9 =	sand.u32 $0x1FFFFFF0, s8;
	s16 =	spop (v2sf)  }
0x259: {  	[tilespmem:s6], [sflag:$0x6] =	stream.linear.gather [hbm4b:s4+s18], $0x80, $0x38;
	[tilespmem:$0x10200] =	vst v63  }
0x25a: {  	s0 =	sadd.s32 s3, s9;
	s1 =	sand.u32 $0x1FFFFFF0, s16;
	s23 =	spop (v2sf)  }
0x25b: {  	[tilespmem:s22], [sflag:$0x6] =	stream.linear.gather [hbm4b:s0+s18], $0x80, $0x38;
	[tilespmem:$0x10200] =	vst v63  }
0x25c: {  	s24 =	sand.u32 $0x1FFFFFF0, s23;
	s1 =	sadd.s32 s3, s1;
	s25 =	spop (v2sf)  }
0x25d: {  	[tilespmem:s20], [sflag:$0x6] =	stream.linear.gather [hbm4b:s1+s18], $0x80, $0x38;
	[tilespmem:$0x10200] =	vst v63  }
0x25e: {  	s26 =	sand.u32 $0x1FFFFFF0, s25;
	s28 =	spop (v2sf);
	s0 =	sadd.s32 s3, s24  }
0x25f: {  	[tilespmem:s21], [sflag:$0x6] =	stream.linear.gather [hbm4b:s0+s18], $0x80, $0x38;
	[tilespmem:$0x10200] =	vst v63  }
0x260: {  	s30 =	sadd.s32 $0xA900, s19;
	s29 =	sand.u32 $0x1FFFFFF0, s28;
	s1 =	sadd.s32 s3, s26  }
0x261: {  	[tilespmem:s30], [sflag:$0x6] =	stream.linear.gather [hbm4b:s1+s18], $0x80, $0x38;
	[tilespmem:$0x10200] =	vst v63  }
0x262: {  	s31 =	sadd.s32 $0xA980, s19;
	s20 =	simm.s32 $0x180;
	s0 =	sadd.s32 s3, s29  }
0x263: {  	[tilespmem:s31], [sflag:$0x6] =	stream.linear.gather [hbm4b:s0+s18], $0x80, $0x38;
	[tilespmem:$0x10200] =	vst v63  }
0x264: {  	v0 =	vld [tilespmem:s20+$0x0];
	_ =	sdelay $0x4  }
0x265: {  	v0 =	vshll.u32 v0, $0x4  }
0x266: {  	(v2sf) =	vpush v0, $0x0  }
0x267: {  	(v2sf) =	vpush v0, $0x1  }
0x268: {  	(v2sf) =	vpush v0, $0x2;
	_ =	sdelay $0x1  }
0x269: {  	(v2sf) =	vpush v0, $0x4;
	_ =	sdelay $0x1  }
0x26a: {  	(v2sf) =	vpush v0, $0x3  }
0x26b: {  	(v2sf) =	vpush v0, $0x5  }
0x26c: {  	s19 =	simm.s32 $0x0;
	s21 =	simm.s32 $0x2000;
	(v2sf) =	vpush v0, $0x6  }
.LBB2_14:
0x26d: {  	p0 =	sne.s32 s21, $0x6000  }
0x26e: {  	s0 =	sadd.s32 $0xC280, s19;
	s25 =	sadd.s32 $0xC780, s19;
	s22 =	smov.u32 s21  }
0x26f: {  	s21 =	sadd.s32 $0x2000, s21;
	s29 =	sadd.s32 $0xC580, s19;
	s23 =	sadd.s32 $0xC800, s19;
	(v2sf) =	vpush v0, $0x7  }
0x270: {  	s31 =	sadd.s32 $0xC480, s19;
	s26 =	sadd.s32 $0xC600, s19;
	s24 =	sadd.s32 $0xC880, s19  }
0x271: {  	s1 =	sadd.s32 $0xC200, s19;
	s4 =	sadd.s32 $0xC400, s19;
	(v2sf) =	vpush v0, $0x8  }
0x272: {  	s18 =	simm.s32 $0x0;
	s5 =	sadd.s32 $0xC500, s19;
	s20 =	sadd.s32 $0x10, s20  }
0x273: {  	s6 =	sadd.s32 $0xC300, s19;
	s28 =	sadd.s32 $0xC700, s19;
	s8 =	spop (v2sf);
	(v2sf) =	vpush v0, $0x9  }
0x274: {  	s30 =	sadd.s32 $0xC680, s19;
	s8 =	sand.u32 $0x1FFFFFF0, s8;
	s9 =	spop (v2sf)  }
0x275: {  	s8 =	sadd.s32 s3, s8;
	s9 =	sand.u32 $0x1FFFFFF0, s9;
	s16 =	spop (v2sf);
	(v2sf) =	vpush v0, $0xA  }
0x276: {  	[tilespmem:s1], [sflag:$0x7] =	stream.linear.gather [hbm4b:s8+s18], $0x80, $0x38;
	[tilespmem:$0x10200] =	vst v63  }
0x277: {  	s1 =	sadd.s32 s3, s9;
	s8 =	sadd.s32 $0xC380, s19;
	s9 =	spop (v2sf);
	(v2sf) =	vpush v0, $0xB  }
0x278: {  	[tilespmem:s0], [sflag:$0x7] =	stream.linear.gather [hbm4b:s1+s18], $0x80, $0x38;
	[tilespmem:$0x10200] =	vst v63  }
0x279: {  	s0 =	sand.u32 $0x1FFFFFF0, s16;
	s1 =	sand.u32 $0x1FFFFFF0, s9;
	s9 =	spop (v2sf);
	(v2sf) =	vpush v0, $0xC  }
0x27a: {  	s0 =	sadd.s32 s3, s0;
	s9 =	sand.u32 $0x1FFFFFF0, s9;
	s16 =	spop (v2sf)  }
0x27b: {  	[tilespmem:s6], [sflag:$0x7] =	stream.linear.gather [hbm4b:s0+s18], $0x80, $0x38;
	(v2sf) =	vpush v0, $0xD;
	[tilespmem:$0x10200] =	vst v63  }
0x27c: {  	s0 =	sadd.s32 s3, s9;
	s6 =	sand.u32 $0x1FFFFFF0, s16;
	s9 =	spop (v2sf)  }
0x27d: {  	[tilespmem:s8], [sflag:$0x7] =	stream.linear.gather [hbm4b:s0+s18], $0x80, $0x38;
	(v2sf) =	vpush v0, $0xE;
	[tilespmem:$0x10200] =	vst v63  }
0x27e: {  	s0 =	sadd.s32 s3, s1;
	s1 =	sand.u32 $0x1FFFFFF0, s9;
	s8 =	spop (v2sf)  }
0x27f: {  	[tilespmem:s4], [sflag:$0x7] =	stream.linear.gather [hbm4b:s0+s18], $0x80, $0x38;
	(v2sf) =	vpush v0, $0xF;
	[tilespmem:$0x10200] =	vst v63  }
0x280: {  	s0 =	sadd.s32 s3, s6;
	s4 =	sand.u32 $0x1FFFFFF0, s8;
	s6 =	spop (v2sf)  }
0x281: {  	[tilespmem:s31], [sflag:$0x7] =	stream.linear.gather [hbm4b:s0+s18], $0x80, $0x38;
	[tilespmem:$0x10200] =	vst v63  }
0x282: {  	s0 =	sadd.s32 s3, s1;
	s1 =	sand.u32 $0x1FFFFFF0, s6;
	s6 =	spop (v2sf)  }
0x283: {  	[tilespmem:s5], [sflag:$0x7] =	stream.linear.gather [hbm4b:s0+s18], $0x80, $0x38;
	[tilespmem:$0x10200] =	vst v63  }
0x284: {  	s0 =	sadd.s32 s3, s4;
	s4 =	sand.u32 $0x1FFFFFF0, s6;
	s5 =	spop (v2sf)  }
0x285: {  	[tilespmem:s29], [sflag:$0x7] =	stream.linear.gather [hbm4b:s0+s18], $0x80, $0x38;
	[tilespmem:$0x10200] =	vst v63  }
0x286: {  	s0 =	sadd.s32 s3, s1;
	s1 =	sand.u32 $0x1FFFFFF0, s5;
	s5 =	spop (v2sf)  }
0x287: {  	[tilespmem:s26], [sflag:$0x7] =	stream.linear.gather [hbm4b:s0+s18], $0x80, $0x38;
	[tilespmem:$0x10200] =	vst v63  }
0x288: {  	s0 =	sadd.s32 s3, s4;
	s4 =	sand.u32 $0x1FFFFFF0, s5;
	s5 =	spop (v2sf)  }
0x289: {  	[tilespmem:s30], [sflag:$0x7] =	stream.linear.gather [hbm4b:s0+s18], $0x80, $0x38;
	[tilespmem:$0x10200] =	vst v63  }
0x28a: {  	s0 =	sadd.s32 s3, s1;
	s1 =	sand.u32 $0x1FFFFFF0, s5;
	s5 =	spop (v2sf)  }
0x28b: {  	[tilespmem:s28], [sflag:$0x7] =	stream.linear.gather [hbm4b:s0+s18], $0x80, $0x38;
	[tilespmem:$0x10200] =	vst v63  }
0x28c: {  	s0 =	sadd.s32 s3, s4;
	s4 =	sand.u32 $0x1FFFFFF0, s5;
	s5 =	spop (v2sf)  }
0x28d: {  	[tilespmem:s25], [sflag:$0x7] =	stream.linear.gather [hbm4b:s0+s18], $0x80, $0x38;
	[tilespmem:$0x10200] =	vst v63  }
0x28e: {  	s0 =	sadd.s32 s3, s1;
	s1 =	sand.u32 $0x1FFFFFF0, s5;
	s5 =	spop (v2sf)  }
0x28f: {  	[tilespmem:s23], [sflag:$0x7] =	stream.linear.gather [hbm4b:s0+s18], $0x80, $0x38;
	[tilespmem:$0x10200] =	vst v63  }
0x290: {  	s0 =	sadd.s32 s3, s4;
	s4 =	sand.u32 $0x1FFFFFF0, s5  }
0x291: {  	[tilespmem:s24], [sflag:$0x7] =	stream.linear.gather [hbm4b:s0+s18], $0x80, $0x38;
	[tilespmem:$0x10200] =	vst v63  }
0x292: {  	s1 =	sadd.s32 s3, s1;
	s0 =	sadd.s32 $0xC900, s19  }
0x293: {  	[tilespmem:s0], [sflag:$0x7] =	stream.linear.gather [hbm4b:s1+s18], $0x80, $0x38;
	[tilespmem:$0x10200] =	vst v63  }
0x294: {  	s0 =	sadd.s32 $0xC980, s19;
	s1 =	sadd.s32 s3, s4  }
0x295: {  	[tilespmem:s0], [sflag:$0x7] =	stream.linear.gather [hbm4b:s1+s18], $0x80, $0x38;
	[tilespmem:$0x10200] =	vst v63  }
0x296: {  	v0 =	vld [tilespmem:s20+$0x0];
	_ =	sdelay $0x4  }
0x297: {  	v0 =	vshll.u32 v0, $0x4  }
0x298: {  	(v2sf) =	vpush v0, $0x0  }
0x299: {  	(v2sf) =	vpush v0, $0x1  }
0x29a: {  	(v2sf) =	vpush v0, $0x2;
	_ =	sdelay $0x1  }
0x29b: {  	(v2sf) =	vpush v0, $0x4  }
.Ltmp6:
0x29c: {  	(pc) =	sbr.rel @p0 .LBB2_14-.Ltmp6, $3  }
0x29d: {  	(v2sf) =	vpush v0, $0x3  }
0x29e: {  	(v2sf) =	vpush v0, $0x5;
	_ =	sdelay $0x1  }
0x29f: {  	s19 =	sshra.s32 s22, $0x2;
	(v2sf) =	vpush v0, $0x6  }
0x2a0: {  	_ =	sdelay $0x1  }
0x2a1: {  	s0 =	sadd.s32 $0xC280, s19;
	s22 =	sadd.s32 $0xC780, s19  }
0x2a2: {  	s1 =	sadd.s32 $0xC580, s19;
	s20 =	sadd.s32 $0xC800, s19;
	(v2sf) =	vpush v0, $0x7;
	s4 =	sadd.s32 $0xC480, s19  }
0x2a3: {  	s5 =	sadd.s32 $0xC600, s19;
	s21 =	sadd.s32 $0xC880, s19;
	s6 =	sadd.s32 $0xC200, s19  }
0x2a4: {  	s8 =	sadd.s32 $0xC400, s19;
	s9 =	sadd.s32 $0xC500, s19;
	(v2sf) =	vpush v0, $0x8;
	s16 =	spop (v2sf)  }
0x2a5: {  	s23 =	sadd.s32 $0xC300, s19;
	s16 =	sand.u32 $0x1FFFFFF0, s16;
	s24 =	spop (v2sf)  }
0x2a6: {  	(v2sf) =	vpush v0, $0x9;
	s16 =	sadd.s32 s3, s16;
	s24 =	sand.u32 $0x1FFFFFF0, s24;
	s25 =	spop (v2sf)  }
0x2a7: {  	[tilespmem:s6], [sflag:$0x7] =	stream.linear.gather [hbm4b:s16+s18], $0x80, $0x38;
	[tilespmem:$0x10200] =	vst v63  }
0x2a8: {  	(v2sf) =	vpush v0, $0xA;
	s26 =	sadd.s32 s3, s24;
	s29 =	sand.u32 $0x1FFFFFF0, s25;
	s28 =	spop (v2sf)  }
0x2a9: {  	[tilespmem:s0], [sflag:$0x7] =	stream.linear.gather [hbm4b:s26+s18], $0x80, $0x38;
	[tilespmem:$0x10200] =	vst v63  }
0x2aa: {  	s6 =	sadd.s32 $0xC700, s19;
	(v2sf) =	vpush v0, $0xB;
	s16 =	sadd.s32 s3, s29;
	s30 =	spop (v2sf)  }
0x2ab: {  	s0 =	sadd.s32 $0xC680, s19;
	s26 =	sadd.s32 $0xC380, s19;
	s25 =	sand.u32 $0x1FFFFFF0, s30  }
0x2ac: {  	(v2sf) =	vpush v0, $0xC;
	[tilespmem:s23], [sflag:$0x7] =	stream.linear.gather [hbm4b:s16+s18], $0x80, $0x38;
	[tilespmem:$0x10200] =	vst v63  }
0x2ad: {  	s31 =	sand.u32 $0x1FFFFFF0, s28;
	s28 =	spop (v2sf);
	s29 =	sadd.s32 s3, s25  }
0x2ae: {  	(v2sf) =	vpush v0, $0xD;
	[tilespmem:s26], [sflag:$0x7] =	stream.linear.gather [hbm4b:s29+s18], $0x80, $0x38;
	[tilespmem:$0x10200] =	vst v63  }
0x2af: {  	s16 =	sadd.s32 s3, s31;
	s23 =	sand.u32 $0x1FFFFFF0, s28;
	s30 =	spop (v2sf)  }
0x2b0: {  	(v2sf) =	vpush v0, $0xE;
	[tilespmem:s8], [sflag:$0x7] =	stream.linear.gather [hbm4b:s16+s18], $0x80, $0x38;
	[tilespmem:$0x10200] =	vst v63  }
0x2b1: {  	s23 =	sadd.s32 s3, s23;
	s31 =	sand.u32 $0x1FFFFFF0, s30;
	s24 =	spop (v2sf)  }
0x2b2: {  	(v2sf) =	vpush v0, $0xF;
	[tilespmem:s4], [sflag:$0x7] =	stream.linear.gather [hbm4b:s23+s18], $0x80, $0x38;
	[tilespmem:$0x10200] =	vst v63  }
0x2b3: {  	s25 =	sand.u32 $0x1FFFFFF0, s24;
	s26 =	spop (v2sf);
	s8 =	sadd.s32 s3, s31  }
0x2b4: {  	[tilespmem:s9], [sflag:$0x7] =	stream.linear.gather [hbm4b:s8+s18], $0x80, $0x38;
	[tilespmem:$0x10200] =	vst v63  }
0x2b5: {  	s28 =	sand.u32 $0x1FFFFFF0, s26;
	s4 =	sadd.s32 s3, s25;
	s29 =	spop (v2sf)  }
0x2b6: {  	[tilespmem:s1], [sflag:$0x7] =	stream.linear.gather [hbm4b:s4+s18], $0x80, $0x38;
	[tilespmem:$0x10200] =	vst v63  }
0x2b7: {  	s8 =	sadd.s32 s3, s28;
	s30 =	sand.u32 $0x1FFFFFF0, s29;
	s31 =	spop (v2sf)  }
0x2b8: {  	[tilespmem:s5], [sflag:$0x7] =	stream.linear.gather [hbm4b:s8+s18], $0x80, $0x38;
	[tilespmem:$0x10200] =	vst v63  }
0x2b9: {  	s4 =	sand.u32 $0x1FFFFFF0, s31;
	s1 =	sadd.s32 s3, s30;
	s8 =	spop (v2sf)  }
0x2ba: {  	[tilespmem:s0], [sflag:$0x7] =	stream.linear.gather [hbm4b:s1+s18], $0x80, $0x38;
	[tilespmem:$0x10200] =	vst v63  }
0x2bb: {  	s4 =	sadd.s32 s3, s4;
	s9 =	sand.u32 $0x1FFFFFF0, s8;
	s16 =	spop (v2sf)  }
0x2bc: {  	[tilespmem:s6], [sflag:$0x7] =	stream.linear.gather [hbm4b:s4+s18], $0x80, $0x38;
	[tilespmem:$0x10200] =	vst v63  }
0x2bd: {  	s0 =	sadd.s32 s3, s9;
	s1 =	sand.u32 $0x1FFFFFF0, s16;
	s23 =	spop (v2sf)  }
0x2be: {  	[tilespmem:s22], [sflag:$0x7] =	stream.linear.gather [hbm4b:s0+s18], $0x80, $0x38;
	[tilespmem:$0x10200] =	vst v63  }
0x2bf: {  	s24 =	sand.u32 $0x1FFFFFF0, s23;
	s1 =	sadd.s32 s3, s1;
	s25 =	spop (v2sf)  }
0x2c0: {  	[tilespmem:s20], [sflag:$0x7] =	stream.linear.gather [hbm4b:s1+s18], $0x80, $0x38;
	[tilespmem:$0x10200] =	vst v63  }
0x2c1: {  	s26 =	sand.u32 $0x1FFFFFF0, s25;
	s28 =	spop (v2sf);
	s0 =	sadd.s32 s3, s24  }
0x2c2: {  	[tilespmem:s21], [sflag:$0x7] =	stream.linear.gather [hbm4b:s0+s18], $0x80, $0x38;
	[tilespmem:$0x10200] =	vst v63  }
0x2c3: {  	s30 =	sadd.s32 $0xC900, s19;
	s29 =	sand.u32 $0x1FFFFFF0, s28;
	s1 =	sadd.s32 s3, s26  }
0x2c4: {  	[tilespmem:s30], [sflag:$0x7] =	stream.linear.gather [hbm4b:s1+s18], $0x80, $0x38;
	[tilespmem:$0x10200] =	vst v63  }
0x2c5: {  	s31 =	sadd.s32 $0xC980, s19;
	s19 =	simm.s32 $0x1C0;
	s0 =	sadd.s32 s3, s29  }
0x2c6: {  	[tilespmem:s31], [sflag:$0x7] =	stream.linear.gather [hbm4b:s0+s18], $0x80, $0x38;
	[tilespmem:$0x10200] =	vst v63  }
0x2c7: {  	v0 =	vld [tilespmem:s19+$0x0];
	_ =	sdelay $0x4  }
0x2c8: {  	v0 =	vshll.u32 v0, $0x4  }
0x2c9: {  	(v2sf) =	vpush v0, $0x0  }
0x2ca: {  	(v2sf) =	vpush v0, $0x1  }
0x2cb: {  	(v2sf) =	vpush v0, $0x2;
	_ =	sdelay $0x1  }
0x2cc: {  	(v2sf) =	vpush v0, $0x4;
	_ =	sdelay $0x1  }
0x2cd: {  	(v2sf) =	vpush v0, $0x3  }
0x2ce: {  	(v2sf) =	vpush v0, $0x5  }
0x2cf: {  	s20 =	simm.s32 $0x2000;
	s18 =	simm.s32 $0x0;
	(v2sf) =	vpush v0, $0x6  }
.LBB2_16:
0x2d0: {  	p0 =	sne.s32 s20, $0x6000  }
0x2d1: {  	s0 =	sadd.s32 $0xE280, s18;
	s24 =	sadd.s32 $0xE780, s18;
	s21 =	smov.u32 s20  }
0x2d2: {  	s20 =	sadd.s32 $0x2000, s20;
	s28 =	sadd.s32 $0xE580, s18;
	s22 =	sadd.s32 $0xE800, s18;
	(v2sf) =	vpush v0, $0x7  }
0x2d3: {  	s30 =	sadd.s32 $0xE480, s18;
	s26 =	sadd.s32 $0xE600, s18;
	s23 =	sadd.s32 $0xE880, s18  }
0x2d4: {  	s1 =	sadd.s32 $0xE200, s18;
	s4 =	sadd.s32 $0xE400, s18;
	(v2sf) =	vpush v0, $0x8  }
0x2d5: {  	s5 =	sadd.s32 $0xE500, s18;
	s19 =	sadd.s32 $0x10, s19  }
0x2d6: {  	s6 =	sadd.s32 $0xE300, s18;
	s25 =	sadd.s32 $0xE700, s18;
	s8 =	spop (v2sf);
	(v2sf) =	vpush v0, $0x9  }
0x2d7: {  	s29 =	sadd.s32 $0xE680, s18;
	s8 =	sand.u32 $0x1FFFFFF0, s8;
	s9 =	spop (v2sf)  }
0x2d8: {  	s8 =	sadd.s32 s3, s8;
	s9 =	sand.u32 $0x1FFFFFF0, s9;
	s16 =	spop (v2sf);
	(v2sf) =	vpush v0, $0xA  }
0x2d9: {  	[tilespmem:s1], [sflag:$0x8] =	stream.linear.gather [hbm4b:s8+s2], $0x80, $0x38;
	[tilespmem:$0x10200] =	vst v63  }
0x2da: {  	s1 =	sadd.s32 s3, s9;
	s8 =	sadd.s32 $0xE380, s18;
	s9 =	spop (v2sf);
	(v2sf) =	vpush v0, $0xB  }
0x2db: {  	[tilespmem:s0], [sflag:$0x8] =	stream.linear.gather [hbm4b:s1+s2], $0x80, $0x38;
	[tilespmem:$0x10200] =	vst v63  }
0x2dc: {  	s0 =	sand.u32 $0x1FFFFFF0, s16;
	s1 =	sand.u32 $0x1FFFFFF0, s9;
	s9 =	spop (v2sf);
	(v2sf) =	vpush v0, $0xC  }
0x2dd: {  	s0 =	sadd.s32 s3, s0;
	s9 =	sand.u32 $0x1FFFFFF0, s9;
	s16 =	spop (v2sf)  }
0x2de: {  	[tilespmem:s6], [sflag:$0x8] =	stream.linear.gather [hbm4b:s0+s2], $0x80, $0x38;
	(v2sf) =	vpush v0, $0xD;
	[tilespmem:$0x10200] =	vst v63  }
0x2df: {  	s0 =	sadd.s32 s3, s9;
	s6 =	sand.u32 $0x1FFFFFF0, s16;
	s9 =	spop (v2sf)  }
0x2e0: {  	[tilespmem:s8], [sflag:$0x8] =	stream.linear.gather [hbm4b:s0+s2], $0x80, $0x38;
	(v2sf) =	vpush v0, $0xE;
	[tilespmem:$0x10200] =	vst v63  }
0x2e1: {  	s0 =	sadd.s32 s3, s1;
	s1 =	sand.u32 $0x1FFFFFF0, s9;
	s8 =	spop (v2sf)  }
0x2e2: {  	[tilespmem:s4], [sflag:$0x8] =	stream.linear.gather [hbm4b:s0+s2], $0x80, $0x38;
	(v2sf) =	vpush v0, $0xF;
	[tilespmem:$0x10200] =	vst v63  }
0x2e3: {  	s0 =	sadd.s32 s3, s6;
	s4 =	sand.u32 $0x1FFFFFF0, s8;
	s6 =	spop (v2sf)  }
0x2e4: {  	[tilespmem:s30], [sflag:$0x8] =	stream.linear.gather [hbm4b:s0+s2], $0x80, $0x38;
	[tilespmem:$0x10200] =	vst v63  }
0x2e5: {  	s0 =	sadd.s32 s3, s1;
	s1 =	sand.u32 $0x1FFFFFF0, s6;
	s6 =	spop (v2sf)  }
0x2e6: {  	[tilespmem:s5], [sflag:$0x8] =	stream.linear.gather [hbm4b:s0+s2], $0x80, $0x38;
	[tilespmem:$0x10200] =	vst v63  }
0x2e7: {  	s0 =	sadd.s32 s3, s4;
	s4 =	sand.u32 $0x1FFFFFF0, s6;
	s5 =	spop (v2sf)  }
0x2e8: {  	[tilespmem:s28], [sflag:$0x8] =	stream.linear.gather [hbm4b:s0+s2], $0x80, $0x38;
	[tilespmem:$0x10200] =	vst v63  }
0x2e9: {  	s0 =	sadd.s32 s3, s1;
	s1 =	sand.u32 $0x1FFFFFF0, s5;
	s5 =	spop (v2sf)  }
0x2ea: {  	[tilespmem:s26], [sflag:$0x8] =	stream.linear.gather [hbm4b:s0+s2], $0x80, $0x38;
	[tilespmem:$0x10200] =	vst v63  }
0x2eb: {  	s0 =	sadd.s32 s3, s4;
	s4 =	sand.u32 $0x1FFFFFF0, s5;
	s5 =	spop (v2sf)  }
0x2ec: {  	[tilespmem:s29], [sflag:$0x8] =	stream.linear.gather [hbm4b:s0+s2], $0x80, $0x38;
	[tilespmem:$0x10200] =	vst v63  }
0x2ed: {  	s0 =	sadd.s32 s3, s1;
	s1 =	sand.u32 $0x1FFFFFF0, s5;
	s5 =	spop (v2sf)  }
0x2ee: {  	[tilespmem:s25], [sflag:$0x8] =	stream.linear.gather [hbm4b:s0+s2], $0x80, $0x38;
	[tilespmem:$0x10200] =	vst v63  }
0x2ef: {  	s0 =	sadd.s32 s3, s4;
	s4 =	sand.u32 $0x1FFFFFF0, s5;
	s5 =	spop (v2sf)  }
0x2f0: {  	[tilespmem:s24], [sflag:$0x8] =	stream.linear.gather [hbm4b:s0+s2], $0x80, $0x38;
	[tilespmem:$0x10200] =	vst v63  }
0x2f1: {  	s0 =	sadd.s32 s3, s1;
	s1 =	sand.u32 $0x1FFFFFF0, s5;
	s5 =	spop (v2sf)  }
0x2f2: {  	[tilespmem:s22], [sflag:$0x8] =	stream.linear.gather [hbm4b:s0+s2], $0x80, $0x38;
	[tilespmem:$0x10200] =	vst v63  }
0x2f3: {  	s0 =	sadd.s32 s3, s4;
	s4 =	sand.u32 $0x1FFFFFF0, s5  }
0x2f4: {  	[tilespmem:s23], [sflag:$0x8] =	stream.linear.gather [hbm4b:s0+s2], $0x80, $0x38;
	[tilespmem:$0x10200] =	vst v63  }
0x2f5: {  	s1 =	sadd.s32 s3, s1;
	s0 =	sadd.s32 $0xE900, s18  }
0x2f6: {  	[tilespmem:s0], [sflag:$0x8] =	stream.linear.gather [hbm4b:s1+s2], $0x80, $0x38;
	[tilespmem:$0x10200] =	vst v63  }
0x2f7: {  	s0 =	sadd.s32 $0xE980, s18;
	s1 =	sadd.s32 s3, s4  }
0x2f8: {  	[tilespmem:s0], [sflag:$0x8] =	stream.linear.gather [hbm4b:s1+s2], $0x80, $0x38;
	[tilespmem:$0x10200] =	vst v63  }
0x2f9: {  	v0 =	vld [tilespmem:s19+$0x0];
	_ =	sdelay $0x4  }
0x2fa: {  	v0 =	vshll.u32 v0, $0x4  }
0x2fb: {  	(v2sf) =	vpush v0, $0x0  }
0x2fc: {  	(v2sf) =	vpush v0, $0x1  }
0x2fd: {  	(v2sf) =	vpush v0, $0x2;
	_ =	sdelay $0x1  }
0x2fe: {  	(v2sf) =	vpush v0, $0x4  }
.Ltmp7:
0x2ff: {  	(pc) =	sbr.rel @p0 .LBB2_16-.Ltmp7, $3  }
0x300: {  	(v2sf) =	vpush v0, $0x3  }
0x301: {  	(v2sf) =	vpush v0, $0x5;
	_ =	sdelay $0x1  }
0x302: {  	s18 =	sshra.s32 s21, $0x2;
	(v2sf) =	vpush v0, $0x6  }
0x303: {  	_ =	sdelay $0x5  }
0x304: {  	s0 =	spop (v2sf)  }
0x305: {  	s1 =	spop (v2sf)  }
0x306: {  	s6 =	spop (v2sf)  }
0x307: {  	s16 =	spop (v2sf);
	(v2sf) =	vpush v0, $0x7  }
0x308: {  	s0 =	sand.u32 $0x1FFFFFF0, s0  }
0x309: {  	s4 =	sadd.s32 $0xE200, s18;
	s0 =	sadd.s32 s3, s0  }
0x30a: {  	[tilespmem:s4], [sflag:$0x8] =	stream.linear.gather [hbm4b:s0+s2], $0x80, $0x38;
	[tilespmem:$0x10200] =	vst v63  }
0x30b: {  	s1 =	sand.u32 $0x1FFFFFF0, s1;
	s19 =	spop (v2sf);
	(v2sf) =	vpush v0, $0x8  }
0x30c: {  	s5 =	sadd.s32 $0xE280, s18;
	s1 =	sadd.s32 s3, s1  }
0x30d: {  	[tilespmem:s5], [sflag:$0x8] =	stream.linear.gather [hbm4b:s1+s2], $0x80, $0x38;
	[tilespmem:$0x10200] =	vst v63  }
0x30e: {  	s8 =	sand.u32 $0x1FFFFFF0, s6;
	s23 =	spop (v2sf);
	(v2sf) =	vpush v0, $0x9  }
0x30f: {  	s9 =	sadd.s32 $0xE300, s18;
	s0 =	sadd.s32 s3, s8  }
0x310: {  	[tilespmem:s9], [sflag:$0x8] =	stream.linear.gather [hbm4b:s0+s2], $0x80, $0x38;
	[tilespmem:$0x10200] =	vst v63  }
0x311: {  	s0 =	sand.u32 $0x1FFFFFF0, s19;
	s25 =	spop (v2sf);
	(v2sf) =	vpush v0, $0xA  }
0x312: {  	s20 =	sadd.s32 $0xE380, s18;
	s21 =	sand.u32 $0x1FFFFFF0, s16;
	s0 =	sadd.s32 s3, s0  }
0x313: {  	[tilespmem:s20], [sflag:$0x8] =	stream.linear.gather [hbm4b:s0+s2], $0x80, $0x38;
	[tilespmem:$0x10200] =	vst v63  }
0x314: {  	s22 =	sadd.s32 $0xE400, s18;
	s0 =	sadd.s32 s3, s21  }
0x315: {  	[tilespmem:s22], [sflag:$0x8] =	stream.linear.gather [hbm4b:s0+s2], $0x80, $0x38;
	[tilespmem:$0x10200] =	vst v63  }
0x316: {  	s0 =	sand.u32 $0x1FFFFFF0, s23;
	s28 =	spop (v2sf);
	(v2sf) =	vpush v0, $0xB  }
0x317: {  	s24 =	sadd.s32 $0xE480, s18;
	s0 =	sadd.s32 s3, s0  }
0x318: {  	[tilespmem:s24], [sflag:$0x8] =	stream.linear.gather [hbm4b:s0+s2], $0x80, $0x38;
	[tilespmem:$0x10200] =	vst v63  }
0x319: {  	s0 =	sand.u32 $0x1FFFFFF0, s25  }
0x31a: {  	s26 =	sadd.s32 $0xE500, s18;
	s0 =	sadd.s32 s3, s0;
	s30 =	spop (v2sf);
	(v2sf) =	vpush v0, $0xC  }
0x31b: {  	[tilespmem:s26], [sflag:$0x8] =	stream.linear.gather [hbm4b:s0+s2], $0x80, $0x38;
	[tilespmem:$0x10200] =	vst v63  }
0x31c: {  	s0 =	sand.u32 $0x1FFFFFF0, s28  }
0x31d: {  	s29 =	sadd.s32 $0xE580, s18;
	s0 =	sadd.s32 s3, s0;
	s1 =	spop (v2sf);
	(v2sf) =	vpush v0, $0xD  }
0x31e: {  	[tilespmem:s29], [sflag:$0x8] =	stream.linear.gather [hbm4b:s0+s2], $0x80, $0x38;
	[tilespmem:$0x10200] =	vst v63  }
0x31f: {  	s0 =	sand.u32 $0x1FFFFFF0, s30  }
0x320: {  	s31 =	sadd.s32 $0xE600, s18;
	s0 =	sadd.s32 s3, s0;
	s5 =	spop (v2sf);
	(v2sf) =	vpush v0, $0xE  }
0x321: {  	[tilespmem:s31], [sflag:$0x8] =	stream.linear.gather [hbm4b:s0+s2], $0x80, $0x38;
	[tilespmem:$0x10200] =	vst v63  }
0x322: {  	s0 =	sand.u32 $0x1FFFFFF0, s1  }
0x323: {  	s4 =	sadd.s32 $0xE680, s18;
	s0 =	sadd.s32 s3, s0  }
0x324: {  	[tilespmem:s4], [sflag:$0x8] =	stream.linear.gather [hbm4b:s0+s2], $0x80, $0x38;
	[tilespmem:$0x10200] =	vst v63  }
0x325: {  	s0 =	sand.u32 $0x1FFFFFF0, s5;
	s8 =	spop (v2sf);
	(v2sf) =	vpush v0, $0xF  }
0x326: {  	s6 =	sadd.s32 $0xE700, s18;
	s0 =	sadd.s32 s3, s0  }
0x327: {  	[tilespmem:s6], [sflag:$0x8] =	stream.linear.gather [hbm4b:s0+s2], $0x80, $0x38;
	[tilespmem:$0x10200] =	vst v63  }
0x328: {  	s0 =	sand.u32 $0x1FFFFFF0, s8  }
0x329: {  	s9 =	sadd.s32 $0xE780, s18;
	s0 =	sadd.s32 s3, s0;
	s16 =	spop (v2sf)  }
0x32a: {  	[tilespmem:s9], [sflag:$0x8] =	stream.linear.gather [hbm4b:s0+s2], $0x80, $0x38;
	[tilespmem:$0x10200] =	vst v63  }
0x32b: {  	s0 =	sand.u32 $0x1FFFFFF0, s16  }
0x32c: {  	s19 =	sadd.s32 $0xE800, s18;
	s20 =	spop (v2sf);
	s0 =	sadd.s32 s3, s0  }
0x32d: {  	[tilespmem:s19], [sflag:$0x8] =	stream.linear.gather [hbm4b:s0+s2], $0x80, $0x38;
	[tilespmem:$0x10200] =	vst v63  }
0x32e: {  	s0 =	sand.u32 $0x1FFFFFF0, s20  }
0x32f: {  	s21 =	sadd.s32 $0xE880, s18;
	s22 =	spop (v2sf);
	s0 =	sadd.s32 s3, s0  }
0x330: {  	[tilespmem:s21], [sflag:$0x8] =	stream.linear.gather [hbm4b:s0+s2], $0x80, $0x38;
	[tilespmem:$0x10200] =	vst v63  }
0x331: {  	s0 =	sand.u32 $0x1FFFFFF0, s22  }
0x332: {  	s23 =	sadd.s32 $0xE900, s18;
	s0 =	sadd.s32 s3, s0  }
0x333: {  	[tilespmem:s23], [sflag:$0x8] =	stream.linear.gather [hbm4b:s0+s2], $0x80, $0x38;
	[tilespmem:$0x10200] =	vst v63  }
0x334: {  	s24 =	spop (v2sf)  }
0x335: {  	s0 =	sand.u32 $0x1FFFFFF0, s24  }
0x336: {  	s25 =	sadd.s32 $0xE980, s18;
	s26 =	simm.s32 $0x1;
	s0 =	sadd.s32 s3, s0  }
0x337: {  	[tilespmem:s25], [sflag:$0x8] =	stream.linear.gather [hbm4b:s0+s2], $0x80, $0x38;
	[tilespmem:$0x10200] =	vst v63  }
0x338: {  	_ =	swait.ge [sflag:s26], $0x2000  }
0x339: {  	[sflag:s26] =	ssyncset.done $0x0  }
0x33a: {  	s28 =	simm.s32 $0x2;
	[sflag:s26] =	ssyncadd.s32 $0xFFFFE000  }
0x33b: {  	_ =	swait.ge [sflag:s28], $0x2000  }
0x33c: {  	[sflag:s28] =	ssyncset.done $0x0  }
0x33d: {  	[sflag:s28] =	ssyncadd.s32 $0xFFFFE000  }
0x33e: {  	_ =	swait.ge [sflag:s10], $0x2000  }
0x33f: {  	[sflag:s10] =	ssyncset.done $0x0  }
0x340: {  	[sflag:s10] =	ssyncadd.s32 $0xFFFFE000  }
0x341: {  	_ =	swait.ge [sflag:s11], $0x2000  }
0x342: {  	[sflag:s11] =	ssyncset.done $0x0  }
0x343: {  	[sflag:s11] =	ssyncadd.s32 $0xFFFFE000  }
0x344: {  	_ =	swait.ge [sflag:s12], $0x2000  }
0x345: {  	[sflag:s12] =	ssyncset.done $0x0  }
0x346: {  	[sflag:s12] =	ssyncadd.s32 $0xFFFFE000  }
0x347: {  	_ =	swait.ge [sflag:s13], $0x2000  }
0x348: {  	[sflag:s13] =	ssyncset.done $0x0  }
0x349: {  	[sflag:s13] =	ssyncadd.s32 $0xFFFFE000  }
0x34a: {  	_ =	swait.ge [sflag:s14], $0x2000  }
0x34b: {  	[sflag:s14] =	ssyncset.done $0x0  }
0x34c: {  	[sflag:s14] =	ssyncadd.s32 $0xFFFFE000  }
0x34d: {  	_ =	swait.ge [sflag:s15], $0x2000  }
0x34e: {  	[sflag:s15] =	ssyncset.done $0x0  }
0x34f: {  	s30 =	simm.s32 $0x200;
	s29 =	rddreg [dreg:$0x4];
	[sflag:s15] =	ssyncadd.s32 $0xFFFFE000  }
0x350: {  	[hbm4b:s29+s2] =	stream.linear.scatter [tilespmem:s30], [sflag:$0x9], $0x10000, $0x38;
	[tilespmem:$0x10200] =	vst v63  }
0x351: {  	_ =	swait.ge [sflag:s7], $0x10000  }
0x352: {  	s17 =	sadd.s32 $0x1, s17;
	s31 =	rddreg [dreg:$0x5]  }
0x353: {  	p0 =	sne.s32 s17, s31  }
.Ltmp8:
0x354: {  	_ = 	snop;
	(pc) =	sbr.rel @p0 .LBB2_1-.Ltmp8, $3  }
0x355: {  	_ =	sdelay $0x1  }
0x356: {  	[sflag:s7] =	ssyncset.done $0x0  }
0x357: {  	[sflag:s7] =	ssyncadd.s32 $0xFFFF0000  }
0x358: {  	_ =	sfence.sel $0x180000  }
0x359: {  	[bflag:$0x0] =	sbarrier.arrive $0xFFFF  }
0x35a: {  	_ =	strace $0x90000047  }
0x35b: {  	s0 =	stileid.u32;
	[bflag:$0x2] =	sbarrier.arrive $0xFFFF  }
0x35c: {  	p0 =	sne.s32 s0, $0x0;
	s0 =	rddreg [dreg:$0x2]  }
0x35d: {  	s0 =	sadd.s32 @!p0 $0x100000, s0  }
0x35e: {  	[sflag:s0] =	ssyncadd.tile.s32 @!p0 $0x1;
	_ =	shalt  }
.Lfunc_end2:
_tile_overlayer_lowered:
.L_overlay_start_2:
0x35f: {  	(tag) =	ssettag $0x2  }
0x360: {  	s0 =	rddreg [dreg:$0x0];
	s2 =	stileid.u32  }
0x361: {  	s1 =	rddreg [dreg:$0x1];
	p0 =	sne.s32 s2, $0x0  }
0x362: {  	s3 =	rddreg [dreg:$0x2];
	[bflag:$0x3] =	sbarrier.arrive $0xFFFF;
	s2 =	simm.s32 @!p0 $0x1C09  }
0x363: {  	[timem:s3], [sflag:s2] =	dma.local @!p0 [hbm:s0], s1  }
0x364: {  	s0 =	simm.s32 @!p0 $0x9  }
0x365: {  	_ =	swait.ge @!p0 [sflag:s0], s1  }
0x366: {  	s1 =	ssub.s32 @!p0 $0x0, s1;
	[sflag:s0] =	ssyncset.done @!p0 $0x0  }
0x367: {  	[sflag:s0] =	ssyncadd.s32 @!p0 s1  }
0x368: {  	[bflag:$0x3] =	sbarrier.arrive $0xFFFF  }
0x369: {  	_ =	shalt  }

</sc_bundles>
